<compile_context>
chip_gen: v7x
topology: tpu7x:2x2x1
jax: 0.10.2.dev20260603
libtpu: 0.0.44.dev20260713+nightly
codegen_flags: <defaults>
</compile_context>

<pallas_src>
import functools

import jax
import jax.numpy as jnp
from jax import lax
from jax.experimental import pallas as pl
from jax.experimental.pallas import tpu as pltpu
from jax.experimental.pallas import tpu_sc as plsc

NEG = 0.2
N = 10000
NROWS = 10240
CH = 80
NTILES = 32
EP = 327680
BLK = 1000


def _sc_edge_pass(S, D, srcp, gdstp, sdstp, msg_w):
    MW = msg_w
    RW = MW + 16
    NCHK = EP // (NTILES * CH)
    RPT = NROWS // 16

    mesh = plsc.VectorSubcoreMesh(core_axis_name="c", subcore_axis_name="s")

    @functools.partial(
        pl.kernel, mesh=mesh,
        compiler_params=pltpu.CompilerParams(use_tc_tiling_on_sc=False),
        out_type=jax.ShapeDtypeStruct((2, NROWS, RW), jnp.float32),
        scratch_types=(
            [pltpu.VMEM((CH,), jnp.int32)] * 12
            + [
                pltpu.VMEM((CH, RW), jnp.float32),
                pltpu.VMEM((CH, 16), jnp.float32),
                pltpu.VMEM((CH, RW), jnp.float32),
                pltpu.VMEM((CH, 16), jnp.float32),
                pltpu.VMEM((CH, RW), jnp.float32),
                pltpu.VMEM_SHARED((NROWS, RW), jnp.float32),
            ]
            + [pltpu.SemaphoreType.DMA] * 8
        ),
    )
    def k(s_hbm, d_hbm, src_hbm, gdst_hbm, sdst_hbm, out_hbm,
          si0, gi0, xi0, si1, gi1, xi1, si2, gi2, xi2, si3, gi3, xi3,
          sbufa, dbufa, sbufb, dbufb, obuf, acc,
          semi0, semi1, semi2, semi3, semsa, semda, semsb, semdb):
        sidx = [si0, si1, si2, si3]
        gidx = [gi0, gi1, gi2, gi3]
        xidx = [xi0, xi1, xi2, xi3]
        semi = [semi0, semi1, semi2, semi3]
        sbufs = [sbufa, sbufb]
        dbufs = [dbufa, dbufb]
        semss = [semsa, semsb]
        semds = [semda, semdb]
        cid = lax.axis_index("c")
        sid = lax.axis_index("s")
        zero = jnp.zeros((16,), jnp.float32)

        def zrow(i, c):
            for g in range(RW // 16):
                obuf[i, pl.ds(g * 16, 16)] = zero
            return c
        lax.fori_loop(0, CH, zrow, 0)

        rbase = sid * RPT
        for t in range(RPT // CH):
            pltpu.sync_copy(obuf, acc.at[pl.ds(rbase + t * CH, CH)])
        plsc.subcore_barrier()

        wid = sid * 2 + cid
        ebase = wid * (NCHK * CH)

        def issue_idx(c, q):
            off = pl.multiple_of(ebase + c * CH, 8)
            pltpu.async_copy(src_hbm.at[pl.ds(off, CH)], sidx[q], semi[q])
            pltpu.async_copy(gdst_hbm.at[pl.ds(off, CH)], gidx[q], semi[q])
            pltpu.async_copy(sdst_hbm.at[pl.ds(off, CH)], xidx[q], semi[q])

        def wait_idx(q):
            s = semi[q]
            pltpu.make_async_copy(src_hbm.at[pl.ds(0, CH)], sidx[q], s).wait()
            pltpu.make_async_copy(src_hbm.at[pl.ds(0, CH)], gidx[q], s).wait()
            pltpu.make_async_copy(src_hbm.at[pl.ds(0, CH)], xidx[q], s).wait()

        def issue_gather(q, b):
            pltpu.async_copy(s_hbm.at[sidx[q]], sbufs[b], semss[b])
            pltpu.async_copy(d_hbm.at[gidx[q]], dbufs[b], semds[b])

        def drain_gather(b):
            pltpu.make_async_copy(s_hbm.at[pl.ds(0, CH)], sbufs[b],
                                  semss[b]).wait()
            pltpu.make_async_copy(d_hbm.at[pl.ds(0, CH)], dbufs[b],
                                  semds[b]).wait()

        def compute(b, q):
            sbuf = sbufs[b]
            dbuf = dbufs[b]

            def edge(j, c2):
                u = sbuf[j, pl.ds(MW, 16)] + dbuf[j, pl.ds(0, 16)]
                u = jnp.where(u > 0.0, u, NEG * u)
                w16 = jnp.exp(u)
                obuf[j, pl.ds(MW, 16)] = w16
                for g in range(MW // 16):
                    obuf[j, pl.ds(g * 16, 16)] = (
                        sbuf[j, pl.ds(g * 16, 16)] * w16)
                return c2
            lax.fori_loop(0, CH, edge, 0)
            pltpu.sync_copy(obuf, acc.at[xidx[q]], add=True)

        issue_idx(0, 0)
        wait_idx(0)
        issue_idx(1, 1)
        issue_gather(0, 0)
        wait_idx(1)

        def quad(i4, c):
            for k in range(4):
                qn = (k + 1) % 4
                qn2 = (k + 2) % 4
                issue_gather(qn, (k + 1) % 2)
                issue_idx(4 * i4 + k + 2, qn2)
                drain_gather(k % 2)
                compute(k % 2, k % 4)
                wait_idx(qn2)
            return c
        lax.fori_loop(0, NCHK // 4, quad, 0)
        drain_gather(0)

        plsc.subcore_barrier()
        pltpu.sync_copy(acc.at[pl.ds(rbase, RPT)],
                        out_hbm.at[cid, pl.ds(rbase, RPT)])

    return k(S, D, srcp, gdstp, sdstp)


def _tc1(x, W1, Q1):
    def body(x_ref, w_ref, q_ref, s_ref, d_ref):
        h = jnp.dot(x_ref[...], w_ref[...], preferred_element_type=jnp.float32)
        att = jnp.dot(h, q_ref[...], preferred_element_type=jnp.float32)
        asrc = att[:, 0:8]
        adst = att[:, 8:16]
        s_ref[...] = jnp.concatenate([h, asrc, asrc], axis=1)
        d_ref[...] = jnp.concatenate([adst, adst], axis=1)

    return pl.pallas_call(
        body,
        grid=(N // BLK,),
        in_specs=[
            pl.BlockSpec((BLK, 128), lambda i: (i, 0)),
            pl.BlockSpec((128, 128), lambda i: (0, 0)),
            pl.BlockSpec((128, 16), lambda i: (0, 0)),
        ],
        out_specs=[
            pl.BlockSpec((BLK, 144), lambda i: (i, 0)),
            pl.BlockSpec((BLK, 16), lambda i: (i, 0)),
        ],
        out_shape=[
            jax.ShapeDtypeStruct((N, 144), jnp.float32),
            jax.ShapeDtypeStruct((N, 16), jnp.float32),
        ],
    )(x, W1, Q1)


def _tc2(acc1, S1, D1, W2, Q2, PT, C):
    def body(a_ref, b_ref, s1_ref, d1_ref, w2_ref, q2_ref, pt_ref, c_ref,
             s2_ref, d2_ref):
        a = a_ref[0]
        b = b_ref[0]
        h1 = s1_ref[:, 0:128]
        asrc = s1_ref[:, 128:136]
        adst = d1_ref[:, 0:8]
        us = asrc + adst
        us = jnp.where(us > 0.0, us, NEG * us)
        ws = jnp.exp(us)
        den8 = a[:, 128:136] + b[:, 128:136] + ws
        wx = jnp.dot(ws, pt_ref[...], preferred_element_type=jnp.float32)
        dx = jnp.dot(den8, pt_ref[...], preferred_element_type=jnp.float32)
        msg = a[:, 0:128] + b[:, 0:128] + wx * h1
        cc = c_ref[...]
        g = msg / (dx + 1e-16) + cc[0:1, :]
        g = g * cc[1:2, :] + cc[2:3, :]
        g = jnp.where(g > 0.0, g, jnp.exp(g) - 1.0)
        h2 = jnp.dot(g, w2_ref[...], preferred_element_type=jnp.float32)
        att2 = jnp.dot(h2, q2_ref[...], preferred_element_type=jnp.float32)
        s2_ref[...] = jnp.concatenate([h2, att2[:, 0:16]], axis=1)
        d2_ref[...] = att2[:, 16:32]

    return pl.pallas_call(
        body,
        grid=(N // BLK,),
        in_specs=[
            pl.BlockSpec((1, BLK, 144), lambda i: (0, i, 0)),
            pl.BlockSpec((1, BLK, 144), lambda i: (1, i, 0)),
            pl.BlockSpec((BLK, 144), lambda i: (i, 0)),
            pl.BlockSpec((BLK, 16), lambda i: (i, 0)),
            pl.BlockSpec((128, 64), lambda i: (0, 0)),
            pl.BlockSpec((64, 32), lambda i: (0, 0)),
            pl.BlockSpec((8, 128), lambda i: (0, 0)),
            pl.BlockSpec((3, 128), lambda i: (0, 0)),
        ],
        out_specs=[
            pl.BlockSpec((BLK, 80), lambda i: (i, 0)),
            pl.BlockSpec((BLK, 16), lambda i: (i, 0)),
        ],
        out_shape=[
            jax.ShapeDtypeStruct((N, 80), jnp.float32),
            jax.ShapeDtypeStruct((N, 16), jnp.float32),
        ],
    )(acc1, acc1, S1, D1, W2, Q2, PT, C)


def _tc3(acc2, S2, D2, bias2):
    def body(a_ref, b_ref, s2_ref, d2_ref, b2_ref, o_ref):
        a = a_ref[0]
        b = b_ref[0]
        h2 = s2_ref[:, 0:64]
        u2 = s2_ref[:, 64:65] + d2_ref[:, 0:1]
        ws2 = jnp.exp(jnp.where(u2 > 0.0, u2, NEG * u2))
        den = a[:, 64:65] + b[:, 64:65] + ws2
        o = (a[:, 0:64] + b[:, 0:64] + ws2 * h2) / (den + 1e-16) + b2_ref[...]
        m = jnp.max(o, axis=1, keepdims=True)
        t = o - m
        lse = jnp.log(jnp.sum(jnp.exp(t), axis=1, keepdims=True))
        o_ref[...] = t - lse

    return pl.pallas_call(
        body,
        grid=(N // BLK,),
        in_specs=[
            pl.BlockSpec((1, BLK, 80), lambda i: (0, i, 0)),
            pl.BlockSpec((1, BLK, 80), lambda i: (1, i, 0)),
            pl.BlockSpec((BLK, 80), lambda i: (i, 0)),
            pl.BlockSpec((BLK, 16), lambda i: (i, 0)),
            pl.BlockSpec((1, 64), lambda i: (0, 0)),
        ],
        out_specs=pl.BlockSpec((BLK, 64), lambda i: (i, 0)),
        out_shape=jax.ShapeDtypeStruct((N, 64), jnp.float32),
    )(acc2, acc2, S2, D2, bias2)


def kernel(x, edge_index, W1, att_src1, att_dst1, bias1, bn_gamma, bn_beta,
           bn_mean, bn_var, W2, att_src2, att_dst2, bias2):
    f32 = jnp.float32
    src = edge_index[0].astype(jnp.int32)
    dst = edge_index[1].astype(jnp.int32)
    pad = EP + 2 * CH - src.shape[0]
    zpad = jnp.zeros((pad,), jnp.int32)
    srcp = jnp.concatenate([src, zpad])
    gdstp = jnp.concatenate([dst, zpad])
    sdstp = jnp.concatenate(
        [dst, N + jnp.arange(pad, dtype=jnp.int32) % (NROWS - N)])

    perm = jnp.asarray([(j % 8) * 16 + j // 8 for j in range(128)], jnp.int32)
    P8 = (jnp.arange(128)[:, None] // 16 == jnp.arange(8)[None, :]).astype(f32)
    a_s1 = att_src1.reshape(128)
    a_d1 = att_dst1.reshape(128)
    Q1 = jnp.concatenate([a_s1[:, None] * P8, a_d1[:, None] * P8], axis=1)
    Q1 = Q1[perm, :]
    W1p = W1[:, perm]
    a_s2 = att_src2.reshape(64)
    a_d2 = att_dst2.reshape(64)
    Q2 = jnp.concatenate([jnp.tile(a_s2[:, None], (1, 16)),
                          jnp.tile(a_d2[:, None], (1, 16))], axis=1)
    bn_s = bn_gamma / jnp.sqrt(bn_var + 1e-5)
    bn_b = bn_beta - bn_mean * bn_s
    C = jnp.stack([bias1[perm], bn_s[perm], bn_b[perm]])
    W2p = W2[perm, :]
    PT = (jnp.arange(128)[None, :] % 8 == jnp.arange(8)[:, None]).astype(f32)
    bias2r = bias2.reshape(1, 64)

    S1, D1 = _tc1(x, W1p, Q1)
    acc1 = _sc_edge_pass(S1, D1, srcp, gdstp, sdstp, 128)
    S2, D2 = _tc2(acc1, S1, D1, W2p, Q2, PT, C)
    acc2 = _sc_edge_pass(S2, D2, srcp, gdstp, sdstp, 64)
    return _tc3(acc2, S2, D2, bias2r)

# --- scband reference (transcript-rebuilt; emitter-appended) ---
"""Pipeline reference for scband-gat-84670985273388 (READ-ONLY COPY).

The authoritative reference and input builder live on the scoring server;
editing this copy changes nothing except your own understanding.
"""

import jax, jax.numpy as jnp
import numpy as np

N = 10000
E = 320000
IN = 128
HID = 16
HEADS = 8
OUT = 64
NEG_SLOPE = 0.2


def setup_inputs(seed: int = 0) -> dict:
    key = jax.random.key(seed)
    ks = jax.random.split(key, 16)
    x = jax.random.normal(ks[0], (N, IN), dtype=jnp.float32)
    edge_index = jax.random.randint(ks[1], (2, E), 0, N)
    W1 = jax.random.normal(ks[2], (IN, HEADS * HID), dtype=jnp.float32) / np.sqrt(IN)
    att_src1 = jax.random.normal(ks[3], (1, HEADS, HID), dtype=jnp.float32) / np.sqrt(HID)
    att_dst1 = jax.random.normal(ks[4], (1, HEADS, HID), dtype=jnp.float32) / np.sqrt(HID)
    bias1 = jnp.zeros((HEADS * HID,), dtype=jnp.float32)
    bn_gamma = jnp.ones((HEADS * HID,), dtype=jnp.float32)
    bn_beta = jnp.zeros((HEADS * HID,), dtype=jnp.float32)
    bn_mean = jnp.zeros((HEADS * HID,), dtype=jnp.float32)
    bn_var = jnp.ones((HEADS * HID,), dtype=jnp.float32)
    W2 = jax.random.normal(ks[5], (HEADS * HID, OUT), dtype=jnp.float32) / np.sqrt(HEADS * HID)
    att_src2 = jax.random.normal(ks[6], (1, 1, OUT), dtype=jnp.float32) / np.sqrt(OUT)
    att_dst2 = jax.random.normal(ks[7], (1, 1, OUT), dtype=jnp.float32) / np.sqrt(OUT)
    bias2 = jnp.zeros((OUT,), dtype=jnp.float32)
    return {"x": x, "edge_index": edge_index, "W1": W1, "att_src1": att_src1,
            "att_dst1": att_dst1, "bias1": bias1, "bn_gamma": bn_gamma,
            "bn_beta": bn_beta, "bn_mean": bn_mean, "bn_var": bn_var,
            "W2": W2, "att_src2": att_src2, "att_dst2": att_dst2, "bias2": bias2}


def _gat_conv(x, src, dst, W, att_src, att_dst, bias, heads, out_c):
    # PyG-style GATConv: shared linear transform per head + additive attention
    h = (x @ W).reshape(-1, heads, out_c)              # [N, H, C]
    a_src = jnp.sum(h * att_src, axis=-1)               # [N, H]
    a_dst = jnp.sum(h * att_dst, axis=-1)               # [N, H]
    e = a_src[src] + a_dst[dst]                         # [Etot, H]
    e = jax.nn.leaky_relu(e, NEG_SLOPE)
    m = jax.ops.segment_max(e, dst, num_segments=N)     # softmax over incoming edges per dst
    e = jnp.exp(e - m[dst])
    denom = jax.ops.segment_sum(e, dst, num_segments=N)
    alpha = e / (denom[dst] + 1e-16)                    # [Etot, H]
    out = jax.ops.segment_sum(alpha[:, :, None] * h[src], dst, num_segments=N)
    return out.reshape(N, heads * out_c) + bias


def reference(x, edge_index, W1, att_src1, att_dst1, bias1, bn_gamma, bn_beta,
              bn_mean, bn_var, W2, att_src2, att_dst2, bias2):
    # add self loops (PyG GATConv default add_self_loops=True)
    loop = jnp.arange(N, dtype=edge_index.dtype)
    src = jnp.concatenate([edge_index[0], loop])
    dst = jnp.concatenate([edge_index[1], loop])
    # layer 1: 8 heads, concat
    h = _gat_conv(x, src, dst, W1, att_src1, att_dst1, bias1, HEADS, HID)
    # BatchNorm1d in eval mode (running stats)
    h = (h - bn_mean) / jnp.sqrt(bn_var + 1e-5) * bn_gamma + bn_beta
    h = jax.nn.elu(h)
    # dropout is identity in eval mode
    # layer 2: 1 head
    h = _gat_conv(h, src, dst, W2, att_src2, att_dst2, bias2, 1, OUT)
    return jax.nn.log_softmax(h, axis=1)

if __name__ == "__main__":
    import jax
    _d = setup_inputs()
    print(jax.jit(kernel)(*tuple(_d.values())))

</pallas_src>

<mosaic_0001>
#map = affine_map<(d0, d1) -> (0, 0)>
#map1 = affine_map<(d0, d1) -> (0)>
#map2 = affine_map<(d0, d1) -> (0, 0, 0)>
module attributes {stable_mosaic.version = 14 : i64} {
  func.func @k(%arg0: i32, %arg1: i32, %arg2: memref<10000x144xf32, #tpu.memory_space<hbm>>, %arg3: memref<10000x16xf32, #tpu.memory_space<hbm>>, %arg4: memref<327840xi32, #tpu.memory_space<hbm>>, %arg5: memref<327840xi32, #tpu.memory_space<hbm>>, %arg6: memref<327840xi32, #tpu.memory_space<hbm>>, %arg7: memref<2x10240x144xf32, #tpu.memory_space<hbm>>, %arg8: memref<80xi32, #tpu.memory_space<vmem>>, %arg9: memref<80xi32, #tpu.memory_space<vmem>>, %arg10: memref<80xi32, #tpu.memory_space<vmem>>, %arg11: memref<80xi32, #tpu.memory_space<vmem>>, %arg12: memref<80xi32, #tpu.memory_space<vmem>>, %arg13: memref<80xi32, #tpu.memory_space<vmem>>, %arg14: memref<80xi32, #tpu.memory_space<vmem>>, %arg15: memref<80xi32, #tpu.memory_space<vmem>>, %arg16: memref<80xi32, #tpu.memory_space<vmem>>, %arg17: memref<80xi32, #tpu.memory_space<vmem>>, %arg18: memref<80xi32, #tpu.memory_space<vmem>>, %arg19: memref<80xi32, #tpu.memory_space<vmem>>, %arg20: memref<80x144xf32, #tpu.memory_space<vmem>>, %arg21: memref<80x16xf32, #tpu.memory_space<vmem>>, %arg22: memref<80x144xf32, #tpu.memory_space<vmem>>, %arg23: memref<80x16xf32, #tpu.memory_space<vmem>>, %arg24: memref<80x144xf32, #tpu.memory_space<vmem>>, %arg25: memref<10240x144xf32, #tpu.memory_space<vmem_shared>>, %arg26: memref<!tpu.dma_semaphore, #tpu.memory_space<semaphore_mem>>, %arg27: memref<!tpu.dma_semaphore, #tpu.memory_space<semaphore_mem>>, %arg28: memref<!tpu.dma_semaphore, #tpu.memory_space<semaphore_mem>>, %arg29: memref<!tpu.dma_semaphore, #tpu.memory_space<semaphore_mem>>, %arg30: memref<!tpu.dma_semaphore, #tpu.memory_space<semaphore_mem>>, %arg31: memref<!tpu.dma_semaphore, #tpu.memory_space<semaphore_mem>>, %arg32: memref<!tpu.dma_semaphore, #tpu.memory_space<semaphore_mem>>, %arg33: memref<!tpu.dma_semaphore, #tpu.memory_space<semaphore_mem>>) attributes {dimension_semantics = [#tpu.dimension_semantics<core_parallel>, #tpu.dimension_semantics<subcore_parallel>], iteration_bounds = array<i64: 2, 16>, scalar_prefetch = 0 : i64, scratch_operands = 26 : i64, tpu.core_type = #tpu.core_type<sc_vector_subcore>, window_params = [{transform_indices = #map}, {transform_indices = #map}, {transform_indices = #map1}, {transform_indices = #map1}, {transform_indices = #map1}, {transform_indices = #map2}]} {
    %broadcast_in_dim3A = arith.constant 0.000000e+00 : f32
    %broadcast_in_dim3A_0 = vector.broadcast %broadcast_in_dim3A : f32 to vector<16xf32>
    %scan3A = arith.constant 0 : i32
    %scan3A_1 = arith.constant 0 : i32
    %scan3A_2 = arith.constant 80 : i32
    %scan3A_3 = arith.addi %scan3A_1, %scan3A_2 : i32
    %scan3A_4 = arith.constant 1 : i32
    scf.for %scan3A_91 = %scan3A_1 to %scan3A_3 step %scan3A_4  : i32 {
      %swap3A = arith.index_cast %scan3A_91 : i32 to index
      %swap3A_92 = arith.constant 0 : index
      %swap3A_93 = tpu.vector_load %arg24[%swap3A, %swap3A_92] {strides = array<i32>} : memref<80x144xf32, #tpu.memory_space<vmem>>, vector<1x16xf32>,
      %swap3A_94 = vector.shape_cast %swap3A_93 : vector<1x16xf32> to vector<16xf32>
      %swap3A_95 = vector.shape_cast %broadcast_in_dim3A_0 : vector<16xf32> to vector<1x16xf32>
      tpu.vector_store %arg24[%swap3A, %swap3A_92], %swap3A_95 {strides = array<i32>} : memref<80x144xf32, #tpu.memory_space<vmem>>, vector<1x16xf32>,
      %swap3A_96 = arith.index_cast %scan3A_91 : i32 to index
      %swap3A_97 = arith.constant 16 : index
      %swap3A_98 = tpu.vector_load %arg24[%swap3A_96, %swap3A_97] {strides = array<i32>} : memref<80x144xf32, #tpu.memory_space<vmem>>, vector<1x16xf32>,
      %swap3A_99 = vector.shape_cast %swap3A_98 : vector<1x16xf32> to vector<16xf32>
      %swap3A_100 = vector.shape_cast %broadcast_in_dim3A_0 : vector<16xf32> to vector<1x16xf32>
      tpu.vector_store %arg24[%swap3A_96, %swap3A_97], %swap3A_100 {strides = array<i32>} : memref<80x144xf32, #tpu.memory_space<vmem>>, vector<1x16xf32>,
      %swap3A_101 = arith.index_cast %scan3A_91 : i32 to index
      %swap3A_102 = arith.constant 32 : index
      %swap3A_103 = tpu.vector_load %arg24[%swap3A_101, %swap3A_102] {strides = array<i32>} : memref<80x144xf32, #tpu.memory_space<vmem>>, vector<1x16xf32>,
      %swap3A_104 = vector.shape_cast %swap3A_103 : vector<1x16xf32> to vector<16xf32>
      %swap3A_105 = vector.shape_cast %broadcast_in_dim3A_0 : vector<16xf32> to vector<1x16xf32>
      tpu.vector_store %arg24[%swap3A_101, %swap3A_102], %swap3A_105 {strides = array<i32>} : memref<80x144xf32, #tpu.memory_space<vmem>>, vector<1x16xf32>,
      %swap3A_106 = arith.index_cast %scan3A_91 : i32 to index
      %swap3A_107 = arith.constant 48 : index
      %swap3A_108 = tpu.vector_load %arg24[%swap3A_106, %swap3A_107] {strides = array<i32>} : memref<80x144xf32, #tpu.memory_space<vmem>>, vector<1x16xf32>,
      %swap3A_109 = vector.shape_cast %swap3A_108 : vector<1x16xf32> to vector<16xf32>
      %swap3A_110 = vector.shape_cast %broadcast_in_dim3A_0 : vector<16xf32> to vector<1x16xf32>
      tpu.vector_store %arg24[%swap3A_106, %swap3A_107], %swap3A_110 {strides = array<i32>} : memref<80x144xf32, #tpu.memory_space<vmem>>, vector<1x16xf32>,
      %swap3A_111 = arith.index_cast %scan3A_91 : i32 to index
      %swap3A_112 = arith.constant 64 : index
      %swap3A_113 = tpu.vector_load %arg24[%swap3A_111, %swap3A_112] {strides = array<i32>} : memref<80x144xf32, #tpu.memory_space<vmem>>, vector<1x16xf32>,
      %swap3A_114 = vector.shape_cast %swap3A_113 : vector<1x16xf32> to vector<16xf32>
      %swap3A_115 = vector.shape_cast %broadcast_in_dim3A_0 : vector<16xf32> to vector<1x16xf32>
      tpu.vector_store %arg24[%swap3A_111, %swap3A_112], %swap3A_115 {strides = array<i32>} : memref<80x144xf32, #tpu.memory_space<vmem>>, vector<1x16xf32>,
      %swap3A_116 = arith.index_cast %scan3A_91 : i32 to index
      %swap3A_117 = arith.constant 80 : index
      %swap3A_118 = tpu.vector_load %arg24[%swap3A_116, %swap3A_117] {strides = array<i32>} : memref<80x144xf32, #tpu.memory_space<vmem>>, vector<1x16xf32>,
      %swap3A_119 = vector.shape_cast %swap3A_118 : vector<1x16xf32> to vector<16xf32>
      %swap3A_120 = vector.shape_cast %broadcast_in_dim3A_0 : vector<16xf32> to vector<1x16xf32>
      tpu.vector_store %arg24[%swap3A_116, %swap3A_117], %swap3A_120 {strides = array<i32>} : memref<80x144xf32, #tpu.memory_space<vmem>>, vector<1x16xf32>,
      %swap3A_121 = arith.index_cast %scan3A_91 : i32 to index
      %swap3A_122 = arith.constant 96 : index
      %swap3A_123 = tpu.vector_load %arg24[%swap3A_121, %swap3A_122] {strides = array<i32>} : memref<80x144xf32, #tpu.memory_space<vmem>>, vector<1x16xf32>,
      %swap3A_124 = vector.shape_cast %swap3A_123 : vector<1x16xf32> to vector<16xf32>
      %swap3A_125 = vector.shape_cast %broadcast_in_dim3A_0 : vector<16xf32> to vector<1x16xf32>
      tpu.vector_store %arg24[%swap3A_121, %swap3A_122], %swap3A_125 {strides = array<i32>} : memref<80x144xf32, #tpu.memory_space<vmem>>, vector<1x16xf32>,
      %swap3A_126 = arith.index_cast %scan3A_91 : i32 to index
      %swap3A_127 = arith.constant 112 : index
      %swap3A_128 = tpu.vector_load %arg24[%swap3A_126, %swap3A_127] {strides = array<i32>} : memref<80x144xf32, #tpu.memory_space<vmem>>, vector<1x16xf32>,
      %swap3A_129 = vector.shape_cast %swap3A_128 : vector<1x16xf32> to vector<16xf32>
      %swap3A_130 = vector.shape_cast %broadcast_in_dim3A_0 : vector<16xf32> to vector<1x16xf32>
      tpu.vector_store %arg24[%swap3A_126, %swap3A_127], %swap3A_130 {strides = array<i32>} : memref<80x144xf32, #tpu.memory_space<vmem>>, vector<1x16xf32>,
      %swap3A_131 = arith.index_cast %scan3A_91 : i32 to index
      %swap3A_132 = arith.constant 128 : index
      %swap3A_133 = tpu.vector_load %arg24[%swap3A_131, %swap3A_132] {strides = array<i32>} : memref<80x144xf32, #tpu.memory_space<vmem>>, vector<1x16xf32>,
      %swap3A_134 = vector.shape_cast %swap3A_133 : vector<1x16xf32> to vector<16xf32>
      %swap3A_135 = vector.shape_cast %broadcast_in_dim3A_0 : vector<16xf32> to vector<1x16xf32>
      tpu.vector_store %arg24[%swap3A_131, %swap3A_132], %swap3A_135 {strides = array<i32>} : memref<80x144xf32, #tpu.memory_space<vmem>>, vector<1x16xf32>,
    }
    %scan3A_5 = arith.constant 80 : i32
    %mul3A = arith.constant 640 : i32
    %mul3A_6 = arith.muli %arg1, %mul3A : i32
    %add3A = arith.constant 0 : i32
    %add3A_7 = arith.addi %mul3A_6, %add3A : i32
    "tpu.region"() ({
      %run_scoped3A = tpu.sem_alloc : memref<!tpu.dma_semaphore, #tpu.memory_space<semaphore_mem>>
      %dma_start3A_91 = arith.constant 0 : i32
      %dma_start3A_92 = tpu.memref_slice %arg25[%add3A_7, %dma_start3A_91] : memref<10240x144xf32, #tpu.memory_space<vmem_shared>> -> memref<80x144xf32, #tpu.memory_space<vmem_shared>>
      %dma_start3A_93 = arith.constant 0 : i32
      %dma_start3A_94 = tpu.memref_slice %arg25[%add3A_7, %dma_start3A_93] : memref<10240x144xf32, #tpu.memory_space<vmem_shared>> -> memref<80x144xf32, #tpu.memory_space<vmem_shared>>
      tpu.enqueue_dma source(%arg24 : memref<80x144xf32, #tpu.memory_space<vmem>>) target(%dma_start3A_94 : memref<80x144xf32, #tpu.memory_space<vmem_shared>>) target_semaphore(%run_scoped3A : memref<!tpu.dma_semaphore, #tpu.memory_space<semaphore_mem>>)
      %dma_wait3A_95 = arith.constant 0 : i32
      %dma_wait3A_96 = tpu.memref_slice %arg25[%add3A_7, %dma_wait3A_95] : memref<10240x144xf32, #tpu.memory_space<vmem_shared>> -> memref<80x144xf32, #tpu.memory_space<vmem_shared>>
      %dma_wait3A_97 = arith.constant 0 : i32
      %dma_wait3A_98 = tpu.memref_slice %arg25[%add3A_7, %dma_wait3A_97] : memref<10240x144xf32, #tpu.memory_space<vmem_shared>> -> memref<80x144xf32, #tpu.memory_space<vmem_shared>>
      tpu.wait_dma2 semaphore(%run_scoped3A : memref<!tpu.dma_semaphore, #tpu.memory_space<semaphore_mem>>) src(%arg24 : memref<80x144xf32, #tpu.memory_space<vmem>>) dst(%dma_wait3A_98 : memref<80x144xf32, #tpu.memory_space<vmem_shared>>)
      tpu.yield
    }) : () -> ()
    %add3A_8 = arith.constant 80 : i32
    %add3A_9 = arith.addi %mul3A_6, %add3A_8 : i32
    "tpu.region"() ({
      %run_scoped3A = tpu.sem_alloc : memref<!tpu.dma_semaphore, #tpu.memory_space<semaphore_mem>>
      %dma_start3A_91 = arith.constant 0 : i32
      %dma_start3A_92 = tpu.memref_slice %arg25[%add3A_9, %dma_start3A_91] : memref<10240x144xf32, #tpu.memory_space<vmem_shared>> -> memref<80x144xf32, #tpu.memory_space<vmem_shared>>
      %dma_start3A_93 = arith.constant 0 : i32
      %dma_start3A_94 = tpu.memref_slice %arg25[%add3A_9, %dma_start3A_93] : memref<10240x144xf32, #tpu.memory_space<vmem_shared>> -> memref<80x144xf32, #tpu.memory_space<vmem_shared>>
      tpu.enqueue_dma source(%arg24 : memref<80x144xf32, #tpu.memory_space<vmem>>) target(%dma_start3A_94 : memref<80x144xf32, #tpu.memory_space<vmem_shared>>) target_semaphore(%run_scoped3A : memref<!tpu.dma_semaphore, #tpu.memory_space<semaphore_mem>>)
      %dma_wait3A_95 = arith.constant 0 : i32
      %dma_wait3A_96 = tpu.memref_slice %arg25[%add3A_9, %dma_wait3A_95] : memref<10240x144xf32, #tpu.memory_space<vmem_shared>> -> memref<80x144xf32, #tpu.memory_space<vmem_shared>>
      %dma_wait3A_97 = arith.constant 0 : i32
      %dma_wait3A_98 = tpu.memref_slice %arg25[%add3A_9, %dma_wait3A_97] : memref<10240x144xf32, #tpu.memory_space<vmem_shared>> -> memref<80x144xf32, #tpu.memory_space<vmem_shared>>
      tpu.wait_dma2 semaphore(%run_scoped3A : memref<!tpu.dma_semaphore, #tpu.memory_space<semaphore_mem>>) src(%arg24 : memref<80x144xf32, #tpu.memory_space<vmem>>) dst(%dma_wait3A_98 : memref<80x144xf32, #tpu.memory_space<vmem_shared>>)
      tpu.yield
    }) : () -> ()
    %add3A_10 = arith.constant 160 : i32
    %add3A_11 = arith.addi %mul3A_6, %add3A_10 : i32
    "tpu.region"() ({
      %run_scoped3A = tpu.sem_alloc : memref<!tpu.dma_semaphore, #tpu.memory_space<semaphore_mem>>
      %dma_start3A_91 = arith.constant 0 : i32
      %dma_start3A_92 = tpu.memref_slice %arg25[%add3A_11, %dma_start3A_91] : memref<10240x144xf32, #tpu.memory_space<vmem_shared>> -> memref<80x144xf32, #tpu.memory_space<vmem_shared>>
      %dma_start3A_93 = arith.constant 0 : i32
      %dma_start3A_94 = tpu.memref_slice %arg25[%add3A_11, %dma_start3A_93] : memref<10240x144xf32, #tpu.memory_space<vmem_shared>> -> memref<80x144xf32, #tpu.memory_space<vmem_shared>>
      tpu.enqueue_dma source(%arg24 : memref<80x144xf32, #tpu.memory_space<vmem>>) target(%dma_start3A_94 : memref<80x144xf32, #tpu.memory_space<vmem_shared>>) target_semaphore(%run_scoped3A : memref<!tpu.dma_semaphore, #tpu.memory_space<semaphore_mem>>)
      %dma_wait3A_95 = arith.constant 0 : i32
      %dma_wait3A_96 = tpu.memref_slice %arg25[%add3A_11, %dma_wait3A_95] : memref<10240x144xf32, #tpu.memory_space<vmem_shared>> -> memref<80x144xf32, #tpu.memory_space<vmem_shared>>
      %dma_wait3A_97 = arith.constant 0 : i32
      %dma_wait3A_98 = tpu.memref_slice %arg25[%add3A_11, %dma_wait3A_97] : memref<10240x144xf32, #tpu.memory_space<vmem_shared>> -> memref<80x144xf32, #tpu.memory_space<vmem_shared>>
      tpu.wait_dma2 semaphore(%run_scoped3A : memref<!tpu.dma_semaphore, #tpu.memory_space<semaphore_mem>>) src(%arg24 : memref<80x144xf32, #tpu.memory_space<vmem>>) dst(%dma_wait3A_98 : memref<80x144xf32, #tpu.memory_space<vmem_shared>>)
      tpu.yield
    }) : () -> ()
    %add3A_12 = arith.constant 240 : i32
    %add3A_13 = arith.addi %mul3A_6, %add3A_12 : i32
    "tpu.region"() ({
      %run_scoped3A = tpu.sem_alloc : memref<!tpu.dma_semaphore, #tpu.memory_space<semaphore_mem>>
      %dma_start3A_91 = arith.constant 0 : i32
      %dma_start3A_92 = tpu.memref_slice %arg25[%add3A_13, %dma_start3A_91] : memref<10240x144xf32, #tpu.memory_space<vmem_shared>> -> memref<80x144xf32, #tpu.memory_space<vmem_shared>>
      %dma_start3A_93 = arith.constant 0 : i32
      %dma_start3A_94 = tpu.memref_slice %arg25[%add3A_13, %dma_start3A_93] : memref<10240x144xf32, #tpu.memory_space<vmem_shared>> -> memref<80x144xf32, #tpu.memory_space<vmem_shared>>
      tpu.enqueue_dma source(%arg24 : memref<80x144xf32, #tpu.memory_space<vmem>>) target(%dma_start3A_94 : memref<80x144xf32, #tpu.memory_space<vmem_shared>>) target_semaphore(%run_scoped3A : memref<!tpu.dma_semaphore, #tpu.memory_space<semaphore_mem>>)
      %dma_wait3A_95 = arith.constant 0 : i32
      %dma_wait3A_96 = tpu.memref_slice %arg25[%add3A_13, %dma_wait3A_95] : memref<10240x144xf32, #tpu.memory_space<vmem_shared>> -> memref<80x144xf32, #tpu.memory_space<vmem_shared>>
      %dma_wait3A_97 = arith.constant 0 : i32
      %dma_wait3A_98 = tpu.memref_slice %arg25[%add3A_13, %dma_wait3A_97] : memref<10240x144xf32, #tpu.memory_space<vmem_shared>> -> memref<80x144xf32, #tpu.memory_space<vmem_shared>>
      tpu.wait_dma2 semaphore(%run_scoped3A : memref<!tpu.dma_semaphore, #tpu.memory_space<semaphore_mem>>) src(%arg24 : memref<80x144xf32, #tpu.memory_space<vmem>>) dst(%dma_wait3A_98 : memref<80x144xf32, #tpu.memory_space<vmem_shared>>)
      tpu.yield
    }) : () -> ()
    %add3A_14 = arith.constant 320 : i32
    %add3A_15 = arith.addi %mul3A_6, %add3A_14 : i32
    "tpu.region"() ({
      %run_scoped3A = tpu.sem_alloc : memref<!tpu.dma_semaphore, #tpu.memory_space<semaphore_mem>>
      %dma_start3A_91 = arith.constant 0 : i32
      %dma_start3A_92 = tpu.memref_slice %arg25[%add3A_15, %dma_start3A_91] : memref<10240x144xf32, #tpu.memory_space<vmem_shared>> -> memref<80x144xf32, #tpu.memory_space<vmem_shared>>
      %dma_start3A_93 = arith.constant 0 : i32
      %dma_start3A_94 = tpu.memref_slice %arg25[%add3A_15, %dma_start3A_93] : memref<10240x144xf32, #tpu.memory_space<vmem_shared>> -> memref<80x144xf32, #tpu.memory_space<vmem_shared>>
      tpu.enqueue_dma source(%arg24 : memref<80x144xf32, #tpu.memory_space<vmem>>) target(%dma_start3A_94 : memref<80x144xf32, #tpu.memory_space<vmem_shared>>) target_semaphore(%run_scoped3A : memref<!tpu.dma_semaphore, #tpu.memory_space<semaphore_mem>>)
      %dma_wait3A_95 = arith.constant 0 : i32
      %dma_wait3A_96 = tpu.memref_slice %arg25[%add3A_15, %dma_wait3A_95] : memref<10240x144xf32, #tpu.memory_space<vmem_shared>> -> memref<80x144xf32, #tpu.memory_space<vmem_shared>>
      %dma_wait3A_97 = arith.constant 0 : i32
      %dma_wait3A_98 = tpu.memref_slice %arg25[%add3A_15, %dma_wait3A_97] : memref<10240x144xf32, #tpu.memory_space<vmem_shared>> -> memref<80x144xf32, #tpu.memory_space<vmem_shared>>
      tpu.wait_dma2 semaphore(%run_scoped3A : memref<!tpu.dma_semaphore, #tpu.memory_space<semaphore_mem>>) src(%arg24 : memref<80x144xf32, #tpu.memory_space<vmem>>) dst(%dma_wait3A_98 : memref<80x144xf32, #tpu.memory_space<vmem_shared>>)
      tpu.yield
    }) : () -> ()
    %add3A_16 = arith.constant 400 : i32
    %add3A_17 = arith.addi %mul3A_6, %add3A_16 : i32
    "tpu.region"() ({
      %run_scoped3A = tpu.sem_alloc : memref<!tpu.dma_semaphore, #tpu.memory_space<semaphore_mem>>
      %dma_start3A_91 = arith.constant 0 : i32
      %dma_start3A_92 = tpu.memref_slice %arg25[%add3A_17, %dma_start3A_91] : memref<10240x144xf32, #tpu.memory_space<vmem_shared>> -> memref<80x144xf32, #tpu.memory_space<vmem_shared>>
      %dma_start3A_93 = arith.constant 0 : i32
      %dma_start3A_94 = tpu.memref_slice %arg25[%add3A_17, %dma_start3A_93] : memref<10240x144xf32, #tpu.memory_space<vmem_shared>> -> memref<80x144xf32, #tpu.memory_space<vmem_shared>>
      tpu.enqueue_dma source(%arg24 : memref<80x144xf32, #tpu.memory_space<vmem>>) target(%dma_start3A_94 : memref<80x144xf32, #tpu.memory_space<vmem_shared>>) target_semaphore(%run_scoped3A : memref<!tpu.dma_semaphore, #tpu.memory_space<semaphore_mem>>)
      %dma_wait3A_95 = arith.constant 0 : i32
      %dma_wait3A_96 = tpu.memref_slice %arg25[%add3A_17, %dma_wait3A_95] : memref<10240x144xf32, #tpu.memory_space<vmem_shared>> -> memref<80x144xf32, #tpu.memory_space<vmem_shared>>
      %dma_wait3A_97 = arith.constant 0 : i32
      %dma_wait3A_98 = tpu.memref_slice %arg25[%add3A_17, %dma_wait3A_97] : memref<10240x144xf32, #tpu.memory_space<vmem_shared>> -> memref<80x144xf32, #tpu.memory_space<vmem_shared>>
      tpu.wait_dma2 semaphore(%run_scoped3A : memref<!tpu.dma_semaphore, #tpu.memory_space<semaphore_mem>>) src(%arg24 : memref<80x144xf32, #tpu.memory_space<vmem>>) dst(%dma_wait3A_98 : memref<80x144xf32, #tpu.memory_space<vmem_shared>>)
      tpu.yield
    }) : () -> ()
    %add3A_18 = arith.constant 480 : i32
    %add3A_19 = arith.addi %mul3A_6, %add3A_18 : i32
    "tpu.region"() ({
      %run_scoped3A = tpu.sem_alloc : memref<!tpu.dma_semaphore, #tpu.memory_space<semaphore_mem>>
      %dma_start3A_91 = arith.constant 0 : i32
      %dma_start3A_92 = tpu.memref_slice %arg25[%add3A_19, %dma_start3A_91] : memref<10240x144xf32, #tpu.memory_space<vmem_shared>> -> memref<80x144xf32, #tpu.memory_space<vmem_shared>>
      %dma_start3A_93 = arith.constant 0 : i32
      %dma_start3A_94 = tpu.memref_slice %arg25[%add3A_19, %dma_start3A_93] : memref<10240x144xf32, #tpu.memory_space<vmem_shared>> -> memref<80x144xf32, #tpu.memory_space<vmem_shared>>
      tpu.enqueue_dma source(%arg24 : memref<80x144xf32, #tpu.memory_space<vmem>>) target(%dma_start3A_94 : memref<80x144xf32, #tpu.memory_space<vmem_shared>>) target_semaphore(%run_scoped3A : memref<!tpu.dma_semaphore, #tpu.memory_space<semaphore_mem>>)
      %dma_wait3A_95 = arith.constant 0 : i32
      %dma_wait3A_96 = tpu.memref_slice %arg25[%add3A_19, %dma_wait3A_95] : memref<10240x144xf32, #tpu.memory_space<vmem_shared>> -> memref<80x144xf32, #tpu.memory_space<vmem_shared>>
      %dma_wait3A_97 = arith.constant 0 : i32
      %dma_wait3A_98 = tpu.memref_slice %arg25[%add3A_19, %dma_wait3A_97] : memref<10240x144xf32, #tpu.memory_space<vmem_shared>> -> memref<80x144xf32, #tpu.memory_space<vmem_shared>>
      tpu.wait_dma2 semaphore(%run_scoped3A : memref<!tpu.dma_semaphore, #tpu.memory_space<semaphore_mem>>) src(%arg24 : memref<80x144xf32, #tpu.memory_space<vmem>>) dst(%dma_wait3A_98 : memref<80x144xf32, #tpu.memory_space<vmem_shared>>)
      tpu.yield
    }) : () -> ()
    %add3A_20 = arith.constant 560 : i32
    %add3A_21 = arith.addi %mul3A_6, %add3A_20 : i32
    "tpu.region"() ({
      %run_scoped3A = tpu.sem_alloc : memref<!tpu.dma_semaphore, #tpu.memory_space<semaphore_mem>>
      %dma_start3A_91 = arith.constant 0 : i32
      %dma_start3A_92 = tpu.memref_slice %arg25[%add3A_21, %dma_start3A_91] : memref<10240x144xf32, #tpu.memory_space<vmem_shared>> -> memref<80x144xf32, #tpu.memory_space<vmem_shared>>
      %dma_start3A_93 = arith.constant 0 : i32
      %dma_start3A_94 = tpu.memref_slice %arg25[%add3A_21, %dma_start3A_93] : memref<10240x144xf32, #tpu.memory_space<vmem_shared>> -> memref<80x144xf32, #tpu.memory_space<vmem_shared>>
      tpu.enqueue_dma source(%arg24 : memref<80x144xf32, #tpu.memory_space<vmem>>) target(%dma_start3A_94 : memref<80x144xf32, #tpu.memory_space<vmem_shared>>) target_semaphore(%run_scoped3A : memref<!tpu.dma_semaphore, #tpu.memory_space<semaphore_mem>>)
      %dma_wait3A_95 = arith.constant 0 : i32
      %dma_wait3A_96 = tpu.memref_slice %arg25[%add3A_21, %dma_wait3A_95] : memref<10240x144xf32, #tpu.memory_space<vmem_shared>> -> memref<80x144xf32, #tpu.memory_space<vmem_shared>>
      %dma_wait3A_97 = arith.constant 0 : i32
      %dma_wait3A_98 = tpu.memref_slice %arg25[%add3A_21, %dma_wait3A_97] : memref<10240x144xf32, #tpu.memory_space<vmem_shared>> -> memref<80x144xf32, #tpu.memory_space<vmem_shared>>
      tpu.wait_dma2 semaphore(%run_scoped3A : memref<!tpu.dma_semaphore, #tpu.memory_space<semaphore_mem>>) src(%arg24 : memref<80x144xf32, #tpu.memory_space<vmem>>) dst(%dma_wait3A_98 : memref<80x144xf32, #tpu.memory_space<vmem_shared>>)
      tpu.yield
    }) : () -> ()
    %barrier3A = arith.constant 0 : index
    tpu.barrier barrier_id(%barrier3A)
    %mul3A_22 = arith.constant 2 : i32
    %mul3A_23 = arith.muli %arg1, %mul3A_22 : i32
    %add3A_24 = arith.addi %mul3A_23, %arg0 : i32
    %mul3A_25 = arith.constant 10240 : i32
    %mul3A_26 = arith.muli %add3A_24, %mul3A_25 : i32
    %add3A_27 = arith.constant 0 : i32
    %add3A_28 = arith.addi %mul3A_26, %add3A_27 : i32
    %multiple_of3A = tpu.assume_multiple %add3A_28, 8 : i32
    %dma_start3A = tpu.memref_slice %arg4[%multiple_of3A] : memref<327840xi32, #tpu.memory_space<hbm>> -> memref<80xi32, #tpu.memory_space<hbm>>
    %dma_start3A_29 = tpu.memref_slice %arg4[%multiple_of3A] : memref<327840xi32, #tpu.memory_space<hbm>> -> memref<80xi32, #tpu.memory_space<hbm>>
    tpu.enqueue_dma source(%dma_start3A_29 : memref<80xi32, #tpu.memory_space<hbm>>) target(%arg8 : memref<80xi32, #tpu.memory_space<vmem>>) target_semaphore(%arg26 : memref<!tpu.dma_semaphore, #tpu.memory_space<semaphore_mem>>)
    %dma_start3A_30 = tpu.memref_slice %arg5[%multiple_of3A] : memref<327840xi32, #tpu.memory_space<hbm>> -> memref<80xi32, #tpu.memory_space<hbm>>
    %dma_start3A_31 = tpu.memref_slice %arg5[%multiple_of3A] : memref<327840xi32, #tpu.memory_space<hbm>> -> memref<80xi32, #tpu.memory_space<hbm>>
    tpu.enqueue_dma source(%dma_start3A_31 : memref<80xi32, #tpu.memory_space<hbm>>) target(%arg9 : memref<80xi32, #tpu.memory_space<vmem>>) target_semaphore(%arg26 : memref<!tpu.dma_semaphore, #tpu.memory_space<semaphore_mem>>)
    %dma_start3A_32 = tpu.memref_slice %arg6[%multiple_of3A] : memref<327840xi32, #tpu.memory_space<hbm>> -> memref<80xi32, #tpu.memory_space<hbm>>
    %dma_start3A_33 = tpu.memref_slice %arg6[%multiple_of3A] : memref<327840xi32, #tpu.memory_space<hbm>> -> memref<80xi32, #tpu.memory_space<hbm>>
    tpu.enqueue_dma source(%dma_start3A_33 : memref<80xi32, #tpu.memory_space<hbm>>) target(%arg10 : memref<80xi32, #tpu.memory_space<vmem>>) target_semaphore(%arg26 : memref<!tpu.dma_semaphore, #tpu.memory_space<semaphore_mem>>)
    %dma_wait3A = arith.constant 0 : i32
    %dma_wait3A_34 = tpu.memref_slice %arg4[%dma_wait3A] : memref<327840xi32, #tpu.memory_space<hbm>> -> memref<80xi32, #tpu.memory_space<hbm>>
    %dma_wait3A_35 = arith.constant 0 : i32
    %dma_wait3A_36 = tpu.memref_slice %arg4[%dma_wait3A_35] : memref<327840xi32, #tpu.memory_space<hbm>> -> memref<80xi32, #tpu.memory_space<hbm>>
    tpu.wait_dma2 semaphore(%arg26 : memref<!tpu.dma_semaphore, #tpu.memory_space<semaphore_mem>>) src(%dma_wait3A_36 : memref<80xi32, #tpu.memory_space<hbm>>) dst(%arg8 : memref<80xi32, #tpu.memory_space<vmem>>)
    %dma_wait3A_37 = arith.constant 0 : i32
    %dma_wait3A_38 = tpu.memref_slice %arg4[%dma_wait3A_37] : memref<327840xi32, #tpu.memory_space<hbm>> -> memref<80xi32, #tpu.memory_space<hbm>>
    %dma_wait3A_39 = arith.constant 0 : i32
    %dma_wait3A_40 = tpu.memref_slice %arg4[%dma_wait3A_39] : memref<327840xi32, #tpu.memory_space<hbm>> -> memref<80xi32, #tpu.memory_space<hbm>>
    tpu.wait_dma2 semaphore(%arg26 : memref<!tpu.dma_semaphore, #tpu.memory_space<semaphore_mem>>) src(%dma_wait3A_40 : memref<80xi32, #tpu.memory_space<hbm>>) dst(%arg9 : memref<80xi32, #tpu.memory_space<vmem>>)
    %dma_wait3A_41 = arith.constant 0 : i32
    %dma_wait3A_42 = tpu.memref_slice %arg4[%dma_wait3A_41] : memref<327840xi32, #tpu.memory_space<hbm>> -> memref<80xi32, #tpu.memory_space<hbm>>
    %dma_wait3A_43 = arith.constant 0 : i32
    %dma_wait3A_44 = tpu.memref_slice %arg4[%dma_wait3A_43] : memref<327840xi32, #tpu.memory_space<hbm>> -> memref<80xi32, #tpu.memory_space<hbm>>
    tpu.wait_dma2 semaphore(%arg26 : memref<!tpu.dma_semaphore, #tpu.memory_space<semaphore_mem>>) src(%dma_wait3A_44 : memref<80xi32, #tpu.memory_space<hbm>>) dst(%arg10 : memref<80xi32, #tpu.memory_space<vmem>>)
    %add3A_45 = arith.constant 80 : i32
    %add3A_46 = arith.addi %mul3A_26, %add3A_45 : i32
    %multiple_of3A_47 = tpu.assume_multiple %add3A_46, 8 : i32
    %dma_start3A_48 = tpu.memref_slice %arg4[%multiple_of3A_47] : memref<327840xi32, #tpu.memory_space<hbm>> -> memref<80xi32, #tpu.memory_space<hbm>>
    %dma_start3A_49 = tpu.memref_slice %arg4[%multiple_of3A_47] : memref<327840xi32, #tpu.memory_space<hbm>> -> memref<80xi32, #tpu.memory_space<hbm>>
    tpu.enqueue_dma source(%dma_start3A_49 : memref<80xi32, #tpu.memory_space<hbm>>) target(%arg11 : memref<80xi32, #tpu.memory_space<vmem>>) target_semaphore(%arg27 : memref<!tpu.dma_semaphore, #tpu.memory_space<semaphore_mem>>)
    %dma_start3A_50 = tpu.memref_slice %arg5[%multiple_of3A_47] : memref<327840xi32, #tpu.memory_space<hbm>> -> memref<80xi32, #tpu.memory_space<hbm>>
    %dma_start3A_51 = tpu.memref_slice %arg5[%multiple_of3A_47] : memref<327840xi32, #tpu.memory_space<hbm>> -> memref<80xi32, #tpu.memory_space<hbm>>
    tpu.enqueue_dma source(%dma_start3A_51 : memref<80xi32, #tpu.memory_space<hbm>>) target(%arg12 : memref<80xi32, #tpu.memory_space<vmem>>) target_semaphore(%arg27 : memref<!tpu.dma_semaphore, #tpu.memory_space<semaphore_mem>>)
    %dma_start3A_52 = tpu.memref_slice %arg6[%multiple_of3A_47] : memref<327840xi32, #tpu.memory_space<hbm>> -> memref<80xi32, #tpu.memory_space<hbm>>
    %dma_start3A_53 = tpu.memref_slice %arg6[%multiple_of3A_47] : memref<327840xi32, #tpu.memory_space<hbm>> -> memref<80xi32, #tpu.memory_space<hbm>>
    tpu.enqueue_dma source(%dma_start3A_53 : memref<80xi32, #tpu.memory_space<hbm>>) target(%arg13 : memref<80xi32, #tpu.memory_space<vmem>>) target_semaphore(%arg27 : memref<!tpu.dma_semaphore, #tpu.memory_space<semaphore_mem>>)
    %dma_start3A_54 = arith.constant 0 : i32
    %dma_start3A_55 = arith.constant 0 : i32
    %dma_start3A_56 = tpu.memref_slice %arg2[%dma_start3A_54, %dma_start3A_55] : memref<10000x144xf32, #tpu.memory_space<hbm>> -> memref<10000x144xf32, #tpu.memory_space<hbm>>
    tpu.enqueue_indirect_dma source(%dma_start3A_56 : memref<10000x144xf32, #tpu.memory_space<hbm>>) target(%arg20 : memref<80x144xf32, #tpu.memory_space<vmem>>) offsets(%arg8 : memref<80xi32, #tpu.memory_space<vmem>>) semaphore(%arg30 : memref<!tpu.dma_semaphore, #tpu.memory_space<semaphore_mem>>)
    %dma_start3A_57 = arith.constant 0 : i32
    %dma_start3A_58 = arith.constant 0 : i32
    %dma_start3A_59 = tpu.memref_slice %arg3[%dma_start3A_57, %dma_start3A_58] : memref<10000x16xf32, #tpu.memory_space<hbm>> -> memref<10000x16xf32, #tpu.memory_space<hbm>>
    tpu.enqueue_indirect_dma source(%dma_start3A_59 : memref<10000x16xf32, #tpu.memory_space<hbm>>) target(%arg21 : memref<80x16xf32, #tpu.memory_space<vmem>>) offsets(%arg9 : memref<80xi32, #tpu.memory_space<vmem>>) semaphore(%arg31 : memref<!tpu.dma_semaphore, #tpu.memory_space<semaphore_mem>>)
    %dma_wait3A_60 = arith.constant 0 : i32
    %dma_wait3A_61 = tpu.memref_slice %arg4[%dma_wait3A_60] : memref<327840xi32, #tpu.memory_space<hbm>> -> memref<80xi32, #tpu.memory_space<hbm>>
    %dma_wait3A_62 = arith.constant 0 : i32
    %dma_wait3A_63 = tpu.memref_slice %arg4[%dma_wait3A_62] : memref<327840xi32, #tpu.memory_space<hbm>> -> memref<80xi32, #tpu.memory_space<hbm>>
    tpu.wait_dma2 semaphore(%arg27 : memref<!tpu.dma_semaphore, #tpu.memory_space<semaphore_mem>>) src(%dma_wait3A_63 : memref<80xi32, #tpu.memory_space<hbm>>) dst(%arg11 : memref<80xi32, #tpu.memory_space<vmem>>)
    %dma_wait3A_64 = arith.constant 0 : i32
    %dma_wait3A_65 = tpu.memref_slice %arg4[%dma_wait3A_64] : memref<327840xi32, #tpu.memory_space<hbm>> -> memref<80xi32, #tpu.memory_space<hbm>>
    %dma_wait3A_66 = arith.constant 0 : i32
    %dma_wait3A_67 = tpu.memref_slice %arg4[%dma_wait3A_66] : memref<327840xi32, #tpu.memory_space<hbm>> -> memref<80xi32, #tpu.memory_space<hbm>>
    tpu.wait_dma2 semaphore(%arg27 : memref<!tpu.dma_semaphore, #tpu.memory_space<semaphore_mem>>) src(%dma_wait3A_67 : memref<80xi32, #tpu.memory_space<hbm>>) dst(%arg12 : memref<80xi32, #tpu.memory_space<vmem>>)
    %dma_wait3A_68 = arith.constant 0 : i32
    %dma_wait3A_69 = tpu.memref_slice %arg4[%dma_wait3A_68] : memref<327840xi32, #tpu.memory_space<hbm>> -> memref<80xi32, #tpu.memory_space<hbm>>
    %dma_wait3A_70 = arith.constant 0 : i32
    %dma_wait3A_71 = tpu.memref_slice %arg4[%dma_wait3A_70] : memref<327840xi32, #tpu.memory_space<hbm>> -> memref<80xi32, #tpu.memory_space<hbm>>
    tpu.wait_dma2 semaphore(%arg27 : memref<!tpu.dma_semaphore, #tpu.memory_space<semaphore_mem>>) src(%dma_wait3A_71 : memref<80xi32, #tpu.memory_space<hbm>>) dst(%arg13 : memref<80xi32, #tpu.memory_space<vmem>>)
    %scan3A_72 = arith.constant 0 : i32
    %scan3A_73 = arith.constant 0 : i32
    %scan3A_74 = arith.constant 32 : i32
    %scan3A_75 = arith.addi %scan3A_73, %scan3A_74 : i32
    %scan3A_76 = arith.constant 1 : i32
    scf.for %scan3A_91 = %scan3A_73 to %scan3A_75 step %scan3A_76  : i32 {
      %dma_start3A_92 = arith.constant 0 : i32
      %dma_start3A_93 = arith.constant 0 : i32
      %dma_start3A_94 = tpu.memref_slice %arg2[%dma_start3A_92, %dma_start3A_93] : memref<10000x144xf32, #tpu.memory_space<hbm>> -> memref<10000x144xf32, #tpu.memory_space<hbm>>
      tpu.enqueue_indirect_dma source(%dma_start3A_94 : memref<10000x144xf32, #tpu.memory_space<hbm>>) target(%arg22 : memref<80x144xf32, #tpu.memory_space<vmem>>) offsets(%arg11 : memref<80xi32, #tpu.memory_space<vmem>>) semaphore(%arg32 : memref<!tpu.dma_semaphore, #tpu.memory_space<semaphore_mem>>)
      %dma_start3A_95 = arith.constant 0 : i32
      %dma_start3A_96 = arith.constant 0 : i32
      %dma_start3A_97 = tpu.memref_slice %arg3[%dma_start3A_95, %dma_start3A_96] : memref<10000x16xf32, #tpu.memory_space<hbm>> -> memref<10000x16xf32, #tpu.memory_space<hbm>>
      tpu.enqueue_indirect_dma source(%dma_start3A_97 : memref<10000x16xf32, #tpu.memory_space<hbm>>) target(%arg23 : memref<80x16xf32, #tpu.memory_space<vmem>>) offsets(%arg12 : memref<80xi32, #tpu.memory_space<vmem>>) semaphore(%arg33 : memref<!tpu.dma_semaphore, #tpu.memory_space<semaphore_mem>>)
      %mul3A_98 = arith.constant 4 : i32
      %mul3A_99 = arith.muli %mul3A_98, %scan3A_91 : i32
      %add3A_100 = arith.constant 0 : i32
      %add3A_101 = arith.addi %mul3A_99, %add3A_100 : i32
      %add3A_102 = arith.constant 2 : i32
      %add3A_103 = arith.addi %add3A_101, %add3A_102 : i32
      %mul3A_104 = arith.constant 80 : i32
      %mul3A_105 = arith.muli %add3A_103, %mul3A_104 : i32
      %add3A_106 = arith.addi %mul3A_26, %mul3A_105 : i32
      %multiple_of3A_107 = tpu.assume_multiple %add3A_106, 8 : i32
      %dma_start3A_108 = tpu.memref_slice %arg4[%multiple_of3A_107] : memref<327840xi32, #tpu.memory_space<hbm>> -> memref<80xi32, #tpu.memory_space<hbm>>
      %dma_start3A_109 = tpu.memref_slice %arg4[%multiple_of3A_107] : memref<327840xi32, #tpu.memory_space<hbm>> -> memref<80xi32, #tpu.memory_space<hbm>>
      tpu.enqueue_dma source(%dma_start3A_109 : memref<80xi32, #tpu.memory_space<hbm>>) target(%arg14 : memref<80xi32, #tpu.memory_space<vmem>>) target_semaphore(%arg28 : memref<!tpu.dma_semaphore, #tpu.memory_space<semaphore_mem>>)
      %dma_start3A_110 = tpu.memref_slice %arg5[%multiple_of3A_107] : memref<327840xi32, #tpu.memory_space<hbm>> -> memref<80xi32, #tpu.memory_space<hbm>>
      %dma_start3A_111 = tpu.memref_slice %arg5[%multiple_of3A_107] : memref<327840xi32, #tpu.memory_space<hbm>> -> memref<80xi32, #tpu.memory_space<hbm>>
      tpu.enqueue_dma source(%dma_start3A_111 : memref<80xi32, #tpu.memory_space<hbm>>) target(%arg15 : memref<80xi32, #tpu.memory_space<vmem>>) target_semaphore(%arg28 : memref<!tpu.dma_semaphore, #tpu.memory_space<semaphore_mem>>)
      %dma_start3A_112 = tpu.memref_slice %arg6[%multiple_of3A_107] : memref<327840xi32, #tpu.memory_space<hbm>> -> memref<80xi32, #tpu.memory_space<hbm>>
      %dma_start3A_113 = tpu.memref_slice %arg6[%multiple_of3A_107] : memref<327840xi32, #tpu.memory_space<hbm>> -> memref<80xi32, #tpu.memory_space<hbm>>
      tpu.enqueue_dma source(%dma_start3A_113 : memref<80xi32, #tpu.memory_space<hbm>>) target(%arg16 : memref<80xi32, #tpu.memory_space<vmem>>) target_semaphore(%arg28 : memref<!tpu.dma_semaphore, #tpu.memory_space<semaphore_mem>>)
      %dma_wait3A_114 = arith.constant 0 : i32
      %dma_wait3A_115 = arith.constant 0 : i32
      %dma_wait3A_116 = tpu.memref_slice %arg2[%dma_wait3A_114, %dma_wait3A_115] : memref<10000x144xf32, #tpu.memory_space<hbm>> -> memref<80x144xf32, #tpu.memory_space<hbm>>
      %dma_wait3A_117 = arith.constant 0 : i32
      %dma_wait3A_118 = arith.constant 0 : i32
      %dma_wait3A_119 = tpu.memref_slice %arg2[%dma_wait3A_117, %dma_wait3A_118] : memref<10000x144xf32, #tpu.memory_space<hbm>> -> memref<80x144xf32, #tpu.memory_space<hbm>>
      tpu.wait_dma2 semaphore(%arg30 : memref<!tpu.dma_semaphore, #tpu.memory_space<semaphore_mem>>) src(%dma_wait3A_119 : memref<80x144xf32, #tpu.memory_space<hbm>>) dst(%arg20 : memref<80x144xf32, #tpu.memory_space<vmem>>)
      %dma_wait3A_120 = arith.constant 0 : i32
      %dma_wait3A_121 = arith.constant 0 : i32
      %dma_wait3A_122 = tpu.memref_slice %arg3[%dma_wait3A_120, %dma_wait3A_121] : memref<10000x16xf32, #tpu.memory_space<hbm>> -> memref<80x16xf32, #tpu.memory_space<hbm>>
      %dma_wait3A_123 = arith.constant 0 : i32
      %dma_wait3A_124 = arith.constant 0 : i32
      %dma_wait3A_125 = tpu.memref_slice %arg3[%dma_wait3A_123, %dma_wait3A_124] : memref<10000x16xf32, #tpu.memory_space<hbm>> -> memref<80x16xf32, #tpu.memory_space<hbm>>
      tpu.wait_dma2 semaphore(%arg31 : memref<!tpu.dma_semaphore, #tpu.memory_space<semaphore_mem>>) src(%dma_wait3A_125 : memref<80x16xf32, #tpu.memory_space<hbm>>) dst(%arg21 : memref<80x16xf32, #tpu.memory_space<vmem>>)
      %scan3A_126 = arith.constant 0 : i32
      %scan3A_127 = arith.constant 0 : i32
      %scan3A_128 = arith.constant 80 : i32
      %scan3A_129 = arith.addi %scan3A_127, %scan3A_128 : i32
      %scan3A_130 = arith.constant 1 : i32
      scf.for %scan3A_300 = %scan3A_127 to %scan3A_129 step %scan3A_130  : i32 {
        %get3A = arith.index_cast %scan3A_300 : i32 to index
        %get3A_301 = arith.constant 128 : index
        %get3A_302 = tpu.vector_load %arg20[%get3A, %get3A_301] {strides = array<i32>} : memref<80x144xf32, #tpu.memory_space<vmem>>, vector<1x16xf32>,
        %get3A_303 = vector.shape_cast %get3A_302 : vector<1x16xf32> to vector<16xf32>
        %get3A_304 = arith.index_cast %scan3A_300 : i32 to index
        %get3A_305 = arith.constant 0 : index
        %get3A_306 = tpu.vector_load %arg21[%get3A_304, %get3A_305] {strides = array<i32>} : memref<80x16xf32, #tpu.memory_space<vmem>>, vector<1x16xf32>,
        %get3A_307 = vector.shape_cast %get3A_306 : vector<1x16xf32> to vector<16xf32>
        %add3A_308 = arith.addf %get3A_303, %get3A_307 : vector<16xf32>
        %gt3A = arith.constant 0.000000e+00 : f32
        %gt3A_309 = vector.broadcast %gt3A : f32 to vector<16xf32>
        %gt3A_310 = arith.cmpf ogt, %add3A_308, %gt3A_309 : vector<16xf32>
        %mul3A_311 = arith.constant 2.000000e-01 : f32
        %mul3A_312 = vector.broadcast %mul3A_311 : f32 to vector<16xf32>
        %mul3A_313 = arith.mulf %mul3A_312, %add3A_308 : vector<16xf32>
        %select_n3A = arith.select %gt3A_310, %add3A_308, %mul3A_313 : vector<16xi1>, vector<16xf32>
        %exp3A = math.exp %select_n3A : vector<16xf32>
        %swap3A = arith.index_cast %scan3A_300 : i32 to index
        %swap3A_314 = arith.constant 128 : index
        %swap3A_315 = tpu.vector_load %arg24[%swap3A, %swap3A_314] {strides = array<i32>} : memref<80x144xf32, #tpu.memory_space<vmem>>, vector<1x16xf32>,
        %swap3A_316 = vector.shape_cast %swap3A_315 : vector<1x16xf32> to vector<16xf32>
        %swap3A_317 = vector.shape_cast %exp3A : vector<16xf32> to vector<1x16xf32>
        tpu.vector_store %arg24[%swap3A, %swap3A_314], %swap3A_317 {strides = array<i32>} : memref<80x144xf32, #tpu.memory_space<vmem>>, vector<1x16xf32>,
        %get3A_318 = arith.index_cast %scan3A_300 : i32 to index
        %get3A_319 = arith.constant 0 : index
        %get3A_320 = tpu.vector_load %arg20[%get3A_318, %get3A_319] {strides = array<i32>} : memref<80x144xf32, #tpu.memory_space<vmem>>, vector<1x16xf32>,
        %get3A_321 = vector.shape_cast %get3A_320 : vector<1x16xf32> to vector<16xf32>
        %mul3A_322 = arith.mulf %get3A_321, %exp3A : vector<16xf32>
        %swap3A_323 = arith.index_cast %scan3A_300 : i32 to index
        %swap3A_324 = arith.constant 0 : index
        %swap3A_325 = tpu.vector_load %arg24[%swap3A_323, %swap3A_324] {strides = array<i32>} : memref<80x144xf32, #tpu.memory_space<vmem>>, vector<1x16xf32>,
        %swap3A_326 = vector.shape_cast %swap3A_325 : vector<1x16xf32> to vector<16xf32>
        %swap3A_327 = vector.shape_cast %mul3A_322 : vector<16xf32> to vector<1x16xf32>
        tpu.vector_store %arg24[%swap3A_323, %swap3A_324], %swap3A_327 {strides = array<i32>} : memref<80x144xf32, #tpu.memory_space<vmem>>, vector<1x16xf32>,
        %get3A_328 = arith.index_cast %scan3A_300 : i32 to index
        %get3A_329 = arith.constant 16 : index
        %get3A_330 = tpu.vector_load %arg20[%get3A_328, %get3A_329] {strides = array<i32>} : memref<80x144xf32, #tpu.memory_space<vmem>>, vector<1x16xf32>,
        %get3A_331 = vector.shape_cast %get3A_330 : vector<1x16xf32> to vector<16xf32>
        %mul3A_332 = arith.mulf %get3A_331, %exp3A : vector<16xf32>
        %swap3A_333 = arith.index_cast %scan3A_300 : i32 to index
        %swap3A_334 = arith.constant 16 : index
        %swap3A_335 = tpu.vector_load %arg24[%swap3A_333, %swap3A_334] {strides = array<i32>} : memref<80x144xf32, #tpu.memory_space<vmem>>, vector<1x16xf32>,
        %swap3A_336 = vector.shape_cast %swap3A_335 : vector<1x16xf32> to vector<16xf32>
        %swap3A_337 = vector.shape_cast %mul3A_332 : vector<16xf32> to vector<1x16xf32>
        tpu.vector_store %arg24[%swap3A_333, %swap3A_334], %swap3A_337 {strides = array<i32>} : memref<80x144xf32, #tpu.memory_space<vmem>>, vector<1x16xf32>,
        %get3A_338 = arith.index_cast %scan3A_300 : i32 to index
        %get3A_339 = arith.constant 32 : index
        %get3A_340 = tpu.vector_load %arg20[%get3A_338, %get3A_339] {strides = array<i32>} : memref<80x144xf32, #tpu.memory_space<vmem>>, vector<1x16xf32>,
        %get3A_341 = vector.shape_cast %get3A_340 : vector<1x16xf32> to vector<16xf32>
        %mul3A_342 = arith.mulf %get3A_341, %exp3A : vector<16xf32>
        %swap3A_343 = arith.index_cast %scan3A_300 : i32 to index
        %swap3A_344 = arith.constant 32 : index
        %swap3A_345 = tpu.vector_load %arg24[%swap3A_343, %swap3A_344] {strides = array<i32>} : memref<80x144xf32, #tpu.memory_space<vmem>>, vector<1x16xf32>,
        %swap3A_346 = vector.shape_cast %swap3A_345 : vector<1x16xf32> to vector<16xf32>
        %swap3A_347 = vector.shape_cast %mul3A_342 : vector<16xf32> to vector<1x16xf32>
        tpu.vector_store %arg24[%swap3A_343, %swap3A_344], %swap3A_347 {strides = array<i32>} : memref<80x144xf32, #tpu.memory_space<vmem>>, vector<1x16xf32>,
        %get3A_348 = arith.index_cast %scan3A_300 : i32 to index
        %get3A_349 = arith.constant 48 : index
        %get3A_350 = tpu.vector_load %arg20[%get3A_348, %get3A_349] {strides = array<i32>} : memref<80x144xf32, #tpu.memory_space<vmem>>, vector<1x16xf32>,
        %get3A_351 = vector.shape_cast %get3A_350 : vector<1x16xf32> to vector<16xf32>
        %mul3A_352 = arith.mulf %get3A_351, %exp3A : vector<16xf32>
        %swap3A_353 = arith.index_cast %scan3A_300 : i32 to index
        %swap3A_354 = arith.constant 48 : index
        %swap3A_355 = tpu.vector_load %arg24[%swap3A_353, %swap3A_354] {strides = array<i32>} : memref<80x144xf32, #tpu.memory_space<vmem>>, vector<1x16xf32>,
        %swap3A_356 = vector.shape_cast %swap3A_355 : vector<1x16xf32> to vector<16xf32>
        %swap3A_357 = vector.shape_cast %mul3A_352 : vector<16xf32> to vector<1x16xf32>
        tpu.vector_store %arg24[%swap3A_353, %swap3A_354], %swap3A_357 {strides = array<i32>} : memref<80x144xf32, #tpu.memory_space<vmem>>, vector<1x16xf32>,
        %get3A_358 = arith.index_cast %scan3A_300 : i32 to index
        %get3A_359 = arith.constant 64 : index
        %get3A_360 = tpu.vector_load %arg20[%get3A_358, %get3A_359] {strides = array<i32>} : memref<80x144xf32, #tpu.memory_space<vmem>>, vector<1x16xf32>,
        %get3A_361 = vector.shape_cast %get3A_360 : vector<1x16xf32> to vector<16xf32>
        %mul3A_362 = arith.mulf %get3A_361, %exp3A : vector<16xf32>
        %swap3A_363 = arith.index_cast %scan3A_300 : i32 to index
        %swap3A_364 = arith.constant 64 : index
        %swap3A_365 = tpu.vector_load %arg24[%swap3A_363, %swap3A_364] {strides = array<i32>} : memref<80x144xf32, #tpu.memory_space<vmem>>, vector<1x16xf32>,
        %swap3A_366 = vector.shape_cast %swap3A_365 : vector<1x16xf32> to vector<16xf32>
        %swap3A_367 = vector.shape_cast %mul3A_362 : vector<16xf32> to vector<1x16xf32>
        tpu.vector_store %arg24[%swap3A_363, %swap3A_364], %swap3A_367 {strides = array<i32>} : memref<80x144xf32, #tpu.memory_space<vmem>>, vector<1x16xf32>,
        %get3A_368 = arith.index_cast %scan3A_300 : i32 to index
        %get3A_369 = arith.constant 80 : index
        %get3A_370 = tpu.vector_load %arg20[%get3A_368, %get3A_369] {strides = array<i32>} : memref<80x144xf32, #tpu.memory_space<vmem>>, vector<1x16xf32>,
        %get3A_371 = vector.shape_cast %get3A_370 : vector<1x16xf32> to vector<16xf32>
        %mul3A_372 = arith.mulf %get3A_371, %exp3A : vector<16xf32>
        %swap3A_373 = arith.index_cast %scan3A_300 : i32 to index
        %swap3A_374 = arith.constant 80 : index
        %swap3A_375 = tpu.vector_load %arg24[%swap3A_373, %swap3A_374] {strides = array<i32>} : memref<80x144xf32, #tpu.memory_space<vmem>>, vector<1x16xf32>,
        %swap3A_376 = vector.shape_cast %swap3A_375 : vector<1x16xf32> to vector<16xf32>
        %swap3A_377 = vector.shape_cast %mul3A_372 : vector<16xf32> to vector<1x16xf32>
        tpu.vector_store %arg24[%swap3A_373, %swap3A_374], %swap3A_377 {strides = array<i32>} : memref<80x144xf32, #tpu.memory_space<vmem>>, vector<1x16xf32>,
        %get3A_378 = arith.index_cast %scan3A_300 : i32 to index
        %get3A_379 = arith.constant 96 : index
        %get3A_380 = tpu.vector_load %arg20[%get3A_378, %get3A_379] {strides = array<i32>} : memref<80x144xf32, #tpu.memory_space<vmem>>, vector<1x16xf32>,
        %get3A_381 = vector.shape_cast %get3A_380 : vector<1x16xf32> to vector<16xf32>
        %mul3A_382 = arith.mulf %get3A_381, %exp3A : vector<16xf32>
        %swap3A_383 = arith.index_cast %scan3A_300 : i32 to index
        %swap3A_384 = arith.constant 96 : index
        %swap3A_385 = tpu.vector_load %arg24[%swap3A_383, %swap3A_384] {strides = array<i32>} : memref<80x144xf32, #tpu.memory_space<vmem>>, vector<1x16xf32>,
        %swap3A_386 = vector.shape_cast %swap3A_385 : vector<1x16xf32> to vector<16xf32>
        %swap3A_387 = vector.shape_cast %mul3A_382 : vector<16xf32> to vector<1x16xf32>
        tpu.vector_store %arg24[%swap3A_383, %swap3A_384], %swap3A_387 {strides = array<i32>} : memref<80x144xf32, #tpu.memory_space<vmem>>, vector<1x16xf32>,
        %get3A_388 = arith.index_cast %scan3A_300 : i32 to index
        %get3A_389 = arith.constant 112 : index
        %get3A_390 = tpu.vector_load %arg20[%get3A_388, %get3A_389] {strides = array<i32>} : memref<80x144xf32, #tpu.memory_space<vmem>>, vector<1x16xf32>,
        %get3A_391 = vector.shape_cast %get3A_390 : vector<1x16xf32> to vector<16xf32>
        %mul3A_392 = arith.mulf %get3A_391, %exp3A : vector<16xf32>
        %swap3A_393 = arith.index_cast %scan3A_300 : i32 to index
        %swap3A_394 = arith.constant 112 : index
        %swap3A_395 = tpu.vector_load %arg24[%swap3A_393, %swap3A_394] {strides = array<i32>} : memref<80x144xf32, #tpu.memory_space<vmem>>, vector<1x16xf32>,
        %swap3A_396 = vector.shape_cast %swap3A_395 : vector<1x16xf32> to vector<16xf32>
        %swap3A_397 = vector.shape_cast %mul3A_392 : vector<16xf32> to vector<1x16xf32>
        tpu.vector_store %arg24[%swap3A_393, %swap3A_394], %swap3A_397 {strides = array<i32>} : memref<80x144xf32, #tpu.memory_space<vmem>>, vector<1x16xf32>,
      }
      %scan3A_131 = arith.constant 80 : i32
      "tpu.region"() ({
        %run_scoped3A = tpu.sem_alloc : memref<!tpu.dma_semaphore, #tpu.memory_space<semaphore_mem>>
        %dma_start3A_300 = arith.constant 0 : i32
        %dma_start3A_301 = arith.constant 0 : i32
        %dma_start3A_302 = tpu.memref_slice %arg25[%dma_start3A_300, %dma_start3A_301] : memref<10240x144xf32, #tpu.memory_space<vmem_shared>> -> memref<10240x144xf32, #tpu.memory_space<vmem_shared>>
        tpu.enqueue_indirect_dma source(%arg24 : memref<80x144xf32, #tpu.memory_space<vmem>>) target(%dma_start3A_302 : memref<10240x144xf32, #tpu.memory_space<vmem_shared>>) offsets(%arg10 : memref<80xi32, #tpu.memory_space<vmem>>) semaphore(%run_scoped3A : memref<!tpu.dma_semaphore, #tpu.memory_space<semaphore_mem>>) {add = true}
        %dma_wait3A_303 = arith.constant 0 : i32
        %dma_wait3A_304 = arith.constant 0 : i32
        %dma_wait3A_305 = tpu.memref_slice %arg25[%dma_wait3A_303, %dma_wait3A_304] : memref<10240x144xf32, #tpu.memory_space<vmem_shared>> -> memref<10240x144xf32, #tpu.memory_space<vmem_shared>>
        tpu.wait_indirect_dma semaphore(%run_scoped3A : memref<!tpu.dma_semaphore, #tpu.memory_space<semaphore_mem>>) src(%arg24 : memref<80x144xf32, #tpu.memory_space<vmem>>) dst(%dma_wait3A_305 : memref<10240x144xf32, #tpu.memory_space<vmem_shared>>)
        tpu.yield
      }) : () -> ()
      %dma_wait3A_132 = arith.constant 0 : i32
      %dma_wait3A_133 = tpu.memref_slice %arg4[%dma_wait3A_132] : memref<327840xi32, #tpu.memory_space<hbm>> -> memref<80xi32, #tpu.memory_space<hbm>>
      %dma_wait3A_134 = arith.constant 0 : i32
      %dma_wait3A_135 = tpu.memref_slice %arg4[%dma_wait3A_134] : memref<327840xi32, #tpu.memory_space<hbm>> -> memref<80xi32, #tpu.memory_space<hbm>>
      tpu.wait_dma2 semaphore(%arg28 : memref<!tpu.dma_semaphore, #tpu.memory_space<semaphore_mem>>) src(%dma_wait3A_135 : memref<80xi32, #tpu.memory_space<hbm>>) dst(%arg14 : memref<80xi32, #tpu.memory_space<vmem>>)
      %dma_wait3A_136 = arith.constant 0 : i32
      %dma_wait3A_137 = tpu.memref_slice %arg4[%dma_wait3A_136] : memref<327840xi32, #tpu.memory_space<hbm>> -> memref<80xi32, #tpu.memory_space<hbm>>
      %dma_wait3A_138 = arith.constant 0 : i32
      %dma_wait3A_139 = tpu.memref_slice %arg4[%dma_wait3A_138] : memref<327840xi32, #tpu.memory_space<hbm>> -> memref<80xi32, #tpu.memory_space<hbm>>
      tpu.wait_dma2 semaphore(%arg28 : memref<!tpu.dma_semaphore, #tpu.memory_space<semaphore_mem>>) src(%dma_wait3A_139 : memref<80xi32, #tpu.memory_space<hbm>>) dst(%arg15 : memref<80xi32, #tpu.memory_space<vmem>>)
      %dma_wait3A_140 = arith.constant 0 : i32
      %dma_wait3A_141 = tpu.memref_slice %arg4[%dma_wait3A_140] : memref<327840xi32, #tpu.memory_space<hbm>> -> memref<80xi32, #tpu.memory_space<hbm>>
      %dma_wait3A_142 = arith.constant 0 : i32
      %dma_wait3A_143 = tpu.memref_slice %arg4[%dma_wait3A_142] : memref<327840xi32, #tpu.memory_space<hbm>> -> memref<80xi32, #tpu.memory_space<hbm>>
      tpu.wait_dma2 semaphore(%arg28 : memref<!tpu.dma_semaphore, #tpu.memory_space<semaphore_mem>>) src(%dma_wait3A_143 : memref<80xi32, #tpu.memory_space<hbm>>) dst(%arg16 : memref<80xi32, #tpu.memory_space<vmem>>)
      %dma_start3A_144 = arith.constant 0 : i32
      %dma_start3A_145 = arith.constant 0 : i32
      %dma_start3A_146 = tpu.memref_slice %arg2[%dma_start3A_144, %dma_start3A_145] : memref<10000x144xf32, #tpu.memory_space<hbm>> -> memref<10000x144xf32, #tpu.memory_space<hbm>>
      tpu.enqueue_indirect_dma source(%dma_start3A_146 : memref<10000x144xf32, #tpu.memory_space<hbm>>) target(%arg20 : memref<80x144xf32, #tpu.memory_space<vmem>>) offsets(%arg14 : memref<80xi32, #tpu.memory_space<vmem>>) semaphore(%arg30 : memref<!tpu.dma_semaphore, #tpu.memory_space<semaphore_mem>>)
      %dma_start3A_147 = arith.constant 0 : i32
      %dma_start3A_148 = arith.constant 0 : i32
      %dma_start3A_149 = tpu.memref_slice %arg3[%dma_start3A_147, %dma_start3A_148] : memref<10000x16xf32, #tpu.memory_space<hbm>> -> memref<10000x16xf32, #tpu.memory_space<hbm>>
      tpu.enqueue_indirect_dma source(%dma_start3A_149 : memref<10000x16xf32, #tpu.memory_space<hbm>>) target(%arg21 : memref<80x16xf32, #tpu.memory_space<vmem>>) offsets(%arg15 : memref<80xi32, #tpu.memory_space<vmem>>) semaphore(%arg31 : memref<!tpu.dma_semaphore, #tpu.memory_space<semaphore_mem>>)
      %mul3A_150 = arith.constant 4 : i32
      %mul3A_151 = arith.muli %mul3A_150, %scan3A_91 : i32
      %add3A_152 = arith.constant 1 : i32
      %add3A_153 = arith.addi %mul3A_151, %add3A_152 : i32
      %add3A_154 = arith.constant 2 : i32
      %add3A_155 = arith.addi %add3A_153, %add3A_154 : i32
      %mul3A_156 = arith.constant 80 : i32
      %mul3A_157 = arith.muli %add3A_155, %mul3A_156 : i32
      %add3A_158 = arith.addi %mul3A_26, %mul3A_157 : i32
      %multiple_of3A_159 = tpu.assume_multiple %add3A_158, 8 : i32
      %dma_start3A_160 = tpu.memref_slice %arg4[%multiple_of3A_159] : memref<327840xi32, #tpu.memory_space<hbm>> -> memref<80xi32, #tpu.memory_space<hbm>>
      %dma_start3A_161 = tpu.memref_slice %arg4[%multiple_of3A_159] : memref<327840xi32, #tpu.memory_space<hbm>> -> memref<80xi32, #tpu.memory_space<hbm>>
      tpu.enqueue_dma source(%dma_start3A_161 : memref<80xi32, #tpu.memory_space<hbm>>) target(%arg17 : memref<80xi32, #tpu.memory_space<vmem>>) target_semaphore(%arg29 : memref<!tpu.dma_semaphore, #tpu.memory_space<semaphore_mem>>)
      %dma_start3A_162 = tpu.memref_slice %arg5[%multiple_of3A_159] : memref<327840xi32, #tpu.memory_space<hbm>> -> memref<80xi32, #tpu.memory_space<hbm>>
      %dma_start3A_163 = tpu.memref_slice %arg5[%multiple_of3A_159] : memref<327840xi32, #tpu.memory_space<hbm>> -> memref<80xi32, #tpu.memory_space<hbm>>
      tpu.enqueue_dma source(%dma_start3A_163 : memref<80xi32, #tpu.memory_space<hbm>>) target(%arg18 : memref<80xi32, #tpu.memory_space<vmem>>) target_semaphore(%arg29 : memref<!tpu.dma_semaphore, #tpu.memory_space<semaphore_mem>>)
      %dma_start3A_164 = tpu.memref_slice %arg6[%multiple_of3A_159] : memref<327840xi32, #tpu.memory_space<hbm>> -> memref<80xi32, #tpu.memory_space<hbm>>
      %dma_start3A_165 = tpu.memref_slice %arg6[%multiple_of3A_159] : memref<327840xi32, #tpu.memory_space<hbm>> -> memref<80xi32, #tpu.memory_space<hbm>>
      tpu.enqueue_dma source(%dma_start3A_165 : memref<80xi32, #tpu.memory_space<hbm>>) target(%arg19 : memref<80xi32, #tpu.memory_space<vmem>>) target_semaphore(%arg29 : memref<!tpu.dma_semaphore, #tpu.memory_space<semaphore_mem>>)
      %dma_wait3A_166 = arith.constant 0 : i32
      %dma_wait3A_167 = arith.constant 0 : i32
      %dma_wait3A_168 = tpu.memref_slice %arg2[%dma_wait3A_166, %dma_wait3A_167] : memref<10000x144xf32, #tpu.memory_space<hbm>> -> memref<80x144xf32, #tpu.memory_space<hbm>>
      %dma_wait3A_169 = arith.constant 0 : i32
      %dma_wait3A_170 = arith.constant 0 : i32
      %dma_wait3A_171 = tpu.memref_slice %arg2[%dma_wait3A_169, %dma_wait3A_170] : memref<10000x144xf32, #tpu.memory_space<hbm>> -> memref<80x144xf32, #tpu.memory_space<hbm>>
      tpu.wait_dma2 semaphore(%arg32 : memref<!tpu.dma_semaphore, #tpu.memory_space<semaphore_mem>>) src(%dma_wait3A_171 : memref<80x144xf32, #tpu.memory_space<hbm>>) dst(%arg22 : memref<80x144xf32, #tpu.memory_space<vmem>>)
      %dma_wait3A_172 = arith.constant 0 : i32
      %dma_wait3A_173 = arith.constant 0 : i32
      %dma_wait3A_174 = tpu.memref_slice %arg3[%dma_wait3A_172, %dma_wait3A_173] : memref<10000x16xf32, #tpu.memory_space<hbm>> -> memref<80x16xf32, #tpu.memory_space<hbm>>
      %dma_wait3A_175 = arith.constant 0 : i32
      %dma_wait3A_176 = arith.constant 0 : i32
      %dma_wait3A_177 = tpu.memref_slice %arg3[%dma_wait3A_175, %dma_wait3A_176] : memref<10000x16xf32, #tpu.memory_space<hbm>> -> memref<80x16xf32, #tpu.memory_space<hbm>>
      tpu.wait_dma2 semaphore(%arg33 : memref<!tpu.dma_semaphore, #tpu.memory_space<semaphore_mem>>) src(%dma_wait3A_177 : memref<80x16xf32, #tpu.memory_space<hbm>>) dst(%arg23 : memref<80x16xf32, #tpu.memory_space<vmem>>)
      %scan3A_178 = arith.constant 0 : i32
      %scan3A_179 = arith.constant 0 : i32
      %scan3A_180 = arith.constant 80 : i32
      %scan3A_181 = arith.addi %scan3A_179, %scan3A_180 : i32
      %scan3A_182 = arith.constant 1 : i32
      scf.for %scan3A_300 = %scan3A_179 to %scan3A_181 step %scan3A_182  : i32 {
        %get3A = arith.index_cast %scan3A_300 : i32 to index
        %get3A_301 = arith.constant 128 : index
        %get3A_302 = tpu.vector_load %arg22[%get3A, %get3A_301] {strides = array<i32>} : memref<80x144xf32, #tpu.memory_space<vmem>>, vector<1x16xf32>,
        %get3A_303 = vector.shape_cast %get3A_302 : vector<1x16xf32> to vector<16xf32>
        %get3A_304 = arith.index_cast %scan3A_300 : i32 to index
        %get3A_305 = arith.constant 0 : index
        %get3A_306 = tpu.vector_load %arg23[%get3A_304, %get3A_305] {strides = array<i32>} : memref<80x16xf32, #tpu.memory_space<vmem>>, vector<1x16xf32>,
        %get3A_307 = vector.shape_cast %get3A_306 : vector<1x16xf32> to vector<16xf32>
        %add3A_308 = arith.addf %get3A_303, %get3A_307 : vector<16xf32>
        %gt3A = arith.constant 0.000000e+00 : f32
        %gt3A_309 = vector.broadcast %gt3A : f32 to vector<16xf32>
        %gt3A_310 = arith.cmpf ogt, %add3A_308, %gt3A_309 : vector<16xf32>
        %mul3A_311 = arith.constant 2.000000e-01 : f32
        %mul3A_312 = vector.broadcast %mul3A_311 : f32 to vector<16xf32>
        %mul3A_313 = arith.mulf %mul3A_312, %add3A_308 : vector<16xf32>
        %select_n3A = arith.select %gt3A_310, %add3A_308, %mul3A_313 : vector<16xi1>, vector<16xf32>
        %exp3A = math.exp %select_n3A : vector<16xf32>
        %swap3A = arith.index_cast %scan3A_300 : i32 to index
        %swap3A_314 = arith.constant 128 : index
        %swap3A_315 = tpu.vector_load %arg24[%swap3A, %swap3A_314] {strides = array<i32>} : memref<80x144xf32, #tpu.memory_space<vmem>>, vector<1x16xf32>,
        %swap3A_316 = vector.shape_cast %swap3A_315 : vector<1x16xf32> to vector<16xf32>
        %swap3A_317 = vector.shape_cast %exp3A : vector<16xf32> to vector<1x16xf32>
        tpu.vector_store %arg24[%swap3A, %swap3A_314], %swap3A_317 {strides = array<i32>} : memref<80x144xf32, #tpu.memory_space<vmem>>, vector<1x16xf32>,
        %get3A_318 = arith.index_cast %scan3A_300 : i32 to index
        %get3A_319 = arith.constant 0 : index
        %get3A_320 = tpu.vector_load %arg22[%get3A_318, %get3A_319] {strides = array<i32>} : memref<80x144xf32, #tpu.memory_space<vmem>>, vector<1x16xf32>,
        %get3A_321 = vector.shape_cast %get3A_320 : vector<1x16xf32> to vector<16xf32>
        %mul3A_322 = arith.mulf %get3A_321, %exp3A : vector<16xf32>
        %swap3A_323 = arith.index_cast %scan3A_300 : i32 to index
        %swap3A_324 = arith.constant 0 : index
        %swap3A_325 = tpu.vector_load %arg24[%swap3A_323, %swap3A_324] {strides = array<i32>} : memref<80x144xf32, #tpu.memory_space<vmem>>, vector<1x16xf32>,
        %swap3A_326 = vector.shape_cast %swap3A_325 : vector<1x16xf32> to vector<16xf32>
        %swap3A_327 = vector.shape_cast %mul3A_322 : vector<16xf32> to vector<1x16xf32>
        tpu.vector_store %arg24[%swap3A_323, %swap3A_324], %swap3A_327 {strides = array<i32>} : memref<80x144xf32, #tpu.memory_space<vmem>>, vector<1x16xf32>,
        %get3A_328 = arith.index_cast %scan3A_300 : i32 to index
        %get3A_329 = arith.constant 16 : index
        %get3A_330 = tpu.vector_load %arg22[%get3A_328, %get3A_329] {strides = array<i32>} : memref<80x144xf32, #tpu.memory_space<vmem>>, vector<1x16xf32>,
        %get3A_331 = vector.shape_cast %get3A_330 : vector<1x16xf32> to vector<16xf32>
        %mul3A_332 = arith.mulf %get3A_331, %exp3A : vector<16xf32>
        %swap3A_333 = arith.index_cast %scan3A_300 : i32 to index
        %swap3A_334 = arith.constant 16 : index
        %swap3A_335 = tpu.vector_load %arg24[%swap3A_333, %swap3A_334] {strides = array<i32>} : memref<80x144xf32, #tpu.memory_space<vmem>>, vector<1x16xf32>,
        %swap3A_336 = vector.shape_cast %swap3A_335 : vector<1x16xf32> to vector<16xf32>
        %swap3A_337 = vector.shape_cast %mul3A_332 : vector<16xf32> to vector<1x16xf32>
        tpu.vector_store %arg24[%swap3A_333, %swap3A_334], %swap3A_337 {strides = array<i32>} : memref<80x144xf32, #tpu.memory_space<vmem>>, vector<1x16xf32>,
        %get3A_338 = arith.index_cast %scan3A_300 : i32 to index
        %get3A_339 = arith.constant 32 : index
        %get3A_340 = tpu.vector_load %arg22[%get3A_338, %get3A_339] {strides = array<i32>} : memref<80x144xf32, #tpu.memory_space<vmem>>, vector<1x16xf32>,
        %get3A_341 = vector.shape_cast %get3A_340 : vector<1x16xf32> to vector<16xf32>
        %mul3A_342 = arith.mulf %get3A_341, %exp3A : vector<16xf32>
        %swap3A_343 = arith.index_cast %scan3A_300 : i32 to index
        %swap3A_344 = arith.constant 32 : index
        %swap3A_345 = tpu.vector_load %arg24[%swap3A_343, %swap3A_344] {strides = array<i32>} : memref<80x144xf32, #tpu.memory_space<vmem>>, vector<1x16xf32>,
        %swap3A_346 = vector.shape_cast %swap3A_345 : vector<1x16xf32> to vector<16xf32>
        %swap3A_347 = vector.shape_cast %mul3A_342 : vector<16xf32> to vector<1x16xf32>
        tpu.vector_store %arg24[%swap3A_343, %swap3A_344], %swap3A_347 {strides = array<i32>} : memref<80x144xf32, #tpu.memory_space<vmem>>, vector<1x16xf32>,
        %get3A_348 = arith.index_cast %scan3A_300 : i32 to index
        %get3A_349 = arith.constant 48 : index
        %get3A_350 = tpu.vector_load %arg22[%get3A_348, %get3A_349] {strides = array<i32>} : memref<80x144xf32, #tpu.memory_space<vmem>>, vector<1x16xf32>,
        %get3A_351 = vector.shape_cast %get3A_350 : vector<1x16xf32> to vector<16xf32>
        %mul3A_352 = arith.mulf %get3A_351, %exp3A : vector<16xf32>
        %swap3A_353 = arith.index_cast %scan3A_300 : i32 to index
        %swap3A_354 = arith.constant 48 : index
        %swap3A_355 = tpu.vector_load %arg24[%swap3A_353, %swap3A_354] {strides = array<i32>} : memref<80x144xf32, #tpu.memory_space<vmem>>, vector<1x16xf32>,
        %swap3A_356 = vector.shape_cast %swap3A_355 : vector<1x16xf32> to vector<16xf32>
        %swap3A_357 = vector.shape_cast %mul3A_352 : vector<16xf32> to vector<1x16xf32>
        tpu.vector_store %arg24[%swap3A_353, %swap3A_354], %swap3A_357 {strides = array<i32>} : memref<80x144xf32, #tpu.memory_space<vmem>>, vector<1x16xf32>,
        %get3A_358 = arith.index_cast %scan3A_300 : i32 to index
        %get3A_359 = arith.constant 64 : index
        %get3A_360 = tpu.vector_load %arg22[%get3A_358, %get3A_359] {strides = array<i32>} : memref<80x144xf32, #tpu.memory_space<vmem>>, vector<1x16xf32>,
        %get3A_361 = vector.shape_cast %get3A_360 : vector<1x16xf32> to vector<16xf32>
        %mul3A_362 = arith.mulf %get3A_361, %exp3A : vector<16xf32>
        %swap3A_363 = arith.index_cast %scan3A_300 : i32 to index
        %swap3A_364 = arith.constant 64 : index
        %swap3A_365 = tpu.vector_load %arg24[%swap3A_363, %swap3A_364] {strides = array<i32>} : memref<80x144xf32, #tpu.memory_space<vmem>>, vector<1x16xf32>,
        %swap3A_366 = vector.shape_cast %swap3A_365 : vector<1x16xf32> to vector<16xf32>
        %swap3A_367 = vector.shape_cast %mul3A_362 : vector<16xf32> to vector<1x16xf32>
        tpu.vector_store %arg24[%swap3A_363, %swap3A_364], %swap3A_367 {strides = array<i32>} : memref<80x144xf32, #tpu.memory_space<vmem>>, vector<1x16xf32>,
        %get3A_368 = arith.index_cast %scan3A_300 : i32 to index
        %get3A_369 = arith.constant 80 : index
        %get3A_370 = tpu.vector_load %arg22[%get3A_368, %get3A_369] {strides = array<i32>} : memref<80x144xf32, #tpu.memory_space<vmem>>, vector<1x16xf32>,
        %get3A_371 = vector.shape_cast %get3A_370 : vector<1x16xf32> to vector<16xf32>
        %mul3A_372 = arith.mulf %get3A_371, %exp3A : vector<16xf32>
        %swap3A_373 = arith.index_cast %scan3A_300 : i32 to index
        %swap3A_374 = arith.constant 80 : index
        %swap3A_375 = tpu.vector_load %arg24[%swap3A_373, %swap3A_374] {strides = array<i32>} : memref<80x144xf32, #tpu.memory_space<vmem>>, vector<1x16xf32>,
        %swap3A_376 = vector.shape_cast %swap3A_375 : vector<1x16xf32> to vector<16xf32>
        %swap3A_377 = vector.shape_cast %mul3A_372 : vector<16xf32> to vector<1x16xf32>
        tpu.vector_store %arg24[%swap3A_373, %swap3A_374], %swap3A_377 {strides = array<i32>} : memref<80x144xf32, #tpu.memory_space<vmem>>, vector<1x16xf32>,
        %get3A_378 = arith.index_cast %scan3A_300 : i32 to index
        %get3A_379 = arith.constant 96 : index
        %get3A_380 = tpu.vector_load %arg22[%get3A_378, %get3A_379] {strides = array<i32>} : memref<80x144xf32, #tpu.memory_space<vmem>>, vector<1x16xf32>,
        %get3A_381 = vector.shape_cast %get3A_380 : vector<1x16xf32> to vector<16xf32>
        %mul3A_382 = arith.mulf %get3A_381, %exp3A : vector<16xf32>
        %swap3A_383 = arith.index_cast %scan3A_300 : i32 to index
        %swap3A_384 = arith.constant 96 : index
        %swap3A_385 = tpu.vector_load %arg24[%swap3A_383, %swap3A_384] {strides = array<i32>} : memref<80x144xf32, #tpu.memory_space<vmem>>, vector<1x16xf32>,
        %swap3A_386 = vector.shape_cast %swap3A_385 : vector<1x16xf32> to vector<16xf32>
        %swap3A_387 = vector.shape_cast %mul3A_382 : vector<16xf32> to vector<1x16xf32>
        tpu.vector_store %arg24[%swap3A_383, %swap3A_384], %swap3A_387 {strides = array<i32>} : memref<80x144xf32, #tpu.memory_space<vmem>>, vector<1x16xf32>,
        %get3A_388 = arith.index_cast %scan3A_300 : i32 to index
        %get3A_389 = arith.constant 112 : index
        %get3A_390 = tpu.vector_load %arg22[%get3A_388, %get3A_389] {strides = array<i32>} : memref<80x144xf32, #tpu.memory_space<vmem>>, vector<1x16xf32>,
        %get3A_391 = vector.shape_cast %get3A_390 : vector<1x16xf32> to vector<16xf32>
        %mul3A_392 = arith.mulf %get3A_391, %exp3A : vector<16xf32>
        %swap3A_393 = arith.index_cast %scan3A_300 : i32 to index
        %swap3A_394 = arith.constant 112 : index
        %swap3A_395 = tpu.vector_load %arg24[%swap3A_393, %swap3A_394] {strides = array<i32>} : memref<80x144xf32, #tpu.memory_space<vmem>>, vector<1x16xf32>,
        %swap3A_396 = vector.shape_cast %swap3A_395 : vector<1x16xf32> to vector<16xf32>
        %swap3A_397 = vector.shape_cast %mul3A_392 : vector<16xf32> to vector<1x16xf32>
        tpu.vector_store %arg24[%swap3A_393, %swap3A_394], %swap3A_397 {strides = array<i32>} : memref<80x144xf32, #tpu.memory_space<vmem>>, vector<1x16xf32>,
      }
      %scan3A_183 = arith.constant 80 : i32
      "tpu.region"() ({
        %run_scoped3A = tpu.sem_alloc : memref<!tpu.dma_semaphore, #tpu.memory_space<semaphore_mem>>
        %dma_start3A_300 = arith.constant 0 : i32
        %dma_start3A_301 = arith.constant 0 : i32
        %dma_start3A_302 = tpu.memref_slice %arg25[%dma_start3A_300, %dma_start3A_301] : memref<10240x144xf32, #tpu.memory_space<vmem_shared>> -> memref<10240x144xf32, #tpu.memory_space<vmem_shared>>
        tpu.enqueue_indirect_dma source(%arg24 : memref<80x144xf32, #tpu.memory_space<vmem>>) target(%dma_start3A_302 : memref<10240x144xf32, #tpu.memory_space<vmem_shared>>) offsets(%arg13 : memref<80xi32, #tpu.memory_space<vmem>>) semaphore(%run_scoped3A : memref<!tpu.dma_semaphore, #tpu.memory_space<semaphore_mem>>) {add = true}
        %dma_wait3A_303 = arith.constant 0 : i32
        %dma_wait3A_304 = arith.constant 0 : i32
        %dma_wait3A_305 = tpu.memref_slice %arg25[%dma_wait3A_303, %dma_wait3A_304] : memref<10240x144xf32, #tpu.memory_space<vmem_shared>> -> memref<10240x144xf32, #tpu.memory_space<vmem_shared>>
        tpu.wait_indirect_dma semaphore(%run_scoped3A : memref<!tpu.dma_semaphore, #tpu.memory_space<semaphore_mem>>) src(%arg24 : memref<80x144xf32, #tpu.memory_space<vmem>>) dst(%dma_wait3A_305 : memref<10240x144xf32, #tpu.memory_space<vmem_shared>>)
        tpu.yield
      }) : () -> ()
      %dma_wait3A_184 = arith.constant 0 : i32
      %dma_wait3A_185 = tpu.memref_slice %arg4[%dma_wait3A_184] : memref<327840xi32, #tpu.memory_space<hbm>> -> memref<80xi32, #tpu.memory_space<hbm>>
      %dma_wait3A_186 = arith.constant 0 : i32
      %dma_wait3A_187 = tpu.memref_slice %arg4[%dma_wait3A_186] : memref<327840xi32, #tpu.memory_space<hbm>> -> memref<80xi32, #tpu.memory_space<hbm>>
      tpu.wait_dma2 semaphore(%arg29 : memref<!tpu.dma_semaphore, #tpu.memory_space<semaphore_mem>>) src(%dma_wait3A_187 : memref<80xi32, #tpu.memory_space<hbm>>) dst(%arg17 : memref<80xi32, #tpu.memory_space<vmem>>)
      %dma_wait3A_188 = arith.constant 0 : i32
      %dma_wait3A_189 = tpu.memref_slice %arg4[%dma_wait3A_188] : memref<327840xi32, #tpu.memory_space<hbm>> -> memref<80xi32, #tpu.memory_space<hbm>>
      %dma_wait3A_190 = arith.constant 0 : i32
      %dma_wait3A_191 = tpu.memref_slice %arg4[%dma_wait3A_190] : memref<327840xi32, #tpu.memory_space<hbm>> -> memref<80xi32, #tpu.memory_space<hbm>>
      tpu.wait_dma2 semaphore(%arg29 : memref<!tpu.dma_semaphore, #tpu.memory_space<semaphore_mem>>) src(%dma_wait3A_191 : memref<80xi32, #tpu.memory_space<hbm>>) dst(%arg18 : memref<80xi32, #tpu.memory_space<vmem>>)
      %dma_wait3A_192 = arith.constant 0 : i32
      %dma_wait3A_193 = tpu.memref_slice %arg4[%dma_wait3A_192] : memref<327840xi32, #tpu.memory_space<hbm>> -> memref<80xi32, #tpu.memory_space<hbm>>
      %dma_wait3A_194 = arith.constant 0 : i32
      %dma_wait3A_195 = tpu.memref_slice %arg4[%dma_wait3A_194] : memref<327840xi32, #tpu.memory_space<hbm>> -> memref<80xi32, #tpu.memory_space<hbm>>
      tpu.wait_dma2 semaphore(%arg29 : memref<!tpu.dma_semaphore, #tpu.memory_space<semaphore_mem>>) src(%dma_wait3A_195 : memref<80xi32, #tpu.memory_space<hbm>>) dst(%arg19 : memref<80xi32, #tpu.memory_space<vmem>>)
      %dma_start3A_196 = arith.constant 0 : i32
      %dma_start3A_197 = arith.constant 0 : i32
      %dma_start3A_198 = tpu.memref_slice %arg2[%dma_start3A_196, %dma_start3A_197] : memref<10000x144xf32, #tpu.memory_space<hbm>> -> memref<10000x144xf32, #tpu.memory_space<hbm>>
      tpu.enqueue_indirect_dma source(%dma_start3A_198 : memref<10000x144xf32, #tpu.memory_space<hbm>>) target(%arg22 : memref<80x144xf32, #tpu.memory_space<vmem>>) offsets(%arg17 : memref<80xi32, #tpu.memory_space<vmem>>) semaphore(%arg32 : memref<!tpu.dma_semaphore, #tpu.memory_space<semaphore_mem>>)
      %dma_start3A_199 = arith.constant 0 : i32
      %dma_start3A_200 = arith.constant 0 : i32
      %dma_start3A_201 = tpu.memref_slice %arg3[%dma_start3A_199, %dma_start3A_200] : memref<10000x16xf32, #tpu.memory_space<hbm>> -> memref<10000x16xf32, #tpu.memory_space<hbm>>
      tpu.enqueue_indirect_dma source(%dma_start3A_201 : memref<10000x16xf32, #tpu.memory_space<hbm>>) target(%arg23 : memref<80x16xf32, #tpu.memory_space<vmem>>) offsets(%arg18 : memref<80xi32, #tpu.memory_space<vmem>>) semaphore(%arg33 : memref<!tpu.dma_semaphore, #tpu.memory_space<semaphore_mem>>)
      %mul3A_202 = arith.constant 4 : i32
      %mul3A_203 = arith.muli %mul3A_202, %scan3A_91 : i32
      %add3A_204 = arith.constant 2 : i32
      %add3A_205 = arith.addi %mul3A_203, %add3A_204 : i32
      %add3A_206 = arith.constant 2 : i32
      %add3A_207 = arith.addi %add3A_205, %add3A_206 : i32
      %mul3A_208 = arith.constant 80 : i32
      %mul3A_209 = arith.muli %add3A_207, %mul3A_208 : i32
      %add3A_210 = arith.addi %mul3A_26, %mul3A_209 : i32
      %multiple_of3A_211 = tpu.assume_multiple %add3A_210, 8 : i32
      %dma_start3A_212 = tpu.memref_slice %arg4[%multiple_of3A_211] : memref<327840xi32, #tpu.memory_space<hbm>> -> memref<80xi32, #tpu.memory_space<hbm>>
      %dma_start3A_213 = tpu.memref_slice %arg4[%multiple_of3A_211] : memref<327840xi32, #tpu.memory_space<hbm>> -> memref<80xi32, #tpu.memory_space<hbm>>
      tpu.enqueue_dma source(%dma_start3A_213 : memref<80xi32, #tpu.memory_space<hbm>>) target(%arg8 : memref<80xi32, #tpu.memory_space<vmem>>) target_semaphore(%arg26 : memref<!tpu.dma_semaphore, #tpu.memory_space<semaphore_mem>>)
      %dma_start3A_214 = tpu.memref_slice %arg5[%multiple_of3A_211] : memref<327840xi32, #tpu.memory_space<hbm>> -> memref<80xi32, #tpu.memory_space<hbm>>
      %dma_start3A_215 = tpu.memref_slice %arg5[%multiple_of3A_211] : memref<327840xi32, #tpu.memory_space<hbm>> -> memref<80xi32, #tpu.memory_space<hbm>>
      tpu.enqueue_dma source(%dma_start3A_215 : memref<80xi32, #tpu.memory_space<hbm>>) target(%arg9 : memref<80xi32, #tpu.memory_space<vmem>>) target_semaphore(%arg26 : memref<!tpu.dma_semaphore, #tpu.memory_space<semaphore_mem>>)
      %dma_start3A_216 = tpu.memref_slice %arg6[%multiple_of3A_211] : memref<327840xi32, #tpu.memory_space<hbm>> -> memref<80xi32, #tpu.memory_space<hbm>>
      %dma_start3A_217 = tpu.memref_slice %arg6[%multiple_of3A_211] : memref<327840xi32, #tpu.memory_space<hbm>> -> memref<80xi32, #tpu.memory_space<hbm>>
      tpu.enqueue_dma source(%dma_start3A_217 : memref<80xi32, #tpu.memory_space<hbm>>) target(%arg10 : memref<80xi32, #tpu.memory_space<vmem>>) target_semaphore(%arg26 : memref<!tpu.dma_semaphore, #tpu.memory_space<semaphore_mem>>)
      %dma_wait3A_218 = arith.constant 0 : i32
      %dma_wait3A_219 = arith.constant 0 : i32
      %dma_wait3A_220 = tpu.memref_slice %arg2[%dma_wait3A_218, %dma_wait3A_219] : memref<10000x144xf32, #tpu.memory_space<hbm>> -> memref<80x144xf32, #tpu.memory_space<hbm>>
      %dma_wait3A_221 = arith.constant 0 : i32
      %dma_wait3A_222 = arith.constant 0 : i32
      %dma_wait3A_223 = tpu.memref_slice %arg2[%dma_wait3A_221, %dma_wait3A_222] : memref<10000x144xf32, #tpu.memory_space<hbm>> -> memref<80x144xf32, #tpu.memory_space<hbm>>
      tpu.wait_dma2 semaphore(%arg30 : memref<!tpu.dma_semaphore, #tpu.memory_space<semaphore_mem>>) src(%dma_wait3A_223 : memref<80x144xf32, #tpu.memory_space<hbm>>) dst(%arg20 : memref<80x144xf32, #tpu.memory_space<vmem>>)
      %dma_wait3A_224 = arith.constant 0 : i32
      %dma_wait3A_225 = arith.constant 0 : i32
      %dma_wait3A_226 = tpu.memref_slice %arg3[%dma_wait3A_224, %dma_wait3A_225] : memref<10000x16xf32, #tpu.memory_space<hbm>> -> memref<80x16xf32, #tpu.memory_space<hbm>>
      %dma_wait3A_227 = arith.constant 0 : i32
      %dma_wait3A_228 = arith.constant 0 : i32
      %dma_wait3A_229 = tpu.memref_slice %arg3[%dma_wait3A_227, %dma_wait3A_228] : memref<10000x16xf32, #tpu.memory_space<hbm>> -> memref<80x16xf32, #tpu.memory_space<hbm>>
      tpu.wait_dma2 semaphore(%arg31 : memref<!tpu.dma_semaphore, #tpu.memory_space<semaphore_mem>>) src(%dma_wait3A_229 : memref<80x16xf32, #tpu.memory_space<hbm>>) dst(%arg21 : memref<80x16xf32, #tpu.memory_space<vmem>>)
      %scan3A_230 = arith.constant 0 : i32
      %scan3A_231 = arith.constant 0 : i32
      %scan3A_232 = arith.constant 80 : i32
      %scan3A_233 = arith.addi %scan3A_231, %scan3A_232 : i32
      %scan3A_234 = arith.constant 1 : i32
      scf.for %scan3A_300 = %scan3A_231 to %scan3A_233 step %scan3A_234  : i32 {
        %get3A = arith.index_cast %scan3A_300 : i32 to index
        %get3A_301 = arith.constant 128 : index
        %get3A_302 = tpu.vector_load %arg20[%get3A, %get3A_301] {strides = array<i32>} : memref<80x144xf32, #tpu.memory_space<vmem>>, vector<1x16xf32>,
        %get3A_303 = vector.shape_cast %get3A_302 : vector<1x16xf32> to vector<16xf32>
        %get3A_304 = arith.index_cast %scan3A_300 : i32 to index
        %get3A_305 = arith.constant 0 : index
        %get3A_306 = tpu.vector_load %arg21[%get3A_304, %get3A_305] {strides = array<i32>} : memref<80x16xf32, #tpu.memory_space<vmem>>, vector<1x16xf32>,
        %get3A_307 = vector.shape_cast %get3A_306 : vector<1x16xf32> to vector<16xf32>
        %add3A_308 = arith.addf %get3A_303, %get3A_307 : vector<16xf32>
        %gt3A = arith.constant 0.000000e+00 : f32
        %gt3A_309 = vector.broadcast %gt3A : f32 to vector<16xf32>
        %gt3A_310 = arith.cmpf ogt, %add3A_308, %gt3A_309 : vector<16xf32>
        %mul3A_311 = arith.constant 2.000000e-01 : f32
        %mul3A_312 = vector.broadcast %mul3A_311 : f32 to vector<16xf32>
        %mul3A_313 = arith.mulf %mul3A_312, %add3A_308 : vector<16xf32>
        %select_n3A = arith.select %gt3A_310, %add3A_308, %mul3A_313 : vector<16xi1>, vector<16xf32>
        %exp3A = math.exp %select_n3A : vector<16xf32>
        %swap3A = arith.index_cast %scan3A_300 : i32 to index
        %swap3A_314 = arith.constant 128 : index
        %swap3A_315 = tpu.vector_load %arg24[%swap3A, %swap3A_314] {strides = array<i32>} : memref<80x144xf32, #tpu.memory_space<vmem>>, vector<1x16xf32>,
        %swap3A_316 = vector.shape_cast %swap3A_315 : vector<1x16xf32> to vector<16xf32>
        %swap3A_317 = vector.shape_cast %exp3A : vector<16xf32> to vector<1x16xf32>
        tpu.vector_store %arg24[%swap3A, %swap3A_314], %swap3A_317 {strides = array<i32>} : memref<80x144xf32, #tpu.memory_space<vmem>>, vector<1x16xf32>,
        %get3A_318 = arith.index_cast %scan3A_300 : i32 to index
        %get3A_319 = arith.constant 0 : index
        %get3A_320 = tpu.vector_load %arg20[%get3A_318, %get3A_319] {strides = array<i32>} : memref<80x144xf32, #tpu.memory_space<vmem>>, vector<1x16xf32>,
        %get3A_321 = vector.shape_cast %get3A_320 : vector<1x16xf32> to vector<16xf32>
        %mul3A_322 = arith.mulf %get3A_321, %exp3A : vector<16xf32>
        %swap3A_323 = arith.index_cast %scan3A_300 : i32 to index
        %swap3A_324 = arith.constant 0 : index
        %swap3A_325 = tpu.vector_load %arg24[%swap3A_323, %swap3A_324] {strides = array<i32>} : memref<80x144xf32, #tpu.memory_space<vmem>>, vector<1x16xf32>,
        %swap3A_326 = vector.shape_cast %swap3A_325 : vector<1x16xf32> to vector<16xf32>
        %swap3A_327 = vector.shape_cast %mul3A_322 : vector<16xf32> to vector<1x16xf32>
        tpu.vector_store %arg24[%swap3A_323, %swap3A_324], %swap3A_327 {strides = array<i32>} : memref<80x144xf32, #tpu.memory_space<vmem>>, vector<1x16xf32>,
        %get3A_328 = arith.index_cast %scan3A_300 : i32 to index
        %get3A_329 = arith.constant 16 : index
        %get3A_330 = tpu.vector_load %arg20[%get3A_328, %get3A_329] {strides = array<i32>} : memref<80x144xf32, #tpu.memory_space<vmem>>, vector<1x16xf32>,
        %get3A_331 = vector.shape_cast %get3A_330 : vector<1x16xf32> to vector<16xf32>
        %mul3A_332 = arith.mulf %get3A_331, %exp3A : vector<16xf32>
        %swap3A_333 = arith.index_cast %scan3A_300 : i32 to index
        %swap3A_334 = arith.constant 16 : index
        %swap3A_335 = tpu.vector_load %arg24[%swap3A_333, %swap3A_334] {strides = array<i32>} : memref<80x144xf32, #tpu.memory_space<vmem>>, vector<1x16xf32>,
        %swap3A_336 = vector.shape_cast %swap3A_335 : vector<1x16xf32> to vector<16xf32>
        %swap3A_337 = vector.shape_cast %mul3A_332 : vector<16xf32> to vector<1x16xf32>
        tpu.vector_store %arg24[%swap3A_333, %swap3A_334], %swap3A_337 {strides = array<i32>} : memref<80x144xf32, #tpu.memory_space<vmem>>, vector<1x16xf32>,
        %get3A_338 = arith.index_cast %scan3A_300 : i32 to index
        %get3A_339 = arith.constant 32 : index
        %get3A_340 = tpu.vector_load %arg20[%get3A_338, %get3A_339] {strides = array<i32>} : memref<80x144xf32, #tpu.memory_space<vmem>>, vector<1x16xf32>,
        %get3A_341 = vector.shape_cast %get3A_340 : vector<1x16xf32> to vector<16xf32>
        %mul3A_342 = arith.mulf %get3A_341, %exp3A : vector<16xf32>
        %swap3A_343 = arith.index_cast %scan3A_300 : i32 to index
        %swap3A_344 = arith.constant 32 : index
        %swap3A_345 = tpu.vector_load %arg24[%swap3A_343, %swap3A_344] {strides = array<i32>} : memref<80x144xf32, #tpu.memory_space<vmem>>, vector<1x16xf32>,
        %swap3A_346 = vector.shape_cast %swap3A_345 : vector<1x16xf32> to vector<16xf32>
        %swap3A_347 = vector.shape_cast %mul3A_342 : vector<16xf32> to vector<1x16xf32>
        tpu.vector_store %arg24[%swap3A_343, %swap3A_344], %swap3A_347 {strides = array<i32>} : memref<80x144xf32, #tpu.memory_space<vmem>>, vector<1x16xf32>,
        %get3A_348 = arith.index_cast %scan3A_300 : i32 to index
        %get3A_349 = arith.constant 48 : index
        %get3A_350 = tpu.vector_load %arg20[%get3A_348, %get3A_349] {strides = array<i32>} : memref<80x144xf32, #tpu.memory_space<vmem>>, vector<1x16xf32>,
        %get3A_351 = vector.shape_cast %get3A_350 : vector<1x16xf32> to vector<16xf32>
        %mul3A_352 = arith.mulf %get3A_351, %exp3A : vector<16xf32>
        %swap3A_353 = arith.index_cast %scan3A_300 : i32 to index
        %swap3A_354 = arith.constant 48 : index
        %swap3A_355 = tpu.vector_load %arg24[%swap3A_353, %swap3A_354] {strides = array<i32>} : memref<80x144xf32, #tpu.memory_space<vmem>>, vector<1x16xf32>,
        %swap3A_356 = vector.shape_cast %swap3A_355 : vector<1x16xf32> to vector<16xf32>
        %swap3A_357 = vector.shape_cast %mul3A_352 : vector<16xf32> to vector<1x16xf32>
        tpu.vector_store %arg24[%swap3A_353, %swap3A_354], %swap3A_357 {strides = array<i32>} : memref<80x144xf32, #tpu.memory_space<vmem>>, vector<1x16xf32>,
        %get3A_358 = arith.index_cast %scan3A_300 : i32 to index
        %get3A_359 = arith.constant 64 : index
        %get3A_360 = tpu.vector_load %arg20[%get3A_358, %get3A_359] {strides = array<i32>} : memref<80x144xf32, #tpu.memory_space<vmem>>, vector<1x16xf32>,
        %get3A_361 = vector.shape_cast %get3A_360 : vector<1x16xf32> to vector<16xf32>
        %mul3A_362 = arith.mulf %get3A_361, %exp3A : vector<16xf32>
        %swap3A_363 = arith.index_cast %scan3A_300 : i32 to index
        %swap3A_364 = arith.constant 64 : index
        %swap3A_365 = tpu.vector_load %arg24[%swap3A_363, %swap3A_364] {strides = array<i32>} : memref<80x144xf32, #tpu.memory_space<vmem>>, vector<1x16xf32>,
        %swap3A_366 = vector.shape_cast %swap3A_365 : vector<1x16xf32> to vector<16xf32>
        %swap3A_367 = vector.shape_cast %mul3A_362 : vector<16xf32> to vector<1x16xf32>
        tpu.vector_store %arg24[%swap3A_363, %swap3A_364], %swap3A_367 {strides = array<i32>} : memref<80x144xf32, #tpu.memory_space<vmem>>, vector<1x16xf32>,
        %get3A_368 = arith.index_cast %scan3A_300 : i32 to index
        %get3A_369 = arith.constant 80 : index
        %get3A_370 = tpu.vector_load %arg20[%get3A_368, %get3A_369] {strides = array<i32>} : memref<80x144xf32, #tpu.memory_space<vmem>>, vector<1x16xf32>,
        %get3A_371 = vector.shape_cast %get3A_370 : vector<1x16xf32> to vector<16xf32>
        %mul3A_372 = arith.mulf %get3A_371, %exp3A : vector<16xf32>
        %swap3A_373 = arith.index_cast %scan3A_300 : i32 to index
        %swap3A_374 = arith.constant 80 : index
        %swap3A_375 = tpu.vector_load %arg24[%swap3A_373, %swap3A_374] {strides = array<i32>} : memref<80x144xf32, #tpu.memory_space<vmem>>, vector<1x16xf32>,
        %swap3A_376 = vector.shape_cast %swap3A_375 : vector<1x16xf32> to vector<16xf32>
        %swap3A_377 = vector.shape_cast %mul3A_372 : vector<16xf32> to vector<1x16xf32>
        tpu.vector_store %arg24[%swap3A_373, %swap3A_374], %swap3A_377 {strides = array<i32>} : memref<80x144xf32, #tpu.memory_space<vmem>>, vector<1x16xf32>,
        %get3A_378 = arith.index_cast %scan3A_300 : i32 to index
        %get3A_379 = arith.constant 96 : index
        %get3A_380 = tpu.vector_load %arg20[%get3A_378, %get3A_379] {strides = array<i32>} : memref<80x144xf32, #tpu.memory_space<vmem>>, vector<1x16xf32>,
        %get3A_381 = vector.shape_cast %get3A_380 : vector<1x16xf32> to vector<16xf32>
        %mul3A_382 = arith.mulf %get3A_381, %exp3A : vector<16xf32>
        %swap3A_383 = arith.index_cast %scan3A_300 : i32 to index
        %swap3A_384 = arith.constant 96 : index
        %swap3A_385 = tpu.vector_load %arg24[%swap3A_383, %swap3A_384] {strides = array<i32>} : memref<80x144xf32, #tpu.memory_space<vmem>>, vector<1x16xf32>,
        %swap3A_386 = vector.shape_cast %swap3A_385 : vector<1x16xf32> to vector<16xf32>
        %swap3A_387 = vector.shape_cast %mul3A_382 : vector<16xf32> to vector<1x16xf32>
        tpu.vector_store %arg24[%swap3A_383, %swap3A_384], %swap3A_387 {strides = array<i32>} : memref<80x144xf32, #tpu.memory_space<vmem>>, vector<1x16xf32>,
        %get3A_388 = arith.index_cast %scan3A_300 : i32 to index
        %get3A_389 = arith.constant 112 : index
        %get3A_390 = tpu.vector_load %arg20[%get3A_388, %get3A_389] {strides = array<i32>} : memref<80x144xf32, #tpu.memory_space<vmem>>, vector<1x16xf32>,
        %get3A_391 = vector.shape_cast %get3A_390 : vector<1x16xf32> to vector<16xf32>
        %mul3A_392 = arith.mulf %get3A_391, %exp3A : vector<16xf32>
        %swap3A_393 = arith.index_cast %scan3A_300 : i32 to index
        %swap3A_394 = arith.constant 112 : index
        %swap3A_395 = tpu.vector_load %arg24[%swap3A_393, %swap3A_394] {strides = array<i32>} : memref<80x144xf32, #tpu.memory_space<vmem>>, vector<1x16xf32>,
        %swap3A_396 = vector.shape_cast %swap3A_395 : vector<1x16xf32> to vector<16xf32>
        %swap3A_397 = vector.shape_cast %mul3A_392 : vector<16xf32> to vector<1x16xf32>
        tpu.vector_store %arg24[%swap3A_393, %swap3A_394], %swap3A_397 {strides = array<i32>} : memref<80x144xf32, #tpu.memory_space<vmem>>, vector<1x16xf32>,
      }
      %scan3A_235 = arith.constant 80 : i32
      "tpu.region"() ({
        %run_scoped3A = tpu.sem_alloc : memref<!tpu.dma_semaphore, #tpu.memory_space<semaphore_mem>>
        %dma_start3A_300 = arith.constant 0 : i32
        %dma_start3A_301 = arith.constant 0 : i32
        %dma_start3A_302 = tpu.memref_slice %arg25[%dma_start3A_300, %dma_start3A_301] : memref<10240x144xf32, #tpu.memory_space<vmem_shared>> -> memref<10240x144xf32, #tpu.memory_space<vmem_shared>>
        tpu.enqueue_indirect_dma source(%arg24 : memref<80x144xf32, #tpu.memory_space<vmem>>) target(%dma_start3A_302 : memref<10240x144xf32, #tpu.memory_space<vmem_shared>>) offsets(%arg16 : memref<80xi32, #tpu.memory_space<vmem>>) semaphore(%run_scoped3A : memref<!tpu.dma_semaphore, #tpu.memory_space<semaphore_mem>>) {add = true}
        %dma_wait3A_303 = arith.constant 0 : i32
        %dma_wait3A_304 = arith.constant 0 : i32
        %dma_wait3A_305 = tpu.memref_slice %arg25[%dma_wait3A_303, %dma_wait3A_304] : memref<10240x144xf32, #tpu.memory_space<vmem_shared>> -> memref<10240x144xf32, #tpu.memory_space<vmem_shared>>
        tpu.wait_indirect_dma semaphore(%run_scoped3A : memref<!tpu.dma_semaphore, #tpu.memory_space<semaphore_mem>>) src(%arg24 : memref<80x144xf32, #tpu.memory_space<vmem>>) dst(%dma_wait3A_305 : memref<10240x144xf32, #tpu.memory_space<vmem_shared>>)
        tpu.yield
      }) : () -> ()
      %dma_wait3A_236 = arith.constant 0 : i32
      %dma_wait3A_237 = tpu.memref_slice %arg4[%dma_wait3A_236] : memref<327840xi32, #tpu.memory_space<hbm>> -> memref<80xi32, #tpu.memory_space<hbm>>
      %dma_wait3A_238 = arith.constant 0 : i32
      %dma_wait3A_239 = tpu.memref_slice %arg4[%dma_wait3A_238] : memref<327840xi32, #tpu.memory_space<hbm>> -> memref<80xi32, #tpu.memory_space<hbm>>
      tpu.wait_dma2 semaphore(%arg26 : memref<!tpu.dma_semaphore, #tpu.memory_space<semaphore_mem>>) src(%dma_wait3A_239 : memref<80xi32, #tpu.memory_space<hbm>>) dst(%arg8 : memref<80xi32, #tpu.memory_space<vmem>>)
      %dma_wait3A_240 = arith.constant 0 : i32
      %dma_wait3A_241 = tpu.memref_slice %arg4[%dma_wait3A_240] : memref<327840xi32, #tpu.memory_space<hbm>> -> memref<80xi32, #tpu.memory_space<hbm>>
      %dma_wait3A_242 = arith.constant 0 : i32
      %dma_wait3A_243 = tpu.memref_slice %arg4[%dma_wait3A_242] : memref<327840xi32, #tpu.memory_space<hbm>> -> memref<80xi32, #tpu.memory_space<hbm>>
      tpu.wait_dma2 semaphore(%arg26 : memref<!tpu.dma_semaphore, #tpu.memory_space<semaphore_mem>>) src(%dma_wait3A_243 : memref<80xi32, #tpu.memory_space<hbm>>) dst(%arg9 : memref<80xi32, #tpu.memory_space<vmem>>)
      %dma_wait3A_244 = arith.constant 0 : i32
      %dma_wait3A_245 = tpu.memref_slice %arg4[%dma_wait3A_244] : memref<327840xi32, #tpu.memory_space<hbm>> -> memref<80xi32, #tpu.memory_space<hbm>>
      %dma_wait3A_246 = arith.constant 0 : i32
      %dma_wait3A_247 = tpu.memref_slice %arg4[%dma_wait3A_246] : memref<327840xi32, #tpu.memory_space<hbm>> -> memref<80xi32, #tpu.memory_space<hbm>>
      tpu.wait_dma2 semaphore(%arg26 : memref<!tpu.dma_semaphore, #tpu.memory_space<semaphore_mem>>) src(%dma_wait3A_247 : memref<80xi32, #tpu.memory_space<hbm>>) dst(%arg10 : memref<80xi32, #tpu.memory_space<vmem>>)
      %dma_start3A_248 = arith.constant 0 : i32
      %dma_start3A_249 = arith.constant 0 : i32
      %dma_start3A_250 = tpu.memref_slice %arg2[%dma_start3A_248, %dma_start3A_249] : memref<10000x144xf32, #tpu.memory_space<hbm>> -> memref<10000x144xf32, #tpu.memory_space<hbm>>
      tpu.enqueue_indirect_dma source(%dma_start3A_250 : memref<10000x144xf32, #tpu.memory_space<hbm>>) target(%arg20 : memref<80x144xf32, #tpu.memory_space<vmem>>) offsets(%arg8 : memref<80xi32, #tpu.memory_space<vmem>>) semaphore(%arg30 : memref<!tpu.dma_semaphore, #tpu.memory_space<semaphore_mem>>)
      %dma_start3A_251 = arith.constant 0 : i32
      %dma_start3A_252 = arith.constant 0 : i32
      %dma_start3A_253 = tpu.memref_slice %arg3[%dma_start3A_251, %dma_start3A_252] : memref<10000x16xf32, #tpu.memory_space<hbm>> -> memref<10000x16xf32, #tpu.memory_space<hbm>>
      tpu.enqueue_indirect_dma source(%dma_start3A_253 : memref<10000x16xf32, #tpu.memory_space<hbm>>) target(%arg21 : memref<80x16xf32, #tpu.memory_space<vmem>>) offsets(%arg9 : memref<80xi32, #tpu.memory_space<vmem>>) semaphore(%arg31 : memref<!tpu.dma_semaphore, #tpu.memory_space<semaphore_mem>>)
      %mul3A_254 = arith.constant 4 : i32
      %mul3A_255 = arith.muli %mul3A_254, %scan3A_91 : i32
      %add3A_256 = arith.constant 3 : i32
      %add3A_257 = arith.addi %mul3A_255, %add3A_256 : i32
      %add3A_258 = arith.constant 2 : i32
      %add3A_259 = arith.addi %add3A_257, %add3A_258 : i32
      %mul3A_260 = arith.constant 80 : i32
      %mul3A_261 = arith.muli %add3A_259, %mul3A_260 : i32
      %add3A_262 = arith.addi %mul3A_26, %mul3A_261 : i32
      %multiple_of3A_263 = tpu.assume_multiple %add3A_262, 8 : i32
      %dma_start3A_264 = tpu.memref_slice %arg4[%multiple_of3A_263] : memref<327840xi32, #tpu.memory_space<hbm>> -> memref<80xi32, #tpu.memory_space<hbm>>
      %dma_start3A_265 = tpu.memref_slice %arg4[%multiple_of3A_263] : memref<327840xi32, #tpu.memory_space<hbm>> -> memref<80xi32, #tpu.memory_space<hbm>>
      tpu.enqueue_dma source(%dma_start3A_265 : memref<80xi32, #tpu.memory_space<hbm>>) target(%arg11 : memref<80xi32, #tpu.memory_space<vmem>>) target_semaphore(%arg27 : memref<!tpu.dma_semaphore, #tpu.memory_space<semaphore_mem>>)
      %dma_start3A_266 = tpu.memref_slice %arg5[%multiple_of3A_263] : memref<327840xi32, #tpu.memory_space<hbm>> -> memref<80xi32, #tpu.memory_space<hbm>>
      %dma_start3A_267 = tpu.memref_slice %arg5[%multiple_of3A_263] : memref<327840xi32, #tpu.memory_space<hbm>> -> memref<80xi32, #tpu.memory_space<hbm>>
      tpu.enqueue_dma source(%dma_start3A_267 : memref<80xi32, #tpu.memory_space<hbm>>) target(%arg12 : memref<80xi32, #tpu.memory_space<vmem>>) target_semaphore(%arg27 : memref<!tpu.dma_semaphore, #tpu.memory_space<semaphore_mem>>)
      %dma_start3A_268 = tpu.memref_slice %arg6[%multiple_of3A_263] : memref<327840xi32, #tpu.memory_space<hbm>> -> memref<80xi32, #tpu.memory_space<hbm>>
      %dma_start3A_269 = tpu.memref_slice %arg6[%multiple_of3A_263] : memref<327840xi32, #tpu.memory_space<hbm>> -> memref<80xi32, #tpu.memory_space<hbm>>
      tpu.enqueue_dma source(%dma_start3A_269 : memref<80xi32, #tpu.memory_space<hbm>>) target(%arg13 : memref<80xi32, #tpu.memory_space<vmem>>) target_semaphore(%arg27 : memref<!tpu.dma_semaphore, #tpu.memory_space<semaphore_mem>>)
      %dma_wait3A_270 = arith.constant 0 : i32
      %dma_wait3A_271 = arith.constant 0 : i32
      %dma_wait3A_272 = tpu.memref_slice %arg2[%dma_wait3A_270, %dma_wait3A_271] : memref<10000x144xf32, #tpu.memory_space<hbm>> -> memref<80x144xf32, #tpu.memory_space<hbm>>
      %dma_wait3A_273 = arith.constant 0 : i32
      %dma_wait3A_274 = arith.constant 0 : i32
      %dma_wait3A_275 = tpu.memref_slice %arg2[%dma_wait3A_273, %dma_wait3A_274] : memref<10000x144xf32, #tpu.memory_space<hbm>> -> memref<80x144xf32, #tpu.memory_space<hbm>>
      tpu.wait_dma2 semaphore(%arg32 : memref<!tpu.dma_semaphore, #tpu.memory_space<semaphore_mem>>) src(%dma_wait3A_275 : memref<80x144xf32, #tpu.memory_space<hbm>>) dst(%arg22 : memref<80x144xf32, #tpu.memory_space<vmem>>)
      %dma_wait3A_276 = arith.constant 0 : i32
      %dma_wait3A_277 = arith.constant 0 : i32
      %dma_wait3A_278 = tpu.memref_slice %arg3[%dma_wait3A_276, %dma_wait3A_277] : memref<10000x16xf32, #tpu.memory_space<hbm>> -> memref<80x16xf32, #tpu.memory_space<hbm>>
      %dma_wait3A_279 = arith.constant 0 : i32
      %dma_wait3A_280 = arith.constant 0 : i32
      %dma_wait3A_281 = tpu.memref_slice %arg3[%dma_wait3A_279, %dma_wait3A_280] : memref<10000x16xf32, #tpu.memory_space<hbm>> -> memref<80x16xf32, #tpu.memory_space<hbm>>
      tpu.wait_dma2 semaphore(%arg33 : memref<!tpu.dma_semaphore, #tpu.memory_space<semaphore_mem>>) src(%dma_wait3A_281 : memref<80x16xf32, #tpu.memory_space<hbm>>) dst(%arg23 : memref<80x16xf32, #tpu.memory_space<vmem>>)
      %scan3A_282 = arith.constant 0 : i32
      %scan3A_283 = arith.constant 0 : i32
      %scan3A_284 = arith.constant 80 : i32
      %scan3A_285 = arith.addi %scan3A_283, %scan3A_284 : i32
      %scan3A_286 = arith.constant 1 : i32
      scf.for %scan3A_300 = %scan3A_283 to %scan3A_285 step %scan3A_286  : i32 {
        %get3A = arith.index_cast %scan3A_300 : i32 to index
        %get3A_301 = arith.constant 128 : index
        %get3A_302 = tpu.vector_load %arg22[%get3A, %get3A_301] {strides = array<i32>} : memref<80x144xf32, #tpu.memory_space<vmem>>, vector<1x16xf32>,
        %get3A_303 = vector.shape_cast %get3A_302 : vector<1x16xf32> to vector<16xf32>
        %get3A_304 = arith.index_cast %scan3A_300 : i32 to index
        %get3A_305 = arith.constant 0 : index
        %get3A_306 = tpu.vector_load %arg23[%get3A_304, %get3A_305] {strides = array<i32>} : memref<80x16xf32, #tpu.memory_space<vmem>>, vector<1x16xf32>,
        %get3A_307 = vector.shape_cast %get3A_306 : vector<1x16xf32> to vector<16xf32>
        %add3A_308 = arith.addf %get3A_303, %get3A_307 : vector<16xf32>
        %gt3A = arith.constant 0.000000e+00 : f32
        %gt3A_309 = vector.broadcast %gt3A : f32 to vector<16xf32>
        %gt3A_310 = arith.cmpf ogt, %add3A_308, %gt3A_309 : vector<16xf32>
        %mul3A_311 = arith.constant 2.000000e-01 : f32
        %mul3A_312 = vector.broadcast %mul3A_311 : f32 to vector<16xf32>
        %mul3A_313 = arith.mulf %mul3A_312, %add3A_308 : vector<16xf32>
        %select_n3A = arith.select %gt3A_310, %add3A_308, %mul3A_313 : vector<16xi1>, vector<16xf32>
        %exp3A = math.exp %select_n3A : vector<16xf32>
        %swap3A = arith.index_cast %scan3A_300 : i32 to index
        %swap3A_314 = arith.constant 128 : index
        %swap3A_315 = tpu.vector_load %arg24[%swap3A, %swap3A_314] {strides = array<i32>} : memref<80x144xf32, #tpu.memory_space<vmem>>, vector<1x16xf32>,
        %swap3A_316 = vector.shape_cast %swap3A_315 : vector<1x16xf32> to vector<16xf32>
        %swap3A_317 = vector.shape_cast %exp3A : vector<16xf32> to vector<1x16xf32>
        tpu.vector_store %arg24[%swap3A, %swap3A_314], %swap3A_317 {strides = array<i32>} : memref<80x144xf32, #tpu.memory_space<vmem>>, vector<1x16xf32>,
        %get3A_318 = arith.index_cast %scan3A_300 : i32 to index
        %get3A_319 = arith.constant 0 : index
        %get3A_320 = tpu.vector_load %arg22[%get3A_318, %get3A_319] {strides = array<i32>} : memref<80x144xf32, #tpu.memory_space<vmem>>, vector<1x16xf32>,
        %get3A_321 = vector.shape_cast %get3A_320 : vector<1x16xf32> to vector<16xf32>
        %mul3A_322 = arith.mulf %get3A_321, %exp3A : vector<16xf32>
        %swap3A_323 = arith.index_cast %scan3A_300 : i32 to index
        %swap3A_324 = arith.constant 0 : index
        %swap3A_325 = tpu.vector_load %arg24[%swap3A_323, %swap3A_324] {strides = array<i32>} : memref<80x144xf32, #tpu.memory_space<vmem>>, vector<1x16xf32>,
        %swap3A_326 = vector.shape_cast %swap3A_325 : vector<1x16xf32> to vector<16xf32>
        %swap3A_327 = vector.shape_cast %mul3A_322 : vector<16xf32> to vector<1x16xf32>
        tpu.vector_store %arg24[%swap3A_323, %swap3A_324], %swap3A_327 {strides = array<i32>} : memref<80x144xf32, #tpu.memory_space<vmem>>, vector<1x16xf32>,
        %get3A_328 = arith.index_cast %scan3A_300 : i32 to index
        %get3A_329 = arith.constant 16 : index
        %get3A_330 = tpu.vector_load %arg22[%get3A_328, %get3A_329] {strides = array<i32>} : memref<80x144xf32, #tpu.memory_space<vmem>>, vector<1x16xf32>,
        %get3A_331 = vector.shape_cast %get3A_330 : vector<1x16xf32> to vector<16xf32>
        %mul3A_332 = arith.mulf %get3A_331, %exp3A : vector<16xf32>
        %swap3A_333 = arith.index_cast %scan3A_300 : i32 to index
        %swap3A_334 = arith.constant 16 : index
        %swap3A_335 = tpu.vector_load %arg24[%swap3A_333, %swap3A_334] {strides = array<i32>} : memref<80x144xf32, #tpu.memory_space<vmem>>, vector<1x16xf32>,
        %swap3A_336 = vector.shape_cast %swap3A_335 : vector<1x16xf32> to vector<16xf32>
        %swap3A_337 = vector.shape_cast %mul3A_332 : vector<16xf32> to vector<1x16xf32>
        tpu.vector_store %arg24[%swap3A_333, %swap3A_334], %swap3A_337 {strides = array<i32>} : memref<80x144xf32, #tpu.memory_space<vmem>>, vector<1x16xf32>,
        %get3A_338 = arith.index_cast %scan3A_300 : i32 to index
        %get3A_339 = arith.constant 32 : index
        %get3A_340 = tpu.vector_load %arg22[%get3A_338, %get3A_339] {strides = array<i32>} : memref<80x144xf32, #tpu.memory_space<vmem>>, vector<1x16xf32>,
        %get3A_341 = vector.shape_cast %get3A_340 : vector<1x16xf32> to vector<16xf32>
        %mul3A_342 = arith.mulf %get3A_341, %exp3A : vector<16xf32>
        %swap3A_343 = arith.index_cast %scan3A_300 : i32 to index
        %swap3A_344 = arith.constant 32 : index
        %swap3A_345 = tpu.vector_load %arg24[%swap3A_343, %swap3A_344] {strides = array<i32>} : memref<80x144xf32, #tpu.memory_space<vmem>>, vector<1x16xf32>,
        %swap3A_346 = vector.shape_cast %swap3A_345 : vector<1x16xf32> to vector<16xf32>
        %swap3A_347 = vector.shape_cast %mul3A_342 : vector<16xf32> to vector<1x16xf32>
        tpu.vector_store %arg24[%swap3A_343, %swap3A_344], %swap3A_347 {strides = array<i32>} : memref<80x144xf32, #tpu.memory_space<vmem>>, vector<1x16xf32>,
        %get3A_348 = arith.index_cast %scan3A_300 : i32 to index
        %get3A_349 = arith.constant 48 : index
        %get3A_350 = tpu.vector_load %arg22[%get3A_348, %get3A_349] {strides = array<i32>} : memref<80x144xf32, #tpu.memory_space<vmem>>, vector<1x16xf32>,
        %get3A_351 = vector.shape_cast %get3A_350 : vector<1x16xf32> to vector<16xf32>
        %mul3A_352 = arith.mulf %get3A_351, %exp3A : vector<16xf32>
        %swap3A_353 = arith.index_cast %scan3A_300 : i32 to index
        %swap3A_354 = arith.constant 48 : index
        %swap3A_355 = tpu.vector_load %arg24[%swap3A_353, %swap3A_354] {strides = array<i32>} : memref<80x144xf32, #tpu.memory_space<vmem>>, vector<1x16xf32>,
        %swap3A_356 = vector.shape_cast %swap3A_355 : vector<1x16xf32> to vector<16xf32>
        %swap3A_357 = vector.shape_cast %mul3A_352 : vector<16xf32> to vector<1x16xf32>
        tpu.vector_store %arg24[%swap3A_353, %swap3A_354], %swap3A_357 {strides = array<i32>} : memref<80x144xf32, #tpu.memory_space<vmem>>, vector<1x16xf32>,
        %get3A_358 = arith.index_cast %scan3A_300 : i32 to index
        %get3A_359 = arith.constant 64 : index
        %get3A_360 = tpu.vector_load %arg22[%get3A_358, %get3A_359] {strides = array<i32>} : memref<80x144xf32, #tpu.memory_space<vmem>>, vector<1x16xf32>,
        %get3A_361 = vector.shape_cast %get3A_360 : vector<1x16xf32> to vector<16xf32>
        %mul3A_362 = arith.mulf %get3A_361, %exp3A : vector<16xf32>
        %swap3A_363 = arith.index_cast %scan3A_300 : i32 to index
        %swap3A_364 = arith.constant 64 : index
        %swap3A_365 = tpu.vector_load %arg24[%swap3A_363, %swap3A_364] {strides = array<i32>} : memref<80x144xf32, #tpu.memory_space<vmem>>, vector<1x16xf32>,
        %swap3A_366 = vector.shape_cast %swap3A_365 : vector<1x16xf32> to vector<16xf32>
        %swap3A_367 = vector.shape_cast %mul3A_362 : vector<16xf32> to vector<1x16xf32>
        tpu.vector_store %arg24[%swap3A_363, %swap3A_364], %swap3A_367 {strides = array<i32>} : memref<80x144xf32, #tpu.memory_space<vmem>>, vector<1x16xf32>,
        %get3A_368 = arith.index_cast %scan3A_300 : i32 to index
        %get3A_369 = arith.constant 80 : index
        %get3A_370 = tpu.vector_load %arg22[%get3A_368, %get3A_369] {strides = array<i32>} : memref<80x144xf32, #tpu.memory_space<vmem>>, vector<1x16xf32>,
        %get3A_371 = vector.shape_cast %get3A_370 : vector<1x16xf32> to vector<16xf32>
        %mul3A_372 = arith.mulf %get3A_371, %exp3A : vector<16xf32>
        %swap3A_373 = arith.index_cast %scan3A_300 : i32 to index
        %swap3A_374 = arith.constant 80 : index
        %swap3A_375 = tpu.vector_load %arg24[%swap3A_373, %swap3A_374] {strides = array<i32>} : memref<80x144xf32, #tpu.memory_space<vmem>>, vector<1x16xf32>,
        %swap3A_376 = vector.shape_cast %swap3A_375 : vector<1x16xf32> to vector<16xf32>
        %swap3A_377 = vector.shape_cast %mul3A_372 : vector<16xf32> to vector<1x16xf32>
        tpu.vector_store %arg24[%swap3A_373, %swap3A_374], %swap3A_377 {strides = array<i32>} : memref<80x144xf32, #tpu.memory_space<vmem>>, vector<1x16xf32>,
        %get3A_378 = arith.index_cast %scan3A_300 : i32 to index
        %get3A_379 = arith.constant 96 : index
        %get3A_380 = tpu.vector_load %arg22[%get3A_378, %get3A_379] {strides = array<i32>} : memref<80x144xf32, #tpu.memory_space<vmem>>, vector<1x16xf32>,
        %get3A_381 = vector.shape_cast %get3A_380 : vector<1x16xf32> to vector<16xf32>
        %mul3A_382 = arith.mulf %get3A_381, %exp3A : vector<16xf32>
        %swap3A_383 = arith.index_cast %scan3A_300 : i32 to index
        %swap3A_384 = arith.constant 96 : index
        %swap3A_385 = tpu.vector_load %arg24[%swap3A_383, %swap3A_384] {strides = array<i32>} : memref<80x144xf32, #tpu.memory_space<vmem>>, vector<1x16xf32>,
        %swap3A_386 = vector.shape_cast %swap3A_385 : vector<1x16xf32> to vector<16xf32>
        %swap3A_387 = vector.shape_cast %mul3A_382 : vector<16xf32> to vector<1x16xf32>
        tpu.vector_store %arg24[%swap3A_383, %swap3A_384], %swap3A_387 {strides = array<i32>} : memref<80x144xf32, #tpu.memory_space<vmem>>, vector<1x16xf32>,
        %get3A_388 = arith.index_cast %scan3A_300 : i32 to index
        %get3A_389 = arith.constant 112 : index
        %get3A_390 = tpu.vector_load %arg22[%get3A_388, %get3A_389] {strides = array<i32>} : memref<80x144xf32, #tpu.memory_space<vmem>>, vector<1x16xf32>,
        %get3A_391 = vector.shape_cast %get3A_390 : vector<1x16xf32> to vector<16xf32>
        %mul3A_392 = arith.mulf %get3A_391, %exp3A : vector<16xf32>
        %swap3A_393 = arith.index_cast %scan3A_300 : i32 to index
        %swap3A_394 = arith.constant 112 : index
        %swap3A_395 = tpu.vector_load %arg24[%swap3A_393, %swap3A_394] {strides = array<i32>} : memref<80x144xf32, #tpu.memory_space<vmem>>, vector<1x16xf32>,
        %swap3A_396 = vector.shape_cast %swap3A_395 : vector<1x16xf32> to vector<16xf32>
        %swap3A_397 = vector.shape_cast %mul3A_392 : vector<16xf32> to vector<1x16xf32>
        tpu.vector_store %arg24[%swap3A_393, %swap3A_394], %swap3A_397 {strides = array<i32>} : memref<80x144xf32, #tpu.memory_space<vmem>>, vector<1x16xf32>,
      }
      %scan3A_287 = arith.constant 80 : i32
      "tpu.region"() ({
        %run_scoped3A = tpu.sem_alloc : memref<!tpu.dma_semaphore, #tpu.memory_space<semaphore_mem>>
        %dma_start3A_300 = arith.constant 0 : i32
        %dma_start3A_301 = arith.constant 0 : i32
        %dma_start3A_302 = tpu.memref_slice %arg25[%dma_start3A_300, %dma_start3A_301] : memref<10240x144xf32, #tpu.memory_space<vmem_shared>> -> memref<10240x144xf32, #tpu.memory_space<vmem_shared>>
        tpu.enqueue_indirect_dma source(%arg24 : memref<80x144xf32, #tpu.memory_space<vmem>>) target(%dma_start3A_302 : memref<10240x144xf32, #tpu.memory_space<vmem_shared>>) offsets(%arg19 : memref<80xi32, #tpu.memory_space<vmem>>) semaphore(%run_scoped3A : memref<!tpu.dma_semaphore, #tpu.memory_space<semaphore_mem>>) {add = true}
        %dma_wait3A_303 = arith.constant 0 : i32
        %dma_wait3A_304 = arith.constant 0 : i32
        %dma_wait3A_305 = tpu.memref_slice %arg25[%dma_wait3A_303, %dma_wait3A_304] : memref<10240x144xf32, #tpu.memory_space<vmem_shared>> -> memref<10240x144xf32, #tpu.memory_space<vmem_shared>>
        tpu.wait_indirect_dma semaphore(%run_scoped3A : memref<!tpu.dma_semaphore, #tpu.memory_space<semaphore_mem>>) src(%arg24 : memref<80x144xf32, #tpu.memory_space<vmem>>) dst(%dma_wait3A_305 : memref<10240x144xf32, #tpu.memory_space<vmem_shared>>)
        tpu.yield
      }) : () -> ()
      %dma_wait3A_288 = arith.constant 0 : i32
      %dma_wait3A_289 = tpu.memref_slice %arg4[%dma_wait3A_288] : memref<327840xi32, #tpu.memory_space<hbm>> -> memref<80xi32, #tpu.memory_space<hbm>>
      %dma_wait3A_290 = arith.constant 0 : i32
      %dma_wait3A_291 = tpu.memref_slice %arg4[%dma_wait3A_290] : memref<327840xi32, #tpu.memory_space<hbm>> -> memref<80xi32, #tpu.memory_space<hbm>>
      tpu.wait_dma2 semaphore(%arg27 : memref<!tpu.dma_semaphore, #tpu.memory_space<semaphore_mem>>) src(%dma_wait3A_291 : memref<80xi32, #tpu.memory_space<hbm>>) dst(%arg11 : memref<80xi32, #tpu.memory_space<vmem>>)
      %dma_wait3A_292 = arith.constant 0 : i32
      %dma_wait3A_293 = tpu.memref_slice %arg4[%dma_wait3A_292] : memref<327840xi32, #tpu.memory_space<hbm>> -> memref<80xi32, #tpu.memory_space<hbm>>
      %dma_wait3A_294 = arith.constant 0 : i32
      %dma_wait3A_295 = tpu.memref_slice %arg4[%dma_wait3A_294] : memref<327840xi32, #tpu.memory_space<hbm>> -> memref<80xi32, #tpu.memory_space<hbm>>
      tpu.wait_dma2 semaphore(%arg27 : memref<!tpu.dma_semaphore, #tpu.memory_space<semaphore_mem>>) src(%dma_wait3A_295 : memref<80xi32, #tpu.memory_space<hbm>>) dst(%arg12 : memref<80xi32, #tpu.memory_space<vmem>>)
      %dma_wait3A_296 = arith.constant 0 : i32
      %dma_wait3A_297 = tpu.memref_slice %arg4[%dma_wait3A_296] : memref<327840xi32, #tpu.memory_space<hbm>> -> memref<80xi32, #tpu.memory_space<hbm>>
      %dma_wait3A_298 = arith.constant 0 : i32
      %dma_wait3A_299 = tpu.memref_slice %arg4[%dma_wait3A_298] : memref<327840xi32, #tpu.memory_space<hbm>> -> memref<80xi32, #tpu.memory_space<hbm>>
      tpu.wait_dma2 semaphore(%arg27 : memref<!tpu.dma_semaphore, #tpu.memory_space<semaphore_mem>>) src(%dma_wait3A_299 : memref<80xi32, #tpu.memory_space<hbm>>) dst(%arg13 : memref<80xi32, #tpu.memory_space<vmem>>)
    }
    %scan3A_77 = arith.constant 32 : i32
    %dma_wait3A_78 = arith.constant 0 : i32
    %dma_wait3A_79 = arith.constant 0 : i32
    %dma_wait3A_80 = tpu.memref_slice %arg2[%dma_wait3A_78, %dma_wait3A_79] : memref<10000x144xf32, #tpu.memory_space<hbm>> -> memref<80x144xf32, #tpu.memory_space<hbm>>
    %dma_wait3A_81 = arith.constant 0 : i32
    %dma_wait3A_82 = arith.constant 0 : i32
    %dma_wait3A_83 = tpu.memref_slice %arg2[%dma_wait3A_81, %dma_wait3A_82] : memref<10000x144xf32, #tpu.memory_space<hbm>> -> memref<80x144xf32, #tpu.memory_space<hbm>>
    tpu.wait_dma2 semaphore(%arg30 : memref<!tpu.dma_semaphore, #tpu.memory_space<semaphore_mem>>) src(%dma_wait3A_83 : memref<80x144xf32, #tpu.memory_space<hbm>>) dst(%arg20 : memref<80x144xf32, #tpu.memory_space<vmem>>)
    %dma_wait3A_84 = arith.constant 0 : i32
    %dma_wait3A_85 = arith.constant 0 : i32
    %dma_wait3A_86 = tpu.memref_slice %arg3[%dma_wait3A_84, %dma_wait3A_85] : memref<10000x16xf32, #tpu.memory_space<hbm>> -> memref<80x16xf32, #tpu.memory_space<hbm>>
    %dma_wait3A_87 = arith.constant 0 : i32
    %dma_wait3A_88 = arith.constant 0 : i32
    %dma_wait3A_89 = tpu.memref_slice %arg3[%dma_wait3A_87, %dma_wait3A_88] : memref<10000x16xf32, #tpu.memory_space<hbm>> -> memref<80x16xf32, #tpu.memory_space<hbm>>
    tpu.wait_dma2 semaphore(%arg31 : memref<!tpu.dma_semaphore, #tpu.memory_space<semaphore_mem>>) src(%dma_wait3A_89 : memref<80x16xf32, #tpu.memory_space<hbm>>) dst(%arg21 : memref<80x16xf32, #tpu.memory_space<vmem>>)
    %barrier3A_90 = arith.constant 0 : index
    tpu.barrier barrier_id(%barrier3A_90)
    "tpu.region"() ({
      %run_scoped3A = tpu.sem_alloc : memref<!tpu.dma_semaphore, #tpu.memory_space<semaphore_mem>>
      %dma_start3A_91 = arith.constant 0 : i32
      %dma_start3A_92 = tpu.memref_slice %arg7[%arg0, %mul3A_6, %dma_start3A_91] : memref<2x10240x144xf32, #tpu.memory_space<hbm>> -> memref<1x640x144xf32, #tpu.memory_space<hbm>>
      %dma_start3A_93 = tpu.memref_squeeze %dma_start3A_92 : memref<1x640x144xf32, #tpu.memory_space<hbm>> -> memref<640x144xf32, #tpu.memory_space<hbm>>
      %dma_start3A_94 = arith.constant 0 : i32
      %dma_start3A_95 = tpu.memref_slice %arg25[%mul3A_6, %dma_start3A_94] : memref<10240x144xf32, #tpu.memory_space<vmem_shared>> -> memref<640x144xf32, #tpu.memory_space<vmem_shared>>
      tpu.enqueue_dma source(%dma_start3A_95 : memref<640x144xf32, #tpu.memory_space<vmem_shared>>) target(%dma_start3A_93 : memref<640x144xf32, #tpu.memory_space<hbm>>) target_semaphore(%run_scoped3A : memref<!tpu.dma_semaphore, #tpu.memory_space<semaphore_mem>>)
      %dma_wait3A_96 = arith.constant 0 : i32
      %dma_wait3A_97 = tpu.memref_slice %arg7[%arg0, %mul3A_6, %dma_wait3A_96] : memref<2x10240x144xf32, #tpu.memory_space<hbm>> -> memref<1x640x144xf32, #tpu.memory_space<hbm>>
      %dma_wait3A_98 = tpu.memref_squeeze %dma_wait3A_97 : memref<1x640x144xf32, #tpu.memory_space<hbm>> -> memref<640x144xf32, #tpu.memory_space<hbm>>
      %dma_wait3A_99 = arith.constant 0 : i32
      %dma_wait3A_100 = tpu.memref_slice %arg25[%mul3A_6, %dma_wait3A_99] : memref<10240x144xf32, #tpu.memory_space<vmem_shared>> -> memref<640x144xf32, #tpu.memory_space<vmem_shared>>
      tpu.wait_dma2 semaphore(%run_scoped3A : memref<!tpu.dma_semaphore, #tpu.memory_space<semaphore_mem>>) src(%dma_wait3A_100 : memref<640x144xf32, #tpu.memory_space<vmem_shared>>) dst(%dma_wait3A_98 : memref<640x144xf32, #tpu.memory_space<hbm>>)
      tpu.yield
    }) : () -> ()
    return
  }
}

#map = affine_map<(d0, d1) -> (0, 0)>
#map1 = affine_map<(d0, d1) -> (0)>
#map2 = affine_map<(d0, d1) -> (0, 0, 0)>
module attributes {stable_mosaic.version = 14 : i64} {
  func.func @k(%arg0: i32, %arg1: i32, %arg2: memref<10000x80xf32, #tpu.memory_space<hbm>>, %arg3: memref<10000x16xf32, #tpu.memory_space<hbm>>, %arg4: memref<327840xi32, #tpu.memory_space<hbm>>, %arg5: memref<327840xi32, #tpu.memory_space<hbm>>, %arg6: memref<327840xi32, #tpu.memory_space<hbm>>, %arg7: memref<2x10240x80xf32, #tpu.memory_space<hbm>>, %arg8: memref<80xi32, #tpu.memory_space<vmem>>, %arg9: memref<80xi32, #tpu.memory_space<vmem>>, %arg10: memref<80xi32, #tpu.memory_space<vmem>>, %arg11: memref<80xi32, #tpu.memory_space<vmem>>, %arg12: memref<80xi32, #tpu.memory_space<vmem>>, %arg13: memref<80xi32, #tpu.memory_space<vmem>>, %arg14: memref<80xi32, #tpu.memory_space<vmem>>, %arg15: memref<80xi32, #tpu.memory_space<vmem>>, %arg16: memref<80xi32, #tpu.memory_space<vmem>>, %arg17: memref<80xi32, #tpu.memory_space<vmem>>, %arg18: memref<80xi32, #tpu.memory_space<vmem>>, %arg19: memref<80xi32, #tpu.memory_space<vmem>>, %arg20: memref<80x80xf32, #tpu.memory_space<vmem>>, %arg21: memref<80x16xf32, #tpu.memory_space<vmem>>, %arg22: memref<80x80xf32, #tpu.memory_space<vmem>>, %arg23: memref<80x16xf32, #tpu.memory_space<vmem>>, %arg24: memref<80x80xf32, #tpu.memory_space<vmem>>, %arg25: memref<10240x80xf32, #tpu.memory_space<vmem_shared>>, %arg26: memref<!tpu.dma_semaphore, #tpu.memory_space<semaphore_mem>>, %arg27: memref<!tpu.dma_semaphore, #tpu.memory_space<semaphore_mem>>, %arg28: memref<!tpu.dma_semaphore, #tpu.memory_space<semaphore_mem>>, %arg29: memref<!tpu.dma_semaphore, #tpu.memory_space<semaphore_mem>>, %arg30: memref<!tpu.dma_semaphore, #tpu.memory_space<semaphore_mem>>, %arg31: memref<!tpu.dma_semaphore, #tpu.memory_space<semaphore_mem>>, %arg32: memref<!tpu.dma_semaphore, #tpu.memory_space<semaphore_mem>>, %arg33: memref<!tpu.dma_semaphore, #tpu.memory_space<semaphore_mem>>) attributes {dimension_semantics = [#tpu.dimension_semantics<core_parallel>, #tpu.dimension_semantics<subcore_parallel>], iteration_bounds = array<i64: 2, 16>, scalar_prefetch = 0 : i64, scratch_operands = 26 : i64, tpu.core_type = #tpu.core_type<sc_vector_subcore>, window_params = [{transform_indices = #map}, {transform_indices = #map}, {transform_indices = #map1}, {transform_indices = #map1}, {transform_indices = #map1}, {transform_indices = #map2}]} {
    %broadcast_in_dim3A = arith.constant 0.000000e+00 : f32
    %broadcast_in_dim3A_0 = vector.broadcast %broadcast_in_dim3A : f32 to vector<16xf32>
    %scan3A = arith.constant 0 : i32
    %scan3A_1 = arith.constant 0 : i32
    %scan3A_2 = arith.constant 80 : i32
    %scan3A_3 = arith.addi %scan3A_1, %scan3A_2 : i32
    %scan3A_4 = arith.constant 1 : i32
    scf.for %scan3A_91 = %scan3A_1 to %scan3A_3 step %scan3A_4  : i32 {
      %swap3A = arith.index_cast %scan3A_91 : i32 to index
      %swap3A_92 = arith.constant 0 : index
      %swap3A_93 = tpu.vector_load %arg24[%swap3A, %swap3A_92] {strides = array<i32>} : memref<80x80xf32, #tpu.memory_space<vmem>>, vector<1x16xf32>,
      %swap3A_94 = vector.shape_cast %swap3A_93 : vector<1x16xf32> to vector<16xf32>
      %swap3A_95 = vector.shape_cast %broadcast_in_dim3A_0 : vector<16xf32> to vector<1x16xf32>
      tpu.vector_store %arg24[%swap3A, %swap3A_92], %swap3A_95 {strides = array<i32>} : memref<80x80xf32, #tpu.memory_space<vmem>>, vector<1x16xf32>,
      %swap3A_96 = arith.index_cast %scan3A_91 : i32 to index
      %swap3A_97 = arith.constant 16 : index
      %swap3A_98 = tpu.vector_load %arg24[%swap3A_96, %swap3A_97] {strides = array<i32>} : memref<80x80xf32, #tpu.memory_space<vmem>>, vector<1x16xf32>,
      %swap3A_99 = vector.shape_cast %swap3A_98 : vector<1x16xf32> to vector<16xf32>
      %swap3A_100 = vector.shape_cast %broadcast_in_dim3A_0 : vector<16xf32> to vector<1x16xf32>
      tpu.vector_store %arg24[%swap3A_96, %swap3A_97], %swap3A_100 {strides = array<i32>} : memref<80x80xf32, #tpu.memory_space<vmem>>, vector<1x16xf32>,
      %swap3A_101 = arith.index_cast %scan3A_91 : i32 to index
      %swap3A_102 = arith.constant 32 : index
      %swap3A_103 = tpu.vector_load %arg24[%swap3A_101, %swap3A_102] {strides = array<i32>} : memref<80x80xf32, #tpu.memory_space<vmem>>, vector<1x16xf32>,
      %swap3A_104 = vector.shape_cast %swap3A_103 : vector<1x16xf32> to vector<16xf32>
      %swap3A_105 = vector.shape_cast %broadcast_in_dim3A_0 : vector<16xf32> to vector<1x16xf32>
      tpu.vector_store %arg24[%swap3A_101, %swap3A_102], %swap3A_105 {strides = array<i32>} : memref<80x80xf32, #tpu.memory_space<vmem>>, vector<1x16xf32>,
      %swap3A_106 = arith.index_cast %scan3A_91 : i32 to index
      %swap3A_107 = arith.constant 48 : index
      %swap3A_108 = tpu.vector_load %arg24[%swap3A_106, %swap3A_107] {strides = array<i32>} : memref<80x80xf32, #tpu.memory_space<vmem>>, vector<1x16xf32>,
      %swap3A_109 = vector.shape_cast %swap3A_108 : vector<1x16xf32> to vector<16xf32>
      %swap3A_110 = vector.shape_cast %broadcast_in_dim3A_0 : vector<16xf32> to vector<1x16xf32>
      tpu.vector_store %arg24[%swap3A_106, %swap3A_107], %swap3A_110 {strides = array<i32>} : memref<80x80xf32, #tpu.memory_space<vmem>>, vector<1x16xf32>,
      %swap3A_111 = arith.index_cast %scan3A_91 : i32 to index
      %swap3A_112 = arith.constant 64 : index
      %swap3A_113 = tpu.vector_load %arg24[%swap3A_111, %swap3A_112] {strides = array<i32>} : memref<80x80xf32, #tpu.memory_space<vmem>>, vector<1x16xf32>,
      %swap3A_114 = vector.shape_cast %swap3A_113 : vector<1x16xf32> to vector<16xf32>
      %swap3A_115 = vector.shape_cast %broadcast_in_dim3A_0 : vector<16xf32> to vector<1x16xf32>
      tpu.vector_store %arg24[%swap3A_111, %swap3A_112], %swap3A_115 {strides = array<i32>} : memref<80x80xf32, #tpu.memory_space<vmem>>, vector<1x16xf32>,
    }
    %scan3A_5 = arith.constant 80 : i32
    %mul3A = arith.constant 640 : i32
    %mul3A_6 = arith.muli %arg1, %mul3A : i32
    %add3A = arith.constant 0 : i32
    %add3A_7 = arith.addi %mul3A_6, %add3A : i32
    "tpu.region"() ({
      %run_scoped3A = tpu.sem_alloc : memref<!tpu.dma_semaphore, #tpu.memory_space<semaphore_mem>>
      %dma_start3A_91 = arith.constant 0 : i32
      %dma_start3A_92 = tpu.memref_slice %arg25[%add3A_7, %dma_start3A_91] : memref<10240x80xf32, #tpu.memory_space<vmem_shared>> -> memref<80x80xf32, #tpu.memory_space<vmem_shared>>
      %dma_start3A_93 = arith.constant 0 : i32
      %dma_start3A_94 = tpu.memref_slice %arg25[%add3A_7, %dma_start3A_93] : memref<10240x80xf32, #tpu.memory_space<vmem_shared>> -> memref<80x80xf32, #tpu.memory_space<vmem_shared>>
      tpu.enqueue_dma source(%arg24 : memref<80x80xf32, #tpu.memory_space<vmem>>) target(%dma_start3A_94 : memref<80x80xf32, #tpu.memory_space<vmem_shared>>) target_semaphore(%run_scoped3A : memref<!tpu.dma_semaphore, #tpu.memory_space<semaphore_mem>>)
      %dma_wait3A_95 = arith.constant 0 : i32
      %dma_wait3A_96 = tpu.memref_slice %arg25[%add3A_7, %dma_wait3A_95] : memref<10240x80xf32, #tpu.memory_space<vmem_shared>> -> memref<80x80xf32, #tpu.memory_space<vmem_shared>>
      %dma_wait3A_97 = arith.constant 0 : i32
      %dma_wait3A_98 = tpu.memref_slice %arg25[%add3A_7, %dma_wait3A_97] : memref<10240x80xf32, #tpu.memory_space<vmem_shared>> -> memref<80x80xf32, #tpu.memory_space<vmem_shared>>
      tpu.wait_dma2 semaphore(%run_scoped3A : memref<!tpu.dma_semaphore, #tpu.memory_space<semaphore_mem>>) src(%arg24 : memref<80x80xf32, #tpu.memory_space<vmem>>) dst(%dma_wait3A_98 : memref<80x80xf32, #tpu.memory_space<vmem_shared>>)
      tpu.yield
    }) : () -> ()
    %add3A_8 = arith.constant 80 : i32
    %add3A_9 = arith.addi %mul3A_6, %add3A_8 : i32
    "tpu.region"() ({
      %run_scoped3A = tpu.sem_alloc : memref<!tpu.dma_semaphore, #tpu.memory_space<semaphore_mem>>
      %dma_start3A_91 = arith.constant 0 : i32
      %dma_start3A_92 = tpu.memref_slice %arg25[%add3A_9, %dma_start3A_91] : memref<10240x80xf32, #tpu.memory_space<vmem_shared>> -> memref<80x80xf32, #tpu.memory_space<vmem_shared>>
      %dma_start3A_93 = arith.constant 0 : i32
      %dma_start3A_94 = tpu.memref_slice %arg25[%add3A_9, %dma_start3A_93] : memref<10240x80xf32, #tpu.memory_space<vmem_shared>> -> memref<80x80xf32, #tpu.memory_space<vmem_shared>>
      tpu.enqueue_dma source(%arg24 : memref<80x80xf32, #tpu.memory_space<vmem>>) target(%dma_start3A_94 : memref<80x80xf32, #tpu.memory_space<vmem_shared>>) target_semaphore(%run_scoped3A : memref<!tpu.dma_semaphore, #tpu.memory_space<semaphore_mem>>)
      %dma_wait3A_95 = arith.constant 0 : i32
      %dma_wait3A_96 = tpu.memref_slice %arg25[%add3A_9, %dma_wait3A_95] : memref<10240x80xf32, #tpu.memory_space<vmem_shared>> -> memref<80x80xf32, #tpu.memory_space<vmem_shared>>
      %dma_wait3A_97 = arith.constant 0 : i32
      %dma_wait3A_98 = tpu.memref_slice %arg25[%add3A_9, %dma_wait3A_97] : memref<10240x80xf32, #tpu.memory_space<vmem_shared>> -> memref<80x80xf32, #tpu.memory_space<vmem_shared>>
      tpu.wait_dma2 semaphore(%run_scoped3A : memref<!tpu.dma_semaphore, #tpu.memory_space<semaphore_mem>>) src(%arg24 : memref<80x80xf32, #tpu.memory_space<vmem>>) dst(%dma_wait3A_98 : memref<80x80xf32, #tpu.memory_space<vmem_shared>>)
      tpu.yield
    }) : () -> ()
    %add3A_10 = arith.constant 160 : i32
    %add3A_11 = arith.addi %mul3A_6, %add3A_10 : i32
    "tpu.region"() ({
      %run_scoped3A = tpu.sem_alloc : memref<!tpu.dma_semaphore, #tpu.memory_space<semaphore_mem>>
      %dma_start3A_91 = arith.constant 0 : i32
      %dma_start3A_92 = tpu.memref_slice %arg25[%add3A_11, %dma_start3A_91] : memref<10240x80xf32, #tpu.memory_space<vmem_shared>> -> memref<80x80xf32, #tpu.memory_space<vmem_shared>>
      %dma_start3A_93 = arith.constant 0 : i32
      %dma_start3A_94 = tpu.memref_slice %arg25[%add3A_11, %dma_start3A_93] : memref<10240x80xf32, #tpu.memory_space<vmem_shared>> -> memref<80x80xf32, #tpu.memory_space<vmem_shared>>
      tpu.enqueue_dma source(%arg24 : memref<80x80xf32, #tpu.memory_space<vmem>>) target(%dma_start3A_94 : memref<80x80xf32, #tpu.memory_space<vmem_shared>>) target_semaphore(%run_scoped3A : memref<!tpu.dma_semaphore, #tpu.memory_space<semaphore_mem>>)
      %dma_wait3A_95 = arith.constant 0 : i32
      %dma_wait3A_96 = tpu.memref_slice %arg25[%add3A_11, %dma_wait3A_95] : memref<10240x80xf32, #tpu.memory_space<vmem_shared>> -> memref<80x80xf32, #tpu.memory_space<vmem_shared>>
      %dma_wait3A_97 = arith.constant 0 : i32
      %dma_wait3A_98 = tpu.memref_slice %arg25[%add3A_11, %dma_wait3A_97] : memref<10240x80xf32, #tpu.memory_space<vmem_shared>> -> memref<80x80xf32, #tpu.memory_space<vmem_shared>>
      tpu.wait_dma2 semaphore(%run_scoped3A : memref<!tpu.dma_semaphore, #tpu.memory_space<semaphore_mem>>) src(%arg24 : memref<80x80xf32, #tpu.memory_space<vmem>>) dst(%dma_wait3A_98 : memref<80x80xf32, #tpu.memory_space<vmem_shared>>)
      tpu.yield
    }) : () -> ()
    %add3A_12 = arith.constant 240 : i32
    %add3A_13 = arith.addi %mul3A_6, %add3A_12 : i32
    "tpu.region"() ({
      %run_scoped3A = tpu.sem_alloc : memref<!tpu.dma_semaphore, #tpu.memory_space<semaphore_mem>>
      %dma_start3A_91 = arith.constant 0 : i32
      %dma_start3A_92 = tpu.memref_slice %arg25[%add3A_13, %dma_start3A_91] : memref<10240x80xf32, #tpu.memory_space<vmem_shared>> -> memref<80x80xf32, #tpu.memory_space<vmem_shared>>
      %dma_start3A_93 = arith.constant 0 : i32
      %dma_start3A_94 = tpu.memref_slice %arg25[%add3A_13, %dma_start3A_93] : memref<10240x80xf32, #tpu.memory_space<vmem_shared>> -> memref<80x80xf32, #tpu.memory_space<vmem_shared>>
      tpu.enqueue_dma source(%arg24 : memref<80x80xf32, #tpu.memory_space<vmem>>) target(%dma_start3A_94 : memref<80x80xf32, #tpu.memory_space<vmem_shared>>) target_semaphore(%run_scoped3A : memref<!tpu.dma_semaphore, #tpu.memory_space<semaphore_mem>>)
      %dma_wait3A_95 = arith.constant 0 : i32
      %dma_wait3A_96 = tpu.memref_slice %arg25[%add3A_13, %dma_wait3A_95] : memref<10240x80xf32, #tpu.memory_space<vmem_shared>> -> memref<80x80xf32, #tpu.memory_space<vmem_shared>>
      %dma_wait3A_97 = arith.constant 0 : i32
      %dma_wait3A_98 = tpu.memref_slice %arg25[%add3A_13, %dma_wait3A_97] : memref<10240x80xf32, #tpu.memory_space<vmem_shared>> -> memref<80x80xf32, #tpu.memory_space<vmem_shared>>
      tpu.wait_dma2 semaphore(%run_scoped3A : memref<!tpu.dma_semaphore, #tpu.memory_space<semaphore_mem>>) src(%arg24 : memref<80x80xf32, #tpu.memory_space<vmem>>) dst(%dma_wait3A_98 : memref<80x80xf32, #tpu.memory_space<vmem_shared>>)
      tpu.yield
    }) : () -> ()
    %add3A_14 = arith.constant 320 : i32
    %add3A_15 = arith.addi %mul3A_6, %add3A_14 : i32
    "tpu.region"() ({
      %run_scoped3A = tpu.sem_alloc : memref<!tpu.dma_semaphore, #tpu.memory_space<semaphore_mem>>
      %dma_start3A_91 = arith.constant 0 : i32
      %dma_start3A_92 = tpu.memref_slice %arg25[%add3A_15, %dma_start3A_91] : memref<10240x80xf32, #tpu.memory_space<vmem_shared>> -> memref<80x80xf32, #tpu.memory_space<vmem_shared>>
      %dma_start3A_93 = arith.constant 0 : i32
      %dma_start3A_94 = tpu.memref_slice %arg25[%add3A_15, %dma_start3A_93] : memref<10240x80xf32, #tpu.memory_space<vmem_shared>> -> memref<80x80xf32, #tpu.memory_space<vmem_shared>>
      tpu.enqueue_dma source(%arg24 : memref<80x80xf32, #tpu.memory_space<vmem>>) target(%dma_start3A_94 : memref<80x80xf32, #tpu.memory_space<vmem_shared>>) target_semaphore(%run_scoped3A : memref<!tpu.dma_semaphore, #tpu.memory_space<semaphore_mem>>)
      %dma_wait3A_95 = arith.constant 0 : i32
      %dma_wait3A_96 = tpu.memref_slice %arg25[%add3A_15, %dma_wait3A_95] : memref<10240x80xf32, #tpu.memory_space<vmem_shared>> -> memref<80x80xf32, #tpu.memory_space<vmem_shared>>
      %dma_wait3A_97 = arith.constant 0 : i32
      %dma_wait3A_98 = tpu.memref_slice %arg25[%add3A_15, %dma_wait3A_97] : memref<10240x80xf32, #tpu.memory_space<vmem_shared>> -> memref<80x80xf32, #tpu.memory_space<vmem_shared>>
      tpu.wait_dma2 semaphore(%run_scoped3A : memref<!tpu.dma_semaphore, #tpu.memory_space<semaphore_mem>>) src(%arg24 : memref<80x80xf32, #tpu.memory_space<vmem>>) dst(%dma_wait3A_98 : memref<80x80xf32, #tpu.memory_space<vmem_shared>>)
      tpu.yield
    }) : () -> ()
    %add3A_16 = arith.constant 400 : i32
    %add3A_17 = arith.addi %mul3A_6, %add3A_16 : i32
    "tpu.region"() ({
      %run_scoped3A = tpu.sem_alloc : memref<!tpu.dma_semaphore, #tpu.memory_space<semaphore_mem>>
      %dma_start3A_91 = arith.constant 0 : i32
      %dma_start3A_92 = tpu.memref_slice %arg25[%add3A_17, %dma_start3A_91] : memref<10240x80xf32, #tpu.memory_space<vmem_shared>> -> memref<80x80xf32, #tpu.memory_space<vmem_shared>>
      %dma_start3A_93 = arith.constant 0 : i32
      %dma_start3A_94 = tpu.memref_slice %arg25[%add3A_17, %dma_start3A_93] : memref<10240x80xf32, #tpu.memory_space<vmem_shared>> -> memref<80x80xf32, #tpu.memory_space<vmem_shared>>
      tpu.enqueue_dma source(%arg24 : memref<80x80xf32, #tpu.memory_space<vmem>>) target(%dma_start3A_94 : memref<80x80xf32, #tpu.memory_space<vmem_shared>>) target_semaphore(%run_scoped3A : memref<!tpu.dma_semaphore, #tpu.memory_space<semaphore_mem>>)
      %dma_wait3A_95 = arith.constant 0 : i32
      %dma_wait3A_96 = tpu.memref_slice %arg25[%add3A_17, %dma_wait3A_95] : memref<10240x80xf32, #tpu.memory_space<vmem_shared>> -> memref<80x80xf32, #tpu.memory_space<vmem_shared>>
      %dma_wait3A_97 = arith.constant 0 : i32
      %dma_wait3A_98 = tpu.memref_slice %arg25[%add3A_17, %dma_wait3A_97] : memref<10240x80xf32, #tpu.memory_space<vmem_shared>> -> memref<80x80xf32, #tpu.memory_space<vmem_shared>>
      tpu.wait_dma2 semaphore(%run_scoped3A : memref<!tpu.dma_semaphore, #tpu.memory_space<semaphore_mem>>) src(%arg24 : memref<80x80xf32, #tpu.memory_space<vmem>>) dst(%dma_wait3A_98 : memref<80x80xf32, #tpu.memory_space<vmem_shared>>)
      tpu.yield
    }) : () -> ()
    %add3A_18 = arith.constant 480 : i32
    %add3A_19 = arith.addi %mul3A_6, %add3A_18 : i32
    "tpu.region"() ({
      %run_scoped3A = tpu.sem_alloc : memref<!tpu.dma_semaphore, #tpu.memory_space<semaphore_mem>>
      %dma_start3A_91 = arith.constant 0 : i32
      %dma_start3A_92 = tpu.memref_slice %arg25[%add3A_19, %dma_start3A_91] : memref<10240x80xf32, #tpu.memory_space<vmem_shared>> -> memref<80x80xf32, #tpu.memory_space<vmem_shared>>
      %dma_start3A_93 = arith.constant 0 : i32
      %dma_start3A_94 = tpu.memref_slice %arg25[%add3A_19, %dma_start3A_93] : memref<10240x80xf32, #tpu.memory_space<vmem_shared>> -> memref<80x80xf32, #tpu.memory_space<vmem_shared>>
      tpu.enqueue_dma source(%arg24 : memref<80x80xf32, #tpu.memory_space<vmem>>) target(%dma_start3A_94 : memref<80x80xf32, #tpu.memory_space<vmem_shared>>) target_semaphore(%run_scoped3A : memref<!tpu.dma_semaphore, #tpu.memory_space<semaphore_mem>>)
      %dma_wait3A_95 = arith.constant 0 : i32
      %dma_wait3A_96 = tpu.memref_slice %arg25[%add3A_19, %dma_wait3A_95] : memref<10240x80xf32, #tpu.memory_space<vmem_shared>> -> memref<80x80xf32, #tpu.memory_space<vmem_shared>>
      %dma_wait3A_97 = arith.constant 0 : i32
      %dma_wait3A_98 = tpu.memref_slice %arg25[%add3A_19, %dma_wait3A_97] : memref<10240x80xf32, #tpu.memory_space<vmem_shared>> -> memref<80x80xf32, #tpu.memory_space<vmem_shared>>
      tpu.wait_dma2 semaphore(%run_scoped3A : memref<!tpu.dma_semaphore, #tpu.memory_space<semaphore_mem>>) src(%arg24 : memref<80x80xf32, #tpu.memory_space<vmem>>) dst(%dma_wait3A_98 : memref<80x80xf32, #tpu.memory_space<vmem_shared>>)
      tpu.yield
    }) : () -> ()
    %add3A_20 = arith.constant 560 : i32
    %add3A_21 = arith.addi %mul3A_6, %add3A_20 : i32
    "tpu.region"() ({
      %run_scoped3A = tpu.sem_alloc : memref<!tpu.dma_semaphore, #tpu.memory_space<semaphore_mem>>
      %dma_start3A_91 = arith.constant 0 : i32
      %dma_start3A_92 = tpu.memref_slice %arg25[%add3A_21, %dma_start3A_91] : memref<10240x80xf32, #tpu.memory_space<vmem_shared>> -> memref<80x80xf32, #tpu.memory_space<vmem_shared>>
      %dma_start3A_93 = arith.constant 0 : i32
      %dma_start3A_94 = tpu.memref_slice %arg25[%add3A_21, %dma_start3A_93] : memref<10240x80xf32, #tpu.memory_space<vmem_shared>> -> memref<80x80xf32, #tpu.memory_space<vmem_shared>>
      tpu.enqueue_dma source(%arg24 : memref<80x80xf32, #tpu.memory_space<vmem>>) target(%dma_start3A_94 : memref<80x80xf32, #tpu.memory_space<vmem_shared>>) target_semaphore(%run_scoped3A : memref<!tpu.dma_semaphore, #tpu.memory_space<semaphore_mem>>)
      %dma_wait3A_95 = arith.constant 0 : i32
      %dma_wait3A_96 = tpu.memref_slice %arg25[%add3A_21, %dma_wait3A_95] : memref<10240x80xf32, #tpu.memory_space<vmem_shared>> -> memref<80x80xf32, #tpu.memory_space<vmem_shared>>
      %dma_wait3A_97 = arith.constant 0 : i32
      %dma_wait3A_98 = tpu.memref_slice %arg25[%add3A_21, %dma_wait3A_97] : memref<10240x80xf32, #tpu.memory_space<vmem_shared>> -> memref<80x80xf32, #tpu.memory_space<vmem_shared>>
      tpu.wait_dma2 semaphore(%run_scoped3A : memref<!tpu.dma_semaphore, #tpu.memory_space<semaphore_mem>>) src(%arg24 : memref<80x80xf32, #tpu.memory_space<vmem>>) dst(%dma_wait3A_98 : memref<80x80xf32, #tpu.memory_space<vmem_shared>>)
      tpu.yield
    }) : () -> ()
    %barrier3A = arith.constant 0 : index
    tpu.barrier barrier_id(%barrier3A)
    %mul3A_22 = arith.constant 2 : i32
    %mul3A_23 = arith.muli %arg1, %mul3A_22 : i32
    %add3A_24 = arith.addi %mul3A_23, %arg0 : i32
    %mul3A_25 = arith.constant 10240 : i32
    %mul3A_26 = arith.muli %add3A_24, %mul3A_25 : i32
    %add3A_27 = arith.constant 0 : i32
    %add3A_28 = arith.addi %mul3A_26, %add3A_27 : i32
    %multiple_of3A = tpu.assume_multiple %add3A_28, 8 : i32
    %dma_start3A = tpu.memref_slice %arg4[%multiple_of3A] : memref<327840xi32, #tpu.memory_space<hbm>> -> memref<80xi32, #tpu.memory_space<hbm>>
    %dma_start3A_29 = tpu.memref_slice %arg4[%multiple_of3A] : memref<327840xi32, #tpu.memory_space<hbm>> -> memref<80xi32, #tpu.memory_space<hbm>>
    tpu.enqueue_dma source(%dma_start3A_29 : memref<80xi32, #tpu.memory_space<hbm>>) target(%arg8 : memref<80xi32, #tpu.memory_space<vmem>>) target_semaphore(%arg26 : memref<!tpu.dma_semaphore, #tpu.memory_space<semaphore_mem>>)
    %dma_start3A_30 = tpu.memref_slice %arg5[%multiple_of3A] : memref<327840xi32, #tpu.memory_space<hbm>> -> memref<80xi32, #tpu.memory_space<hbm>>
    %dma_start3A_31 = tpu.memref_slice %arg5[%multiple_of3A] : memref<327840xi32, #tpu.memory_space<hbm>> -> memref<80xi32, #tpu.memory_space<hbm>>
    tpu.enqueue_dma source(%dma_start3A_31 : memref<80xi32, #tpu.memory_space<hbm>>) target(%arg9 : memref<80xi32, #tpu.memory_space<vmem>>) target_semaphore(%arg26 : memref<!tpu.dma_semaphore, #tpu.memory_space<semaphore_mem>>)
    %dma_start3A_32 = tpu.memref_slice %arg6[%multiple_of3A] : memref<327840xi32, #tpu.memory_space<hbm>> -> memref<80xi32, #tpu.memory_space<hbm>>
    %dma_start3A_33 = tpu.memref_slice %arg6[%multiple_of3A] : memref<327840xi32, #tpu.memory_space<hbm>> -> memref<80xi32, #tpu.memory_space<hbm>>
    tpu.enqueue_dma source(%dma_start3A_33 : memref<80xi32, #tpu.memory_space<hbm>>) target(%arg10 : memref<80xi32, #tpu.memory_space<vmem>>) target_semaphore(%arg26 : memref<!tpu.dma_semaphore, #tpu.memory_space<semaphore_mem>>)
    %dma_wait3A = arith.constant 0 : i32
    %dma_wait3A_34 = tpu.memref_slice %arg4[%dma_wait3A] : memref<327840xi32, #tpu.memory_space<hbm>> -> memref<80xi32, #tpu.memory_space<hbm>>
    %dma_wait3A_35 = arith.constant 0 : i32
    %dma_wait3A_36 = tpu.memref_slice %arg4[%dma_wait3A_35] : memref<327840xi32, #tpu.memory_space<hbm>> -> memref<80xi32, #tpu.memory_space<hbm>>
    tpu.wait_dma2 semaphore(%arg26 : memref<!tpu.dma_semaphore, #tpu.memory_space<semaphore_mem>>) src(%dma_wait3A_36 : memref<80xi32, #tpu.memory_space<hbm>>) dst(%arg8 : memref<80xi32, #tpu.memory_space<vmem>>)
    %dma_wait3A_37 = arith.constant 0 : i32
    %dma_wait3A_38 = tpu.memref_slice %arg4[%dma_wait3A_37] : memref<327840xi32, #tpu.memory_space<hbm>> -> memref<80xi32, #tpu.memory_space<hbm>>
    %dma_wait3A_39 = arith.constant 0 : i32
    %dma_wait3A_40 = tpu.memref_slice %arg4[%dma_wait3A_39] : memref<327840xi32, #tpu.memory_space<hbm>> -> memref<80xi32, #tpu.memory_space<hbm>>
    tpu.wait_dma2 semaphore(%arg26 : memref<!tpu.dma_semaphore, #tpu.memory_space<semaphore_mem>>) src(%dma_wait3A_40 : memref<80xi32, #tpu.memory_space<hbm>>) dst(%arg9 : memref<80xi32, #tpu.memory_space<vmem>>)
    %dma_wait3A_41 = arith.constant 0 : i32
    %dma_wait3A_42 = tpu.memref_slice %arg4[%dma_wait3A_41] : memref<327840xi32, #tpu.memory_space<hbm>> -> memref<80xi32, #tpu.memory_space<hbm>>
    %dma_wait3A_43 = arith.constant 0 : i32
    %dma_wait3A_44 = tpu.memref_slice %arg4[%dma_wait3A_43] : memref<327840xi32, #tpu.memory_space<hbm>> -> memref<80xi32, #tpu.memory_space<hbm>>
    tpu.wait_dma2 semaphore(%arg26 : memref<!tpu.dma_semaphore, #tpu.memory_space<semaphore_mem>>) src(%dma_wait3A_44 : memref<80xi32, #tpu.memory_space<hbm>>) dst(%arg10 : memref<80xi32, #tpu.memory_space<vmem>>)
    %add3A_45 = arith.constant 80 : i32
    %add3A_46 = arith.addi %mul3A_26, %add3A_45 : i32
    %multiple_of3A_47 = tpu.assume_multiple %add3A_46, 8 : i32
    %dma_start3A_48 = tpu.memref_slice %arg4[%multiple_of3A_47] : memref<327840xi32, #tpu.memory_space<hbm>> -> memref<80xi32, #tpu.memory_space<hbm>>
    %dma_start3A_49 = tpu.memref_slice %arg4[%multiple_of3A_47] : memref<327840xi32, #tpu.memory_space<hbm>> -> memref<80xi32, #tpu.memory_space<hbm>>
    tpu.enqueue_dma source(%dma_start3A_49 : memref<80xi32, #tpu.memory_space<hbm>>) target(%arg11 : memref<80xi32, #tpu.memory_space<vmem>>) target_semaphore(%arg27 : memref<!tpu.dma_semaphore, #tpu.memory_space<semaphore_mem>>)
    %dma_start3A_50 = tpu.memref_slice %arg5[%multiple_of3A_47] : memref<327840xi32, #tpu.memory_space<hbm>> -> memref<80xi32, #tpu.memory_space<hbm>>
    %dma_start3A_51 = tpu.memref_slice %arg5[%multiple_of3A_47] : memref<327840xi32, #tpu.memory_space<hbm>> -> memref<80xi32, #tpu.memory_space<hbm>>
    tpu.enqueue_dma source(%dma_start3A_51 : memref<80xi32, #tpu.memory_space<hbm>>) target(%arg12 : memref<80xi32, #tpu.memory_space<vmem>>) target_semaphore(%arg27 : memref<!tpu.dma_semaphore, #tpu.memory_space<semaphore_mem>>)
    %dma_start3A_52 = tpu.memref_slice %arg6[%multiple_of3A_47] : memref<327840xi32, #tpu.memory_space<hbm>> -> memref<80xi32, #tpu.memory_space<hbm>>
    %dma_start3A_53 = tpu.memref_slice %arg6[%multiple_of3A_47] : memref<327840xi32, #tpu.memory_space<hbm>> -> memref<80xi32, #tpu.memory_space<hbm>>
    tpu.enqueue_dma source(%dma_start3A_53 : memref<80xi32, #tpu.memory_space<hbm>>) target(%arg13 : memref<80xi32, #tpu.memory_space<vmem>>) target_semaphore(%arg27 : memref<!tpu.dma_semaphore, #tpu.memory_space<semaphore_mem>>)
    %dma_start3A_54 = arith.constant 0 : i32
    %dma_start3A_55 = arith.constant 0 : i32
    %dma_start3A_56 = tpu.memref_slice %arg2[%dma_start3A_54, %dma_start3A_55] : memref<10000x80xf32, #tpu.memory_space<hbm>> -> memref<10000x80xf32, #tpu.memory_space<hbm>>
    tpu.enqueue_indirect_dma source(%dma_start3A_56 : memref<10000x80xf32, #tpu.memory_space<hbm>>) target(%arg20 : memref<80x80xf32, #tpu.memory_space<vmem>>) offsets(%arg8 : memref<80xi32, #tpu.memory_space<vmem>>) semaphore(%arg30 : memref<!tpu.dma_semaphore, #tpu.memory_space<semaphore_mem>>)
    %dma_start3A_57 = arith.constant 0 : i32
    %dma_start3A_58 = arith.constant 0 : i32
    %dma_start3A_59 = tpu.memref_slice %arg3[%dma_start3A_57, %dma_start3A_58] : memref<10000x16xf32, #tpu.memory_space<hbm>> -> memref<10000x16xf32, #tpu.memory_space<hbm>>
    tpu.enqueue_indirect_dma source(%dma_start3A_59 : memref<10000x16xf32, #tpu.memory_space<hbm>>) target(%arg21 : memref<80x16xf32, #tpu.memory_space<vmem>>) offsets(%arg9 : memref<80xi32, #tpu.memory_space<vmem>>) semaphore(%arg31 : memref<!tpu.dma_semaphore, #tpu.memory_space<semaphore_mem>>)
    %dma_wait3A_60 = arith.constant 0 : i32
    %dma_wait3A_61 = tpu.memref_slice %arg4[%dma_wait3A_60] : memref<327840xi32, #tpu.memory_space<hbm>> -> memref<80xi32, #tpu.memory_space<hbm>>
    %dma_wait3A_62 = arith.constant 0 : i32
    %dma_wait3A_63 = tpu.memref_slice %arg4[%dma_wait3A_62] : memref<327840xi32, #tpu.memory_space<hbm>> -> memref<80xi32, #tpu.memory_space<hbm>>
    tpu.wait_dma2 semaphore(%arg27 : memref<!tpu.dma_semaphore, #tpu.memory_space<semaphore_mem>>) src(%dma_wait3A_63 : memref<80xi32, #tpu.memory_space<hbm>>) dst(%arg11 : memref<80xi32, #tpu.memory_space<vmem>>)
    %dma_wait3A_64 = arith.constant 0 : i32
    %dma_wait3A_65 = tpu.memref_slice %arg4[%dma_wait3A_64] : memref<327840xi32, #tpu.memory_space<hbm>> -> memref<80xi32, #tpu.memory_space<hbm>>
    %dma_wait3A_66 = arith.constant 0 : i32
    %dma_wait3A_67 = tpu.memref_slice %arg4[%dma_wait3A_66] : memref<327840xi32, #tpu.memory_space<hbm>> -> memref<80xi32, #tpu.memory_space<hbm>>
    tpu.wait_dma2 semaphore(%arg27 : memref<!tpu.dma_semaphore, #tpu.memory_space<semaphore_mem>>) src(%dma_wait3A_67 : memref<80xi32, #tpu.memory_space<hbm>>) dst(%arg12 : memref<80xi32, #tpu.memory_space<vmem>>)
    %dma_wait3A_68 = arith.constant 0 : i32
    %dma_wait3A_69 = tpu.memref_slice %arg4[%dma_wait3A_68] : memref<327840xi32, #tpu.memory_space<hbm>> -> memref<80xi32, #tpu.memory_space<hbm>>
    %dma_wait3A_70 = arith.constant 0 : i32
    %dma_wait3A_71 = tpu.memref_slice %arg4[%dma_wait3A_70] : memref<327840xi32, #tpu.memory_space<hbm>> -> memref<80xi32, #tpu.memory_space<hbm>>
    tpu.wait_dma2 semaphore(%arg27 : memref<!tpu.dma_semaphore, #tpu.memory_space<semaphore_mem>>) src(%dma_wait3A_71 : memref<80xi32, #tpu.memory_space<hbm>>) dst(%arg13 : memref<80xi32, #tpu.memory_space<vmem>>)
    %scan3A_72 = arith.constant 0 : i32
    %scan3A_73 = arith.constant 0 : i32
    %scan3A_74 = arith.constant 32 : i32
    %scan3A_75 = arith.addi %scan3A_73, %scan3A_74 : i32
    %scan3A_76 = arith.constant 1 : i32
    scf.for %scan3A_91 = %scan3A_73 to %scan3A_75 step %scan3A_76  : i32 {
      %dma_start3A_92 = arith.constant 0 : i32
      %dma_start3A_93 = arith.constant 0 : i32
      %dma_start3A_94 = tpu.memref_slice %arg2[%dma_start3A_92, %dma_start3A_93] : memref<10000x80xf32, #tpu.memory_space<hbm>> -> memref<10000x80xf32, #tpu.memory_space<hbm>>
      tpu.enqueue_indirect_dma source(%dma_start3A_94 : memref<10000x80xf32, #tpu.memory_space<hbm>>) target(%arg22 : memref<80x80xf32, #tpu.memory_space<vmem>>) offsets(%arg11 : memref<80xi32, #tpu.memory_space<vmem>>) semaphore(%arg32 : memref<!tpu.dma_semaphore, #tpu.memory_space<semaphore_mem>>)
      %dma_start3A_95 = arith.constant 0 : i32
      %dma_start3A_96 = arith.constant 0 : i32
      %dma_start3A_97 = tpu.memref_slice %arg3[%dma_start3A_95, %dma_start3A_96] : memref<10000x16xf32, #tpu.memory_space<hbm>> -> memref<10000x16xf32, #tpu.memory_space<hbm>>
      tpu.enqueue_indirect_dma source(%dma_start3A_97 : memref<10000x16xf32, #tpu.memory_space<hbm>>) target(%arg23 : memref<80x16xf32, #tpu.memory_space<vmem>>) offsets(%arg12 : memref<80xi32, #tpu.memory_space<vmem>>) semaphore(%arg33 : memref<!tpu.dma_semaphore, #tpu.memory_space<semaphore_mem>>)
      %mul3A_98 = arith.constant 4 : i32
      %mul3A_99 = arith.muli %mul3A_98, %scan3A_91 : i32
      %add3A_100 = arith.constant 0 : i32
      %add3A_101 = arith.addi %mul3A_99, %add3A_100 : i32
      %add3A_102 = arith.constant 2 : i32
      %add3A_103 = arith.addi %add3A_101, %add3A_102 : i32
      %mul3A_104 = arith.constant 80 : i32
      %mul3A_105 = arith.muli %add3A_103, %mul3A_104 : i32
      %add3A_106 = arith.addi %mul3A_26, %mul3A_105 : i32
      %multiple_of3A_107 = tpu.assume_multiple %add3A_106, 8 : i32
      %dma_start3A_108 = tpu.memref_slice %arg4[%multiple_of3A_107] : memref<327840xi32, #tpu.memory_space<hbm>> -> memref<80xi32, #tpu.memory_space<hbm>>
      %dma_start3A_109 = tpu.memref_slice %arg4[%multiple_of3A_107] : memref<327840xi32, #tpu.memory_space<hbm>> -> memref<80xi32, #tpu.memory_space<hbm>>
      tpu.enqueue_dma source(%dma_start3A_109 : memref<80xi32, #tpu.memory_space<hbm>>) target(%arg14 : memref<80xi32, #tpu.memory_space<vmem>>) target_semaphore(%arg28 : memref<!tpu.dma_semaphore, #tpu.memory_space<semaphore_mem>>)
      %dma_start3A_110 = tpu.memref_slice %arg5[%multiple_of3A_107] : memref<327840xi32, #tpu.memory_space<hbm>> -> memref<80xi32, #tpu.memory_space<hbm>>
      %dma_start3A_111 = tpu.memref_slice %arg5[%multiple_of3A_107] : memref<327840xi32, #tpu.memory_space<hbm>> -> memref<80xi32, #tpu.memory_space<hbm>>
      tpu.enqueue_dma source(%dma_start3A_111 : memref<80xi32, #tpu.memory_space<hbm>>) target(%arg15 : memref<80xi32, #tpu.memory_space<vmem>>) target_semaphore(%arg28 : memref<!tpu.dma_semaphore, #tpu.memory_space<semaphore_mem>>)
      %dma_start3A_112 = tpu.memref_slice %arg6[%multiple_of3A_107] : memref<327840xi32, #tpu.memory_space<hbm>> -> memref<80xi32, #tpu.memory_space<hbm>>
      %dma_start3A_113 = tpu.memref_slice %arg6[%multiple_of3A_107] : memref<327840xi32, #tpu.memory_space<hbm>> -> memref<80xi32, #tpu.memory_space<hbm>>
      tpu.enqueue_dma source(%dma_start3A_113 : memref<80xi32, #tpu.memory_space<hbm>>) target(%arg16 : memref<80xi32, #tpu.memory_space<vmem>>) target_semaphore(%arg28 : memref<!tpu.dma_semaphore, #tpu.memory_space<semaphore_mem>>)
      %dma_wait3A_114 = arith.constant 0 : i32
      %dma_wait3A_115 = arith.constant 0 : i32
      %dma_wait3A_116 = tpu.memref_slice %arg2[%dma_wait3A_114, %dma_wait3A_115] : memref<10000x80xf32, #tpu.memory_space<hbm>> -> memref<80x80xf32, #tpu.memory_space<hbm>>
      %dma_wait3A_117 = arith.constant 0 : i32
      %dma_wait3A_118 = arith.constant 0 : i32
      %dma_wait3A_119 = tpu.memref_slice %arg2[%dma_wait3A_117, %dma_wait3A_118] : memref<10000x80xf32, #tpu.memory_space<hbm>> -> memref<80x80xf32, #tpu.memory_space<hbm>>
      tpu.wait_dma2 semaphore(%arg30 : memref<!tpu.dma_semaphore, #tpu.memory_space<semaphore_mem>>) src(%dma_wait3A_119 : memref<80x80xf32, #tpu.memory_space<hbm>>) dst(%arg20 : memref<80x80xf32, #tpu.memory_space<vmem>>)
      %dma_wait3A_120 = arith.constant 0 : i32
      %dma_wait3A_121 = arith.constant 0 : i32
      %dma_wait3A_122 = tpu.memref_slice %arg3[%dma_wait3A_120, %dma_wait3A_121] : memref<10000x16xf32, #tpu.memory_space<hbm>> -> memref<80x16xf32, #tpu.memory_space<hbm>>
      %dma_wait3A_123 = arith.constant 0 : i32
      %dma_wait3A_124 = arith.constant 0 : i32
      %dma_wait3A_125 = tpu.memref_slice %arg3[%dma_wait3A_123, %dma_wait3A_124] : memref<10000x16xf32, #tpu.memory_space<hbm>> -> memref<80x16xf32, #tpu.memory_space<hbm>>
      tpu.wait_dma2 semaphore(%arg31 : memref<!tpu.dma_semaphore, #tpu.memory_space<semaphore_mem>>) src(%dma_wait3A_125 : memref<80x16xf32, #tpu.memory_space<hbm>>) dst(%arg21 : memref<80x16xf32, #tpu.memory_space<vmem>>)
      %scan3A_126 = arith.constant 0 : i32
      %scan3A_127 = arith.constant 0 : i32
      %scan3A_128 = arith.constant 80 : i32
      %scan3A_129 = arith.addi %scan3A_127, %scan3A_128 : i32
      %scan3A_130 = arith.constant 1 : i32
      scf.for %scan3A_300 = %scan3A_127 to %scan3A_129 step %scan3A_130  : i32 {
        %get3A = arith.index_cast %scan3A_300 : i32 to index
        %get3A_301 = arith.constant 64 : index
        %get3A_302 = tpu.vector_load %arg20[%get3A, %get3A_301] {strides = array<i32>} : memref<80x80xf32, #tpu.memory_space<vmem>>, vector<1x16xf32>,
        %get3A_303 = vector.shape_cast %get3A_302 : vector<1x16xf32> to vector<16xf32>
        %get3A_304 = arith.index_cast %scan3A_300 : i32 to index
        %get3A_305 = arith.constant 0 : index
        %get3A_306 = tpu.vector_load %arg21[%get3A_304, %get3A_305] {strides = array<i32>} : memref<80x16xf32, #tpu.memory_space<vmem>>, vector<1x16xf32>,
        %get3A_307 = vector.shape_cast %get3A_306 : vector<1x16xf32> to vector<16xf32>
        %add3A_308 = arith.addf %get3A_303, %get3A_307 : vector<16xf32>
        %gt3A = arith.constant 0.000000e+00 : f32
        %gt3A_309 = vector.broadcast %gt3A : f32 to vector<16xf32>
        %gt3A_310 = arith.cmpf ogt, %add3A_308, %gt3A_309 : vector<16xf32>
        %mul3A_311 = arith.constant 2.000000e-01 : f32
        %mul3A_312 = vector.broadcast %mul3A_311 : f32 to vector<16xf32>
        %mul3A_313 = arith.mulf %mul3A_312, %add3A_308 : vector<16xf32>
        %select_n3A = arith.select %gt3A_310, %add3A_308, %mul3A_313 : vector<16xi1>, vector<16xf32>
        %exp3A = math.exp %select_n3A : vector<16xf32>
        %swap3A = arith.index_cast %scan3A_300 : i32 to index
        %swap3A_314 = arith.constant 64 : index
        %swap3A_315 = tpu.vector_load %arg24[%swap3A, %swap3A_314] {strides = array<i32>} : memref<80x80xf32, #tpu.memory_space<vmem>>, vector<1x16xf32>,
        %swap3A_316 = vector.shape_cast %swap3A_315 : vector<1x16xf32> to vector<16xf32>
        %swap3A_317 = vector.shape_cast %exp3A : vector<16xf32> to vector<1x16xf32>
        tpu.vector_store %arg24[%swap3A, %swap3A_314], %swap3A_317 {strides = array<i32>} : memref<80x80xf32, #tpu.memory_space<vmem>>, vector<1x16xf32>,
        %get3A_318 = arith.index_cast %scan3A_300 : i32 to index
        %get3A_319 = arith.constant 0 : index
        %get3A_320 = tpu.vector_load %arg20[%get3A_318, %get3A_319] {strides = array<i32>} : memref<80x80xf32, #tpu.memory_space<vmem>>, vector<1x16xf32>,
        %get3A_321 = vector.shape_cast %get3A_320 : vector<1x16xf32> to vector<16xf32>
        %mul3A_322 = arith.mulf %get3A_321, %exp3A : vector<16xf32>
        %swap3A_323 = arith.index_cast %scan3A_300 : i32 to index
        %swap3A_324 = arith.constant 0 : index
        %swap3A_325 = tpu.vector_load %arg24[%swap3A_323, %swap3A_324] {strides = array<i32>} : memref<80x80xf32, #tpu.memory_space<vmem>>, vector<1x16xf32>,
        %swap3A_326 = vector.shape_cast %swap3A_325 : vector<1x16xf32> to vector<16xf32>
        %swap3A_327 = vector.shape_cast %mul3A_322 : vector<16xf32> to vector<1x16xf32>
        tpu.vector_store %arg24[%swap3A_323, %swap3A_324], %swap3A_327 {strides = array<i32>} : memref<80x80xf32, #tpu.memory_space<vmem>>, vector<1x16xf32>,
        %get3A_328 = arith.index_cast %scan3A_300 : i32 to index
        %get3A_329 = arith.constant 16 : index
        %get3A_330 = tpu.vector_load %arg20[%get3A_328, %get3A_329] {strides = array<i32>} : memref<80x80xf32, #tpu.memory_space<vmem>>, vector<1x16xf32>,
        %get3A_331 = vector.shape_cast %get3A_330 : vector<1x16xf32> to vector<16xf32>
        %mul3A_332 = arith.mulf %get3A_331, %exp3A : vector<16xf32>
        %swap3A_333 = arith.index_cast %scan3A_300 : i32 to index
        %swap3A_334 = arith.constant 16 : index
        %swap3A_335 = tpu.vector_load %arg24[%swap3A_333, %swap3A_334] {strides = array<i32>} : memref<80x80xf32, #tpu.memory_space<vmem>>, vector<1x16xf32>,
        %swap3A_336 = vector.shape_cast %swap3A_335 : vector<1x16xf32> to vector<16xf32>
        %swap3A_337 = vector.shape_cast %mul3A_332 : vector<16xf32> to vector<1x16xf32>
        tpu.vector_store %arg24[%swap3A_333, %swap3A_334], %swap3A_337 {strides = array<i32>} : memref<80x80xf32, #tpu.memory_space<vmem>>, vector<1x16xf32>,
        %get3A_338 = arith.index_cast %scan3A_300 : i32 to index
        %get3A_339 = arith.constant 32 : index
        %get3A_340 = tpu.vector_load %arg20[%get3A_338, %get3A_339] {strides = array<i32>} : memref<80x80xf32, #tpu.memory_space<vmem>>, vector<1x16xf32>,
        %get3A_341 = vector.shape_cast %get3A_340 : vector<1x16xf32> to vector<16xf32>
        %mul3A_342 = arith.mulf %get3A_341, %exp3A : vector<16xf32>
        %swap3A_343 = arith.index_cast %scan3A_300 : i32 to index
        %swap3A_344 = arith.constant 32 : index
        %swap3A_345 = tpu.vector_load %arg24[%swap3A_343, %swap3A_344] {strides = array<i32>} : memref<80x80xf32, #tpu.memory_space<vmem>>, vector<1x16xf32>,
        %swap3A_346 = vector.shape_cast %swap3A_345 : vector<1x16xf32> to vector<16xf32>
        %swap3A_347 = vector.shape_cast %mul3A_342 : vector<16xf32> to vector<1x16xf32>
        tpu.vector_store %arg24[%swap3A_343, %swap3A_344], %swap3A_347 {strides = array<i32>} : memref<80x80xf32, #tpu.memory_space<vmem>>, vector<1x16xf32>,
        %get3A_348 = arith.index_cast %scan3A_300 : i32 to index
        %get3A_349 = arith.constant 48 : index
        %get3A_350 = tpu.vector_load %arg20[%get3A_348, %get3A_349] {strides = array<i32>} : memref<80x80xf32, #tpu.memory_space<vmem>>, vector<1x16xf32>,
        %get3A_351 = vector.shape_cast %get3A_350 : vector<1x16xf32> to vector<16xf32>
        %mul3A_352 = arith.mulf %get3A_351, %exp3A : vector<16xf32>
        %swap3A_353 = arith.index_cast %scan3A_300 : i32 to index
        %swap3A_354 = arith.constant 48 : index
        %swap3A_355 = tpu.vector_load %arg24[%swap3A_353, %swap3A_354] {strides = array<i32>} : memref<80x80xf32, #tpu.memory_space<vmem>>, vector<1x16xf32>,
        %swap3A_356 = vector.shape_cast %swap3A_355 : vector<1x16xf32> to vector<16xf32>
        %swap3A_357 = vector.shape_cast %mul3A_352 : vector<16xf32> to vector<1x16xf32>
        tpu.vector_store %arg24[%swap3A_353, %swap3A_354], %swap3A_357 {strides = array<i32>} : memref<80x80xf32, #tpu.memory_space<vmem>>, vector<1x16xf32>,
      }
      %scan3A_131 = arith.constant 80 : i32
      "tpu.region"() ({
        %run_scoped3A = tpu.sem_alloc : memref<!tpu.dma_semaphore, #tpu.memory_space<semaphore_mem>>
        %dma_start3A_300 = arith.constant 0 : i32
        %dma_start3A_301 = arith.constant 0 : i32
        %dma_start3A_302 = tpu.memref_slice %arg25[%dma_start3A_300, %dma_start3A_301] : memref<10240x80xf32, #tpu.memory_space<vmem_shared>> -> memref<10240x80xf32, #tpu.memory_space<vmem_shared>>
        tpu.enqueue_indirect_dma source(%arg24 : memref<80x80xf32, #tpu.memory_space<vmem>>) target(%dma_start3A_302 : memref<10240x80xf32, #tpu.memory_space<vmem_shared>>) offsets(%arg10 : memref<80xi32, #tpu.memory_space<vmem>>) semaphore(%run_scoped3A : memref<!tpu.dma_semaphore, #tpu.memory_space<semaphore_mem>>) {add = true}
        %dma_wait3A_303 = arith.constant 0 : i32
        %dma_wait3A_304 = arith.constant 0 : i32
        %dma_wait3A_305 = tpu.memref_slice %arg25[%dma_wait3A_303, %dma_wait3A_304] : memref<10240x80xf32, #tpu.memory_space<vmem_shared>> -> memref<10240x80xf32, #tpu.memory_space<vmem_shared>>
        tpu.wait_indirect_dma semaphore(%run_scoped3A : memref<!tpu.dma_semaphore, #tpu.memory_space<semaphore_mem>>) src(%arg24 : memref<80x80xf32, #tpu.memory_space<vmem>>) dst(%dma_wait3A_305 : memref<10240x80xf32, #tpu.memory_space<vmem_shared>>)
        tpu.yield
      }) : () -> ()
      %dma_wait3A_132 = arith.constant 0 : i32
      %dma_wait3A_133 = tpu.memref_slice %arg4[%dma_wait3A_132] : memref<327840xi32, #tpu.memory_space<hbm>> -> memref<80xi32, #tpu.memory_space<hbm>>
      %dma_wait3A_134 = arith.constant 0 : i32
      %dma_wait3A_135 = tpu.memref_slice %arg4[%dma_wait3A_134] : memref<327840xi32, #tpu.memory_space<hbm>> -> memref<80xi32, #tpu.memory_space<hbm>>
      tpu.wait_dma2 semaphore(%arg28 : memref<!tpu.dma_semaphore, #tpu.memory_space<semaphore_mem>>) src(%dma_wait3A_135 : memref<80xi32, #tpu.memory_space<hbm>>) dst(%arg14 : memref<80xi32, #tpu.memory_space<vmem>>)
      %dma_wait3A_136 = arith.constant 0 : i32
      %dma_wait3A_137 = tpu.memref_slice %arg4[%dma_wait3A_136] : memref<327840xi32, #tpu.memory_space<hbm>> -> memref<80xi32, #tpu.memory_space<hbm>>
      %dma_wait3A_138 = arith.constant 0 : i32
      %dma_wait3A_139 = tpu.memref_slice %arg4[%dma_wait3A_138] : memref<327840xi32, #tpu.memory_space<hbm>> -> memref<80xi32, #tpu.memory_space<hbm>>
      tpu.wait_dma2 semaphore(%arg28 : memref<!tpu.dma_semaphore, #tpu.memory_space<semaphore_mem>>) src(%dma_wait3A_139 : memref<80xi32, #tpu.memory_space<hbm>>) dst(%arg15 : memref<80xi32, #tpu.memory_space<vmem>>)
      %dma_wait3A_140 = arith.constant 0 : i32
      %dma_wait3A_141 = tpu.memref_slice %arg4[%dma_wait3A_140] : memref<327840xi32, #tpu.memory_space<hbm>> -> memref<80xi32, #tpu.memory_space<hbm>>
      %dma_wait3A_142 = arith.constant 0 : i32
      %dma_wait3A_143 = tpu.memref_slice %arg4[%dma_wait3A_142] : memref<327840xi32, #tpu.memory_space<hbm>> -> memref<80xi32, #tpu.memory_space<hbm>>
      tpu.wait_dma2 semaphore(%arg28 : memref<!tpu.dma_semaphore, #tpu.memory_space<semaphore_mem>>) src(%dma_wait3A_143 : memref<80xi32, #tpu.memory_space<hbm>>) dst(%arg16 : memref<80xi32, #tpu.memory_space<vmem>>)
      %dma_start3A_144 = arith.constant 0 : i32
      %dma_start3A_145 = arith.constant 0 : i32
      %dma_start3A_146 = tpu.memref_slice %arg2[%dma_start3A_144, %dma_start3A_145] : memref<10000x80xf32, #tpu.memory_space<hbm>> -> memref<10000x80xf32, #tpu.memory_space<hbm>>
      tpu.enqueue_indirect_dma source(%dma_start3A_146 : memref<10000x80xf32, #tpu.memory_space<hbm>>) target(%arg20 : memref<80x80xf32, #tpu.memory_space<vmem>>) offsets(%arg14 : memref<80xi32, #tpu.memory_space<vmem>>) semaphore(%arg30 : memref<!tpu.dma_semaphore, #tpu.memory_space<semaphore_mem>>)
      %dma_start3A_147 = arith.constant 0 : i32
      %dma_start3A_148 = arith.constant 0 : i32
      %dma_start3A_149 = tpu.memref_slice %arg3[%dma_start3A_147, %dma_start3A_148] : memref<10000x16xf32, #tpu.memory_space<hbm>> -> memref<10000x16xf32, #tpu.memory_space<hbm>>
      tpu.enqueue_indirect_dma source(%dma_start3A_149 : memref<10000x16xf32, #tpu.memory_space<hbm>>) target(%arg21 : memref<80x16xf32, #tpu.memory_space<vmem>>) offsets(%arg15 : memref<80xi32, #tpu.memory_space<vmem>>) semaphore(%arg31 : memref<!tpu.dma_semaphore, #tpu.memory_space<semaphore_mem>>)
      %mul3A_150 = arith.constant 4 : i32
      %mul3A_151 = arith.muli %mul3A_150, %scan3A_91 : i32
      %add3A_152 = arith.constant 1 : i32
      %add3A_153 = arith.addi %mul3A_151, %add3A_152 : i32
      %add3A_154 = arith.constant 2 : i32
      %add3A_155 = arith.addi %add3A_153, %add3A_154 : i32
      %mul3A_156 = arith.constant 80 : i32
      %mul3A_157 = arith.muli %add3A_155, %mul3A_156 : i32
      %add3A_158 = arith.addi %mul3A_26, %mul3A_157 : i32
      %multiple_of3A_159 = tpu.assume_multiple %add3A_158, 8 : i32
      %dma_start3A_160 = tpu.memref_slice %arg4[%multiple_of3A_159] : memref<327840xi32, #tpu.memory_space<hbm>> -> memref<80xi32, #tpu.memory_space<hbm>>
      %dma_start3A_161 = tpu.memref_slice %arg4[%multiple_of3A_159] : memref<327840xi32, #tpu.memory_space<hbm>> -> memref<80xi32, #tpu.memory_space<hbm>>
      tpu.enqueue_dma source(%dma_start3A_161 : memref<80xi32, #tpu.memory_space<hbm>>) target(%arg17 : memref<80xi32, #tpu.memory_space<vmem>>) target_semaphore(%arg29 : memref<!tpu.dma_semaphore, #tpu.memory_space<semaphore_mem>>)
      %dma_start3A_162 = tpu.memref_slice %arg5[%multiple_of3A_159] : memref<327840xi32, #tpu.memory_space<hbm>> -> memref<80xi32, #tpu.memory_space<hbm>>
      %dma_start3A_163 = tpu.memref_slice %arg5[%multiple_of3A_159] : memref<327840xi32, #tpu.memory_space<hbm>> -> memref<80xi32, #tpu.memory_space<hbm>>
      tpu.enqueue_dma source(%dma_start3A_163 : memref<80xi32, #tpu.memory_space<hbm>>) target(%arg18 : memref<80xi32, #tpu.memory_space<vmem>>) target_semaphore(%arg29 : memref<!tpu.dma_semaphore, #tpu.memory_space<semaphore_mem>>)
      %dma_start3A_164 = tpu.memref_slice %arg6[%multiple_of3A_159] : memref<327840xi32, #tpu.memory_space<hbm>> -> memref<80xi32, #tpu.memory_space<hbm>>
      %dma_start3A_165 = tpu.memref_slice %arg6[%multiple_of3A_159] : memref<327840xi32, #tpu.memory_space<hbm>> -> memref<80xi32, #tpu.memory_space<hbm>>
      tpu.enqueue_dma source(%dma_start3A_165 : memref<80xi32, #tpu.memory_space<hbm>>) target(%arg19 : memref<80xi32, #tpu.memory_space<vmem>>) target_semaphore(%arg29 : memref<!tpu.dma_semaphore, #tpu.memory_space<semaphore_mem>>)
      %dma_wait3A_166 = arith.constant 0 : i32
      %dma_wait3A_167 = arith.constant 0 : i32
      %dma_wait3A_168 = tpu.memref_slice %arg2[%dma_wait3A_166, %dma_wait3A_167] : memref<10000x80xf32, #tpu.memory_space<hbm>> -> memref<80x80xf32, #tpu.memory_space<hbm>>
      %dma_wait3A_169 = arith.constant 0 : i32
      %dma_wait3A_170 = arith.constant 0 : i32
      %dma_wait3A_171 = tpu.memref_slice %arg2[%dma_wait3A_169, %dma_wait3A_170] : memref<10000x80xf32, #tpu.memory_space<hbm>> -> memref<80x80xf32, #tpu.memory_space<hbm>>
      tpu.wait_dma2 semaphore(%arg32 : memref<!tpu.dma_semaphore, #tpu.memory_space<semaphore_mem>>) src(%dma_wait3A_171 : memref<80x80xf32, #tpu.memory_space<hbm>>) dst(%arg22 : memref<80x80xf32, #tpu.memory_space<vmem>>)
      %dma_wait3A_172 = arith.constant 0 : i32
      %dma_wait3A_173 = arith.constant 0 : i32
      %dma_wait3A_174 = tpu.memref_slice %arg3[%dma_wait3A_172, %dma_wait3A_173] : memref<10000x16xf32, #tpu.memory_space<hbm>> -> memref<80x16xf32, #tpu.memory_space<hbm>>
      %dma_wait3A_175 = arith.constant 0 : i32
      %dma_wait3A_176 = arith.constant 0 : i32
      %dma_wait3A_177 = tpu.memref_slice %arg3[%dma_wait3A_175, %dma_wait3A_176] : memref<10000x16xf32, #tpu.memory_space<hbm>> -> memref<80x16xf32, #tpu.memory_space<hbm>>
      tpu.wait_dma2 semaphore(%arg33 : memref<!tpu.dma_semaphore, #tpu.memory_space<semaphore_mem>>) src(%dma_wait3A_177 : memref<80x16xf32, #tpu.memory_space<hbm>>) dst(%arg23 : memref<80x16xf32, #tpu.memory_space<vmem>>)
      %scan3A_178 = arith.constant 0 : i32
      %scan3A_179 = arith.constant 0 : i32
      %scan3A_180 = arith.constant 80 : i32
      %scan3A_181 = arith.addi %scan3A_179, %scan3A_180 : i32
      %scan3A_182 = arith.constant 1 : i32
      scf.for %scan3A_300 = %scan3A_179 to %scan3A_181 step %scan3A_182  : i32 {
        %get3A = arith.index_cast %scan3A_300 : i32 to index
        %get3A_301 = arith.constant 64 : index
        %get3A_302 = tpu.vector_load %arg22[%get3A, %get3A_301] {strides = array<i32>} : memref<80x80xf32, #tpu.memory_space<vmem>>, vector<1x16xf32>,
        %get3A_303 = vector.shape_cast %get3A_302 : vector<1x16xf32> to vector<16xf32>
        %get3A_304 = arith.index_cast %scan3A_300 : i32 to index
        %get3A_305 = arith.constant 0 : index
        %get3A_306 = tpu.vector_load %arg23[%get3A_304, %get3A_305] {strides = array<i32>} : memref<80x16xf32, #tpu.memory_space<vmem>>, vector<1x16xf32>,
        %get3A_307 = vector.shape_cast %get3A_306 : vector<1x16xf32> to vector<16xf32>
        %add3A_308 = arith.addf %get3A_303, %get3A_307 : vector<16xf32>
        %gt3A = arith.constant 0.000000e+00 : f32
        %gt3A_309 = vector.broadcast %gt3A : f32 to vector<16xf32>
        %gt3A_310 = arith.cmpf ogt, %add3A_308, %gt3A_309 : vector<16xf32>
        %mul3A_311 = arith.constant 2.000000e-01 : f32
        %mul3A_312 = vector.broadcast %mul3A_311 : f32 to vector<16xf32>
        %mul3A_313 = arith.mulf %mul3A_312, %add3A_308 : vector<16xf32>
        %select_n3A = arith.select %gt3A_310, %add3A_308, %mul3A_313 : vector<16xi1>, vector<16xf32>
        %exp3A = math.exp %select_n3A : vector<16xf32>
        %swap3A = arith.index_cast %scan3A_300 : i32 to index
        %swap3A_314 = arith.constant 64 : index
        %swap3A_315 = tpu.vector_load %arg24[%swap3A, %swap3A_314] {strides = array<i32>} : memref<80x80xf32, #tpu.memory_space<vmem>>, vector<1x16xf32>,
        %swap3A_316 = vector.shape_cast %swap3A_315 : vector<1x16xf32> to vector<16xf32>
        %swap3A_317 = vector.shape_cast %exp3A : vector<16xf32> to vector<1x16xf32>
        tpu.vector_store %arg24[%swap3A, %swap3A_314], %swap3A_317 {strides = array<i32>} : memref<80x80xf32, #tpu.memory_space<vmem>>, vector<1x16xf32>,
        %get3A_318 = arith.index_cast %scan3A_300 : i32 to index
        %get3A_319 = arith.constant 0 : index
        %get3A_320 = tpu.vector_load %arg22[%get3A_318, %get3A_319] {strides = array<i32>} : memref<80x80xf32, #tpu.memory_space<vmem>>, vector<1x16xf32>,
        %get3A_321 = vector.shape_cast %get3A_320 : vector<1x16xf32> to vector<16xf32>
        %mul3A_322 = arith.mulf %get3A_321, %exp3A : vector<16xf32>
        %swap3A_323 = arith.index_cast %scan3A_300 : i32 to index
        %swap3A_324 = arith.constant 0 : index
        %swap3A_325 = tpu.vector_load %arg24[%swap3A_323, %swap3A_324] {strides = array<i32>} : memref<80x80xf32, #tpu.memory_space<vmem>>, vector<1x16xf32>,
        %swap3A_326 = vector.shape_cast %swap3A_325 : vector<1x16xf32> to vector<16xf32>
        %swap3A_327 = vector.shape_cast %mul3A_322 : vector<16xf32> to vector<1x16xf32>
        tpu.vector_store %arg24[%swap3A_323, %swap3A_324], %swap3A_327 {strides = array<i32>} : memref<80x80xf32, #tpu.memory_space<vmem>>, vector<1x16xf32>,
        %get3A_328 = arith.index_cast %scan3A_300 : i32 to index
        %get3A_329 = arith.constant 16 : index
        %get3A_330 = tpu.vector_load %arg22[%get3A_328, %get3A_329] {strides = array<i32>} : memref<80x80xf32, #tpu.memory_space<vmem>>, vector<1x16xf32>,
        %get3A_331 = vector.shape_cast %get3A_330 : vector<1x16xf32> to vector<16xf32>
        %mul3A_332 = arith.mulf %get3A_331, %exp3A : vector<16xf32>
        %swap3A_333 = arith.index_cast %scan3A_300 : i32 to index
        %swap3A_334 = arith.constant 16 : index
        %swap3A_335 = tpu.vector_load %arg24[%swap3A_333, %swap3A_334] {strides = array<i32>} : memref<80x80xf32, #tpu.memory_space<vmem>>, vector<1x16xf32>,
        %swap3A_336 = vector.shape_cast %swap3A_335 : vector<1x16xf32> to vector<16xf32>
        %swap3A_337 = vector.shape_cast %mul3A_332 : vector<16xf32> to vector<1x16xf32>
        tpu.vector_store %arg24[%swap3A_333, %swap3A_334], %swap3A_337 {strides = array<i32>} : memref<80x80xf32, #tpu.memory_space<vmem>>, vector<1x16xf32>,
        %get3A_338 = arith.index_cast %scan3A_300 : i32 to index
        %get3A_339 = arith.constant 32 : index
        %get3A_340 = tpu.vector_load %arg22[%get3A_338, %get3A_339] {strides = array<i32>} : memref<80x80xf32, #tpu.memory_space<vmem>>, vector<1x16xf32>,
        %get3A_341 = vector.shape_cast %get3A_340 : vector<1x16xf32> to vector<16xf32>
        %mul3A_342 = arith.mulf %get3A_341, %exp3A : vector<16xf32>
        %swap3A_343 = arith.index_cast %scan3A_300 : i32 to index
        %swap3A_344 = arith.constant 32 : index
        %swap3A_345 = tpu.vector_load %arg24[%swap3A_343, %swap3A_344] {strides = array<i32>} : memref<80x80xf32, #tpu.memory_space<vmem>>, vector<1x16xf32>,
        %swap3A_346 = vector.shape_cast %swap3A_345 : vector<1x16xf32> to vector<16xf32>
        %swap3A_347 = vector.shape_cast %mul3A_342 : vector<16xf32> to vector<1x16xf32>
        tpu.vector_store %arg24[%swap3A_343, %swap3A_344], %swap3A_347 {strides = array<i32>} : memref<80x80xf32, #tpu.memory_space<vmem>>, vector<1x16xf32>,
        %get3A_348 = arith.index_cast %scan3A_300 : i32 to index
        %get3A_349 = arith.constant 48 : index
        %get3A_350 = tpu.vector_load %arg22[%get3A_348, %get3A_349] {strides = array<i32>} : memref<80x80xf32, #tpu.memory_space<vmem>>, vector<1x16xf32>,
        %get3A_351 = vector.shape_cast %get3A_350 : vector<1x16xf32> to vector<16xf32>
        %mul3A_352 = arith.mulf %get3A_351, %exp3A : vector<16xf32>
        %swap3A_353 = arith.index_cast %scan3A_300 : i32 to index
        %swap3A_354 = arith.constant 48 : index
        %swap3A_355 = tpu.vector_load %arg24[%swap3A_353, %swap3A_354] {strides = array<i32>} : memref<80x80xf32, #tpu.memory_space<vmem>>, vector<1x16xf32>,
        %swap3A_356 = vector.shape_cast %swap3A_355 : vector<1x16xf32> to vector<16xf32>
        %swap3A_357 = vector.shape_cast %mul3A_352 : vector<16xf32> to vector<1x16xf32>
        tpu.vector_store %arg24[%swap3A_353, %swap3A_354], %swap3A_357 {strides = array<i32>} : memref<80x80xf32, #tpu.memory_space<vmem>>, vector<1x16xf32>,
      }
      %scan3A_183 = arith.constant 80 : i32
      "tpu.region"() ({
        %run_scoped3A = tpu.sem_alloc : memref<!tpu.dma_semaphore, #tpu.memory_space<semaphore_mem>>
        %dma_start3A_300 = arith.constant 0 : i32
        %dma_start3A_301 = arith.constant 0 : i32
        %dma_start3A_302 = tpu.memref_slice %arg25[%dma_start3A_300, %dma_start3A_301] : memref<10240x80xf32, #tpu.memory_space<vmem_shared>> -> memref<10240x80xf32, #tpu.memory_space<vmem_shared>>
        tpu.enqueue_indirect_dma source(%arg24 : memref<80x80xf32, #tpu.memory_space<vmem>>) target(%dma_start3A_302 : memref<10240x80xf32, #tpu.memory_space<vmem_shared>>) offsets(%arg13 : memref<80xi32, #tpu.memory_space<vmem>>) semaphore(%run_scoped3A : memref<!tpu.dma_semaphore, #tpu.memory_space<semaphore_mem>>) {add = true}
        %dma_wait3A_303 = arith.constant 0 : i32
        %dma_wait3A_304 = arith.constant 0 : i32
        %dma_wait3A_305 = tpu.memref_slice %arg25[%dma_wait3A_303, %dma_wait3A_304] : memref<10240x80xf32, #tpu.memory_space<vmem_shared>> -> memref<10240x80xf32, #tpu.memory_space<vmem_shared>>
        tpu.wait_indirect_dma semaphore(%run_scoped3A : memref<!tpu.dma_semaphore, #tpu.memory_space<semaphore_mem>>) src(%arg24 : memref<80x80xf32, #tpu.memory_space<vmem>>) dst(%dma_wait3A_305 : memref<10240x80xf32, #tpu.memory_space<vmem_shared>>)
        tpu.yield
      }) : () -> ()
      %dma_wait3A_184 = arith.constant 0 : i32
      %dma_wait3A_185 = tpu.memref_slice %arg4[%dma_wait3A_184] : memref<327840xi32, #tpu.memory_space<hbm>> -> memref<80xi32, #tpu.memory_space<hbm>>
      %dma_wait3A_186 = arith.constant 0 : i32
      %dma_wait3A_187 = tpu.memref_slice %arg4[%dma_wait3A_186] : memref<327840xi32, #tpu.memory_space<hbm>> -> memref<80xi32, #tpu.memory_space<hbm>>
      tpu.wait_dma2 semaphore(%arg29 : memref<!tpu.dma_semaphore, #tpu.memory_space<semaphore_mem>>) src(%dma_wait3A_187 : memref<80xi32, #tpu.memory_space<hbm>>) dst(%arg17 : memref<80xi32, #tpu.memory_space<vmem>>)
      %dma_wait3A_188 = arith.constant 0 : i32
      %dma_wait3A_189 = tpu.memref_slice %arg4[%dma_wait3A_188] : memref<327840xi32, #tpu.memory_space<hbm>> -> memref<80xi32, #tpu.memory_space<hbm>>
      %dma_wait3A_190 = arith.constant 0 : i32
      %dma_wait3A_191 = tpu.memref_slice %arg4[%dma_wait3A_190] : memref<327840xi32, #tpu.memory_space<hbm>> -> memref<80xi32, #tpu.memory_space<hbm>>
      tpu.wait_dma2 semaphore(%arg29 : memref<!tpu.dma_semaphore, #tpu.memory_space<semaphore_mem>>) src(%dma_wait3A_191 : memref<80xi32, #tpu.memory_space<hbm>>) dst(%arg18 : memref<80xi32, #tpu.memory_space<vmem>>)
      %dma_wait3A_192 = arith.constant 0 : i32
      %dma_wait3A_193 = tpu.memref_slice %arg4[%dma_wait3A_192] : memref<327840xi32, #tpu.memory_space<hbm>> -> memref<80xi32, #tpu.memory_space<hbm>>
      %dma_wait3A_194 = arith.constant 0 : i32
      %dma_wait3A_195 = tpu.memref_slice %arg4[%dma_wait3A_194] : memref<327840xi32, #tpu.memory_space<hbm>> -> memref<80xi32, #tpu.memory_space<hbm>>
      tpu.wait_dma2 semaphore(%arg29 : memref<!tpu.dma_semaphore, #tpu.memory_space<semaphore_mem>>) src(%dma_wait3A_195 : memref<80xi32, #tpu.memory_space<hbm>>) dst(%arg19 : memref<80xi32, #tpu.memory_space<vmem>>)
      %dma_start3A_196 = arith.constant 0 : i32
      %dma_start3A_197 = arith.constant 0 : i32
      %dma_start3A_198 = tpu.memref_slice %arg2[%dma_start3A_196, %dma_start3A_197] : memref<10000x80xf32, #tpu.memory_space<hbm>> -> memref<10000x80xf32, #tpu.memory_space<hbm>>
      tpu.enqueue_indirect_dma source(%dma_start3A_198 : memref<10000x80xf32, #tpu.memory_space<hbm>>) target(%arg22 : memref<80x80xf32, #tpu.memory_space<vmem>>) offsets(%arg17 : memref<80xi32, #tpu.memory_space<vmem>>) semaphore(%arg32 : memref<!tpu.dma_semaphore, #tpu.memory_space<semaphore_mem>>)
      %dma_start3A_199 = arith.constant 0 : i32
      %dma_start3A_200 = arith.constant 0 : i32
      %dma_start3A_201 = tpu.memref_slice %arg3[%dma_start3A_199, %dma_start3A_200] : memref<10000x16xf32, #tpu.memory_space<hbm>> -> memref<10000x16xf32, #tpu.memory_space<hbm>>
      tpu.enqueue_indirect_dma source(%dma_start3A_201 : memref<10000x16xf32, #tpu.memory_space<hbm>>) target(%arg23 : memref<80x16xf32, #tpu.memory_space<vmem>>) offsets(%arg18 : memref<80xi32, #tpu.memory_space<vmem>>) semaphore(%arg33 : memref<!tpu.dma_semaphore, #tpu.memory_space<semaphore_mem>>)
      %mul3A_202 = arith.constant 4 : i32
      %mul3A_203 = arith.muli %mul3A_202, %scan3A_91 : i32
      %add3A_204 = arith.constant 2 : i32
      %add3A_205 = arith.addi %mul3A_203, %add3A_204 : i32
      %add3A_206 = arith.constant 2 : i32
      %add3A_207 = arith.addi %add3A_205, %add3A_206 : i32
      %mul3A_208 = arith.constant 80 : i32
      %mul3A_209 = arith.muli %add3A_207, %mul3A_208 : i32
      %add3A_210 = arith.addi %mul3A_26, %mul3A_209 : i32
      %multiple_of3A_211 = tpu.assume_multiple %add3A_210, 8 : i32
      %dma_start3A_212 = tpu.memref_slice %arg4[%multiple_of3A_211] : memref<327840xi32, #tpu.memory_space<hbm>> -> memref<80xi32, #tpu.memory_space<hbm>>
      %dma_start3A_213 = tpu.memref_slice %arg4[%multiple_of3A_211] : memref<327840xi32, #tpu.memory_space<hbm>> -> memref<80xi32, #tpu.memory_space<hbm>>
      tpu.enqueue_dma source(%dma_start3A_213 : memref<80xi32, #tpu.memory_space<hbm>>) target(%arg8 : memref<80xi32, #tpu.memory_space<vmem>>) target_semaphore(%arg26 : memref<!tpu.dma_semaphore, #tpu.memory_space<semaphore_mem>>)
      %dma_start3A_214 = tpu.memref_slice %arg5[%multiple_of3A_211] : memref<327840xi32, #tpu.memory_space<hbm>> -> memref<80xi32, #tpu.memory_space<hbm>>
      %dma_start3A_215 = tpu.memref_slice %arg5[%multiple_of3A_211] : memref<327840xi32, #tpu.memory_space<hbm>> -> memref<80xi32, #tpu.memory_space<hbm>>
      tpu.enqueue_dma source(%dma_start3A_215 : memref<80xi32, #tpu.memory_space<hbm>>) target(%arg9 : memref<80xi32, #tpu.memory_space<vmem>>) target_semaphore(%arg26 : memref<!tpu.dma_semaphore, #tpu.memory_space<semaphore_mem>>)
      %dma_start3A_216 = tpu.memref_slice %arg6[%multiple_of3A_211] : memref<327840xi32, #tpu.memory_space<hbm>> -> memref<80xi32, #tpu.memory_space<hbm>>
      %dma_start3A_217 = tpu.memref_slice %arg6[%multiple_of3A_211] : memref<327840xi32, #tpu.memory_space<hbm>> -> memref<80xi32, #tpu.memory_space<hbm>>
      tpu.enqueue_dma source(%dma_start3A_217 : memref<80xi32, #tpu.memory_space<hbm>>) target(%arg10 : memref<80xi32, #tpu.memory_space<vmem>>) target_semaphore(%arg26 : memref<!tpu.dma_semaphore, #tpu.memory_space<semaphore_mem>>)
      %dma_wait3A_218 = arith.constant 0 : i32
      %dma_wait3A_219 = arith.constant 0 : i32
      %dma_wait3A_220 = tpu.memref_slice %arg2[%dma_wait3A_218, %dma_wait3A_219] : memref<10000x80xf32, #tpu.memory_space<hbm>> -> memref<80x80xf32, #tpu.memory_space<hbm>>
      %dma_wait3A_221 = arith.constant 0 : i32
      %dma_wait3A_222 = arith.constant 0 : i32
      %dma_wait3A_223 = tpu.memref_slice %arg2[%dma_wait3A_221, %dma_wait3A_222] : memref<10000x80xf32, #tpu.memory_space<hbm>> -> memref<80x80xf32, #tpu.memory_space<hbm>>
      tpu.wait_dma2 semaphore(%arg30 : memref<!tpu.dma_semaphore, #tpu.memory_space<semaphore_mem>>) src(%dma_wait3A_223 : memref<80x80xf32, #tpu.memory_space<hbm>>) dst(%arg20 : memref<80x80xf32, #tpu.memory_space<vmem>>)
      %dma_wait3A_224 = arith.constant 0 : i32
      %dma_wait3A_225 = arith.constant 0 : i32
      %dma_wait3A_226 = tpu.memref_slice %arg3[%dma_wait3A_224, %dma_wait3A_225] : memref<10000x16xf32, #tpu.memory_space<hbm>> -> memref<80x16xf32, #tpu.memory_space<hbm>>
      %dma_wait3A_227 = arith.constant 0 : i32
      %dma_wait3A_228 = arith.constant 0 : i32
      %dma_wait3A_229 = tpu.memref_slice %arg3[%dma_wait3A_227, %dma_wait3A_228] : memref<10000x16xf32, #tpu.memory_space<hbm>> -> memref<80x16xf32, #tpu.memory_space<hbm>>
      tpu.wait_dma2 semaphore(%arg31 : memref<!tpu.dma_semaphore, #tpu.memory_space<semaphore_mem>>) src(%dma_wait3A_229 : memref<80x16xf32, #tpu.memory_space<hbm>>) dst(%arg21 : memref<80x16xf32, #tpu.memory_space<vmem>>)
      %scan3A_230 = arith.constant 0 : i32
      %scan3A_231 = arith.constant 0 : i32
      %scan3A_232 = arith.constant 80 : i32
      %scan3A_233 = arith.addi %scan3A_231, %scan3A_232 : i32
      %scan3A_234 = arith.constant 1 : i32
      scf.for %scan3A_300 = %scan3A_231 to %scan3A_233 step %scan3A_234  : i32 {
        %get3A = arith.index_cast %scan3A_300 : i32 to index
        %get3A_301 = arith.constant 64 : index
        %get3A_302 = tpu.vector_load %arg20[%get3A, %get3A_301] {strides = array<i32>} : memref<80x80xf32, #tpu.memory_space<vmem>>, vector<1x16xf32>,
        %get3A_303 = vector.shape_cast %get3A_302 : vector<1x16xf32> to vector<16xf32>
        %get3A_304 = arith.index_cast %scan3A_300 : i32 to index
        %get3A_305 = arith.constant 0 : index
        %get3A_306 = tpu.vector_load %arg21[%get3A_304, %get3A_305] {strides = array<i32>} : memref<80x16xf32, #tpu.memory_space<vmem>>, vector<1x16xf32>,
        %get3A_307 = vector.shape_cast %get3A_306 : vector<1x16xf32> to vector<16xf32>
        %add3A_308 = arith.addf %get3A_303, %get3A_307 : vector<16xf32>
        %gt3A = arith.constant 0.000000e+00 : f32
        %gt3A_309 = vector.broadcast %gt3A : f32 to vector<16xf32>
        %gt3A_310 = arith.cmpf ogt, %add3A_308, %gt3A_309 : vector<16xf32>
        %mul3A_311 = arith.constant 2.000000e-01 : f32
        %mul3A_312 = vector.broadcast %mul3A_311 : f32 to vector<16xf32>
        %mul3A_313 = arith.mulf %mul3A_312, %add3A_308 : vector<16xf32>
        %select_n3A = arith.select %gt3A_310, %add3A_308, %mul3A_313 : vector<16xi1>, vector<16xf32>
        %exp3A = math.exp %select_n3A : vector<16xf32>
        %swap3A = arith.index_cast %scan3A_300 : i32 to index
        %swap3A_314 = arith.constant 64 : index
        %swap3A_315 = tpu.vector_load %arg24[%swap3A, %swap3A_314] {strides = array<i32>} : memref<80x80xf32, #tpu.memory_space<vmem>>, vector<1x16xf32>,
        %swap3A_316 = vector.shape_cast %swap3A_315 : vector<1x16xf32> to vector<16xf32>
        %swap3A_317 = vector.shape_cast %exp3A : vector<16xf32> to vector<1x16xf32>
        tpu.vector_store %arg24[%swap3A, %swap3A_314], %swap3A_317 {strides = array<i32>} : memref<80x80xf32, #tpu.memory_space<vmem>>, vector<1x16xf32>,
        %get3A_318 = arith.index_cast %scan3A_300 : i32 to index
        %get3A_319 = arith.constant 0 : index
        %get3A_320 = tpu.vector_load %arg20[%get3A_318, %get3A_319] {strides = array<i32>} : memref<80x80xf32, #tpu.memory_space<vmem>>, vector<1x16xf32>,
        %get3A_321 = vector.shape_cast %get3A_320 : vector<1x16xf32> to vector<16xf32>
        %mul3A_322 = arith.mulf %get3A_321, %exp3A : vector<16xf32>
        %swap3A_323 = arith.index_cast %scan3A_300 : i32 to index
        %swap3A_324 = arith.constant 0 : index
        %swap3A_325 = tpu.vector_load %arg24[%swap3A_323, %swap3A_324] {strides = array<i32>} : memref<80x80xf32, #tpu.memory_space<vmem>>, vector<1x16xf32>,
        %swap3A_326 = vector.shape_cast %swap3A_325 : vector<1x16xf32> to vector<16xf32>
        %swap3A_327 = vector.shape_cast %mul3A_322 : vector<16xf32> to vector<1x16xf32>
        tpu.vector_store %arg24[%swap3A_323, %swap3A_324], %swap3A_327 {strides = array<i32>} : memref<80x80xf32, #tpu.memory_space<vmem>>, vector<1x16xf32>,
        %get3A_328 = arith.index_cast %scan3A_300 : i32 to index
        %get3A_329 = arith.constant 16 : index
        %get3A_330 = tpu.vector_load %arg20[%get3A_328, %get3A_329] {strides = array<i32>} : memref<80x80xf32, #tpu.memory_space<vmem>>, vector<1x16xf32>,
        %get3A_331 = vector.shape_cast %get3A_330 : vector<1x16xf32> to vector<16xf32>
        %mul3A_332 = arith.mulf %get3A_331, %exp3A : vector<16xf32>
        %swap3A_333 = arith.index_cast %scan3A_300 : i32 to index
        %swap3A_334 = arith.constant 16 : index
        %swap3A_335 = tpu.vector_load %arg24[%swap3A_333, %swap3A_334] {strides = array<i32>} : memref<80x80xf32, #tpu.memory_space<vmem>>, vector<1x16xf32>,
        %swap3A_336 = vector.shape_cast %swap3A_335 : vector<1x16xf32> to vector<16xf32>
        %swap3A_337 = vector.shape_cast %mul3A_332 : vector<16xf32> to vector<1x16xf32>
        tpu.vector_store %arg24[%swap3A_333, %swap3A_334], %swap3A_337 {strides = array<i32>} : memref<80x80xf32, #tpu.memory_space<vmem>>, vector<1x16xf32>,
        %get3A_338 = arith.index_cast %scan3A_300 : i32 to index
        %get3A_339 = arith.constant 32 : index
        %get3A_340 = tpu.vector_load %arg20[%get3A_338, %get3A_339] {strides = array<i32>} : memref<80x80xf32, #tpu.memory_space<vmem>>, vector<1x16xf32>,
        %get3A_341 = vector.shape_cast %get3A_340 : vector<1x16xf32> to vector<16xf32>
        %mul3A_342 = arith.mulf %get3A_341, %exp3A : vector<16xf32>
        %swap3A_343 = arith.index_cast %scan3A_300 : i32 to index
        %swap3A_344 = arith.constant 32 : index
        %swap3A_345 = tpu.vector_load %arg24[%swap3A_343, %swap3A_344] {strides = array<i32>} : memref<80x80xf32, #tpu.memory_space<vmem>>, vector<1x16xf32>,
        %swap3A_346 = vector.shape_cast %swap3A_345 : vector<1x16xf32> to vector<16xf32>
        %swap3A_347 = vector.shape_cast %mul3A_342 : vector<16xf32> to vector<1x16xf32>
        tpu.vector_store %arg24[%swap3A_343, %swap3A_344], %swap3A_347 {strides = array<i32>} : memref<80x80xf32, #tpu.memory_space<vmem>>, vector<1x16xf32>,
        %get3A_348 = arith.index_cast %scan3A_300 : i32 to index
        %get3A_349 = arith.constant 48 : index
        %get3A_350 = tpu.vector_load %arg20[%get3A_348, %get3A_349] {strides = array<i32>} : memref<80x80xf32, #tpu.memory_space<vmem>>, vector<1x16xf32>,
        %get3A_351 = vector.shape_cast %get3A_350 : vector<1x16xf32> to vector<16xf32>
        %mul3A_352 = arith.mulf %get3A_351, %exp3A : vector<16xf32>
        %swap3A_353 = arith.index_cast %scan3A_300 : i32 to index
        %swap3A_354 = arith.constant 48 : index
        %swap3A_355 = tpu.vector_load %arg24[%swap3A_353, %swap3A_354] {strides = array<i32>} : memref<80x80xf32, #tpu.memory_space<vmem>>, vector<1x16xf32>,
        %swap3A_356 = vector.shape_cast %swap3A_355 : vector<1x16xf32> to vector<16xf32>
        %swap3A_357 = vector.shape_cast %mul3A_352 : vector<16xf32> to vector<1x16xf32>
        tpu.vector_store %arg24[%swap3A_353, %swap3A_354], %swap3A_357 {strides = array<i32>} : memref<80x80xf32, #tpu.memory_space<vmem>>, vector<1x16xf32>,
      }
      %scan3A_235 = arith.constant 80 : i32
      "tpu.region"() ({
        %run_scoped3A = tpu.sem_alloc : memref<!tpu.dma_semaphore, #tpu.memory_space<semaphore_mem>>
        %dma_start3A_300 = arith.constant 0 : i32
        %dma_start3A_301 = arith.constant 0 : i32
        %dma_start3A_302 = tpu.memref_slice %arg25[%dma_start3A_300, %dma_start3A_301] : memref<10240x80xf32, #tpu.memory_space<vmem_shared>> -> memref<10240x80xf32, #tpu.memory_space<vmem_shared>>
        tpu.enqueue_indirect_dma source(%arg24 : memref<80x80xf32, #tpu.memory_space<vmem>>) target(%dma_start3A_302 : memref<10240x80xf32, #tpu.memory_space<vmem_shared>>) offsets(%arg16 : memref<80xi32, #tpu.memory_space<vmem>>) semaphore(%run_scoped3A : memref<!tpu.dma_semaphore, #tpu.memory_space<semaphore_mem>>) {add = true}
        %dma_wait3A_303 = arith.constant 0 : i32
        %dma_wait3A_304 = arith.constant 0 : i32
        %dma_wait3A_305 = tpu.memref_slice %arg25[%dma_wait3A_303, %dma_wait3A_304] : memref<10240x80xf32, #tpu.memory_space<vmem_shared>> -> memref<10240x80xf32, #tpu.memory_space<vmem_shared>>
        tpu.wait_indirect_dma semaphore(%run_scoped3A : memref<!tpu.dma_semaphore, #tpu.memory_space<semaphore_mem>>) src(%arg24 : memref<80x80xf32, #tpu.memory_space<vmem>>) dst(%dma_wait3A_305 : memref<10240x80xf32, #tpu.memory_space<vmem_shared>>)
        tpu.yield
      }) : () -> ()
      %dma_wait3A_236 = arith.constant 0 : i32
      %dma_wait3A_237 = tpu.memref_slice %arg4[%dma_wait3A_236] : memref<327840xi32, #tpu.memory_space<hbm>> -> memref<80xi32, #tpu.memory_space<hbm>>
      %dma_wait3A_238 = arith.constant 0 : i32
      %dma_wait3A_239 = tpu.memref_slice %arg4[%dma_wait3A_238] : memref<327840xi32, #tpu.memory_space<hbm>> -> memref<80xi32, #tpu.memory_space<hbm>>
      tpu.wait_dma2 semaphore(%arg26 : memref<!tpu.dma_semaphore, #tpu.memory_space<semaphore_mem>>) src(%dma_wait3A_239 : memref<80xi32, #tpu.memory_space<hbm>>) dst(%arg8 : memref<80xi32, #tpu.memory_space<vmem>>)
      %dma_wait3A_240 = arith.constant 0 : i32
      %dma_wait3A_241 = tpu.memref_slice %arg4[%dma_wait3A_240] : memref<327840xi32, #tpu.memory_space<hbm>> -> memref<80xi32, #tpu.memory_space<hbm>>
      %dma_wait3A_242 = arith.constant 0 : i32
      %dma_wait3A_243 = tpu.memref_slice %arg4[%dma_wait3A_242] : memref<327840xi32, #tpu.memory_space<hbm>> -> memref<80xi32, #tpu.memory_space<hbm>>
      tpu.wait_dma2 semaphore(%arg26 : memref<!tpu.dma_semaphore, #tpu.memory_space<semaphore_mem>>) src(%dma_wait3A_243 : memref<80xi32, #tpu.memory_space<hbm>>) dst(%arg9 : memref<80xi32, #tpu.memory_space<vmem>>)
      %dma_wait3A_244 = arith.constant 0 : i32
      %dma_wait3A_245 = tpu.memref_slice %arg4[%dma_wait3A_244] : memref<327840xi32, #tpu.memory_space<hbm>> -> memref<80xi32, #tpu.memory_space<hbm>>
      %dma_wait3A_246 = arith.constant 0 : i32
      %dma_wait3A_247 = tpu.memref_slice %arg4[%dma_wait3A_246] : memref<327840xi32, #tpu.memory_space<hbm>> -> memref<80xi32, #tpu.memory_space<hbm>>
      tpu.wait_dma2 semaphore(%arg26 : memref<!tpu.dma_semaphore, #tpu.memory_space<semaphore_mem>>) src(%dma_wait3A_247 : memref<80xi32, #tpu.memory_space<hbm>>) dst(%arg10 : memref<80xi32, #tpu.memory_space<vmem>>)
      %dma_start3A_248 = arith.constant 0 : i32
      %dma_start3A_249 = arith.constant 0 : i32
      %dma_start3A_250 = tpu.memref_slice %arg2[%dma_start3A_248, %dma_start3A_249] : memref<10000x80xf32, #tpu.memory_space<hbm>> -> memref<10000x80xf32, #tpu.memory_space<hbm>>
      tpu.enqueue_indirect_dma source(%dma_start3A_250 : memref<10000x80xf32, #tpu.memory_space<hbm>>) target(%arg20 : memref<80x80xf32, #tpu.memory_space<vmem>>) offsets(%arg8 : memref<80xi32, #tpu.memory_space<vmem>>) semaphore(%arg30 : memref<!tpu.dma_semaphore, #tpu.memory_space<semaphore_mem>>)
      %dma_start3A_251 = arith.constant 0 : i32
      %dma_start3A_252 = arith.constant 0 : i32
      %dma_start3A_253 = tpu.memref_slice %arg3[%dma_start3A_251, %dma_start3A_252] : memref<10000x16xf32, #tpu.memory_space<hbm>> -> memref<10000x16xf32, #tpu.memory_space<hbm>>
      tpu.enqueue_indirect_dma source(%dma_start3A_253 : memref<10000x16xf32, #tpu.memory_space<hbm>>) target(%arg21 : memref<80x16xf32, #tpu.memory_space<vmem>>) offsets(%arg9 : memref<80xi32, #tpu.memory_space<vmem>>) semaphore(%arg31 : memref<!tpu.dma_semaphore, #tpu.memory_space<semaphore_mem>>)
      %mul3A_254 = arith.constant 4 : i32
      %mul3A_255 = arith.muli %mul3A_254, %scan3A_91 : i32
      %add3A_256 = arith.constant 3 : i32
      %add3A_257 = arith.addi %mul3A_255, %add3A_256 : i32
      %add3A_258 = arith.constant 2 : i32
      %add3A_259 = arith.addi %add3A_257, %add3A_258 : i32
      %mul3A_260 = arith.constant 80 : i32
      %mul3A_261 = arith.muli %add3A_259, %mul3A_260 : i32
      %add3A_262 = arith.addi %mul3A_26, %mul3A_261 : i32
      %multiple_of3A_263 = tpu.assume_multiple %add3A_262, 8 : i32
      %dma_start3A_264 = tpu.memref_slice %arg4[%multiple_of3A_263] : memref<327840xi32, #tpu.memory_space<hbm>> -> memref<80xi32, #tpu.memory_space<hbm>>
      %dma_start3A_265 = tpu.memref_slice %arg4[%multiple_of3A_263] : memref<327840xi32, #tpu.memory_space<hbm>> -> memref<80xi32, #tpu.memory_space<hbm>>
      tpu.enqueue_dma source(%dma_start3A_265 : memref<80xi32, #tpu.memory_space<hbm>>) target(%arg11 : memref<80xi32, #tpu.memory_space<vmem>>) target_semaphore(%arg27 : memref<!tpu.dma_semaphore, #tpu.memory_space<semaphore_mem>>)
      %dma_start3A_266 = tpu.memref_slice %arg5[%multiple_of3A_263] : memref<327840xi32, #tpu.memory_space<hbm>> -> memref<80xi32, #tpu.memory_space<hbm>>
      %dma_start3A_267 = tpu.memref_slice %arg5[%multiple_of3A_263] : memref<327840xi32, #tpu.memory_space<hbm>> -> memref<80xi32, #tpu.memory_space<hbm>>
      tpu.enqueue_dma source(%dma_start3A_267 : memref<80xi32, #tpu.memory_space<hbm>>) target(%arg12 : memref<80xi32, #tpu.memory_space<vmem>>) target_semaphore(%arg27 : memref<!tpu.dma_semaphore, #tpu.memory_space<semaphore_mem>>)
      %dma_start3A_268 = tpu.memref_slice %arg6[%multiple_of3A_263] : memref<327840xi32, #tpu.memory_space<hbm>> -> memref<80xi32, #tpu.memory_space<hbm>>
      %dma_start3A_269 = tpu.memref_slice %arg6[%multiple_of3A_263] : memref<327840xi32, #tpu.memory_space<hbm>> -> memref<80xi32, #tpu.memory_space<hbm>>
      tpu.enqueue_dma source(%dma_start3A_269 : memref<80xi32, #tpu.memory_space<hbm>>) target(%arg13 : memref<80xi32, #tpu.memory_space<vmem>>) target_semaphore(%arg27 : memref<!tpu.dma_semaphore, #tpu.memory_space<semaphore_mem>>)
      %dma_wait3A_270 = arith.constant 0 : i32
      %dma_wait3A_271 = arith.constant 0 : i32
      %dma_wait3A_272 = tpu.memref_slice %arg2[%dma_wait3A_270, %dma_wait3A_271] : memref<10000x80xf32, #tpu.memory_space<hbm>> -> memref<80x80xf32, #tpu.memory_space<hbm>>
      %dma_wait3A_273 = arith.constant 0 : i32
      %dma_wait3A_274 = arith.constant 0 : i32
      %dma_wait3A_275 = tpu.memref_slice %arg2[%dma_wait3A_273, %dma_wait3A_274] : memref<10000x80xf32, #tpu.memory_space<hbm>> -> memref<80x80xf32, #tpu.memory_space<hbm>>
      tpu.wait_dma2 semaphore(%arg32 : memref<!tpu.dma_semaphore, #tpu.memory_space<semaphore_mem>>) src(%dma_wait3A_275 : memref<80x80xf32, #tpu.memory_space<hbm>>) dst(%arg22 : memref<80x80xf32, #tpu.memory_space<vmem>>)
      %dma_wait3A_276 = arith.constant 0 : i32
      %dma_wait3A_277 = arith.constant 0 : i32
      %dma_wait3A_278 = tpu.memref_slice %arg3[%dma_wait3A_276, %dma_wait3A_277] : memref<10000x16xf32, #tpu.memory_space<hbm>> -> memref<80x16xf32, #tpu.memory_space<hbm>>
      %dma_wait3A_279 = arith.constant 0 : i32
      %dma_wait3A_280 = arith.constant 0 : i32
      %dma_wait3A_281 = tpu.memref_slice %arg3[%dma_wait3A_279, %dma_wait3A_280] : memref<10000x16xf32, #tpu.memory_space<hbm>> -> memref<80x16xf32, #tpu.memory_space<hbm>>
      tpu.wait_dma2 semaphore(%arg33 : memref<!tpu.dma_semaphore, #tpu.memory_space<semaphore_mem>>) src(%dma_wait3A_281 : memref<80x16xf32, #tpu.memory_space<hbm>>) dst(%arg23 : memref<80x16xf32, #tpu.memory_space<vmem>>)
      %scan3A_282 = arith.constant 0 : i32
      %scan3A_283 = arith.constant 0 : i32
      %scan3A_284 = arith.constant 80 : i32
      %scan3A_285 = arith.addi %scan3A_283, %scan3A_284 : i32
      %scan3A_286 = arith.constant 1 : i32
      scf.for %scan3A_300 = %scan3A_283 to %scan3A_285 step %scan3A_286  : i32 {
        %get3A = arith.index_cast %scan3A_300 : i32 to index
        %get3A_301 = arith.constant 64 : index
        %get3A_302 = tpu.vector_load %arg22[%get3A, %get3A_301] {strides = array<i32>} : memref<80x80xf32, #tpu.memory_space<vmem>>, vector<1x16xf32>,
        %get3A_303 = vector.shape_cast %get3A_302 : vector<1x16xf32> to vector<16xf32>
        %get3A_304 = arith.index_cast %scan3A_300 : i32 to index
        %get3A_305 = arith.constant 0 : index
        %get3A_306 = tpu.vector_load %arg23[%get3A_304, %get3A_305] {strides = array<i32>} : memref<80x16xf32, #tpu.memory_space<vmem>>, vector<1x16xf32>,
        %get3A_307 = vector.shape_cast %get3A_306 : vector<1x16xf32> to vector<16xf32>
        %add3A_308 = arith.addf %get3A_303, %get3A_307 : vector<16xf32>
        %gt3A = arith.constant 0.000000e+00 : f32
        %gt3A_309 = vector.broadcast %gt3A : f32 to vector<16xf32>
        %gt3A_310 = arith.cmpf ogt, %add3A_308, %gt3A_309 : vector<16xf32>
        %mul3A_311 = arith.constant 2.000000e-01 : f32
        %mul3A_312 = vector.broadcast %mul3A_311 : f32 to vector<16xf32>
        %mul3A_313 = arith.mulf %mul3A_312, %add3A_308 : vector<16xf32>
        %select_n3A = arith.select %gt3A_310, %add3A_308, %mul3A_313 : vector<16xi1>, vector<16xf32>
        %exp3A = math.exp %select_n3A : vector<16xf32>
        %swap3A = arith.index_cast %scan3A_300 : i32 to index
        %swap3A_314 = arith.constant 64 : index
        %swap3A_315 = tpu.vector_load %arg24[%swap3A, %swap3A_314] {strides = array<i32>} : memref<80x80xf32, #tpu.memory_space<vmem>>, vector<1x16xf32>,
        %swap3A_316 = vector.shape_cast %swap3A_315 : vector<1x16xf32> to vector<16xf32>
        %swap3A_317 = vector.shape_cast %exp3A : vector<16xf32> to vector<1x16xf32>
        tpu.vector_store %arg24[%swap3A, %swap3A_314], %swap3A_317 {strides = array<i32>} : memref<80x80xf32, #tpu.memory_space<vmem>>, vector<1x16xf32>,
        %get3A_318 = arith.index_cast %scan3A_300 : i32 to index
        %get3A_319 = arith.constant 0 : index
        %get3A_320 = tpu.vector_load %arg22[%get3A_318, %get3A_319] {strides = array<i32>} : memref<80x80xf32, #tpu.memory_space<vmem>>, vector<1x16xf32>,
        %get3A_321 = vector.shape_cast %get3A_320 : vector<1x16xf32> to vector<16xf32>
        %mul3A_322 = arith.mulf %get3A_321, %exp3A : vector<16xf32>
        %swap3A_323 = arith.index_cast %scan3A_300 : i32 to index
        %swap3A_324 = arith.constant 0 : index
        %swap3A_325 = tpu.vector_load %arg24[%swap3A_323, %swap3A_324] {strides = array<i32>} : memref<80x80xf32, #tpu.memory_space<vmem>>, vector<1x16xf32>,
        %swap3A_326 = vector.shape_cast %swap3A_325 : vector<1x16xf32> to vector<16xf32>
        %swap3A_327 = vector.shape_cast %mul3A_322 : vector<16xf32> to vector<1x16xf32>
        tpu.vector_store %arg24[%swap3A_323, %swap3A_324], %swap3A_327 {strides = array<i32>} : memref<80x80xf32, #tpu.memory_space<vmem>>, vector<1x16xf32>,
        %get3A_328 = arith.index_cast %scan3A_300 : i32 to index
        %get3A_329 = arith.constant 16 : index
        %get3A_330 = tpu.vector_load %arg22[%get3A_328, %get3A_329] {strides = array<i32>} : memref<80x80xf32, #tpu.memory_space<vmem>>, vector<1x16xf32>,
        %get3A_331 = vector.shape_cast %get3A_330 : vector<1x16xf32> to vector<16xf32>
        %mul3A_332 = arith.mulf %get3A_331, %exp3A : vector<16xf32>
        %swap3A_333 = arith.index_cast %scan3A_300 : i32 to index
        %swap3A_334 = arith.constant 16 : index
        %swap3A_335 = tpu.vector_load %arg24[%swap3A_333, %swap3A_334] {strides = array<i32>} : memref<80x80xf32, #tpu.memory_space<vmem>>, vector<1x16xf32>,
        %swap3A_336 = vector.shape_cast %swap3A_335 : vector<1x16xf32> to vector<16xf32>
        %swap3A_337 = vector.shape_cast %mul3A_332 : vector<16xf32> to vector<1x16xf32>
        tpu.vector_store %arg24[%swap3A_333, %swap3A_334], %swap3A_337 {strides = array<i32>} : memref<80x80xf32, #tpu.memory_space<vmem>>, vector<1x16xf32>,
        %get3A_338 = arith.index_cast %scan3A_300 : i32 to index
        %get3A_339 = arith.constant 32 : index
        %get3A_340 = tpu.vector_load %arg22[%get3A_338, %get3A_339] {strides = array<i32>} : memref<80x80xf32, #tpu.memory_space<vmem>>, vector<1x16xf32>,
        %get3A_341 = vector.shape_cast %get3A_340 : vector<1x16xf32> to vector<16xf32>
        %mul3A_342 = arith.mulf %get3A_341, %exp3A : vector<16xf32>
        %swap3A_343 = arith.index_cast %scan3A_300 : i32 to index
        %swap3A_344 = arith.constant 32 : index
        %swap3A_345 = tpu.vector_load %arg24[%swap3A_343, %swap3A_344] {strides = array<i32>} : memref<80x80xf32, #tpu.memory_space<vmem>>, vector<1x16xf32>,
        %swap3A_346 = vector.shape_cast %swap3A_345 : vector<1x16xf32> to vector<16xf32>
        %swap3A_347 = vector.shape_cast %mul3A_342 : vector<16xf32> to vector<1x16xf32>
        tpu.vector_store %arg24[%swap3A_343, %swap3A_344], %swap3A_347 {strides = array<i32>} : memref<80x80xf32, #tpu.memory_space<vmem>>, vector<1x16xf32>,
        %get3A_348 = arith.index_cast %scan3A_300 : i32 to index
        %get3A_349 = arith.constant 48 : index
        %get3A_350 = tpu.vector_load %arg22[%get3A_348, %get3A_349] {strides = array<i32>} : memref<80x80xf32, #tpu.memory_space<vmem>>, vector<1x16xf32>,
        %get3A_351 = vector.shape_cast %get3A_350 : vector<1x16xf32> to vector<16xf32>
        %mul3A_352 = arith.mulf %get3A_351, %exp3A : vector<16xf32>
        %swap3A_353 = arith.index_cast %scan3A_300 : i32 to index
        %swap3A_354 = arith.constant 48 : index
        %swap3A_355 = tpu.vector_load %arg24[%swap3A_353, %swap3A_354] {strides = array<i32>} : memref<80x80xf32, #tpu.memory_space<vmem>>, vector<1x16xf32>,
        %swap3A_356 = vector.shape_cast %swap3A_355 : vector<1x16xf32> to vector<16xf32>
        %swap3A_357 = vector.shape_cast %mul3A_352 : vector<16xf32> to vector<1x16xf32>
        tpu.vector_store %arg24[%swap3A_353, %swap3A_354], %swap3A_357 {strides = array<i32>} : memref<80x80xf32, #tpu.memory_space<vmem>>, vector<1x16xf32>,
      }
      %scan3A_287 = arith.constant 80 : i32
      "tpu.region"() ({
        %run_scoped3A = tpu.sem_alloc : memref<!tpu.dma_semaphore, #tpu.memory_space<semaphore_mem>>
        %dma_start3A_300 = arith.constant 0 : i32
        %dma_start3A_301 = arith.constant 0 : i32
        %dma_start3A_302 = tpu.memref_slice %arg25[%dma_start3A_300, %dma_start3A_301] : memref<10240x80xf32, #tpu.memory_space<vmem_shared>> -> memref<10240x80xf32, #tpu.memory_space<vmem_shared>>
        tpu.enqueue_indirect_dma source(%arg24 : memref<80x80xf32, #tpu.memory_space<vmem>>) target(%dma_start3A_302 : memref<10240x80xf32, #tpu.memory_space<vmem_shared>>) offsets(%arg19 : memref<80xi32, #tpu.memory_space<vmem>>) semaphore(%run_scoped3A : memref<!tpu.dma_semaphore, #tpu.memory_space<semaphore_mem>>) {add = true}
        %dma_wait3A_303 = arith.constant 0 : i32
        %dma_wait3A_304 = arith.constant 0 : i32
        %dma_wait3A_305 = tpu.memref_slice %arg25[%dma_wait3A_303, %dma_wait3A_304] : memref<10240x80xf32, #tpu.memory_space<vmem_shared>> -> memref<10240x80xf32, #tpu.memory_space<vmem_shared>>
        tpu.wait_indirect_dma semaphore(%run_scoped3A : memref<!tpu.dma_semaphore, #tpu.memory_space<semaphore_mem>>) src(%arg24 : memref<80x80xf32, #tpu.memory_space<vmem>>) dst(%dma_wait3A_305 : memref<10240x80xf32, #tpu.memory_space<vmem_shared>>)
        tpu.yield
      }) : () -> ()
      %dma_wait3A_288 = arith.constant 0 : i32
      %dma_wait3A_289 = tpu.memref_slice %arg4[%dma_wait3A_288] : memref<327840xi32, #tpu.memory_space<hbm>> -> memref<80xi32, #tpu.memory_space<hbm>>
      %dma_wait3A_290 = arith.constant 0 : i32
      %dma_wait3A_291 = tpu.memref_slice %arg4[%dma_wait3A_290] : memref<327840xi32, #tpu.memory_space<hbm>> -> memref<80xi32, #tpu.memory_space<hbm>>
      tpu.wait_dma2 semaphore(%arg27 : memref<!tpu.dma_semaphore, #tpu.memory_space<semaphore_mem>>) src(%dma_wait3A_291 : memref<80xi32, #tpu.memory_space<hbm>>) dst(%arg11 : memref<80xi32, #tpu.memory_space<vmem>>)
      %dma_wait3A_292 = arith.constant 0 : i32
      %dma_wait3A_293 = tpu.memref_slice %arg4[%dma_wait3A_292] : memref<327840xi32, #tpu.memory_space<hbm>> -> memref<80xi32, #tpu.memory_space<hbm>>
      %dma_wait3A_294 = arith.constant 0 : i32
      %dma_wait3A_295 = tpu.memref_slice %arg4[%dma_wait3A_294] : memref<327840xi32, #tpu.memory_space<hbm>> -> memref<80xi32, #tpu.memory_space<hbm>>
      tpu.wait_dma2 semaphore(%arg27 : memref<!tpu.dma_semaphore, #tpu.memory_space<semaphore_mem>>) src(%dma_wait3A_295 : memref<80xi32, #tpu.memory_space<hbm>>) dst(%arg12 : memref<80xi32, #tpu.memory_space<vmem>>)
      %dma_wait3A_296 = arith.constant 0 : i32
      %dma_wait3A_297 = tpu.memref_slice %arg4[%dma_wait3A_296] : memref<327840xi32, #tpu.memory_space<hbm>> -> memref<80xi32, #tpu.memory_space<hbm>>
      %dma_wait3A_298 = arith.constant 0 : i32
      %dma_wait3A_299 = tpu.memref_slice %arg4[%dma_wait3A_298] : memref<327840xi32, #tpu.memory_space<hbm>> -> memref<80xi32, #tpu.memory_space<hbm>>
      tpu.wait_dma2 semaphore(%arg27 : memref<!tpu.dma_semaphore, #tpu.memory_space<semaphore_mem>>) src(%dma_wait3A_299 : memref<80xi32, #tpu.memory_space<hbm>>) dst(%arg13 : memref<80xi32, #tpu.memory_space<vmem>>)
    }
    %scan3A_77 = arith.constant 32 : i32
    %dma_wait3A_78 = arith.constant 0 : i32
    %dma_wait3A_79 = arith.constant 0 : i32
    %dma_wait3A_80 = tpu.memref_slice %arg2[%dma_wait3A_78, %dma_wait3A_79] : memref<10000x80xf32, #tpu.memory_space<hbm>> -> memref<80x80xf32, #tpu.memory_space<hbm>>
    %dma_wait3A_81 = arith.constant 0 : i32
    %dma_wait3A_82 = arith.constant 0 : i32
    %dma_wait3A_83 = tpu.memref_slice %arg2[%dma_wait3A_81, %dma_wait3A_82] : memref<10000x80xf32, #tpu.memory_space<hbm>> -> memref<80x80xf32, #tpu.memory_space<hbm>>
    tpu.wait_dma2 semaphore(%arg30 : memref<!tpu.dma_semaphore, #tpu.memory_space<semaphore_mem>>) src(%dma_wait3A_83 : memref<80x80xf32, #tpu.memory_space<hbm>>) dst(%arg20 : memref<80x80xf32, #tpu.memory_space<vmem>>)
    %dma_wait3A_84 = arith.constant 0 : i32
    %dma_wait3A_85 = arith.constant 0 : i32
    %dma_wait3A_86 = tpu.memref_slice %arg3[%dma_wait3A_84, %dma_wait3A_85] : memref<10000x16xf32, #tpu.memory_space<hbm>> -> memref<80x16xf32, #tpu.memory_space<hbm>>
    %dma_wait3A_87 = arith.constant 0 : i32
    %dma_wait3A_88 = arith.constant 0 : i32
    %dma_wait3A_89 = tpu.memref_slice %arg3[%dma_wait3A_87, %dma_wait3A_88] : memref<10000x16xf32, #tpu.memory_space<hbm>> -> memref<80x16xf32, #tpu.memory_space<hbm>>
    tpu.wait_dma2 semaphore(%arg31 : memref<!tpu.dma_semaphore, #tpu.memory_space<semaphore_mem>>) src(%dma_wait3A_89 : memref<80x16xf32, #tpu.memory_space<hbm>>) dst(%arg21 : memref<80x16xf32, #tpu.memory_space<vmem>>)
    %barrier3A_90 = arith.constant 0 : index
    tpu.barrier barrier_id(%barrier3A_90)
    "tpu.region"() ({
      %run_scoped3A = tpu.sem_alloc : memref<!tpu.dma_semaphore, #tpu.memory_space<semaphore_mem>>
      %dma_start3A_91 = arith.constant 0 : i32
      %dma_start3A_92 = tpu.memref_slice %arg7[%arg0, %mul3A_6, %dma_start3A_91] : memref<2x10240x80xf32, #tpu.memory_space<hbm>> -> memref<1x640x80xf32, #tpu.memory_space<hbm>>
      %dma_start3A_93 = tpu.memref_squeeze %dma_start3A_92 : memref<1x640x80xf32, #tpu.memory_space<hbm>> -> memref<640x80xf32, #tpu.memory_space<hbm>>
      %dma_start3A_94 = arith.constant 0 : i32
      %dma_start3A_95 = tpu.memref_slice %arg25[%mul3A_6, %dma_start3A_94] : memref<10240x80xf32, #tpu.memory_space<vmem_shared>> -> memref<640x80xf32, #tpu.memory_space<vmem_shared>>
      tpu.enqueue_dma source(%dma_start3A_95 : memref<640x80xf32, #tpu.memory_space<vmem_shared>>) target(%dma_start3A_93 : memref<640x80xf32, #tpu.memory_space<hbm>>) target_semaphore(%run_scoped3A : memref<!tpu.dma_semaphore, #tpu.memory_space<semaphore_mem>>)
      %dma_wait3A_96 = arith.constant 0 : i32
      %dma_wait3A_97 = tpu.memref_slice %arg7[%arg0, %mul3A_6, %dma_wait3A_96] : memref<2x10240x80xf32, #tpu.memory_space<hbm>> -> memref<1x640x80xf32, #tpu.memory_space<hbm>>
      %dma_wait3A_98 = tpu.memref_squeeze %dma_wait3A_97 : memref<1x640x80xf32, #tpu.memory_space<hbm>> -> memref<640x80xf32, #tpu.memory_space<hbm>>
      %dma_wait3A_99 = arith.constant 0 : i32
      %dma_wait3A_100 = tpu.memref_slice %arg25[%mul3A_6, %dma_wait3A_99] : memref<10240x80xf32, #tpu.memory_space<vmem_shared>> -> memref<640x80xf32, #tpu.memory_space<vmem_shared>>
      tpu.wait_dma2 semaphore(%run_scoped3A : memref<!tpu.dma_semaphore, #tpu.memory_space<semaphore_mem>>) src(%dma_wait3A_100 : memref<640x80xf32, #tpu.memory_space<vmem_shared>>) dst(%dma_wait3A_98 : memref<640x80xf32, #tpu.memory_space<hbm>>)
      tpu.yield
    }) : () -> ()
    return
  }
}

module attributes {stable_mosaic.version = 14 : i64} {
  func.func @body(%arg0: i32, %arg1: memref<1000x128xf32, #tpu.memory_space<vmem>>, %arg2: memref<128x128xf32, #tpu.memory_space<vmem>>, %arg3: memref<128x16xf32, #tpu.memory_space<vmem>>, %arg4: memref<1000x144xf32, #tpu.memory_space<vmem>>, %arg5: memref<1000x16xf32, #tpu.memory_space<vmem>>) attributes {dimension_semantics = [#tpu.dimension_semantics<arbitrary>], iteration_bounds = array<i64: 10>, scalar_prefetch = 0 : i64, scratch_operands = 0 : i64, tpu.core_type = #tpu.core_type<tc>, window_params = [{transform_indices = @transform_0, window_bounds = array<i64: 1000, 128>}, {pipeline_mode = #tpu.pipeline_mode<synchronous>, transform_indices = @transform_1, window_bounds = array<i64: 128, 128>}, {pipeline_mode = #tpu.pipeline_mode<synchronous>, transform_indices = @transform_2, window_bounds = array<i64: 128, 16>}, {transform_indices = @transform_3, window_bounds = array<i64: 1000, 144>}, {transform_indices = @transform_4, window_bounds = array<i64: 1000, 16>}]} {
    %get3A = arith.constant 0 : index
    %get3A_0 = arith.constant 0 : index
    %get3A_1 = vector.load %arg1[%get3A, %get3A_0] : memref<1000x128xf32, #tpu.memory_space<vmem>>, vector<1000x128xf32>
    %get3A_2 = arith.constant 0 : index
    %get3A_3 = arith.constant 0 : index
    %get3A_4 = vector.load %arg2[%get3A_2, %get3A_3] : memref<128x128xf32, #tpu.memory_space<vmem>>, vector<128x128xf32>
    %dot_general3A = arith.constant dense<0.000000e+00> : vector<1000x128xf32>
    %dot_general3A_5 = tpu.matmul %get3A_1, %get3A_4, %dot_general3A {dimension_numbers = #tpu.dot_dimension_numbers<[1], [0], [0], [1], [0, 0, 1, 1], [], []>, transpose_lhs_hint = false} : vector<1000x128xf32>, vector<128x128xf32>, vector<1000x128xf32> -> vector<1000x128xf32>
    %get3A_6 = arith.constant 0 : index
    %get3A_7 = arith.constant 0 : index
    %get3A_8 = vector.load %arg3[%get3A_6, %get3A_7] : memref<128x16xf32, #tpu.memory_space<vmem>>, vector<128x16xf32>
    %dot_general3A_9 = arith.constant dense<0.000000e+00> : vector<1000x16xf32>
    %dot_general3A_10 = tpu.matmul %dot_general3A_5, %get3A_8, %dot_general3A_9 {dimension_numbers = #tpu.dot_dimension_numbers<[1], [0], [0], [1], [0, 0, 1, 1], [], []>, transpose_lhs_hint = false} : vector<1000x128xf32>, vector<128x16xf32>, vector<1000x16xf32> -> vector<1000x16xf32>
    %slice3A = vector.extract_strided_slice %dot_general3A_10 {offsets = [0, 0], sizes = [1000, 8], strides = [1, 1]} : vector<1000x16xf32> to vector<1000x8xf32>
    %slice3A_11 = vector.extract_strided_slice %dot_general3A_10 {offsets = [0, 8], sizes = [1000, 8], strides = [1, 1]} : vector<1000x16xf32> to vector<1000x8xf32>
    %concatenate3A = tpu.concatenate %dot_general3A_5, %slice3A, %slice3A in 1 : vector<1000x128xf32>, vector<1000x8xf32>, vector<1000x8xf32> -> vector<1000x144xf32>
    %swap3A = arith.constant 0 : index
    %swap3A_12 = arith.constant 0 : index
    %swap3A_13 = vector.load %arg4[%swap3A, %swap3A_12] : memref<1000x144xf32, #tpu.memory_space<vmem>>, vector<1000x144xf32>
    tpu.vector_store %arg4[%swap3A, %swap3A_12], %concatenate3A {strides = array<i32>} : memref<1000x144xf32, #tpu.memory_space<vmem>>, vector<1000x144xf32>,
    %concatenate3A_14 = tpu.concatenate %slice3A_11, %slice3A_11 in 1 : vector<1000x8xf32>, vector<1000x8xf32> -> vector<1000x16xf32>
    %swap3A_15 = arith.constant 0 : index
    %swap3A_16 = arith.constant 0 : index
    %swap3A_17 = vector.load %arg5[%swap3A_15, %swap3A_16] : memref<1000x16xf32, #tpu.memory_space<vmem>>, vector<1000x16xf32>
    tpu.vector_store %arg5[%swap3A_15, %swap3A_16], %concatenate3A_14 {strides = array<i32>} : memref<1000x16xf32, #tpu.memory_space<vmem>>, vector<1000x16xf32>,
    return
  }
  func.func @transform_0(%arg0: i32) -> (i32, i32) {
    %c0_i32 = arith.constant 0 : i32
    %c0_i32_0 = arith.constant 0 : i32
    return %arg0, %c0_i32 : i32, i32
  }
  func.func @transform_1(%arg0: i32) -> (i32, i32) {
    %c0_i32 = arith.constant 0 : i32
    %c0_i32_0 = arith.constant 0 : i32
    %c0_i32_1 = arith.constant 0 : i32
    return %c0_i32, %c0_i32_0 : i32, i32
  }
  func.func @transform_2(%arg0: i32) -> (i32, i32) {
    %c0_i32 = arith.constant 0 : i32
    %c0_i32_0 = arith.constant 0 : i32
    %c0_i32_1 = arith.constant 0 : i32
    return %c0_i32, %c0_i32_0 : i32, i32
  }
  func.func @transform_3(%arg0: i32) -> (i32, i32) {
    %c0_i32 = arith.constant 0 : i32
    %c0_i32_0 = arith.constant 0 : i32
    return %arg0, %c0_i32 : i32, i32
  }
  func.func @transform_4(%arg0: i32) -> (i32, i32) {
    %c0_i32 = arith.constant 0 : i32
    %c0_i32_0 = arith.constant 0 : i32
    return %arg0, %c0_i32 : i32, i32
  }
}

module attributes {stable_mosaic.version = 14 : i64} {
  func.func @body(%arg0: i32, %arg1: memref<1x1000x144xf32, #tpu.memory_space<vmem>>, %arg2: memref<1x1000x144xf32, #tpu.memory_space<vmem>>, %arg3: memref<1000x144xf32, #tpu.memory_space<vmem>>, %arg4: memref<1000x16xf32, #tpu.memory_space<vmem>>, %arg5: memref<128x64xf32, #tpu.memory_space<vmem>>, %arg6: memref<64x32xf32, #tpu.memory_space<vmem>>, %arg7: memref<8x128xf32, #tpu.memory_space<vmem>>, %arg8: memref<3x128xf32, #tpu.memory_space<vmem>>, %arg9: memref<1000x80xf32, #tpu.memory_space<vmem>>, %arg10: memref<1000x16xf32, #tpu.memory_space<vmem>>) attributes {dimension_semantics = [#tpu.dimension_semantics<arbitrary>], iteration_bounds = array<i64: 10>, scalar_prefetch = 0 : i64, scratch_operands = 0 : i64, tpu.core_type = #tpu.core_type<tc>, window_params = [{transform_indices = @transform_0, window_bounds = array<i64: 1, 1000, 144>}, {transform_indices = @transform_1, window_bounds = array<i64: 1, 1000, 144>}, {transform_indices = @transform_2, window_bounds = array<i64: 1000, 144>}, {transform_indices = @transform_3, window_bounds = array<i64: 1000, 16>}, {pipeline_mode = #tpu.pipeline_mode<synchronous>, transform_indices = @transform_4, window_bounds = array<i64: 128, 64>}, {pipeline_mode = #tpu.pipeline_mode<synchronous>, transform_indices = @transform_5, window_bounds = array<i64: 64, 32>}, {pipeline_mode = #tpu.pipeline_mode<synchronous>, transform_indices = @transform_6, window_bounds = array<i64: 8, 128>}, {pipeline_mode = #tpu.pipeline_mode<synchronous>, transform_indices = @transform_7, window_bounds = array<i64: 3, 128>}, {transform_indices = @transform_8, window_bounds = array<i64: 1000, 80>}, {transform_indices = @transform_9, window_bounds = array<i64: 1000, 16>}]} {
    %get3A = arith.constant 0 : index
    %get3A_0 = arith.constant 0 : index
    %get3A_1 = arith.constant 0 : index
    %get3A_2 = vector.load %arg1[%get3A, %get3A_0, %get3A_1] : memref<1x1000x144xf32, #tpu.memory_space<vmem>>, vector<1x1000x144xf32>
    %get3A_3 = vector.shape_cast %get3A_2 : vector<1x1000x144xf32> to vector<1000x144xf32>
    %get3A_4 = arith.constant 0 : index
    %get3A_5 = arith.constant 0 : index
    %get3A_6 = arith.constant 0 : index
    %get3A_7 = vector.load %arg2[%get3A_4, %get3A_5, %get3A_6] : memref<1x1000x144xf32, #tpu.memory_space<vmem>>, vector<1x1000x144xf32>
    %get3A_8 = vector.shape_cast %get3A_7 : vector<1x1000x144xf32> to vector<1000x144xf32>
    %get3A_9 = arith.constant 0 : index
    %get3A_10 = arith.constant 0 : index
    %get3A_11 = vector.load %arg3[%get3A_9, %get3A_10] : memref<1000x144xf32, #tpu.memory_space<vmem>>, vector<1000x128xf32>
    %get3A_12 = arith.constant 0 : index
    %get3A_13 = arith.constant 128 : index
    %get3A_14 = vector.load %arg3[%get3A_12, %get3A_13] : memref<1000x144xf32, #tpu.memory_space<vmem>>, vector<1000x8xf32>
    %get3A_15 = arith.constant 0 : index
    %get3A_16 = arith.constant 0 : index
    %get3A_17 = vector.load %arg4[%get3A_15, %get3A_16] : memref<1000x16xf32, #tpu.memory_space<vmem>>, vector<1000x8xf32>
    %add3A = arith.addf %get3A_14, %get3A_17 : vector<1000x8xf32>
    %gt3A = arith.constant 0.000000e+00 : f32
    %gt3A_18 = vector.broadcast %gt3A : f32 to vector<1000x8xf32>
    %gt3A_19 = arith.cmpf ogt, %add3A, %gt3A_18 : vector<1000x8xf32>
    %mul3A = arith.constant 2.000000e-01 : f32
    %mul3A_20 = vector.broadcast %mul3A : f32 to vector<1000x8xf32>
    %mul3A_21 = arith.mulf %mul3A_20, %add3A : vector<1000x8xf32>
    %select_n3A = arith.select %gt3A_19, %add3A, %mul3A_21 : vector<1000x8xi1>, vector<1000x8xf32>
    %exp3A = math.exp %select_n3A : vector<1000x8xf32>
    %slice3A = vector.extract_strided_slice %get3A_3 {offsets = [0, 128], sizes = [1000, 8], strides = [1, 1]} : vector<1000x144xf32> to vector<1000x8xf32>
    %slice3A_22 = vector.extract_strided_slice %get3A_8 {offsets = [0, 128], sizes = [1000, 8], strides = [1, 1]} : vector<1000x144xf32> to vector<1000x8xf32>
    %add3A_23 = arith.addf %slice3A, %slice3A_22 : vector<1000x8xf32>
    %add3A_24 = arith.addf %add3A_23, %exp3A : vector<1000x8xf32>
    %get3A_25 = arith.constant 0 : index
    %get3A_26 = arith.constant 0 : index
    %get3A_27 = vector.load %arg7[%get3A_25, %get3A_26] : memref<8x128xf32, #tpu.memory_space<vmem>>, vector<8x128xf32>
    %dot_general3A = arith.constant dense<0.000000e+00> : vector<1000x128xf32>
    %dot_general3A_28 = tpu.matmul %exp3A, %get3A_27, %dot_general3A {dimension_numbers = #tpu.dot_dimension_numbers<[1], [0], [0], [1], [0, 0, 1, 1], [], []>, transpose_lhs_hint = false} : vector<1000x8xf32>, vector<8x128xf32>, vector<1000x128xf32> -> vector<1000x128xf32>
    %get3A_29 = arith.constant 0 : index
    %get3A_30 = arith.constant 0 : index
    %get3A_31 = vector.load %arg7[%get3A_29, %get3A_30] : memref<8x128xf32, #tpu.memory_space<vmem>>, vector<8x128xf32>
    %dot_general3A_32 = arith.constant dense<0.000000e+00> : vector<1000x128xf32>
    %dot_general3A_33 = tpu.matmul %add3A_24, %get3A_31, %dot_general3A_32 {dimension_numbers = #tpu.dot_dimension_numbers<[1], [0], [0], [1], [0, 0, 1, 1], [], []>, transpose_lhs_hint = false} : vector<1000x8xf32>, vector<8x128xf32>, vector<1000x128xf32> -> vector<1000x128xf32>
    %slice3A_34 = vector.extract_strided_slice %get3A_3 {offsets = [0, 0], sizes = [1000, 128], strides = [1, 1]} : vector<1000x144xf32> to vector<1000x128xf32>
    %slice3A_35 = vector.extract_strided_slice %get3A_8 {offsets = [0, 0], sizes = [1000, 128], strides = [1, 1]} : vector<1000x144xf32> to vector<1000x128xf32>
    %add3A_36 = arith.addf %slice3A_34, %slice3A_35 : vector<1000x128xf32>
    %mul3A_37 = arith.mulf %dot_general3A_28, %get3A_11 : vector<1000x128xf32>
    %add3A_38 = arith.addf %add3A_36, %mul3A_37 : vector<1000x128xf32>
    %get3A_39 = arith.constant 0 : index
    %get3A_40 = arith.constant 0 : index
    %get3A_41 = vector.load %arg8[%get3A_39, %get3A_40] : memref<3x128xf32, #tpu.memory_space<vmem>>, vector<3x128xf32>
    %add3A_42 = arith.constant 1.000000e-16 : f32
    %add3A_43 = vector.broadcast %add3A_42 : f32 to vector<1000x128xf32>
    %add3A_44 = arith.addf %dot_general3A_33, %add3A_43 : vector<1000x128xf32>
    %div3A = arith.divf %add3A_38, %add3A_44 : vector<1000x128xf32>
    %slice3A_45 = vector.extract_strided_slice %get3A_41 {offsets = [0, 0], sizes = [1, 128], strides = [1, 1]} : vector<3x128xf32> to vector<1x128xf32>
    %add3A_46 = vector.broadcast %slice3A_45 : vector<1x128xf32> to vector<1000x128xf32>
    %add3A_47 = arith.addf %div3A, %add3A_46 : vector<1000x128xf32>
    %slice3A_48 = vector.extract_strided_slice %get3A_41 {offsets = [1, 0], sizes = [1, 128], strides = [1, 1]} : vector<3x128xf32> to vector<1x128xf32>
    %mul3A_49 = vector.broadcast %slice3A_48 : vector<1x128xf32> to vector<1000x128xf32>
    %mul3A_50 = arith.mulf %add3A_47, %mul3A_49 : vector<1000x128xf32>
    %slice3A_51 = vector.extract_strided_slice %get3A_41 {offsets = [2, 0], sizes = [1, 128], strides = [1, 1]} : vector<3x128xf32> to vector<1x128xf32>
    %add3A_52 = vector.broadcast %slice3A_51 : vector<1x128xf32> to vector<1000x128xf32>
    %add3A_53 = arith.addf %mul3A_50, %add3A_52 : vector<1000x128xf32>
    %gt3A_54 = arith.constant 0.000000e+00 : f32
    %gt3A_55 = vector.broadcast %gt3A_54 : f32 to vector<1000x128xf32>
    %gt3A_56 = arith.cmpf ogt, %add3A_53, %gt3A_55 : vector<1000x128xf32>
    %exp3A_57 = math.exp %add3A_53 : vector<1000x128xf32>
    %sub3A = arith.constant 1.000000e+00 : f32
    %sub3A_58 = vector.broadcast %sub3A : f32 to vector<1000x128xf32>
    %sub3A_59 = arith.subf %exp3A_57, %sub3A_58 : vector<1000x128xf32>
    %select_n3A_60 = arith.select %gt3A_56, %add3A_53, %sub3A_59 : vector<1000x128xi1>, vector<1000x128xf32>
    %get3A_61 = arith.constant 0 : index
    %get3A_62 = arith.constant 0 : index
    %get3A_63 = vector.load %arg5[%get3A_61, %get3A_62] : memref<128x64xf32, #tpu.memory_space<vmem>>, vector<128x64xf32>
    %dot_general3A_64 = arith.constant dense<0.000000e+00> : vector<1000x64xf32>
    %dot_general3A_65 = tpu.matmul %select_n3A_60, %get3A_63, %dot_general3A_64 {dimension_numbers = #tpu.dot_dimension_numbers<[1], [0], [0], [1], [0, 0, 1, 1], [], []>, transpose_lhs_hint = false} : vector<1000x128xf32>, vector<128x64xf32>, vector<1000x64xf32> -> vector<1000x64xf32>
    %get3A_66 = arith.constant 0 : index
    %get3A_67 = arith.constant 0 : index
    %get3A_68 = vector.load %arg6[%get3A_66, %get3A_67] : memref<64x32xf32, #tpu.memory_space<vmem>>, vector<64x32xf32>
    %dot_general3A_69 = arith.constant dense<0.000000e+00> : vector<1000x32xf32>
    %dot_general3A_70 = tpu.matmul %dot_general3A_65, %get3A_68, %dot_general3A_69 {dimension_numbers = #tpu.dot_dimension_numbers<[1], [0], [0], [1], [0, 0, 1, 1], [], []>, transpose_lhs_hint = false} : vector<1000x64xf32>, vector<64x32xf32>, vector<1000x32xf32> -> vector<1000x32xf32>
    %slice3A_71 = vector.extract_strided_slice %dot_general3A_70 {offsets = [0, 0], sizes = [1000, 16], strides = [1, 1]} : vector<1000x32xf32> to vector<1000x16xf32>
    %concatenate3A = tpu.concatenate %dot_general3A_65, %slice3A_71 in 1 : vector<1000x64xf32>, vector<1000x16xf32> -> vector<1000x80xf32>
    %swap3A = arith.constant 0 : index
    %swap3A_72 = arith.constant 0 : index
    %swap3A_73 = vector.load %arg9[%swap3A, %swap3A_72] : memref<1000x80xf32, #tpu.memory_space<vmem>>, vector<1000x80xf32>
    tpu.vector_store %arg9[%swap3A, %swap3A_72], %concatenate3A {strides = array<i32>} : memref<1000x80xf32, #tpu.memory_space<vmem>>, vector<1000x80xf32>,
    %slice3A_74 = vector.extract_strided_slice %dot_general3A_70 {offsets = [0, 16], sizes = [1000, 16], strides = [1, 1]} : vector<1000x32xf32> to vector<1000x16xf32>
    %swap3A_75 = arith.constant 0 : index
    %swap3A_76 = arith.constant 0 : index
    %swap3A_77 = vector.load %arg10[%swap3A_75, %swap3A_76] : memref<1000x16xf32, #tpu.memory_space<vmem>>, vector<1000x16xf32>
    tpu.vector_store %arg10[%swap3A_75, %swap3A_76], %slice3A_74 {strides = array<i32>} : memref<1000x16xf32, #tpu.memory_space<vmem>>, vector<1000x16xf32>,
    return
  }
  func.func @transform_0(%arg0: i32) -> (i32, i32, i32) {
    %c0_i32 = arith.constant 0 : i32
    %c0_i32_0 = arith.constant 0 : i32
    %c0_i32_1 = arith.constant 0 : i32
    return %c0_i32, %arg0, %c0_i32_0 : i32, i32, i32
  }
  func.func @transform_1(%arg0: i32) -> (i32, i32, i32) {
    %c1_i32 = arith.constant 1 : i32
    %c0_i32 = arith.constant 0 : i32
    %c0_i32_0 = arith.constant 0 : i32
    return %c1_i32, %arg0, %c0_i32 : i32, i32, i32
  }
  func.func @transform_2(%arg0: i32) -> (i32, i32) {
    %c0_i32 = arith.constant 0 : i32
    %c0_i32_0 = arith.constant 0 : i32
    return %arg0, %c0_i32 : i32, i32
  }
  func.func @transform_3(%arg0: i32) -> (i32, i32) {
    %c0_i32 = arith.constant 0 : i32
    %c0_i32_0 = arith.constant 0 : i32
    return %arg0, %c0_i32 : i32, i32
  }
  func.func @transform_4(%arg0: i32) -> (i32, i32) {
    %c0_i32 = arith.constant 0 : i32
    %c0_i32_0 = arith.constant 0 : i32
    %c0_i32_1 = arith.constant 0 : i32
    return %c0_i32, %c0_i32_0 : i32, i32
  }
  func.func @transform_5(%arg0: i32) -> (i32, i32) {
    %c0_i32 = arith.constant 0 : i32
    %c0_i32_0 = arith.constant 0 : i32
    %c0_i32_1 = arith.constant 0 : i32
    return %c0_i32, %c0_i32_0 : i32, i32
  }
  func.func @transform_6(%arg0: i32) -> (i32, i32) {
    %c0_i32 = arith.constant 0 : i32
    %c0_i32_0 = arith.constant 0 : i32
    %c0_i32_1 = arith.constant 0 : i32
    return %c0_i32, %c0_i32_0 : i32, i32
  }
  func.func @transform_7(%arg0: i32) -> (i32, i32) {
    %c0_i32 = arith.constant 0 : i32
    %c0_i32_0 = arith.constant 0 : i32
    %c0_i32_1 = arith.constant 0 : i32
    return %c0_i32, %c0_i32_0 : i32, i32
  }
  func.func @transform_8(%arg0: i32) -> (i32, i32) {
    %c0_i32 = arith.constant 0 : i32
    %c0_i32_0 = arith.constant 0 : i32
    return %arg0, %c0_i32 : i32, i32
  }
  func.func @transform_9(%arg0: i32) -> (i32, i32) {
    %c0_i32 = arith.constant 0 : i32
    %c0_i32_0 = arith.constant 0 : i32
    return %arg0, %c0_i32 : i32, i32
  }
}

module attributes {stable_mosaic.version = 14 : i64} {
  func.func @body(%arg0: i32, %arg1: memref<1x1000x80xf32, #tpu.memory_space<vmem>>, %arg2: memref<1x1000x80xf32, #tpu.memory_space<vmem>>, %arg3: memref<1000x80xf32, #tpu.memory_space<vmem>>, %arg4: memref<1000x16xf32, #tpu.memory_space<vmem>>, %arg5: memref<1x64xf32, #tpu.memory_space<vmem>>, %arg6: memref<1000x64xf32, #tpu.memory_space<vmem>>) attributes {dimension_semantics = [#tpu.dimension_semantics<arbitrary>], iteration_bounds = array<i64: 10>, scalar_prefetch = 0 : i64, scratch_operands = 0 : i64, tpu.core_type = #tpu.core_type<tc>, window_params = [{transform_indices = @transform_0, window_bounds = array<i64: 1, 1000, 80>}, {transform_indices = @transform_1, window_bounds = array<i64: 1, 1000, 80>}, {transform_indices = @transform_2, window_bounds = array<i64: 1000, 80>}, {transform_indices = @transform_3, window_bounds = array<i64: 1000, 16>}, {pipeline_mode = #tpu.pipeline_mode<synchronous>, transform_indices = @transform_4, window_bounds = array<i64: 1, 64>}, {transform_indices = @transform_5, window_bounds = array<i64: 1000, 64>}]} {
    %get3A = arith.constant 0 : index
    %get3A_0 = arith.constant 0 : index
    %get3A_1 = arith.constant 0 : index
    %get3A_2 = vector.load %arg1[%get3A, %get3A_0, %get3A_1] : memref<1x1000x80xf32, #tpu.memory_space<vmem>>, vector<1x1000x80xf32>
    %get3A_3 = vector.shape_cast %get3A_2 : vector<1x1000x80xf32> to vector<1000x80xf32>
    %get3A_4 = arith.constant 0 : index
    %get3A_5 = arith.constant 0 : index
    %get3A_6 = arith.constant 0 : index
    %get3A_7 = vector.load %arg2[%get3A_4, %get3A_5, %get3A_6] : memref<1x1000x80xf32, #tpu.memory_space<vmem>>, vector<1x1000x80xf32>
    %get3A_8 = vector.shape_cast %get3A_7 : vector<1x1000x80xf32> to vector<1000x80xf32>
    %get3A_9 = arith.constant 0 : index
    %get3A_10 = arith.constant 0 : index
    %get3A_11 = vector.load %arg3[%get3A_9, %get3A_10] : memref<1000x80xf32, #tpu.memory_space<vmem>>, vector<1000x64xf32>
    %get3A_12 = arith.constant 0 : index
    %get3A_13 = arith.constant 64 : index
    %get3A_14 = vector.load %arg3[%get3A_12, %get3A_13] : memref<1000x80xf32, #tpu.memory_space<vmem>>, vector<1000x1xf32>
    %get3A_15 = arith.constant 0 : index
    %get3A_16 = arith.constant 0 : index
    %get3A_17 = vector.load %arg4[%get3A_15, %get3A_16] : memref<1000x16xf32, #tpu.memory_space<vmem>>, vector<1000x1xf32>
    %add3A = arith.addf %get3A_14, %get3A_17 : vector<1000x1xf32>
    %gt3A = arith.constant 0.000000e+00 : f32
    %gt3A_18 = vector.broadcast %gt3A : f32 to vector<1000x1xf32>
    %gt3A_19 = arith.cmpf ogt, %add3A, %gt3A_18 : vector<1000x1xf32>
    %mul3A = arith.constant 2.000000e-01 : f32
    %mul3A_20 = vector.broadcast %mul3A : f32 to vector<1000x1xf32>
    %mul3A_21 = arith.mulf %mul3A_20, %add3A : vector<1000x1xf32>
    %select_n3A = arith.select %gt3A_19, %add3A, %mul3A_21 : vector<1000x1xi1>, vector<1000x1xf32>
    %exp3A = math.exp %select_n3A : vector<1000x1xf32>
    %slice3A = vector.extract_strided_slice %get3A_3 {offsets = [0, 64], sizes = [1000, 1], strides = [1, 1]} : vector<1000x80xf32> to vector<1000x1xf32>
    %slice3A_22 = vector.extract_strided_slice %get3A_8 {offsets = [0, 64], sizes = [1000, 1], strides = [1, 1]} : vector<1000x80xf32> to vector<1000x1xf32>
    %add3A_23 = arith.addf %slice3A, %slice3A_22 : vector<1000x1xf32>
    %add3A_24 = arith.addf %add3A_23, %exp3A : vector<1000x1xf32>
    %slice3A_25 = vector.extract_strided_slice %get3A_3 {offsets = [0, 0], sizes = [1000, 64], strides = [1, 1]} : vector<1000x80xf32> to vector<1000x64xf32>
    %slice3A_26 = vector.extract_strided_slice %get3A_8 {offsets = [0, 0], sizes = [1000, 64], strides = [1, 1]} : vector<1000x80xf32> to vector<1000x64xf32>
    %add3A_27 = arith.addf %slice3A_25, %slice3A_26 : vector<1000x64xf32>
    %mul3A_28 = vector.broadcast %exp3A : vector<1000x1xf32> to vector<1000x64xf32>
    %mul3A_29 = arith.mulf %mul3A_28, %get3A_11 : vector<1000x64xf32>
    %add3A_30 = arith.addf %add3A_27, %mul3A_29 : vector<1000x64xf32>
    %add3A_31 = arith.constant 1.000000e-16 : f32
    %add3A_32 = vector.broadcast %add3A_31 : f32 to vector<1000x1xf32>
    %add3A_33 = arith.addf %add3A_24, %add3A_32 : vector<1000x1xf32>
    %div3A = vector.broadcast %add3A_33 : vector<1000x1xf32> to vector<1000x64xf32>
    %div3A_34 = arith.divf %add3A_30, %div3A : vector<1000x64xf32>
    %get3A_35 = arith.constant 0 : index
    %get3A_36 = arith.constant 0 : index
    %get3A_37 = vector.load %arg5[%get3A_35, %get3A_36] : memref<1x64xf32, #tpu.memory_space<vmem>>, vector<1x64xf32>
    %add3A_38 = vector.broadcast %get3A_37 : vector<1x64xf32> to vector<1000x64xf32>
    %add3A_39 = arith.addf %div3A_34, %add3A_38 : vector<1000x64xf32>
    %reduce_max3A = arith.constant dense<0xFF800000> : vector<1000xf32>
    %reduce_max3A_40 = vector.multi_reduction <maximumf>, %add3A_39, %reduce_max3A [1] : vector<1000x64xf32> to vector<1000xf32>
    %broadcast_in_dim3A = vector.shape_cast %reduce_max3A_40 : vector<1000xf32> to vector<1000x1xf32>
    %sub3A = vector.broadcast %broadcast_in_dim3A : vector<1000x1xf32> to vector<1000x64xf32>
    %sub3A_41 = arith.subf %add3A_39, %sub3A : vector<1000x64xf32>
    %exp3A_42 = math.exp %sub3A_41 : vector<1000x64xf32>
    %reduce_sum3A = arith.constant dense<0.000000e+00> : vector<1000xf32>
    %reduce_sum3A_43 = vector.multi_reduction <add>, %exp3A_42, %reduce_sum3A [1] : vector<1000x64xf32> to vector<1000xf32>
    %broadcast_in_dim3A_44 = vector.shape_cast %reduce_sum3A_43 : vector<1000xf32> to vector<1000x1xf32>
    %log3A = math.log %broadcast_in_dim3A_44 : vector<1000x1xf32>
    %sub3A_45 = vector.broadcast %log3A : vector<1000x1xf32> to vector<1000x64xf32>
    %sub3A_46 = arith.subf %sub3A_41, %sub3A_45 : vector<1000x64xf32>
    %swap3A = arith.constant 0 : index
    %swap3A_47 = arith.constant 0 : index
    %swap3A_48 = vector.load %arg6[%swap3A, %swap3A_47] : memref<1000x64xf32, #tpu.memory_space<vmem>>, vector<1000x64xf32>
    tpu.vector_store %arg6[%swap3A, %swap3A_47], %sub3A_46 {strides = array<i32>} : memref<1000x64xf32, #tpu.memory_space<vmem>>, vector<1000x64xf32>,
    return
  }
  func.func @transform_0(%arg0: i32) -> (i32, i32, i32) {
    %c0_i32 = arith.constant 0 : i32
    %c0_i32_0 = arith.constant 0 : i32
    %c0_i32_1 = arith.constant 0 : i32
    return %c0_i32, %arg0, %c0_i32_0 : i32, i32, i32
  }
  func.func @transform_1(%arg0: i32) -> (i32, i32, i32) {
    %c1_i32 = arith.constant 1 : i32
    %c0_i32 = arith.constant 0 : i32
    %c0_i32_0 = arith.constant 0 : i32
    return %c1_i32, %arg0, %c0_i32 : i32, i32, i32
  }
  func.func @transform_2(%arg0: i32) -> (i32, i32) {
    %c0_i32 = arith.constant 0 : i32
    %c0_i32_0 = arith.constant 0 : i32
    return %arg0, %c0_i32 : i32, i32
  }
  func.func @transform_3(%arg0: i32) -> (i32, i32) {
    %c0_i32 = arith.constant 0 : i32
    %c0_i32_0 = arith.constant 0 : i32
    return %arg0, %c0_i32 : i32, i32
  }
  func.func @transform_4(%arg0: i32) -> (i32, i32) {
    %c0_i32 = arith.constant 0 : i32
    %c0_i32_0 = arith.constant 0 : i32
    %c0_i32_1 = arith.constant 0 : i32
    return %c0_i32, %c0_i32_0 : i32, i32
  }
  func.func @transform_5(%arg0: i32) -> (i32, i32) {
    %c0_i32 = arith.constant 0 : i32
    %c0_i32_0 = arith.constant 0 : i32
    return %arg0, %c0_i32 : i32, i32
  }
}

</mosaic_0001>

<sc_bundles>
// kernel: kernel.10.cloned.1.call-start
scs
__scs_entry_jumppad:
0x0: {  	(pc) =	sbr.rel $0x88, $3  }
0x1: {  	(tag) =	ssettag $0x0;
	lr =	simm.s32 $0x1  }
0x2: {  	[smem:$0x3F93] =	sst lr;
	_ =	strace $0xD0000000  }
0x3: {  	_ = 	snop  }
0x4: {  	_ = 	snop  }
0x5: {  	_ = 	snop  }
0x6: {  	_ = 	snop  }
0x7: {  	_ = 	snop  }
__scs_overlays_trampoline_lowered:
0x8: {  	[smem:$0x3FA2] =	sst s0  }
0x9: {  	[smem:$0x3FA3] =	sst s1  }
0xa: {  	[smem:$0x3FA4] =	sst s2  }
0xb: {  	[smem:$0x3FA5] =	sst s3  }
0xc: {  	[smem:$0x3FA6] =	sst s4  }
0xd: {  	[smem:$0x3FA7] =	sst s5  }
0xe: {  	[smem:$0x3FA8] =	sst s6  }
0xf: {  	[smem:$0x3FA9] =	sst s7  }
0x10: {  	[smem:$0x3FAA] =	sst s8  }
0x11: {  	[smem:$0x3FAB] =	sst s9;
	s0 =	simm.s32 @!p0 $0x0  }
0x12: {  	s1 =	sld [smem:$0x3F91];
	s0 =	simm.s32 @p0 $0x1  }
0x13: {  	[smem:$0x3FAC] =	sst s0;
	s0 =	simm.s32 @!p1 $0x0  }
0x14: {  	s2 =	sld [smem:$0x3F90];
	s0 =	simm.s32 @p1 $0x1  }
0x15: {  	[smem:$0x3FAD] =	sst s0;
	s0 =	simm.s32 @!p2 $0x0  }
0x16: {  	s3 =	sld [smem:$0x3FDB];
	s0 =	simm.s32 @p2 $0x1  }
0x17: {  	s4 =	simm.s32 $0x1BF5;
	[smem:$0x3FAF] =	sst s0  }
0x18: {  	s0 =	sld [smem:$0x3F92];
	_ =	swait.ge [sflag:s4], $0x0  }
0x19: {  	s7 =	sld [smem:$0x3F93]  }
0x1a: {  	s8 =	sadd.s32 $0xFFFFE003, lr  }
0x1b: {  	s9 =	sadd.s32 $0xFFFFFEF7, lr;
	s5 =	simm.s32 $0xFFFFFFFF;
	p2 =	slt.u32 s8, $0xFFFFF086  }
0x1c: {  	p1 =	slt.u32 s9, $0xF7A;
	s5 =	simm.s32 @!p2 $0x0  }
0x1d: {  	s5 =	simm.s32 @p1 $0x1;
	p0 =	seq.s32 s7, s2  }
0x1e: {  	s7 =	smul.u32 @!p0 $0xF7A, s2;
	p2 =	seq.s32 @!p0 s5, $0x0  }
0x1f: {  	s9 =	smul.u32 $0xF7A, s1;
	s8 =	simm.s32 @!p0 $0x1BF5;
	p2 =	por !p2, p0  }
0x20: {  	[sflag:s8] =	ssyncset.s32 @!p0 $0xFFFFF086;
	s6 =	sadd.s32 @!p0 s3, s7;
	s7 =	simm.s32 @!p0 $0x108  }
0x21: {  	s3 =	sadd.s32 s3, s9;
	s6 =	sadd.s32 @!p0 $0x88, s6;
	s7 =	simm.s32 @p2 $0x1082  }
0x22: {  	[simem:s7], [sflag:s8] =	dma.local @!p0 [hbm:s6], $0xF7A  }
0x23: {  	s9 =	sor.u32 $0xD0000000, s2;
	s6 =	simm.s32 $0x108;
	_ =	swait.ge @!p0 [sflag:s8], $0x0  }
0x24: {  	s3 =	sadd.s32 $0x88, s3;
	s6 =	simm.s32 @!p1 $0x1082;
	[sflag:s4] =	ssyncset.s32 $0xFFFFF086  }
0x25: {  	[simem:s6], [sflag:s4] =	dma.local [hbm:s3], $0xF7A  }
0x26: {  	[smem:$0x3F93] =	sst s1;
	(tag) =	ssettag s2;
	_ =	strace s9  }
0x27: {  	s1 =	sld [smem:$0x3FA3]  }
0x28: {  	s2 =	sld [smem:$0x3FA4]  }
0x29: {  	s4 =	sld [smem:$0x3FA6]  }
0x2a: {  	p0 =	seq.s32 s5, $0x0;
	s5 =	sld [smem:$0x3FA7]  }
0x2b: {  	s6 =	sld [smem:$0x3FA8]  }
0x2c: {  	s7 =	sld [smem:$0x3FA9]  }
0x2d: {  	s3 =	simm.s32 $0x108;
	s8 =	sld [smem:$0x3FAA]  }
0x2e: {  	s3 =	simm.s32 @!p0 $0x1082;
	s9 =	sld [smem:$0x3FAB]  }
0x2f: {  	lr =	sadd.s32 s0, s3;
	s0 =	sld [smem:$0x3FA2]  }
0x30: {  	s3 =	sld [smem:$0x3FA5]  }
0x31: {  	[smem:$0x3FAE] =	sst s10  }
0x32: {  	s10 =	sld [smem:$0x3FAC];
	_ =	sdelay $0x3  }
0x33: {  	p0 =	seq.s32 s10, $0x1;
	s10 =	sld [smem:$0x3FAE];
	_ =	sdelay $0x3  }
0x34: {  	[smem:$0x3FAE] =	sst s10  }
0x35: {  	s10 =	sld [smem:$0x3FAD];
	_ =	sdelay $0x3  }
0x36: {  	p1 =	seq.s32 s10, $0x1;
	s10 =	sld [smem:$0x3FAE];
	_ =	sdelay $0x3  }
0x37: {  	[smem:$0x3FAE] =	sst s10  }
0x38: {  	s10 =	sld [smem:$0x3FAF]  }
0x39: {  	_ = 	snop;
	(pc) =	sbr.ind lr, $3  }
0x3a: {  	_ = 	snop  }
0x3b: {  	_ = 	snop  }
0x3c: {  	p2 =	seq.s32 s10, $0x1;
	s10 =	sld [smem:$0x3FAE]  }
0x3d: {  	_ =	shalt  }
0x3e: {  	_ =	shalt  }
0x3f: {  	_ =	shalt  }
0x40: {  	_ =	shalt  }
0x41: {  	_ =	shalt  }
0x42: {  	_ =	shalt  }
0x43: {  	_ =	shalt  }
0x44: {  	_ =	shalt  }
0x45: {  	_ =	shalt  }
0x46: {  	_ =	shalt  }
0x47: {  	_ =	shalt  }
0x48: {  	_ =	shalt  }
0x49: {  	_ =	shalt  }
0x4a: {  	_ =	shalt  }
0x4b: {  	_ =	shalt  }
0x4c: {  	_ =	shalt  }
0x4d: {  	_ =	shalt  }
0x4e: {  	_ =	shalt  }
0x4f: {  	_ =	shalt  }
0x50: {  	_ =	shalt  }
0x51: {  	_ =	shalt  }
0x52: {  	_ =	shalt  }
0x53: {  	_ =	shalt  }
0x54: {  	_ =	shalt  }
0x55: {  	_ =	shalt  }
0x56: {  	_ =	shalt  }
0x57: {  	_ =	shalt  }
0x58: {  	_ =	shalt  }
0x59: {  	_ =	shalt  }
0x5a: {  	_ =	shalt  }
0x5b: {  	_ =	shalt  }
0x5c: {  	_ =	shalt  }
0x5d: {  	_ =	shalt  }
0x5e: {  	_ =	shalt  }
0x5f: {  	_ =	shalt  }
0x60: {  	_ =	shalt  }
0x61: {  	_ =	shalt  }
0x62: {  	_ =	shalt  }
0x63: {  	_ =	shalt  }
0x64: {  	_ =	shalt  }
0x65: {  	_ =	shalt  }
0x66: {  	_ =	shalt  }
0x67: {  	_ =	shalt  }
0x68: {  	_ =	shalt  }
0x69: {  	_ =	shalt  }
0x6a: {  	_ =	shalt  }
0x6b: {  	_ =	shalt  }
0x6c: {  	_ =	shalt  }
0x6d: {  	_ =	shalt  }
0x6e: {  	_ =	shalt  }
0x6f: {  	_ =	shalt  }
0x70: {  	_ =	shalt  }
0x71: {  	_ =	shalt  }
0x72: {  	_ =	shalt  }
0x73: {  	_ =	shalt  }
0x74: {  	_ =	shalt  }
0x75: {  	_ =	shalt  }
0x76: {  	_ =	shalt  }
0x77: {  	_ =	shalt  }
0x78: {  	_ =	shalt  }
0x79: {  	_ =	shalt  }
0x7a: {  	_ =	shalt  }
0x7b: {  	_ =	shalt  }
0x7c: {  	_ =	shalt  }
0x7d: {  	_ =	shalt  }
0x7e: {  	_ =	shalt  }
0x7f: {  	_ =	shalt  }
0x80: {  	_ =	shalt  }
0x81: {  	_ =	shalt  }
0x82: {  	_ =	shalt  }
0x83: {  	_ =	shalt  }
0x84: {  	_ =	shalt  }
0x85: {  	_ =	shalt  }
0x86: {  	_ =	shalt  }
0x87: {  	_ =	shalt  }
.Lfunc_end0:
.L_simem_size_0:
called_computation.1_lowered:
.L_overlay_start_0:
0x88: {  	s2 =	sld [smem:$0x3FD9]  }
0x89: {  	s3 =	sld [smem:$0x3FFE];
	_ =	sdelay $0x1  }
0x8a: {  	s1 =	srdreg.scid  }
0x8b: {  	s0 =	sand.u32 $0x1, s1  }
0x8c: {  	s17 =	sshll.u32 s0, $0xA;
	s2 =	sadd.s32 s3, s2  }
0x8d: {  	s2 =	sadd.s32 s2, s17  }
0x8e: {  	[smem:$0x3FBA] =	sst s2  }
0x8f: {  	_ = 	snop  }
0x90: {  	s2 =	sld [smem:$0x3FD0];
	(tm) =	ssettm $0x1  }
0x91: {  	s18 =	sld [smem:$0x3FFB];
	_ =	sdelay $0x3  }
0x92: {  	_ =	strace s18  }
0x93: {  	s3 =	sld [smem:$0x3FFC];
	_ =	sdelay $0x3  }
0x94: {  	_ =	strace s3  }
0x95: {  	s3 =	sld [smem:$0x3FFD];
	_ =	sdelay $0x3  }
0x96: {  	_ =	strace s3  }
0x97: {  	_ =	strace $0x8FFFFFFF  }
0x98: {  	s19 =	sld [smem:$0x3FDB];
	_ =	sdelay $0x1  }
0x99: {  	s4 =	simm.s32 $_scs_section_size  }
0x9a: {  	s5 =	simm.s32 $_size__tile_overlayer_lowered;
	s6 =	simm.s32 $_tile_overlayer_lowered  }
0x9b: {  	s22 =	simm.s32 $0x1BFF;
	s21 =	sshll.u32 s6, $0x1;
	s3 =	sadd.s32 s4, s19  }
0x9c: {  	s7 =	simm.s32 $0x0;
	s20 =	sshll.u32 s5, $0x1;
	s5 =	sadd.s32 s21, s3  }
0x9d: {  	[timem:s7], [sflag:s22] =	dma.local [hbm:s5], s20  }
0x9e: {  	_ =	swait.ge [sflag:s22], s20  }
0x9f: {  	s4 =	ssub.s32 $0x0, s20;
	[sflag:s22] =	ssyncset.done $0x0  }
0xa0: {  	[sflag:s22] =	ssyncadd.s32 s4;
	_ =	sdelay $0x1  }
0xa1: {  	s23 =	simm.s32 $0x1B8B  }
0xa2: {  	_ =	swait.ge [sflag:s23], $0x1  }
0xa3: {  	[sflag:s23] =	ssyncset.done $0x0  }
0xa4: {  	s25 =	simm.s32 $0x1B8E;
	s24 =	sld [smem:$0x3FFE];
	[sflag:s23] =	ssyncadd.s32 $0xFFFFFFFF  }
0xa5: {  	s26 =	simm.s32 $execute0_lowered;
	[smem:$0x3FD2] =	sst s25  }
0xa6: {  	s5 =	sshll.u32 s26, $0x1;
	_ =	strace $0x80000049;
	[dreg:$0x1] =	wrdreg $0xFFFFFFFF  }
0xa7: {  	s28 =	simm.s32 $_size_execute0_lowered;
	s3 =	sadd.s32 s3, s5;
	[dreg:$0x0] =	wrdreg $0x0  }
0xa8: {  	s5 =	sshll.u32 s28, $0x1;
	[dreg:$0x2] =	wrdreg s3  }
0xa9: {  	[dreg:$0x3] =	wrdreg s5  }
0xaa: {  	[dreg:$0x4] =	wrdreg $0xC0  }
0xab: {  	_ =	task [dreg:s7], $0x5FFFF  }
0xac: {  	[dreg:$0x1] =	wrdreg $0xFFFFFFFF  }
0xad: {  	[dreg:$0x0] =	wrdreg $0x60  }
0xae: {  	[dreg:$0x2] =	wrdreg s24  }
0xaf: {  	[dreg:$0x3] =	wrdreg s2  }
0xb0: {  	[dreg:$0x4] =	wrdreg $0x58C00  }
0xb1: {  	[dreg:$0x5] =	wrdreg $0x9  }
0xb2: {  	_ =	task.clear_ibuf [dreg:s7], $0x6FFFF;
	_ =	strace $0x90000049  }
0xb3: {  	s29 =	simm.s32 $0x9;
	_ =	strace $0x8000004B  }
0xb4: {  	_ =	swait.ge [sflag:s29], $0x1  }
0xb5: {  	[sflag:s29] =	ssyncadd.s32 $0xFFFFFFFF  }
0xb6: {  	_ =	strace $0x9000004B  }
0xb7: {  	_ =	sfence  }
0xb8: {  	s30 =	sld [smem:$0x0];
	_ =	sdelay $0x2  }
0xb9: {  	s31 =	sshll.u32 s1, $0xD;
	s1 =	sshrl.u32 s1, $0x2  }
0xba: {  	s3 =	sand.u32 $0x4000, s31;
	s1 =	sadd.s32 s1, s30  }
0xbb: {  	s0 =	sor.u32 s3, s0;
	s1 =	sshll.u32 s1, $0x11  }
0xbc: {  	s0 =	sor.u32 s1, s0  }
0xbd: {  	s0 =	sadd.s32 $0x8F2B, s0  }
0xbe: {  	[sflag:s0] =	ssyncadd.remote.s32 $0x1  }
0xbf: {  	_ =	sfence.sel $0xFFFF  }
0xc0: {  	[dreg:$0x0] =	wrdreg $0xFFFFFFFF;
	(pc) =	sbr.abs _section_cstart, $3  }
0xc1: {  	[dreg:$0x1] =	wrdreg $0xFFFFFFFF  }
0xc2: {  	_ =	task.clear_ibuf [dreg:s7], $0x2FFFF;
	_ =	strace $0x9FFFFFFF  }
0xc3: {  	(tm) =	ssettm $0x7FFFFFFF  }
tec
execute0_lowered:
.L_overlay_start_1:
0x0: {  	(tag) =	ssettag $0x1  }
0x1: {  	s0 =	rddreg [dreg:$0x0]  }
0x2: {  	s2 =	rddreg [dreg:$0x1]  }
0x3: {  	s3 =	rddreg [dreg:$0x2];
	s1 =	srdreg.scid  }
0x4: {  	s12 =	stileid.u32;
	s17 =	simm.s32 $0x0;
	s30 =	simm.s32 $0x3FC0  }
0x5: {  	s31 =	simm.s32 $0x9;
	s28 =	simm.s32 $0x6;
	s1 =	sand.u32 $0x1, s1  }
0x6: {  	s4 =	smul.u32 $0xC800, s12;
	[smem:$0x7FF] =	sst s17;
	s5 =	sadd.s32 $0x2400, s0  }
0x7: {  	s6 =	sadd.s32 $0x1AC00, s0;
	s10 =	smul.u32 $0x32000, s12;
	s12 =	sshll.u32 s12, $0x1  }
0x8: {  	s7 =	smul.u32 $0xC8000, s1;
	_ =	strace $0x8000004A;
	s23 =	ssub.s32 $0x2, s1  }
0x9: {  	s1 =	sor.u32 s1, s12;
	s11 =	sshrl.u32 s23, $0x1;
	s10 =	sshrl.u32 s10, $0x2  }
0xa: {  	s18 =	sadd.s32 s4, s3;
	s1 =	smul.u32 $0x2800, s1;
	s10 =	sadd.s32 s10, s3  }
0xb: {  	s8 =	sadd.s32 s4, s7;
	[dreg:$0x5] =	wrdreg s18;
	s24 =	sadd.s32 $0x1900, s10  }
0xc: {  	s7 =	sadd.s32 $0x8B800, s0;
	s25 =	sadd.s32 $0x3200, s10;
	[dreg:$0x6] =	wrdreg s24  }
0xd: {  	s9 =	sshrl.u32 s8, $0x3;
	s26 =	sadd.s32 $0x4B00, s10;
	[dreg:$0x7] =	wrdreg s25  }
0xe: {  	s8 =	sadd.s32 $0x81600, s0;
	s12 =	sadd.s32 $0x7D00, s10;
	[dreg:$0x8] =	wrdreg s26  }
0xf: {  	s13 =	sadd.s32 $0x9600, s10;
	s0 =	sadd.s32 s9, s0;
	[dreg:$0xa] =	wrdreg s12  }
0x10: {  	s9 =	ssub.s32 s23, s11;
	s11 =	sadd.s32 $0x6400, s10;
	[dreg:$0xb] =	wrdreg s13  }
0x11: {  	s14 =	sshrl.u32 s1, $0x3;
	s10 =	sadd.s32 $0xAF00, s10;
	[dreg:$0x9] =	wrdreg s11  }
0x12: {  	s29 =	simm.s32 $0x3;
	s15 =	sadd.s32 s2, s14;
	[dreg:$0xc] =	wrdreg s10  }
0x13: {  	s16 =	sor.u32 $0xA, s14;
	s19 =	sadd.s32 s7, s14;
	[dreg:$0xd] =	wrdreg s15  }
0x14: {  	s4 =	sadd.s32 s8, s14;
	s23 =	sor.u32 $0xA0, s1;
	[dreg:$0xe] =	wrdreg s19  }
0x15: {  	s24 =	sor.u32 $0xF0, s1;
	s25 =	sor.u32 $0x140, s1;
	[dreg:$0xf] =	wrdreg s4  }
0x16: {  	s1 =	sor.u32 $0x190, s1;
	s12 =	simm.s32 $0x140;
	[dreg:$0x13] =	wrdreg s23  }
0x17: {  	s13 =	simm.s32 $0x190;
	s14 =	simm.s32 $0x3C0;
	[dreg:$0x14] =	wrdreg s24  }
0x18: {  	s20 =	sadd.s32 s2, s16;
	s21 =	sadd.s32 s7, s16;
	[dreg:$0x15] =	wrdreg s25  }
0x19: {  	s22 =	sadd.s32 s8, s16;
	[dreg:$0x16] =	wrdreg s1;
	s0 =	sadd.s32 $0x1FC00, s0  }
0x1a: {  	s26 =	smax.u32 s9, $0x1;
	s10 =	simm.s32 $0x1;
	[dreg:$0x10] =	wrdreg s20  }
0x1b: {  	s15 =	simm.s32 $0x1CC0;
	s16 =	simm.s32 $0x2;
	[dreg:$0x11] =	wrdreg s21  }
0x1c: {  	s9 =	simm.s32 $0x2D0;
	s4 =	simm.s32 $0x320;
	[dreg:$0x12] =	wrdreg s22  }
0x1d: {  	s23 =	simm.s32 $0x370;
	s24 =	simm.s32 $0x7;
	[dreg:$0x17] =	wrdreg s0  }
0x1e: {  	s25 =	simm.s32 $0x8;
	[dreg:$0x18] =	wrdreg s26;
	s0 =	simm.s32 $0x50  }
0x1f: {  	v0 =	vimm.f32 $0.0e+00;
	s21 =	simm.s32 $0xF0;
	s22 =	simm.s32 $0x5;
	s26 =	simm.s32 $0x4  }
.LBB2_1:
0x20: {  	[dreg:$0x4] =	wrdreg s17;
	s11 =	simm.s32 $0x140;
	s1 =	simm.s32 $0x0  }
.LBB2_2:
0x21: {  	p0 =	sne.s32 s11, $0x62C0;
	[tilespmem:s1+$0x4000] =	vst v0;
	s17 =	smov.u32 s11;
	s11 =	sadd.s32 $0x140, s11  }
.Ltmp0:
0x22: {  	[tilespmem:s1+$0x3FF0] =	vst v0;
	(pc) =	sbr.rel @p0 .LBB2_2-.Ltmp0, $4  }
0x23: {  	[tilespmem:s1+$0x3FE0] =	vst v0  }
0x24: {  	[tilespmem:s1+$0x3FC0] =	vst v0  }
0x25: {  	[tilespmem:s1+$0x3FD0] =	vst v0  }
0x26: {  	s1 =	sshra.s32 s17, $0x2  }
0x27: {  	[tilespmem:s1+$0x4000] =	vst v0  }
0x28: {  	[tilespmem:s1+$0x3FF0] =	vst v0  }
0x29: {  	[tilespmem:s1+$0x3FE0] =	vst v0  }
0x2a: {  	[tilespmem:s1+$0x3FC0] =	vst v0  }
0x2b: {  	[tilespmem:s1+$0x3FD0] =	vst v0  }
0x2c: {  	[spmem:s18] =	stream.linear.scatter [tilespmem:s30], [sflag:$0x9], $0x1900, $0x38;
	[tilespmem:$0x120C0] =	vst v63  }
0x2d: {  	_ =	swait.ge [sflag:s31], $0x1900  }
0x2e: {  	[sflag:s31] =	ssyncset.done $0x0  }
0x2f: {  	s11 =	rddreg [dreg:$0x6];
	[sflag:s31] =	ssyncadd.s32 $0xFFFFE700  }
0x30: {  	[spmem:s11] =	stream.linear.scatter [tilespmem:s30], [sflag:$0x9], $0x1900, $0x38;
	[tilespmem:$0x120C0] =	vst v63  }
0x31: {  	_ =	swait.ge [sflag:s31], $0x1900  }
0x32: {  	[sflag:s31] =	ssyncset.done $0x0  }
0x33: {  	s17 =	rddreg [dreg:$0x7];
	[sflag:s31] =	ssyncadd.s32 $0xFFFFE700  }
0x34: {  	[spmem:s17] =	stream.linear.scatter [tilespmem:s30], [sflag:$0x9], $0x1900, $0x38;
	[tilespmem:$0x120C0] =	vst v63  }
0x35: {  	_ =	swait.ge [sflag:s31], $0x1900  }
0x36: {  	[sflag:s31] =	ssyncset.done $0x0  }
0x37: {  	s18 =	rddreg [dreg:$0x8];
	[sflag:s31] =	ssyncadd.s32 $0xFFFFE700  }
0x38: {  	[spmem:s18] =	stream.linear.scatter [tilespmem:s30], [sflag:$0x9], $0x1900, $0x38;
	[tilespmem:$0x120C0] =	vst v63  }
0x39: {  	_ =	swait.ge [sflag:s31], $0x1900  }
0x3a: {  	[sflag:s31] =	ssyncset.done $0x0  }
0x3b: {  	s19 =	rddreg [dreg:$0x9];
	[sflag:s31] =	ssyncadd.s32 $0xFFFFE700  }
0x3c: {  	[spmem:s19] =	stream.linear.scatter [tilespmem:s30], [sflag:$0x9], $0x1900, $0x38;
	[tilespmem:$0x120C0] =	vst v63  }
0x3d: {  	_ =	swait.ge [sflag:s31], $0x1900  }
0x3e: {  	[sflag:s31] =	ssyncset.done $0x0  }
0x3f: {  	s20 =	rddreg [dreg:$0xa];
	[sflag:s31] =	ssyncadd.s32 $0xFFFFE700  }
0x40: {  	[spmem:s20] =	stream.linear.scatter [tilespmem:s30], [sflag:$0x9], $0x1900, $0x38;
	[tilespmem:$0x120C0] =	vst v63  }
0x41: {  	_ =	swait.ge [sflag:s31], $0x1900  }
0x42: {  	[sflag:s31] =	ssyncset.done $0x0  }
0x43: {  	s11 =	rddreg [dreg:$0xb];
	[sflag:s31] =	ssyncadd.s32 $0xFFFFE700  }
0x44: {  	[spmem:s11] =	stream.linear.scatter [tilespmem:s30], [sflag:$0x9], $0x1900, $0x38;
	[tilespmem:$0x120C0] =	vst v63  }
0x45: {  	_ =	swait.ge [sflag:s31], $0x1900  }
0x46: {  	[sflag:s31] =	ssyncset.done $0x0  }
0x47: {  	s17 =	rddreg [dreg:$0xc];
	[sflag:s31] =	ssyncadd.s32 $0xFFFFE700  }
0x48: {  	[spmem:s17] =	stream.linear.scatter [tilespmem:s30], [sflag:$0x9], $0x1900, $0x38;
	[tilespmem:$0x120C0] =	vst v63  }
0x49: {  	_ =	swait.ge [sflag:s31], $0x1900  }
0x4a: {  	[sflag:s31] =	ssyncset.done $0x0  }
0x4b: {  	[sflag:s31] =	ssyncadd.s32 $0xFFFFE700  }
0x4c: {  	[bflag:$0x0] =	sbarrier.arrive $0xFFFF  }
0x4d: {  	s17 =	simm.s32 $0x0;
	s18 =	rddreg [dreg:$0xd]  }
0x4e: {  	[tilespmem:s17], [sflag:$0x1] =	stream.linear.gather [hbm4b:s18+s17], $0x50, $0x38;
	[tilespmem:$0x120C0] =	vst v63  }
0x4f: {  	s19 =	rddreg [dreg:$0xe]  }
0x50: {  	[tilespmem:s0], [sflag:$0x1] =	stream.linear.gather [hbm4b:s19+s17], $0x50, $0x38;
	[tilespmem:$0x120C0] =	vst v63  }
0x51: {  	s11 =	simm.s32 $0xA0;
	s20 =	rddreg [dreg:$0xf]  }
0x52: {  	[tilespmem:s11], [sflag:$0x1] =	stream.linear.gather [hbm4b:s20+s17], $0x50, $0x38;
	[tilespmem:$0x120C0] =	vst v63  }
0x53: {  	_ =	swait.ge [sflag:s10], $0x50  }
0x54: {  	[sflag:s10] =	ssyncset.done $0x0  }
0x55: {  	[sflag:s10] =	ssyncadd.s32 $0xFFFFFFB0  }
0x56: {  	_ =	swait.ge [sflag:s10], $0x50  }
0x57: {  	[sflag:s10] =	ssyncset.done $0x0  }
0x58: {  	[sflag:s10] =	ssyncadd.s32 $0xFFFFFFB0  }
0x59: {  	_ =	swait.ge [sflag:s10], $0x50  }
0x5a: {  	[sflag:s10] =	ssyncset.done $0x0  }
0x5b: {  	s18 =	rddreg [dreg:$0x10];
	[sflag:s10] =	ssyncadd.s32 $0xFFFFFFB0  }
0x5c: {  	[tilespmem:s21], [sflag:$0x2] =	stream.linear.gather [hbm4b:s18+s17], $0x50, $0x38;
	[tilespmem:$0x120C0] =	vst v63  }
0x5d: {  	s19 =	rddreg [dreg:$0x11]  }
0x5e: {  	[tilespmem:s12], [sflag:$0x2] =	stream.linear.gather [hbm4b:s19+s17], $0x50, $0x38;
	[tilespmem:$0x120C0] =	vst v63  }
0x5f: {  	s20 =	rddreg [dreg:$0x12]  }
0x60: {  	[tilespmem:s13], [sflag:$0x2] =	stream.linear.gather [hbm4b:s20+s17], $0x50, $0x38;
	[tilespmem:$0x120C0] =	vst v63  }
0x61: {  	_ = 	snop  }
0x62: {  	[tilespmem:s14], [sflag:$0x5] =	stream.indirect.gather [hbm4b:s5+s0], $0x50, s17, s0, $0xb8;
	[tilespmem:$0x120C0] =	vst v63  }
0x63: {  	_ = 	snop  }
0x64: {  	[tilespmem:s15], [sflag:$0x6] =	stream.indirect.gather [hbm4b:s6+s0], $0x10, s0, s0, $0xb8;
	[tilespmem:$0x120C0] =	vst v63  }
0x65: {  	_ =	swait.ge [sflag:s16], $0x50  }
0x66: {  	[sflag:s16] =	ssyncset.done $0x0  }
0x67: {  	[sflag:s16] =	ssyncadd.s32 $0xFFFFFFB0  }
0x68: {  	_ =	swait.ge [sflag:s16], $0x50  }
0x69: {  	[sflag:s16] =	ssyncset.done $0x0  }
0x6a: {  	[sflag:s16] =	ssyncadd.s32 $0xFFFFFFB0  }
0x6b: {  	_ =	swait.ge [sflag:s16], $0x50  }
0x6c: {  	[sflag:s16] =	ssyncset.done $0x0  }
0x6d: {  	s18 =	simm.s32 $0x0;
	[sflag:s16] =	ssyncadd.s32 $0xFFFFFFB0  }
.LBB2_4:
0x6e: {  	s1 =	simm.s32 $0x21C0  }
0x6f: {  	[tilespmem:s1], [sflag:$0x7] =	stream.indirect.gather [hbm4b:s5+s0], $0x50, s21, s0, $0xb8;
	[tilespmem:$0x120C0] =	vst v63  }
0x70: {  	s11 =	simm.s32 $0x3AC0;
	s19 =	rddreg [dreg:$0x13];
	s1 =	smul.u32 $0x140, s18  }
0x71: {  	[tilespmem:s11], [sflag:$0x8] =	stream.indirect.gather [hbm4b:s6+s0], $0x10, s12, s0, $0xb8;
	[tilespmem:$0x120C0] =	vst v63  }
0x72: {  	s11 =	sadd.s32 s1, s19  }
0x73: {  	s11 =	sshrl.u32 s11, $0x3  }
0x74: {  	s20 =	simm.s32 $0x1E0;
	s19 =	sadd.s32 s2, s11  }
0x75: {  	[tilespmem:s20], [sflag:$0x3] =	stream.linear.gather [hbm4b:s19+s17], $0x50, $0x38;
	[tilespmem:$0x120C0] =	vst v63  }
0x76: {  	s21 =	simm.s32 $0x230;
	s20 =	sadd.s32 s7, s11  }
0x77: {  	[tilespmem:s21], [sflag:$0x3] =	stream.linear.gather [hbm4b:s20+s17], $0x50, $0x38;
	[tilespmem:$0x120C0] =	vst v63  }
0x78: {  	s11 =	sadd.s32 s8, s11;
	s21 =	simm.s32 $0x280  }
0x79: {  	[tilespmem:s21], [sflag:$0x3] =	stream.linear.gather [hbm4b:s11+s17], $0x50, $0x38;
	[tilespmem:$0x120C0] =	vst v63  }
0x7a: {  	_ =	swait.ge [sflag:s22], $0x1900  }
0x7b: {  	[sflag:s22] =	ssyncset.done $0x0  }
0x7c: {  	[sflag:s22] =	ssyncadd.s32 $0xFFFFE700  }
0x7d: {  	_ =	swait.ge [sflag:s28], $0x500  }
0x7e: {  	[sflag:s28] =	ssyncset.done $0x0  }
0x7f: {  	s19 =	simm.s32 $0x0;
	[sflag:s28] =	ssyncadd.s32 $0xFFFFFB00  }
0x80: {  	s20 =	simm.s32 $0x1CC0;
	s11 =	simm.s32 $0x140;
	v1 =	vld [tilespmem:s19+$0x400]  }
.LBB2_5:
0x81: {  	p0 =	sne.s32 s11, $0x62C0;
	v2 =	vld [tilespmem:s20+$0x0];
	_ =	sdelay $0x4  }
0x82: {  	v1 =	vadd.f32 v2, v1;
	_ =	sdelay $0x1  }
0x83: {  	v2 =	vmul.f32 $2.000000030e-01, v1  }
0x84: {  	vm0 =	vgt.f32 v1, $0.0e+00  }
0x85: {  	v1 =	vsel vm0, v1, v2  }
0x86: {  	v1 =	vmul.f32 $1.442695020e+00, v1;
	_ =	sdelay $0x1  }
0x87: {  	(erf) = vpow2.f32 v1;
	_ =	sdelay $0x2  }
0x88: {  	v1 =	vld [tilespmem:s19+$0x3C0]  }
0x89: {  	v2 =	vld [tilespmem:s19+$0x3D0]  }
0x8a: {  	v3 =	vld [tilespmem:s19+$0x3E0]  }
0x8b: {  	v4 =	vld [tilespmem:s19+$0x3F0];
	_ =	sdelay $0x2  }
0x8c: {  	v5 =	vpop (erf)  }
0x8d: {  	[tilespmem:s19+$0x4000] =	vst v5;
	v1 =	vmul.f32 v5, v1;
	v2 =	vmul.f32 v5, v2  }
.Ltmp1:
0x8e: {  	v3 =	vmul.f32 v3, v5;
	v4 =	vmul.f32 v4, v5;
	(pc) =	sbr.rel @p0 .LBB2_5-.Ltmp1, $4  }
0x8f: {  	[tilespmem:s19+$0x3FC0] =	vst v1  }
0x90: {  	[tilespmem:s19+$0x3FD0] =	vst v2  }
0x91: {  	s21 =	sshra.s32 s11, $0x2;
	[tilespmem:s19+$0x3FE0] =	vst v3  }
0x92: {  	s11 =	sadd.s32 $0x140, s11;
	s20 =	sadd.s32 $0x10, s20;
	v1 =	vld [tilespmem:s21+$0x400];
	[tilespmem:s19+$0x3FF0] =	vst v4;
	s19 =	smov.u32 s21  }
0x93: {  	v2 =	vld [tilespmem:s20+$0x0];
	_ =	sdelay $0x4  }
0x94: {  	v1 =	vadd.f32 v2, v1;
	_ =	sdelay $0x1  }
0x95: {  	v2 =	vmul.f32 $2.000000030e-01, v1  }
0x96: {  	vm0 =	vgt.f32 v1, $0.0e+00  }
0x97: {  	v1 =	vsel vm0, v1, v2  }
0x98: {  	v1 =	vmul.f32 $1.442695020e+00, v1;
	_ =	sdelay $0x1  }
0x99: {  	(erf) = vpow2.f32 v1;
	_ =	sdelay $0x4  }
0x9a: {  	v1 =	vld [tilespmem:s19+$0x3C0]  }
0x9b: {  	v2 =	vld [tilespmem:s19+$0x3D0]  }
0x9c: {  	v3 =	vld [tilespmem:s19+$0x3E0]  }
0x9d: {  	v4 =	vld [tilespmem:s19+$0x3F0]  }
0x9e: {  	v5 =	vpop (erf)  }
0x9f: {  	v1 =	vmul.f32 v5, v1  }
0xa0: {  	[tilespmem:s19+$0x4000] =	vst v5;
	v2 =	vmul.f32 v5, v2  }
0xa1: {  	v3 =	vmul.f32 v3, v5;
	[tilespmem:s19+$0x3FC0] =	vst v1  }
0xa2: {  	v1 =	vmul.f32 v4, v5;
	[tilespmem:s19+$0x3FD0] =	vst v2  }
0xa3: {  	[tilespmem:s19+$0x3FE0] =	vst v3  }
0xa4: {  	s11 =	simm.s32 $0xA0;
	[tilespmem:s19+$0x3FF0] =	vst v1  }
0xa5: {  	[spmem:s3] =	stream.indirect.scatter.add.f32 [tilespmem:s30], [sflag:$0x9], $0x50, s11, s0, $0xb8;
	[tilespmem:$0x120C0] =	vst v63  }
0xa6: {  	_ =	swait.ge [sflag:s31], $0x1900  }
0xa7: {  	[sflag:s31] =	ssyncset.done $0x0  }
0xa8: {  	[sflag:s31] =	ssyncadd.s32 $0xFFFFE700  }
0xa9: {  	_ =	swait.ge [sflag:s29], $0x50  }
0xaa: {  	[sflag:s29] =	ssyncset.done $0x0  }
0xab: {  	[sflag:s29] =	ssyncadd.s32 $0xFFFFFFB0  }
0xac: {  	_ =	swait.ge [sflag:s29], $0x50  }
0xad: {  	[sflag:s29] =	ssyncset.done $0x0  }
0xae: {  	[sflag:s29] =	ssyncadd.s32 $0xFFFFFFB0  }
0xaf: {  	_ =	swait.ge [sflag:s29], $0x50  }
0xb0: {  	[sflag:s29] =	ssyncset.done $0x0;
	s20 =	rddreg [dreg:$0x14]  }
0xb1: {  	s21 =	simm.s32 $0x1E0;
	[sflag:s29] =	ssyncadd.s32 $0xFFFFFFB0;
	s11 =	sadd.s32 s1, s20  }
0xb2: {  	[tilespmem:s14], [sflag:$0x5] =	stream.indirect.gather [hbm4b:s5+s0], $0x50, s21, s0, $0xb8;
	[tilespmem:$0x120C0] =	vst v63  }
0xb3: {  	s19 =	simm.s32 $0x230;
	s11 =	sshrl.u32 s11, $0x3  }
0xb4: {  	[tilespmem:s15], [sflag:$0x6] =	stream.indirect.gather [hbm4b:s6+s0], $0x10, s19, s0, $0xb8;
	[tilespmem:$0x120C0] =	vst v63  }
0xb5: {  	s20 =	simm.s32 $0x0;
	s21 =	sadd.s32 s2, s11  }
0xb6: {  	[tilespmem:s9], [sflag:$0x4] =	stream.linear.gather [hbm4b:s21+s20], $0x50, $0x38;
	[tilespmem:$0x120C0] =	vst v63  }
0xb7: {  	s21 =	sadd.s32 s7, s11  }
0xb8: {  	[tilespmem:s4], [sflag:$0x4] =	stream.linear.gather [hbm4b:s21+s20], $0x50, $0x38;
	[tilespmem:$0x120C0] =	vst v63  }
0xb9: {  	s11 =	sadd.s32 s8, s11  }
0xba: {  	[tilespmem:s23], [sflag:$0x4] =	stream.linear.gather [hbm4b:s11+s20], $0x50, $0x38;
	[tilespmem:$0x120C0] =	vst v63  }
0xbb: {  	_ =	swait.ge [sflag:s24], $0x1900  }
0xbc: {  	[sflag:s24] =	ssyncset.done $0x0  }
0xbd: {  	[sflag:s24] =	ssyncadd.s32 $0xFFFFE700  }
0xbe: {  	_ =	swait.ge [sflag:s25], $0x500  }
0xbf: {  	[sflag:s25] =	ssyncset.done $0x0  }
0xc0: {  	s19 =	simm.s32 $0x0;
	[sflag:s25] =	ssyncadd.s32 $0xFFFFFB00  }
0xc1: {  	s20 =	simm.s32 $0x3AC0;
	s11 =	simm.s32 $0x140;
	v1 =	vld [tilespmem:s19+$0x2200]  }
.LBB2_7:
0xc2: {  	p0 =	sne.s32 s11, $0x62C0;
	v2 =	vld [tilespmem:s20+$0x0];
	_ =	sdelay $0x4  }
0xc3: {  	v1 =	vadd.f32 v2, v1;
	_ =	sdelay $0x1  }
0xc4: {  	v2 =	vmul.f32 $2.000000030e-01, v1  }
0xc5: {  	vm0 =	vgt.f32 v1, $0.0e+00  }
0xc6: {  	v1 =	vsel vm0, v1, v2  }
0xc7: {  	v1 =	vmul.f32 $1.442695020e+00, v1;
	_ =	sdelay $0x1  }
0xc8: {  	(erf) = vpow2.f32 v1;
	_ =	sdelay $0x2  }
0xc9: {  	v1 =	vld [tilespmem:s19+$0x21C0]  }
0xca: {  	v2 =	vld [tilespmem:s19+$0x21D0]  }
0xcb: {  	v3 =	vld [tilespmem:s19+$0x21E0]  }
0xcc: {  	v4 =	vld [tilespmem:s19+$0x21F0];
	_ =	sdelay $0x2  }
0xcd: {  	v5 =	vpop (erf)  }
0xce: {  	[tilespmem:s19+$0x4000] =	vst v5;
	v1 =	vmul.f32 v5, v1;
	v2 =	vmul.f32 v5, v2  }
.Ltmp2:
0xcf: {  	v3 =	vmul.f32 v3, v5;
	v4 =	vmul.f32 v4, v5;
	(pc) =	sbr.rel @p0 .LBB2_7-.Ltmp2, $4  }
0xd0: {  	[tilespmem:s19+$0x3FC0] =	vst v1  }
0xd1: {  	[tilespmem:s19+$0x3FD0] =	vst v2  }
0xd2: {  	s21 =	sshra.s32 s11, $0x2;
	[tilespmem:s19+$0x3FE0] =	vst v3  }
0xd3: {  	s11 =	sadd.s32 $0x140, s11;
	s20 =	sadd.s32 $0x10, s20;
	v1 =	vld [tilespmem:s21+$0x2200];
	[tilespmem:s19+$0x3FF0] =	vst v4;
	s19 =	smov.u32 s21  }
0xd4: {  	v2 =	vld [tilespmem:s20+$0x0];
	_ =	sdelay $0x4  }
0xd5: {  	v1 =	vadd.f32 v2, v1;
	_ =	sdelay $0x1  }
0xd6: {  	v2 =	vmul.f32 $2.000000030e-01, v1  }
0xd7: {  	vm0 =	vgt.f32 v1, $0.0e+00  }
0xd8: {  	v1 =	vsel vm0, v1, v2  }
0xd9: {  	v1 =	vmul.f32 $1.442695020e+00, v1;
	_ =	sdelay $0x1  }
0xda: {  	(erf) = vpow2.f32 v1;
	_ =	sdelay $0x4  }
0xdb: {  	v1 =	vld [tilespmem:s19+$0x21C0]  }
0xdc: {  	v2 =	vld [tilespmem:s19+$0x21D0]  }
0xdd: {  	v3 =	vld [tilespmem:s19+$0x21E0]  }
0xde: {  	v4 =	vld [tilespmem:s19+$0x21F0]  }
0xdf: {  	v5 =	vpop (erf)  }
0xe0: {  	v1 =	vmul.f32 v5, v1  }
0xe1: {  	[tilespmem:s19+$0x4000] =	vst v5;
	v2 =	vmul.f32 v5, v2  }
0xe2: {  	v3 =	vmul.f32 v3, v5;
	[tilespmem:s19+$0x3FC0] =	vst v1  }
0xe3: {  	v1 =	vmul.f32 v4, v5;
	[tilespmem:s19+$0x3FD0] =	vst v2  }
0xe4: {  	[tilespmem:s19+$0x3FE0] =	vst v3  }
0xe5: {  	[tilespmem:s19+$0x3FF0] =	vst v1  }
0xe6: {  	[spmem:s3] =	stream.indirect.scatter.add.f32 [tilespmem:s30], [sflag:$0x9], $0x50, s13, s0, $0xb8;
	[tilespmem:$0x120C0] =	vst v63  }
0xe7: {  	_ =	swait.ge [sflag:s31], $0x1900  }
0xe8: {  	[sflag:s31] =	ssyncset.done $0x0  }
0xe9: {  	[sflag:s31] =	ssyncadd.s32 $0xFFFFE700  }
0xea: {  	_ =	swait.ge [sflag:s26], $0x50  }
0xeb: {  	[sflag:s26] =	ssyncset.done $0x0  }
0xec: {  	[sflag:s26] =	ssyncadd.s32 $0xFFFFFFB0  }
0xed: {  	_ =	swait.ge [sflag:s26], $0x50  }
0xee: {  	[sflag:s26] =	ssyncset.done $0x0  }
0xef: {  	[sflag:s26] =	ssyncadd.s32 $0xFFFFFFB0  }
0xf0: {  	_ =	swait.ge [sflag:s26], $0x50  }
0xf1: {  	[sflag:s26] =	ssyncset.done $0x0  }
0xf2: {  	s11 =	simm.s32 $0x21C0;
	s20 =	rddreg [dreg:$0x15];
	[sflag:s26] =	ssyncadd.s32 $0xFFFFFFB0  }
0xf3: {  	[tilespmem:s11], [sflag:$0x7] =	stream.indirect.gather [hbm4b:s5+s0], $0x50, s9, s0, $0xb8;
	[tilespmem:$0x120C0] =	vst v63  }
0xf4: {  	s11 =	sadd.s32 s1, s20  }
0xf5: {  	s19 =	simm.s32 $0x3AC0;
	s11 =	sshrl.u32 s11, $0x3  }
0xf6: {  	[tilespmem:s19], [sflag:$0x8] =	stream.indirect.gather [hbm4b:s6+s0], $0x10, s4, s0, $0xb8;
	[tilespmem:$0x120C0] =	vst v63  }
0xf7: {  	s20 =	simm.s32 $0x0;
	s21 =	sadd.s32 s2, s11  }
0xf8: {  	[tilespmem:s20], [sflag:$0x1] =	stream.linear.gather [hbm4b:s21+s20], $0x50, $0x38;
	[tilespmem:$0x120C0] =	vst v63  }
0xf9: {  	s21 =	sadd.s32 s7, s11  }
0xfa: {  	[tilespmem:s0], [sflag:$0x1] =	stream.linear.gather [hbm4b:s21+s20], $0x50, $0x38;
	[tilespmem:$0x120C0] =	vst v63  }
0xfb: {  	s11 =	sadd.s32 s8, s11;
	s21 =	simm.s32 $0xA0  }
0xfc: {  	[tilespmem:s21], [sflag:$0x1] =	stream.linear.gather [hbm4b:s11+s20], $0x50, $0x38;
	[tilespmem:$0x120C0] =	vst v63  }
0xfd: {  	_ =	swait.ge [sflag:s22], $0x1900  }
0xfe: {  	[sflag:s22] =	ssyncset.done $0x0  }
0xff: {  	[sflag:s22] =	ssyncadd.s32 $0xFFFFE700  }
0x100: {  	_ =	swait.ge [sflag:s28], $0x500  }
0x101: {  	[sflag:s28] =	ssyncset.done $0x0  }
0x102: {  	s19 =	simm.s32 $0x0;
	[sflag:s28] =	ssyncadd.s32 $0xFFFFFB00  }
0x103: {  	s20 =	simm.s32 $0x1CC0;
	s11 =	simm.s32 $0x140;
	v1 =	vld [tilespmem:s19+$0x400]  }
.LBB2_9:
0x104: {  	p0 =	sne.s32 s11, $0x62C0;
	v2 =	vld [tilespmem:s20+$0x0];
	_ =	sdelay $0x4  }
0x105: {  	v1 =	vadd.f32 v2, v1;
	_ =	sdelay $0x1  }
0x106: {  	v2 =	vmul.f32 $2.000000030e-01, v1  }
0x107: {  	vm0 =	vgt.f32 v1, $0.0e+00  }
0x108: {  	v1 =	vsel vm0, v1, v2  }
0x109: {  	v1 =	vmul.f32 $1.442695020e+00, v1;
	_ =	sdelay $0x1  }
0x10a: {  	(erf) = vpow2.f32 v1;
	_ =	sdelay $0x2  }
0x10b: {  	v1 =	vld [tilespmem:s19+$0x3C0]  }
0x10c: {  	v2 =	vld [tilespmem:s19+$0x3D0]  }
0x10d: {  	v3 =	vld [tilespmem:s19+$0x3E0]  }
0x10e: {  	v4 =	vld [tilespmem:s19+$0x3F0];
	_ =	sdelay $0x2  }
0x10f: {  	v5 =	vpop (erf)  }
0x110: {  	[tilespmem:s19+$0x4000] =	vst v5;
	v1 =	vmul.f32 v5, v1;
	v2 =	vmul.f32 v5, v2  }
.Ltmp3:
0x111: {  	v3 =	vmul.f32 v3, v5;
	v4 =	vmul.f32 v4, v5;
	(pc) =	sbr.rel @p0 .LBB2_9-.Ltmp3, $4  }
0x112: {  	[tilespmem:s19+$0x3FC0] =	vst v1  }
0x113: {  	[tilespmem:s19+$0x3FD0] =	vst v2  }
0x114: {  	s21 =	sshra.s32 s11, $0x2;
	[tilespmem:s19+$0x3FE0] =	vst v3  }
0x115: {  	s11 =	sadd.s32 $0x140, s11;
	s20 =	sadd.s32 $0x10, s20;
	v1 =	vld [tilespmem:s21+$0x400];
	[tilespmem:s19+$0x3FF0] =	vst v4;
	s19 =	smov.u32 s21  }
0x116: {  	v2 =	vld [tilespmem:s20+$0x0];
	_ =	sdelay $0x4  }
0x117: {  	v1 =	vadd.f32 v2, v1;
	_ =	sdelay $0x1  }
0x118: {  	v2 =	vmul.f32 $2.000000030e-01, v1  }
0x119: {  	vm0 =	vgt.f32 v1, $0.0e+00  }
0x11a: {  	v1 =	vsel vm0, v1, v2  }
0x11b: {  	v1 =	vmul.f32 $1.442695020e+00, v1;
	_ =	sdelay $0x1  }
0x11c: {  	(erf) = vpow2.f32 v1;
	_ =	sdelay $0x4  }
0x11d: {  	v1 =	vld [tilespmem:s19+$0x3C0]  }
0x11e: {  	v2 =	vld [tilespmem:s19+$0x3D0]  }
0x11f: {  	v3 =	vld [tilespmem:s19+$0x3E0]  }
0x120: {  	v4 =	vld [tilespmem:s19+$0x3F0]  }
0x121: {  	v5 =	vpop (erf)  }
0x122: {  	v1 =	vmul.f32 v5, v1  }
0x123: {  	[tilespmem:s19+$0x4000] =	vst v5;
	v2 =	vmul.f32 v5, v2  }
0x124: {  	v3 =	vmul.f32 v3, v5;
	[tilespmem:s19+$0x3FC0] =	vst v1  }
0x125: {  	v1 =	vmul.f32 v4, v5;
	[tilespmem:s19+$0x3FD0] =	vst v2  }
0x126: {  	[tilespmem:s19+$0x3FE0] =	vst v3  }
0x127: {  	s11 =	simm.s32 $0x280;
	[tilespmem:s19+$0x3FF0] =	vst v1  }
0x128: {  	[spmem:s3] =	stream.indirect.scatter.add.f32 [tilespmem:s30], [sflag:$0x9], $0x50, s11, s0, $0xb8;
	[tilespmem:$0x120C0] =	vst v63  }
0x129: {  	_ =	swait.ge [sflag:s31], $0x1900  }
0x12a: {  	[sflag:s31] =	ssyncset.done $0x0  }
0x12b: {  	[sflag:s31] =	ssyncadd.s32 $0xFFFFE700  }
0x12c: {  	_ =	swait.ge [sflag:s10], $0x50  }
0x12d: {  	[sflag:s10] =	ssyncset.done $0x0  }
0x12e: {  	[sflag:s10] =	ssyncadd.s32 $0xFFFFFFB0  }
0x12f: {  	_ =	swait.ge [sflag:s10], $0x50  }
0x130: {  	[sflag:s10] =	ssyncset.done $0x0  }
0x131: {  	[sflag:s10] =	ssyncadd.s32 $0xFFFFFFB0  }
0x132: {  	_ =	swait.ge [sflag:s10], $0x50  }
0x133: {  	[sflag:s10] =	ssyncset.done $0x0;
	s21 =	rddreg [dreg:$0x16]  }
0x134: {  	s11 =	simm.s32 $0x0;
	[sflag:s10] =	ssyncadd.s32 $0xFFFFFFB0;
	s1 =	sadd.s32 s1, s21  }
0x135: {  	[tilespmem:s14], [sflag:$0x5] =	stream.indirect.gather [hbm4b:s5+s0], $0x50, s11, s0, $0xb8;
	[tilespmem:$0x120C0] =	vst v63  }
0x136: {  	s1 =	sshrl.u32 s1, $0x3  }
0x137: {  	[tilespmem:s15], [sflag:$0x6] =	stream.indirect.gather [hbm4b:s6+s0], $0x10, s0, s0, $0xb8;
	[tilespmem:$0x120C0] =	vst v63  }
0x138: {  	s21 =	simm.s32 $0xF0;
	s20 =	sadd.s32 s2, s1  }
0x139: {  	[tilespmem:s21], [sflag:$0x2] =	stream.linear.gather [hbm4b:s20+s11], $0x50, $0x38;
	[tilespmem:$0x120C0] =	vst v63  }
0x13a: {  	s20 =	sadd.s32 s7, s1  }
0x13b: {  	[tilespmem:s12], [sflag:$0x2] =	stream.linear.gather [hbm4b:s20+s11], $0x50, $0x38;
	[tilespmem:$0x120C0] =	vst v63  }
0x13c: {  	s1 =	sadd.s32 s8, s1  }
0x13d: {  	[tilespmem:s13], [sflag:$0x2] =	stream.linear.gather [hbm4b:s1+s11], $0x50, $0x38;
	[tilespmem:$0x120C0] =	vst v63  }
0x13e: {  	_ =	swait.ge [sflag:s24], $0x1900  }
0x13f: {  	[sflag:s24] =	ssyncset.done $0x0  }
0x140: {  	[sflag:s24] =	ssyncadd.s32 $0xFFFFE700  }
0x141: {  	_ =	swait.ge [sflag:s25], $0x500  }
0x142: {  	[sflag:s25] =	ssyncset.done $0x0  }
0x143: {  	s1 =	simm.s32 $0x0;
	[sflag:s25] =	ssyncadd.s32 $0xFFFFFB00  }
0x144: {  	s19 =	simm.s32 $0x3AC0;
	s11 =	simm.s32 $0x140;
	v1 =	vld [tilespmem:s1+$0x2200]  }
.LBB2_11:
0x145: {  	p0 =	sne.s32 s11, $0x62C0;
	v2 =	vld [tilespmem:s19+$0x0];
	_ =	sdelay $0x4  }
0x146: {  	v1 =	vadd.f32 v2, v1;
	_ =	sdelay $0x1  }
0x147: {  	v2 =	vmul.f32 $2.000000030e-01, v1  }
0x148: {  	vm0 =	vgt.f32 v1, $0.0e+00  }
0x149: {  	v1 =	vsel vm0, v1, v2  }
0x14a: {  	v1 =	vmul.f32 $1.442695020e+00, v1;
	_ =	sdelay $0x1  }
0x14b: {  	(erf) = vpow2.f32 v1;
	_ =	sdelay $0x2  }
0x14c: {  	v1 =	vld [tilespmem:s1+$0x21C0]  }
0x14d: {  	v2 =	vld [tilespmem:s1+$0x21D0]  }
0x14e: {  	v3 =	vld [tilespmem:s1+$0x21E0]  }
0x14f: {  	v4 =	vld [tilespmem:s1+$0x21F0];
	_ =	sdelay $0x2  }
0x150: {  	v5 =	vpop (erf)  }
0x151: {  	[tilespmem:s1+$0x4000] =	vst v5;
	v1 =	vmul.f32 v5, v1;
	v2 =	vmul.f32 v5, v2  }
.Ltmp4:
0x152: {  	v3 =	vmul.f32 v3, v5;
	v4 =	vmul.f32 v4, v5;
	(pc) =	sbr.rel @p0 .LBB2_11-.Ltmp4, $4  }
0x153: {  	[tilespmem:s1+$0x3FC0] =	vst v1  }
0x154: {  	[tilespmem:s1+$0x3FD0] =	vst v2  }
0x155: {  	s20 =	sshra.s32 s11, $0x2;
	[tilespmem:s1+$0x3FE0] =	vst v3  }
0x156: {  	s11 =	sadd.s32 $0x140, s11;
	s19 =	sadd.s32 $0x10, s19;
	v1 =	vld [tilespmem:s20+$0x2200];
	[tilespmem:s1+$0x3FF0] =	vst v4;
	s1 =	smov.u32 s20  }
0x157: {  	v2 =	vld [tilespmem:s19+$0x0];
	_ =	sdelay $0x4  }
0x158: {  	v1 =	vadd.f32 v2, v1;
	_ =	sdelay $0x1  }
0x159: {  	v2 =	vmul.f32 $2.000000030e-01, v1  }
0x15a: {  	vm0 =	vgt.f32 v1, $0.0e+00  }
0x15b: {  	v1 =	vsel vm0, v1, v2  }
0x15c: {  	v1 =	vmul.f32 $1.442695020e+00, v1;
	_ =	sdelay $0x1  }
0x15d: {  	(erf) = vpow2.f32 v1;
	_ =	sdelay $0x4  }
0x15e: {  	v1 =	vld [tilespmem:s1+$0x21C0]  }
0x15f: {  	v2 =	vld [tilespmem:s1+$0x21D0]  }
0x160: {  	v3 =	vld [tilespmem:s1+$0x21E0]  }
0x161: {  	v4 =	vld [tilespmem:s1+$0x21F0]  }
0x162: {  	v5 =	vpop (erf)  }
0x163: {  	v1 =	vmul.f32 v5, v1  }
0x164: {  	[tilespmem:s1+$0x4000] =	vst v5;
	v2 =	vmul.f32 v5, v2  }
0x165: {  	v3 =	vmul.f32 v3, v5;
	[tilespmem:s1+$0x3FC0] =	vst v1  }
0x166: {  	v1 =	vmul.f32 v4, v5;
	[tilespmem:s1+$0x3FD0] =	vst v2  }
0x167: {  	[tilespmem:s1+$0x3FE0] =	vst v3  }
0x168: {  	[tilespmem:s1+$0x3FF0] =	vst v1  }
0x169: {  	[spmem:s3] =	stream.indirect.scatter.add.f32 [tilespmem:s30], [sflag:$0x9], $0x50, s23, s0, $0xb8;
	[tilespmem:$0x120C0] =	vst v63  }
0x16a: {  	_ =	swait.ge [sflag:s31], $0x1900  }
0x16b: {  	[sflag:s31] =	ssyncset.done $0x0  }
0x16c: {  	[sflag:s31] =	ssyncadd.s32 $0xFFFFE700  }
0x16d: {  	_ =	swait.ge [sflag:s16], $0x50  }
0x16e: {  	[sflag:s16] =	ssyncset.done $0x0  }
0x16f: {  	s18 =	sadd.s32 $0x1, s18;
	[sflag:s16] =	ssyncadd.s32 $0xFFFFFFB0  }
0x170: {  	p0 =	sne.s32 s18, $0x20;
	_ =	swait.ge [sflag:s16], $0x50  }
.Ltmp5:
0x171: {  	[sflag:s16] =	ssyncset.done $0x0;
	(pc) =	sbr.rel @p0 .LBB2_4-.Ltmp5, $4  }
0x172: {  	[sflag:s16] =	ssyncadd.s32 $0xFFFFFFB0  }
0x173: {  	_ =	swait.ge [sflag:s16], $0x50  }
0x174: {  	[sflag:s16] =	ssyncset.done $0x0  }
0x175: {  	[sflag:s16] =	ssyncadd.s32 $0xFFFFFFB0  }
0x176: {  	_ =	swait.ge [sflag:s22], $0x1900  }
0x177: {  	[sflag:s22] =	ssyncset.done $0x0  }
0x178: {  	[sflag:s22] =	ssyncadd.s32 $0xFFFFE700  }
0x179: {  	_ =	swait.ge [sflag:s28], $0x500  }
0x17a: {  	[sflag:s28] =	ssyncset.done $0x0  }
0x17b: {  	[sflag:s28] =	ssyncadd.s32 $0xFFFFFB00  }
0x17c: {  	s1 =	stileid.u32;
	[bflag:$0x0] =	sbarrier.arrive $0xFFFF  }
0x17d: {  	s1 =	sshll.u32 s1, $0x6;
	s18 =	rddreg [dreg:$0x5]  }
0x17e: {  	s1 =	sor.u32 $0x1C09, s1;
	s17 =	rddreg [dreg:$0x17];
	s11 =	sshrl.u32 s18, $0x3  }
0x17f: {  	[hbm:s17], [sflag:s1] =	dma.local [spmem:s11], $0x1900  }
0x180: {  	_ =	swait.ge [sflag:s31], $0x1900  }
0x181: {  	s19 =	rddreg [dreg:$0x4]  }
0x182: {  	s20 =	rddreg [dreg:$0x18];
	s17 =	sadd.s32 $0x1, s19  }
0x183: {  	p0 =	sne.s32 s17, s20  }
.Ltmp6:
0x184: {  	_ = 	snop;
	(pc) =	sbr.rel @p0 .LBB2_1-.Ltmp6, $3  }
0x185: {  	_ =	sdelay $0x1  }
0x186: {  	[sflag:s31] =	ssyncset.done $0x0  }
0x187: {  	[sflag:s31] =	ssyncadd.s32 $0xFFFFE700  }
0x188: {  	_ =	sfence.sel $0x180000  }
0x189: {  	[bflag:$0x0] =	sbarrier.arrive $0xFFFF  }
0x18a: {  	_ =	strace $0x9000004A  }
0x18b: {  	s0 =	stileid.u32;
	[bflag:$0x2] =	sbarrier.arrive $0xFFFF  }
0x18c: {  	p0 =	sne.s32 s0, $0x0;
	s0 =	rddreg [dreg:$0x3]  }
0x18d: {  	s0 =	sadd.s32 @!p0 $0x100000, s0  }
0x18e: {  	[sflag:s0] =	ssyncadd.tile.s32 @!p0 $0x1;
	_ =	shalt  }
.Lfunc_end2:
_tile_overlayer_lowered:
.L_overlay_start_2:
0x18f: {  	(tag) =	ssettag $0x2  }
0x190: {  	s0 =	rddreg [dreg:$0x0];
	s2 =	stileid.u32  }
0x191: {  	s1 =	rddreg [dreg:$0x1];
	p0 =	sne.s32 s2, $0x0  }
0x192: {  	s3 =	rddreg [dreg:$0x2];
	[bflag:$0x3] =	sbarrier.arrive $0xFFFF;
	s2 =	simm.s32 @!p0 $0x1C09  }
0x193: {  	[timem:s3], [sflag:s2] =	dma.local @!p0 [hbm:s0], s1  }
0x194: {  	s0 =	simm.s32 @!p0 $0x9  }
0x195: {  	_ =	swait.ge @!p0 [sflag:s0], s1  }
0x196: {  	s1 =	ssub.s32 @!p0 $0x0, s1;
	[sflag:s0] =	ssyncset.done @!p0 $0x0  }
0x197: {  	[sflag:s0] =	ssyncadd.s32 @!p0 s1  }
0x198: {  	[bflag:$0x3] =	sbarrier.arrive $0xFFFF  }
0x199: {  	_ =	shalt  }

// kernel: kernel.7.cloned.1.call-start
scs
__scs_entry_jumppad:
0x0: {  	(pc) =	sbr.rel $0x88, $3  }
0x1: {  	(tag) =	ssettag $0x0;
	lr =	simm.s32 $0x1  }
0x2: {  	[smem:$0x3F93] =	sst lr;
	_ =	strace $0xD0000000  }
0x3: {  	_ = 	snop  }
0x4: {  	_ = 	snop  }
0x5: {  	_ = 	snop  }
0x6: {  	_ = 	snop  }
0x7: {  	_ = 	snop  }
__scs_overlays_trampoline_lowered:
0x8: {  	[smem:$0x3FA2] =	sst s0  }
0x9: {  	[smem:$0x3FA3] =	sst s1  }
0xa: {  	[smem:$0x3FA4] =	sst s2  }
0xb: {  	[smem:$0x3FA5] =	sst s3  }
0xc: {  	[smem:$0x3FA6] =	sst s4  }
0xd: {  	[smem:$0x3FA7] =	sst s5  }
0xe: {  	[smem:$0x3FA8] =	sst s6  }
0xf: {  	[smem:$0x3FA9] =	sst s7  }
0x10: {  	[smem:$0x3FAA] =	sst s8  }
0x11: {  	[smem:$0x3FAB] =	sst s9;
	s0 =	simm.s32 @!p0 $0x0  }
0x12: {  	s1 =	sld [smem:$0x3F91];
	s0 =	simm.s32 @p0 $0x1  }
0x13: {  	[smem:$0x3FAC] =	sst s0;
	s0 =	simm.s32 @!p1 $0x0  }
0x14: {  	s2 =	sld [smem:$0x3F90];
	s0 =	simm.s32 @p1 $0x1  }
0x15: {  	[smem:$0x3FAD] =	sst s0;
	s0 =	simm.s32 @!p2 $0x0  }
0x16: {  	s3 =	sld [smem:$0x3FDB];
	s0 =	simm.s32 @p2 $0x1  }
0x17: {  	s4 =	simm.s32 $0x1BF5;
	[smem:$0x3FAF] =	sst s0  }
0x18: {  	s0 =	sld [smem:$0x3F92];
	_ =	swait.ge [sflag:s4], $0x0  }
0x19: {  	s7 =	sld [smem:$0x3F93]  }
0x1a: {  	s8 =	sadd.s32 $0xFFFFE003, lr  }
0x1b: {  	s9 =	sadd.s32 $0xFFFFFEF7, lr;
	s5 =	simm.s32 $0xFFFFFFFF;
	p2 =	slt.u32 s8, $0xFFFFF086  }
0x1c: {  	p1 =	slt.u32 s9, $0xF7A;
	s5 =	simm.s32 @!p2 $0x0  }
0x1d: {  	s5 =	simm.s32 @p1 $0x1;
	p0 =	seq.s32 s7, s2  }
0x1e: {  	s7 =	smul.u32 @!p0 $0xF7A, s2;
	p2 =	seq.s32 @!p0 s5, $0x0  }
0x1f: {  	s9 =	smul.u32 $0xF7A, s1;
	s8 =	simm.s32 @!p0 $0x1BF5;
	p2 =	por !p2, p0  }
0x20: {  	[sflag:s8] =	ssyncset.s32 @!p0 $0xFFFFF086;
	s6 =	sadd.s32 @!p0 s3, s7;
	s7 =	simm.s32 @!p0 $0x108  }
0x21: {  	s3 =	sadd.s32 s3, s9;
	s6 =	sadd.s32 @!p0 $0x88, s6;
	s7 =	simm.s32 @p2 $0x1082  }
0x22: {  	[simem:s7], [sflag:s8] =	dma.local @!p0 [hbm:s6], $0xF7A  }
0x23: {  	s9 =	sor.u32 $0xD0000000, s2;
	s6 =	simm.s32 $0x108;
	_ =	swait.ge @!p0 [sflag:s8], $0x0  }
0x24: {  	s3 =	sadd.s32 $0x88, s3;
	s6 =	simm.s32 @!p1 $0x1082;
	[sflag:s4] =	ssyncset.s32 $0xFFFFF086  }
0x25: {  	[simem:s6], [sflag:s4] =	dma.local [hbm:s3], $0xF7A  }
0x26: {  	[smem:$0x3F93] =	sst s1;
	(tag) =	ssettag s2;
	_ =	strace s9  }
0x27: {  	s1 =	sld [smem:$0x3FA3]  }
0x28: {  	s2 =	sld [smem:$0x3FA4]  }
0x29: {  	s4 =	sld [smem:$0x3FA6]  }
0x2a: {  	p0 =	seq.s32 s5, $0x0;
	s5 =	sld [smem:$0x3FA7]  }
0x2b: {  	s6 =	sld [smem:$0x3FA8]  }
0x2c: {  	s7 =	sld [smem:$0x3FA9]  }
0x2d: {  	s3 =	simm.s32 $0x108;
	s8 =	sld [smem:$0x3FAA]  }
0x2e: {  	s3 =	simm.s32 @!p0 $0x1082;
	s9 =	sld [smem:$0x3FAB]  }
0x2f: {  	lr =	sadd.s32 s0, s3;
	s0 =	sld [smem:$0x3FA2]  }
0x30: {  	s3 =	sld [smem:$0x3FA5]  }
0x31: {  	[smem:$0x3FAE] =	sst s10  }
0x32: {  	s10 =	sld [smem:$0x3FAC];
	_ =	sdelay $0x3  }
0x33: {  	p0 =	seq.s32 s10, $0x1;
	s10 =	sld [smem:$0x3FAE];
	_ =	sdelay $0x3  }
0x34: {  	[smem:$0x3FAE] =	sst s10  }
0x35: {  	s10 =	sld [smem:$0x3FAD];
	_ =	sdelay $0x3  }
0x36: {  	p1 =	seq.s32 s10, $0x1;
	s10 =	sld [smem:$0x3FAE];
	_ =	sdelay $0x3  }
0x37: {  	[smem:$0x3FAE] =	sst s10  }
0x38: {  	s10 =	sld [smem:$0x3FAF]  }
0x39: {  	_ = 	snop;
	(pc) =	sbr.ind lr, $3  }
0x3a: {  	_ = 	snop  }
0x3b: {  	_ = 	snop  }
0x3c: {  	p2 =	seq.s32 s10, $0x1;
	s10 =	sld [smem:$0x3FAE]  }
0x3d: {  	_ =	shalt  }
0x3e: {  	_ =	shalt  }
0x3f: {  	_ =	shalt  }
0x40: {  	_ =	shalt  }
0x41: {  	_ =	shalt  }
0x42: {  	_ =	shalt  }
0x43: {  	_ =	shalt  }
0x44: {  	_ =	shalt  }
0x45: {  	_ =	shalt  }
0x46: {  	_ =	shalt  }
0x47: {  	_ =	shalt  }
0x48: {  	_ =	shalt  }
0x49: {  	_ =	shalt  }
0x4a: {  	_ =	shalt  }
0x4b: {  	_ =	shalt  }
0x4c: {  	_ =	shalt  }
0x4d: {  	_ =	shalt  }
0x4e: {  	_ =	shalt  }
0x4f: {  	_ =	shalt  }
0x50: {  	_ =	shalt  }
0x51: {  	_ =	shalt  }
0x52: {  	_ =	shalt  }
0x53: {  	_ =	shalt  }
0x54: {  	_ =	shalt  }
0x55: {  	_ =	shalt  }
0x56: {  	_ =	shalt  }
0x57: {  	_ =	shalt  }
0x58: {  	_ =	shalt  }
0x59: {  	_ =	shalt  }
0x5a: {  	_ =	shalt  }
0x5b: {  	_ =	shalt  }
0x5c: {  	_ =	shalt  }
0x5d: {  	_ =	shalt  }
0x5e: {  	_ =	shalt  }
0x5f: {  	_ =	shalt  }
0x60: {  	_ =	shalt  }
0x61: {  	_ =	shalt  }
0x62: {  	_ =	shalt  }
0x63: {  	_ =	shalt  }
0x64: {  	_ =	shalt  }
0x65: {  	_ =	shalt  }
0x66: {  	_ =	shalt  }
0x67: {  	_ =	shalt  }
0x68: {  	_ =	shalt  }
0x69: {  	_ =	shalt  }
0x6a: {  	_ =	shalt  }
0x6b: {  	_ =	shalt  }
0x6c: {  	_ =	shalt  }
0x6d: {  	_ =	shalt  }
0x6e: {  	_ =	shalt  }
0x6f: {  	_ =	shalt  }
0x70: {  	_ =	shalt  }
0x71: {  	_ =	shalt  }
0x72: {  	_ =	shalt  }
0x73: {  	_ =	shalt  }
0x74: {  	_ =	shalt  }
0x75: {  	_ =	shalt  }
0x76: {  	_ =	shalt  }
0x77: {  	_ =	shalt  }
0x78: {  	_ =	shalt  }
0x79: {  	_ =	shalt  }
0x7a: {  	_ =	shalt  }
0x7b: {  	_ =	shalt  }
0x7c: {  	_ =	shalt  }
0x7d: {  	_ =	shalt  }
0x7e: {  	_ =	shalt  }
0x7f: {  	_ =	shalt  }
0x80: {  	_ =	shalt  }
0x81: {  	_ =	shalt  }
0x82: {  	_ =	shalt  }
0x83: {  	_ =	shalt  }
0x84: {  	_ =	shalt  }
0x85: {  	_ =	shalt  }
0x86: {  	_ =	shalt  }
0x87: {  	_ =	shalt  }
.Lfunc_end0:
.L_simem_size_0:
called_computation_lowered:
.L_overlay_start_0:
0x88: {  	s2 =	sld [smem:$0x3FD9]  }
0x89: {  	s3 =	sld [smem:$0x3FFE];
	_ =	sdelay $0x1  }
0x8a: {  	s1 =	srdreg.scid  }
0x8b: {  	s0 =	sand.u32 $0x1, s1  }
0x8c: {  	s17 =	sshll.u32 s0, $0xA;
	s2 =	sadd.s32 s3, s2  }
0x8d: {  	s2 =	sadd.s32 s2, s17  }
0x8e: {  	[smem:$0x3FBA] =	sst s2  }
0x8f: {  	_ = 	snop  }
0x90: {  	s2 =	sld [smem:$0x3FD0];
	(tm) =	ssettm $0x1  }
0x91: {  	s18 =	sld [smem:$0x3FFB];
	_ =	sdelay $0x3  }
0x92: {  	_ =	strace s18  }
0x93: {  	s3 =	sld [smem:$0x3FFC];
	_ =	sdelay $0x3  }
0x94: {  	_ =	strace s3  }
0x95: {  	s3 =	sld [smem:$0x3FFD];
	_ =	sdelay $0x3  }
0x96: {  	_ =	strace s3  }
0x97: {  	_ =	strace $0x8FFFFFFF  }
0x98: {  	s19 =	sld [smem:$0x3FDB];
	_ =	sdelay $0x1  }
0x99: {  	s4 =	simm.s32 $_scs_section_size  }
0x9a: {  	s5 =	simm.s32 $_size__tile_overlayer_lowered;
	s6 =	simm.s32 $_tile_overlayer_lowered  }
0x9b: {  	s22 =	simm.s32 $0x1BFF;
	s21 =	sshll.u32 s6, $0x1;
	s3 =	sadd.s32 s4, s19  }
0x9c: {  	s7 =	simm.s32 $0x0;
	s20 =	sshll.u32 s5, $0x1;
	s5 =	sadd.s32 s21, s3  }
0x9d: {  	[timem:s7], [sflag:s22] =	dma.local [hbm:s5], s20  }
0x9e: {  	_ =	swait.ge [sflag:s22], s20  }
0x9f: {  	s4 =	ssub.s32 $0x0, s20;
	[sflag:s22] =	ssyncset.done $0x0  }
0xa0: {  	[sflag:s22] =	ssyncadd.s32 s4;
	_ =	sdelay $0x1  }
0xa1: {  	s23 =	simm.s32 $0x1B8B  }
0xa2: {  	_ =	swait.ge [sflag:s23], $0x1  }
0xa3: {  	[sflag:s23] =	ssyncset.done $0x0  }
0xa4: {  	s25 =	simm.s32 $0x1B8E;
	s24 =	sld [smem:$0x3FFE];
	[sflag:s23] =	ssyncadd.s32 $0xFFFFFFFF  }
0xa5: {  	s26 =	simm.s32 $execute0_lowered;
	[smem:$0x3FD2] =	sst s25  }
0xa6: {  	s5 =	sshll.u32 s26, $0x1;
	_ =	strace $0x80000046;
	[dreg:$0x1] =	wrdreg $0xFFFFFFFF  }
0xa7: {  	s28 =	simm.s32 $_size_execute0_lowered;
	s3 =	sadd.s32 s3, s5;
	[dreg:$0x0] =	wrdreg $0x0  }
0xa8: {  	s5 =	sshll.u32 s28, $0x1;
	[dreg:$0x2] =	wrdreg s3  }
0xa9: {  	[dreg:$0x3] =	wrdreg s5  }
0xaa: {  	[dreg:$0x4] =	wrdreg $0xC0  }
0xab: {  	_ =	task [dreg:s7], $0x5FFFF  }
0xac: {  	[dreg:$0x1] =	wrdreg $0xFFFFFFFF  }
0xad: {  	[dreg:$0x0] =	wrdreg $0x60  }
0xae: {  	[dreg:$0x2] =	wrdreg s24  }
0xaf: {  	[dreg:$0x3] =	wrdreg s2  }
0xb0: {  	[dreg:$0x4] =	wrdreg $0x94C00  }
0xb1: {  	[dreg:$0x5] =	wrdreg $0x9  }
0xb2: {  	_ =	task.clear_ibuf [dreg:s7], $0x6FFFF;
	_ =	strace $0x90000046  }
0xb3: {  	s29 =	simm.s32 $0x9;
	_ =	strace $0x80000048  }
0xb4: {  	_ =	swait.ge [sflag:s29], $0x1  }
0xb5: {  	[sflag:s29] =	ssyncadd.s32 $0xFFFFFFFF  }
0xb6: {  	_ =	strace $0x90000048  }
0xb7: {  	_ =	sfence  }
0xb8: {  	s30 =	sld [smem:$0x0];
	_ =	sdelay $0x2  }
0xb9: {  	s31 =	sshll.u32 s1, $0xD;
	s1 =	sshrl.u32 s1, $0x2  }
0xba: {  	s3 =	sand.u32 $0x4000, s31;
	s1 =	sadd.s32 s1, s30  }
0xbb: {  	s0 =	sor.u32 s3, s0;
	s1 =	sshll.u32 s1, $0x11  }
0xbc: {  	s0 =	sor.u32 s1, s0  }
0xbd: {  	s0 =	sadd.s32 $0x8F2B, s0  }
0xbe: {  	[sflag:s0] =	ssyncadd.remote.s32 $0x1  }
0xbf: {  	_ =	sfence.sel $0xFFFF  }
0xc0: {  	[dreg:$0x0] =	wrdreg $0xFFFFFFFF;
	(pc) =	sbr.abs _section_cstart, $3  }
0xc1: {  	[dreg:$0x1] =	wrdreg $0xFFFFFFFF  }
0xc2: {  	_ =	task.clear_ibuf [dreg:s7], $0x2FFFF;
	_ =	strace $0x9FFFFFFF  }
0xc3: {  	(tm) =	ssettm $0x7FFFFFFF  }
tec
execute0_lowered:
.L_overlay_start_1:
0x0: {  	(tag) =	ssettag $0x1  }
0x1: {  	s0 =	rddreg [dreg:$0x0]  }
0x2: {  	s2 =	rddreg [dreg:$0x1]  }
0x3: {  	s3 =	rddreg [dreg:$0x2];
	s1 =	srdreg.scid  }
0x4: {  	s12 =	stileid.u32;
	s17 =	simm.s32 $0x0;
	s30 =	simm.s32 $0x67C0  }
0x5: {  	s31 =	simm.s32 $0x9;
	s28 =	simm.s32 $0x6;
	s1 =	sand.u32 $0x1, s1  }
0x6: {  	s4 =	smul.u32 $0x16800, s12;
	[smem:$0x7FF] =	sst s17;
	s5 =	sadd.s32 $0x50600, s0  }
0x7: {  	s6 =	sadd.s32 $0x7C600, s0;
	s10 =	smul.u32 $0x5A000, s12;
	s12 =	sshll.u32 s12, $0x1  }
0x8: {  	s7 =	smul.u32 $0x168000, s1;
	_ =	strace $0x80000047;
	s23 =	ssub.s32 $0x2, s1  }
0x9: {  	s1 =	sor.u32 s1, s12;
	s11 =	sshrl.u32 s23, $0x1;
	s10 =	sshrl.u32 s10, $0x2  }
0xa: {  	s18 =	sadd.s32 s4, s3;
	s1 =	smul.u32 $0x2800, s1;
	s10 =	sadd.s32 s10, s3  }
0xb: {  	s8 =	sadd.s32 s4, s7;
	[dreg:$0x5] =	wrdreg s18;
	s24 =	sadd.s32 $0x2D00, s10  }
0xc: {  	s7 =	sadd.s32 $0x8B800, s0;
	s25 =	sadd.s32 $0x5A00, s10;
	[dreg:$0x6] =	wrdreg s24  }
0xd: {  	s9 =	sshrl.u32 s8, $0x3;
	s26 =	sadd.s32 $0x8700, s10;
	[dreg:$0x7] =	wrdreg s25  }
0xe: {  	s8 =	sadd.s32 $0x81600, s0;
	s12 =	sadd.s32 $0xE100, s10;
	[dreg:$0x8] =	wrdreg s26  }
0xf: {  	s13 =	sadd.s32 $0x10E00, s10;
	s0 =	sadd.s32 s9, s0;
	[dreg:$0xa] =	wrdreg s12  }
0x10: {  	s9 =	ssub.s32 s23, s11;
	s11 =	sadd.s32 $0xB400, s10;
	[dreg:$0xb] =	wrdreg s13  }
0x11: {  	s14 =	sshrl.u32 s1, $0x3;
	s10 =	sadd.s32 $0x13B00, s10;
	[dreg:$0x9] =	wrdreg s11  }
0x12: {  	s29 =	simm.s32 $0x3;
	s15 =	sadd.s32 s2, s14;
	[dreg:$0xc] =	wrdreg s10  }
0x13: {  	s16 =	sor.u32 $0xA, s14;
	s19 =	sadd.s32 s7, s14;
	[dreg:$0xd] =	wrdreg s15  }
0x14: {  	s4 =	sadd.s32 s8, s14;
	s23 =	sor.u32 $0xA0, s1;
	[dreg:$0xe] =	wrdreg s19  }
0x15: {  	s24 =	sor.u32 $0xF0, s1;
	s25 =	sor.u32 $0x140, s1;
	[dreg:$0xf] =	wrdreg s4  }
0x16: {  	s1 =	sor.u32 $0x190, s1;
	s12 =	simm.s32 $0x140;
	[dreg:$0x13] =	wrdreg s23  }
0x17: {  	s13 =	simm.s32 $0x190;
	s14 =	simm.s32 $0x3C0;
	[dreg:$0x14] =	wrdreg s24  }
0x18: {  	s20 =	sadd.s32 s2, s16;
	s21 =	sadd.s32 s7, s16;
	[dreg:$0x15] =	wrdreg s25  }
0x19: {  	s22 =	sadd.s32 s8, s16;
	[dreg:$0x16] =	wrdreg s1;
	s0 =	sadd.s32 $0x95A00, s0  }
0x1a: {  	s26 =	smax.u32 s9, $0x1;
	s10 =	simm.s32 $0x1;
	[dreg:$0x10] =	wrdreg s20  }
0x1b: {  	s15 =	simm.s32 $0x30C0;
	s16 =	simm.s32 $0x2;
	[dreg:$0x11] =	wrdreg s21  }
0x1c: {  	s9 =	simm.s32 $0x2D0;
	s4 =	simm.s32 $0x320;
	[dreg:$0x12] =	wrdreg s22  }
0x1d: {  	s23 =	simm.s32 $0x370;
	s24 =	simm.s32 $0x7;
	[dreg:$0x17] =	wrdreg s0  }
0x1e: {  	s25 =	simm.s32 $0x8;
	[dreg:$0x18] =	wrdreg s26;
	s0 =	simm.s32 $0x50  }
0x1f: {  	v0 =	vimm.f32 $0.0e+00;
	s21 =	simm.s32 $0xF0;
	s22 =	simm.s32 $0x5;
	s26 =	simm.s32 $0x4  }
.LBB2_1:
0x20: {  	[dreg:$0x4] =	wrdreg s17;
	s1 =	simm.s32 $0x0;
	s17 =	simm.s32 $0x240  }
.LBB2_2:
0x21: {  	p0 =	sne.s32 s17, $0xB1C0;
	[tilespmem:s1+$0x6840] =	vst v0  }
0x22: {  	[tilespmem:s1+$0x67C0] =	vst v0  }
0x23: {  	[tilespmem:s1+$0x67D0] =	vst v0  }
0x24: {  	[tilespmem:s1+$0x67E0] =	vst v0  }
.Ltmp0:
0x25: {  	[tilespmem:s1+$0x67F0] =	vst v0;
	(pc) =	sbr.rel @p0 .LBB2_2-.Ltmp0, $4  }
0x26: {  	[tilespmem:s1+$0x6800] =	vst v0  }
0x27: {  	[tilespmem:s1+$0x6810] =	vst v0  }
0x28: {  	[tilespmem:s1+$0x6820] =	vst v0  }
0x29: {  	[tilespmem:s1+$0x6830] =	vst v0;
	s1 =	sshra.s32 s17, $0x2;
	s17 =	sadd.s32 $0x240, s17  }
0x2a: {  	[tilespmem:s1+$0x6840] =	vst v0  }
0x2b: {  	[tilespmem:s1+$0x67C0] =	vst v0  }
0x2c: {  	[tilespmem:s1+$0x67D0] =	vst v0  }
0x2d: {  	[tilespmem:s1+$0x67E0] =	vst v0  }
0x2e: {  	[tilespmem:s1+$0x67F0] =	vst v0  }
0x2f: {  	[tilespmem:s1+$0x6800] =	vst v0  }
0x30: {  	[tilespmem:s1+$0x6810] =	vst v0  }
0x31: {  	[tilespmem:s1+$0x6820] =	vst v0  }
0x32: {  	[tilespmem:s1+$0x6830] =	vst v0  }
0x33: {  	[spmem:s18] =	stream.linear.scatter [tilespmem:s30], [sflag:$0x9], $0x2D00, $0x38;
	[tilespmem:$0x1FCC0] =	vst v63  }
0x34: {  	_ =	swait.ge [sflag:s31], $0x2D00  }
0x35: {  	[sflag:s31] =	ssyncset.done $0x0  }
0x36: {  	s11 =	rddreg [dreg:$0x6];
	[sflag:s31] =	ssyncadd.s32 $0xFFFFD300  }
0x37: {  	[spmem:s11] =	stream.linear.scatter [tilespmem:s30], [sflag:$0x9], $0x2D00, $0x38;
	[tilespmem:$0x1FCC0] =	vst v63  }
0x38: {  	_ =	swait.ge [sflag:s31], $0x2D00  }
0x39: {  	[sflag:s31] =	ssyncset.done $0x0  }
0x3a: {  	s17 =	rddreg [dreg:$0x7];
	[sflag:s31] =	ssyncadd.s32 $0xFFFFD300  }
0x3b: {  	[spmem:s17] =	stream.linear.scatter [tilespmem:s30], [sflag:$0x9], $0x2D00, $0x38;
	[tilespmem:$0x1FCC0] =	vst v63  }
0x3c: {  	_ =	swait.ge [sflag:s31], $0x2D00  }
0x3d: {  	[sflag:s31] =	ssyncset.done $0x0  }
0x3e: {  	s18 =	rddreg [dreg:$0x8];
	[sflag:s31] =	ssyncadd.s32 $0xFFFFD300  }
0x3f: {  	[spmem:s18] =	stream.linear.scatter [tilespmem:s30], [sflag:$0x9], $0x2D00, $0x38;
	[tilespmem:$0x1FCC0] =	vst v63  }
0x40: {  	_ =	swait.ge [sflag:s31], $0x2D00  }
0x41: {  	[sflag:s31] =	ssyncset.done $0x0  }
0x42: {  	s19 =	rddreg [dreg:$0x9];
	[sflag:s31] =	ssyncadd.s32 $0xFFFFD300  }
0x43: {  	[spmem:s19] =	stream.linear.scatter [tilespmem:s30], [sflag:$0x9], $0x2D00, $0x38;
	[tilespmem:$0x1FCC0] =	vst v63  }
0x44: {  	_ =	swait.ge [sflag:s31], $0x2D00  }
0x45: {  	[sflag:s31] =	ssyncset.done $0x0  }
0x46: {  	s20 =	rddreg [dreg:$0xa];
	[sflag:s31] =	ssyncadd.s32 $0xFFFFD300  }
0x47: {  	[spmem:s20] =	stream.linear.scatter [tilespmem:s30], [sflag:$0x9], $0x2D00, $0x38;
	[tilespmem:$0x1FCC0] =	vst v63  }
0x48: {  	_ =	swait.ge [sflag:s31], $0x2D00  }
0x49: {  	[sflag:s31] =	ssyncset.done $0x0  }
0x4a: {  	s11 =	rddreg [dreg:$0xb];
	[sflag:s31] =	ssyncadd.s32 $0xFFFFD300  }
0x4b: {  	[spmem:s11] =	stream.linear.scatter [tilespmem:s30], [sflag:$0x9], $0x2D00, $0x38;
	[tilespmem:$0x1FCC0] =	vst v63  }
0x4c: {  	_ =	swait.ge [sflag:s31], $0x2D00  }
0x4d: {  	[sflag:s31] =	ssyncset.done $0x0  }
0x4e: {  	s17 =	rddreg [dreg:$0xc];
	[sflag:s31] =	ssyncadd.s32 $0xFFFFD300  }
0x4f: {  	[spmem:s17] =	stream.linear.scatter [tilespmem:s30], [sflag:$0x9], $0x2D00, $0x38;
	[tilespmem:$0x1FCC0] =	vst v63  }
0x50: {  	_ =	swait.ge [sflag:s31], $0x2D00  }
0x51: {  	[sflag:s31] =	ssyncset.done $0x0  }
0x52: {  	[sflag:s31] =	ssyncadd.s32 $0xFFFFD300  }
0x53: {  	[bflag:$0x0] =	sbarrier.arrive $0xFFFF  }
0x54: {  	s17 =	simm.s32 $0x0;
	s18 =	rddreg [dreg:$0xd]  }
0x55: {  	[tilespmem:s17], [sflag:$0x1] =	stream.linear.gather [hbm4b:s18+s17], $0x50, $0x38;
	[tilespmem:$0x1FCC0] =	vst v63  }
0x56: {  	s19 =	rddreg [dreg:$0xe]  }
0x57: {  	[tilespmem:s0], [sflag:$0x1] =	stream.linear.gather [hbm4b:s19+s17], $0x50, $0x38;
	[tilespmem:$0x1FCC0] =	vst v63  }
0x58: {  	s11 =	simm.s32 $0xA0;
	s20 =	rddreg [dreg:$0xf]  }
0x59: {  	[tilespmem:s11], [sflag:$0x1] =	stream.linear.gather [hbm4b:s20+s17], $0x50, $0x38;
	[tilespmem:$0x1FCC0] =	vst v63  }
0x5a: {  	_ =	swait.ge [sflag:s10], $0x50  }
0x5b: {  	[sflag:s10] =	ssyncset.done $0x0  }
0x5c: {  	[sflag:s10] =	ssyncadd.s32 $0xFFFFFFB0  }
0x5d: {  	_ =	swait.ge [sflag:s10], $0x50  }
0x5e: {  	[sflag:s10] =	ssyncset.done $0x0  }
0x5f: {  	[sflag:s10] =	ssyncadd.s32 $0xFFFFFFB0  }
0x60: {  	_ =	swait.ge [sflag:s10], $0x50  }
0x61: {  	[sflag:s10] =	ssyncset.done $0x0  }
0x62: {  	s18 =	rddreg [dreg:$0x10];
	[sflag:s10] =	ssyncadd.s32 $0xFFFFFFB0  }
0x63: {  	[tilespmem:s21], [sflag:$0x2] =	stream.linear.gather [hbm4b:s18+s17], $0x50, $0x38;
	[tilespmem:$0x1FCC0] =	vst v63  }
0x64: {  	s19 =	rddreg [dreg:$0x11]  }
0x65: {  	[tilespmem:s12], [sflag:$0x2] =	stream.linear.gather [hbm4b:s19+s17], $0x50, $0x38;
	[tilespmem:$0x1FCC0] =	vst v63  }
0x66: {  	s20 =	rddreg [dreg:$0x12]  }
0x67: {  	[tilespmem:s13], [sflag:$0x2] =	stream.linear.gather [hbm4b:s20+s17], $0x50, $0x38;
	[tilespmem:$0x1FCC0] =	vst v63  }
0x68: {  	_ = 	snop  }
0x69: {  	[tilespmem:s14], [sflag:$0x5] =	stream.indirect.gather [hbm4b:s5+s0], $0x90, s17, s0, $0xb8;
	[tilespmem:$0x1FCC0] =	vst v63  }
0x6a: {  	_ = 	snop  }
0x6b: {  	[tilespmem:s15], [sflag:$0x6] =	stream.indirect.gather [hbm4b:s6+s0], $0x10, s0, s0, $0xb8;
	[tilespmem:$0x1FCC0] =	vst v63  }
0x6c: {  	_ =	swait.ge [sflag:s16], $0x50  }
0x6d: {  	[sflag:s16] =	ssyncset.done $0x0  }
0x6e: {  	[sflag:s16] =	ssyncadd.s32 $0xFFFFFFB0  }
0x6f: {  	_ =	swait.ge [sflag:s16], $0x50  }
0x70: {  	[sflag:s16] =	ssyncset.done $0x0  }
0x71: {  	[sflag:s16] =	ssyncadd.s32 $0xFFFFFFB0  }
0x72: {  	_ =	swait.ge [sflag:s16], $0x50  }
0x73: {  	[sflag:s16] =	ssyncset.done $0x0  }
0x74: {  	s18 =	simm.s32 $0x0;
	[sflag:s16] =	ssyncadd.s32 $0xFFFFFFB0  }
.LBB2_4:
0x75: {  	s1 =	simm.s32 $0x35C0;
	s19 =	smul.u32 $0x140, s18  }
0x76: {  	[tilespmem:s1], [sflag:$0x7] =	stream.indirect.gather [hbm4b:s5+s0], $0x90, s21, s0, $0xb8;
	[tilespmem:$0x1FCC0] =	vst v63  }
0x77: {  	s21 =	rddreg [dreg:$0x13]  }
0x78: {  	s20 =	simm.s32 $0x62C0;
	s1 =	sadd.s32 s19, s21  }
0x79: {  	[tilespmem:s20], [sflag:$0x8] =	stream.indirect.gather [hbm4b:s6+s0], $0x10, s12, s0, $0xb8;
	[tilespmem:$0x1FCC0] =	vst v63  }
0x7a: {  	s1 =	sshrl.u32 s1, $0x3  }
0x7b: {  	s11 =	simm.s32 $0x1E0;
	s20 =	sadd.s32 s2, s1  }
0x7c: {  	[tilespmem:s11], [sflag:$0x3] =	stream.linear.gather [hbm4b:s20+s17], $0x50, $0x38;
	[tilespmem:$0x1FCC0] =	vst v63  }
0x7d: {  	s21 =	simm.s32 $0x230;
	s11 =	sadd.s32 s7, s1  }
0x7e: {  	[tilespmem:s21], [sflag:$0x3] =	stream.linear.gather [hbm4b:s11+s17], $0x50, $0x38;
	[tilespmem:$0x1FCC0] =	vst v63  }
0x7f: {  	s1 =	sadd.s32 s8, s1;
	s21 =	simm.s32 $0x280  }
0x80: {  	[tilespmem:s21], [sflag:$0x3] =	stream.linear.gather [hbm4b:s1+s17], $0x50, $0x38;
	[tilespmem:$0x1FCC0] =	vst v63  }
0x81: {  	_ =	swait.ge [sflag:s22], $0x2D00  }
0x82: {  	[sflag:s22] =	ssyncset.done $0x0  }
0x83: {  	[sflag:s22] =	ssyncadd.s32 $0xFFFFD300  }
0x84: {  	_ =	swait.ge [sflag:s28], $0x500  }
0x85: {  	[sflag:s28] =	ssyncset.done $0x0  }
0x86: {  	s20 =	simm.s32 $0x0;
	[sflag:s28] =	ssyncadd.s32 $0xFFFFFB00  }
0x87: {  	s1 =	simm.s32 $0x30C0;
	s21 =	simm.s32 $0x240;
	v1 =	vld [tilespmem:s20+$0x440]  }
.LBB2_5:
0x88: {  	p0 =	sne.s32 s21, $0xB1C0;
	v2 =	vld [tilespmem:s1+$0x0];
	_ =	sdelay $0x4  }
0x89: {  	v1 =	vadd.f32 v2, v1;
	_ =	sdelay $0x1  }
0x8a: {  	v2 =	vmul.f32 $2.000000030e-01, v1  }
0x8b: {  	vm0 =	vgt.f32 v1, $0.0e+00  }
0x8c: {  	v1 =	vsel vm0, v1, v2  }
0x8d: {  	v1 =	vmul.f32 $1.442695020e+00, v1;
	_ =	sdelay $0x1  }
0x8e: {  	(erf) = vpow2.f32 v1  }
0x8f: {  	v1 =	vld [tilespmem:s20+$0x3C0]  }
0x90: {  	v2 =	vld [tilespmem:s20+$0x3D0]  }
0x91: {  	v3 =	vld [tilespmem:s20+$0x3E0]  }
0x92: {  	v4 =	vld [tilespmem:s20+$0x3F0]  }
0x93: {  	v5 =	vld [tilespmem:s20+$0x400]  }
0x94: {  	v6 =	vld [tilespmem:s20+$0x410]  }
0x95: {  	v7 =	vld [tilespmem:s20+$0x420]  }
0x96: {  	v8 =	vld [tilespmem:s20+$0x430]  }
0x97: {  	v9 =	vpop (erf)  }
0x98: {  	[tilespmem:s20+$0x6840] =	vst v9;
	v1 =	vmul.f32 v9, v1;
	v2 =	vmul.f32 v9, v2  }
0x99: {  	v3 =	vmul.f32 v3, v9;
	v4 =	vmul.f32 v4, v9  }
0x9a: {  	[tilespmem:s20+$0x67C0] =	vst v1;
	v1 =	vmul.f32 v5, v9;
	v5 =	vmul.f32 v6, v9  }
0x9b: {  	[tilespmem:s20+$0x67D0] =	vst v2;
	v2 =	vmul.f32 v7, v9;
	v6 =	vmul.f32 v8, v9  }
0x9c: {  	[tilespmem:s20+$0x67E0] =	vst v3  }
.Ltmp1:
0x9d: {  	[tilespmem:s20+$0x67F0] =	vst v4;
	(pc) =	sbr.rel @p0 .LBB2_5-.Ltmp1, $4  }
0x9e: {  	[tilespmem:s20+$0x6800] =	vst v1  }
0x9f: {  	[tilespmem:s20+$0x6810] =	vst v5  }
0xa0: {  	s11 =	sshra.s32 s21, $0x2;
	[tilespmem:s20+$0x6820] =	vst v2  }
0xa1: {  	s21 =	sadd.s32 $0x240, s21;
	s1 =	sadd.s32 $0x10, s1;
	v1 =	vld [tilespmem:s11+$0x440];
	[tilespmem:s20+$0x6830] =	vst v6;
	s20 =	smov.u32 s11  }
0xa2: {  	v2 =	vld [tilespmem:s1+$0x0];
	_ =	sdelay $0x4  }
0xa3: {  	v1 =	vadd.f32 v2, v1;
	_ =	sdelay $0x1  }
0xa4: {  	v2 =	vmul.f32 $2.000000030e-01, v1  }
0xa5: {  	vm0 =	vgt.f32 v1, $0.0e+00  }
0xa6: {  	v1 =	vsel vm0, v1, v2  }
0xa7: {  	v1 =	vmul.f32 $1.442695020e+00, v1;
	_ =	sdelay $0x1  }
0xa8: {  	(erf) = vpow2.f32 v1;
	_ =	sdelay $0x4  }
0xa9: {  	v1 =	vld [tilespmem:s20+$0x3C0]  }
0xaa: {  	v2 =	vld [tilespmem:s20+$0x3D0]  }
0xab: {  	v3 =	vld [tilespmem:s20+$0x3E0]  }
0xac: {  	v4 =	vld [tilespmem:s20+$0x3F0]  }
0xad: {  	v5 =	vld [tilespmem:s20+$0x400];
	v8 =	vpop (erf)  }
0xae: {  	v6 =	vld [tilespmem:s20+$0x410];
	v1 =	vmul.f32 v8, v1  }
0xaf: {  	v7 =	vld [tilespmem:s20+$0x420];
	[tilespmem:s20+$0x6840] =	vst v8;
	v2 =	vmul.f32 v8, v2  }
0xb0: {  	v9 =	vld [tilespmem:s20+$0x430];
	v3 =	vmul.f32 v3, v8;
	[tilespmem:s20+$0x67C0] =	vst v1  }
0xb1: {  	v1 =	vmul.f32 v4, v8;
	[tilespmem:s20+$0x67D0] =	vst v2  }
0xb2: {  	v2 =	vmul.f32 v5, v8;
	[tilespmem:s20+$0x67E0] =	vst v3  }
0xb3: {  	v3 =	vmul.f32 v6, v8;
	[tilespmem:s20+$0x67F0] =	vst v1  }
0xb4: {  	v1 =	vmul.f32 v7, v8;
	[tilespmem:s20+$0x6800] =	vst v2  }
0xb5: {  	v2 =	vmul.f32 v9, v8;
	[tilespmem:s20+$0x6810] =	vst v3  }
0xb6: {  	[tilespmem:s20+$0x6820] =	vst v1  }
0xb7: {  	[tilespmem:s20+$0x6830] =	vst v2;
	s20 =	simm.s32 $0xA0  }
0xb8: {  	[spmem:s3] =	stream.indirect.scatter.add.f32 [tilespmem:s30], [sflag:$0x9], $0x90, s20, s0, $0xb8;
	[tilespmem:$0x1FCC0] =	vst v63  }
0xb9: {  	_ =	swait.ge [sflag:s31], $0x2D00  }
0xba: {  	[sflag:s31] =	ssyncset.done $0x0  }
0xbb: {  	[sflag:s31] =	ssyncadd.s32 $0xFFFFD300  }
0xbc: {  	_ =	swait.ge [sflag:s29], $0x50  }
0xbd: {  	[sflag:s29] =	ssyncset.done $0x0  }
0xbe: {  	[sflag:s29] =	ssyncadd.s32 $0xFFFFFFB0  }
0xbf: {  	_ =	swait.ge [sflag:s29], $0x50  }
0xc0: {  	[sflag:s29] =	ssyncset.done $0x0  }
0xc1: {  	[sflag:s29] =	ssyncadd.s32 $0xFFFFFFB0  }
0xc2: {  	_ =	swait.ge [sflag:s29], $0x50  }
0xc3: {  	[sflag:s29] =	ssyncset.done $0x0;
	s20 =	rddreg [dreg:$0x14]  }
0xc4: {  	s21 =	simm.s32 $0x1E0;
	[sflag:s29] =	ssyncadd.s32 $0xFFFFFFB0;
	s1 =	sadd.s32 s19, s20  }
0xc5: {  	[tilespmem:s14], [sflag:$0x5] =	stream.indirect.gather [hbm4b:s5+s0], $0x90, s21, s0, $0xb8;
	[tilespmem:$0x1FCC0] =	vst v63  }
0xc6: {  	s11 =	simm.s32 $0x230;
	s1 =	sshrl.u32 s1, $0x3  }
0xc7: {  	[tilespmem:s15], [sflag:$0x6] =	stream.indirect.gather [hbm4b:s6+s0], $0x10, s11, s0, $0xb8;
	[tilespmem:$0x1FCC0] =	vst v63  }
0xc8: {  	s20 =	simm.s32 $0x0;
	s11 =	sadd.s32 s2, s1  }
0xc9: {  	[tilespmem:s9], [sflag:$0x4] =	stream.linear.gather [hbm4b:s11+s20], $0x50, $0x38;
	[tilespmem:$0x1FCC0] =	vst v63  }
0xca: {  	s21 =	sadd.s32 s7, s1  }
0xcb: {  	[tilespmem:s4], [sflag:$0x4] =	stream.linear.gather [hbm4b:s21+s20], $0x50, $0x38;
	[tilespmem:$0x1FCC0] =	vst v63  }
0xcc: {  	s1 =	sadd.s32 s8, s1  }
0xcd: {  	[tilespmem:s23], [sflag:$0x4] =	stream.linear.gather [hbm4b:s1+s20], $0x50, $0x38;
	[tilespmem:$0x1FCC0] =	vst v63  }
0xce: {  	_ =	swait.ge [sflag:s24], $0x2D00  }
0xcf: {  	[sflag:s24] =	ssyncset.done $0x0  }
0xd0: {  	[sflag:s24] =	ssyncadd.s32 $0xFFFFD300  }
0xd1: {  	_ =	swait.ge [sflag:s25], $0x500  }
0xd2: {  	[sflag:s25] =	ssyncset.done $0x0  }
0xd3: {  	s20 =	simm.s32 $0x0;
	[sflag:s25] =	ssyncadd.s32 $0xFFFFFB00  }
0xd4: {  	s21 =	simm.s32 $0x240;
	s1 =	simm.s32 $0x62C0;
	v1 =	vld [tilespmem:s20+$0x3640]  }
.LBB2_7:
0xd5: {  	p0 =	sne.s32 s21, $0xB1C0;
	v2 =	vld [tilespmem:s1+$0x0];
	_ =	sdelay $0x4  }
0xd6: {  	v1 =	vadd.f32 v2, v1;
	_ =	sdelay $0x1  }
0xd7: {  	v2 =	vmul.f32 $2.000000030e-01, v1  }
0xd8: {  	vm0 =	vgt.f32 v1, $0.0e+00  }
0xd9: {  	v1 =	vsel vm0, v1, v2  }
0xda: {  	v1 =	vmul.f32 $1.442695020e+00, v1;
	_ =	sdelay $0x1  }
0xdb: {  	(erf) = vpow2.f32 v1  }
0xdc: {  	v1 =	vld [tilespmem:s20+$0x35C0]  }
0xdd: {  	v2 =	vld [tilespmem:s20+$0x35D0]  }
0xde: {  	v3 =	vld [tilespmem:s20+$0x35E0]  }
0xdf: {  	v4 =	vld [tilespmem:s20+$0x35F0]  }
0xe0: {  	v5 =	vld [tilespmem:s20+$0x3600]  }
0xe1: {  	v6 =	vld [tilespmem:s20+$0x3610]  }
0xe2: {  	v7 =	vld [tilespmem:s20+$0x3620]  }
0xe3: {  	v8 =	vld [tilespmem:s20+$0x3630]  }
0xe4: {  	v9 =	vpop (erf)  }
0xe5: {  	[tilespmem:s20+$0x6840] =	vst v9;
	v1 =	vmul.f32 v9, v1;
	v2 =	vmul.f32 v9, v2  }
0xe6: {  	v3 =	vmul.f32 v3, v9;
	v4 =	vmul.f32 v4, v9  }
0xe7: {  	[tilespmem:s20+$0x67C0] =	vst v1;
	v1 =	vmul.f32 v5, v9;
	v5 =	vmul.f32 v6, v9  }
0xe8: {  	[tilespmem:s20+$0x67D0] =	vst v2;
	v2 =	vmul.f32 v7, v9;
	v6 =	vmul.f32 v8, v9  }
0xe9: {  	[tilespmem:s20+$0x67E0] =	vst v3  }
.Ltmp2:
0xea: {  	[tilespmem:s20+$0x67F0] =	vst v4;
	(pc) =	sbr.rel @p0 .LBB2_7-.Ltmp2, $4  }
0xeb: {  	[tilespmem:s20+$0x6800] =	vst v1  }
0xec: {  	[tilespmem:s20+$0x6810] =	vst v5  }
0xed: {  	s11 =	sshra.s32 s21, $0x2;
	[tilespmem:s20+$0x6820] =	vst v2  }
0xee: {  	s21 =	sadd.s32 $0x240, s21;
	s1 =	sadd.s32 $0x10, s1;
	v1 =	vld [tilespmem:s11+$0x3640];
	[tilespmem:s20+$0x6830] =	vst v6;
	s20 =	smov.u32 s11  }
0xef: {  	v2 =	vld [tilespmem:s1+$0x0];
	_ =	sdelay $0x4  }
0xf0: {  	v1 =	vadd.f32 v2, v1;
	_ =	sdelay $0x1  }
0xf1: {  	v2 =	vmul.f32 $2.000000030e-01, v1  }
0xf2: {  	vm0 =	vgt.f32 v1, $0.0e+00  }
0xf3: {  	v1 =	vsel vm0, v1, v2  }
0xf4: {  	v1 =	vmul.f32 $1.442695020e+00, v1;
	_ =	sdelay $0x1  }
0xf5: {  	(erf) = vpow2.f32 v1;
	_ =	sdelay $0x4  }
0xf6: {  	v1 =	vld [tilespmem:s20+$0x35C0]  }
0xf7: {  	v2 =	vld [tilespmem:s20+$0x35D0]  }
0xf8: {  	v3 =	vld [tilespmem:s20+$0x35E0]  }
0xf9: {  	v4 =	vld [tilespmem:s20+$0x35F0]  }
0xfa: {  	v5 =	vld [tilespmem:s20+$0x3600];
	v8 =	vpop (erf)  }
0xfb: {  	v6 =	vld [tilespmem:s20+$0x3610];
	v1 =	vmul.f32 v8, v1  }
0xfc: {  	v7 =	vld [tilespmem:s20+$0x3620];
	[tilespmem:s20+$0x6840] =	vst v8;
	v2 =	vmul.f32 v8, v2  }
0xfd: {  	v9 =	vld [tilespmem:s20+$0x3630];
	v3 =	vmul.f32 v3, v8;
	[tilespmem:s20+$0x67C0] =	vst v1  }
0xfe: {  	v1 =	vmul.f32 v4, v8;
	[tilespmem:s20+$0x67D0] =	vst v2  }
0xff: {  	v2 =	vmul.f32 v5, v8;
	[tilespmem:s20+$0x67E0] =	vst v3  }
0x100: {  	v3 =	vmul.f32 v6, v8;
	[tilespmem:s20+$0x67F0] =	vst v1  }
0x101: {  	v1 =	vmul.f32 v7, v8;
	[tilespmem:s20+$0x6800] =	vst v2  }
0x102: {  	v2 =	vmul.f32 v9, v8;
	[tilespmem:s20+$0x6810] =	vst v3  }
0x103: {  	[tilespmem:s20+$0x6820] =	vst v1  }
0x104: {  	[tilespmem:s20+$0x6830] =	vst v2  }
0x105: {  	[spmem:s3] =	stream.indirect.scatter.add.f32 [tilespmem:s30], [sflag:$0x9], $0x90, s13, s0, $0xb8;
	[tilespmem:$0x1FCC0] =	vst v63  }
0x106: {  	_ =	swait.ge [sflag:s31], $0x2D00  }
0x107: {  	[sflag:s31] =	ssyncset.done $0x0  }
0x108: {  	[sflag:s31] =	ssyncadd.s32 $0xFFFFD300  }
0x109: {  	_ =	swait.ge [sflag:s26], $0x50  }
0x10a: {  	[sflag:s26] =	ssyncset.done $0x0  }
0x10b: {  	[sflag:s26] =	ssyncadd.s32 $0xFFFFFFB0  }
0x10c: {  	_ =	swait.ge [sflag:s26], $0x50  }
0x10d: {  	[sflag:s26] =	ssyncset.done $0x0  }
0x10e: {  	[sflag:s26] =	ssyncadd.s32 $0xFFFFFFB0  }
0x10f: {  	_ =	swait.ge [sflag:s26], $0x50  }
0x110: {  	[sflag:s26] =	ssyncset.done $0x0;
	s20 =	rddreg [dreg:$0x15]  }
0x111: {  	s21 =	simm.s32 $0x35C0;
	[sflag:s26] =	ssyncadd.s32 $0xFFFFFFB0;
	s1 =	sadd.s32 s19, s20  }
0x112: {  	[tilespmem:s21], [sflag:$0x7] =	stream.indirect.gather [hbm4b:s5+s0], $0x90, s9, s0, $0xb8;
	[tilespmem:$0x1FCC0] =	vst v63  }
0x113: {  	s11 =	simm.s32 $0x62C0;
	s1 =	sshrl.u32 s1, $0x3  }
0x114: {  	[tilespmem:s11], [sflag:$0x8] =	stream.indirect.gather [hbm4b:s6+s0], $0x10, s4, s0, $0xb8;
	[tilespmem:$0x1FCC0] =	vst v63  }
0x115: {  	s20 =	simm.s32 $0x0;
	s11 =	sadd.s32 s2, s1  }
0x116: {  	[tilespmem:s20], [sflag:$0x1] =	stream.linear.gather [hbm4b:s11+s20], $0x50, $0x38;
	[tilespmem:$0x1FCC0] =	vst v63  }
0x117: {  	s21 =	sadd.s32 s7, s1  }
0x118: {  	[tilespmem:s0], [sflag:$0x1] =	stream.linear.gather [hbm4b:s21+s20], $0x50, $0x38;
	[tilespmem:$0x1FCC0] =	vst v63  }
0x119: {  	s1 =	sadd.s32 s8, s1;
	s21 =	simm.s32 $0xA0  }
0x11a: {  	[tilespmem:s21], [sflag:$0x1] =	stream.linear.gather [hbm4b:s1+s20], $0x50, $0x38;
	[tilespmem:$0x1FCC0] =	vst v63  }
0x11b: {  	_ =	swait.ge [sflag:s22], $0x2D00  }
0x11c: {  	[sflag:s22] =	ssyncset.done $0x0  }
0x11d: {  	[sflag:s22] =	ssyncadd.s32 $0xFFFFD300  }
0x11e: {  	_ =	swait.ge [sflag:s28], $0x500  }
0x11f: {  	[sflag:s28] =	ssyncset.done $0x0  }
0x120: {  	s20 =	simm.s32 $0x0;
	[sflag:s28] =	ssyncadd.s32 $0xFFFFFB00  }
0x121: {  	s1 =	simm.s32 $0x30C0;
	s21 =	simm.s32 $0x240;
	v1 =	vld [tilespmem:s20+$0x440]  }
.LBB2_9:
0x122: {  	p0 =	sne.s32 s21, $0xB1C0;
	v2 =	vld [tilespmem:s1+$0x0];
	_ =	sdelay $0x4  }
0x123: {  	v1 =	vadd.f32 v2, v1;
	_ =	sdelay $0x1  }
0x124: {  	v2 =	vmul.f32 $2.000000030e-01, v1  }
0x125: {  	vm0 =	vgt.f32 v1, $0.0e+00  }
0x126: {  	v1 =	vsel vm0, v1, v2  }
0x127: {  	v1 =	vmul.f32 $1.442695020e+00, v1;
	_ =	sdelay $0x1  }
0x128: {  	(erf) = vpow2.f32 v1  }
0x129: {  	v1 =	vld [tilespmem:s20+$0x3C0]  }
0x12a: {  	v2 =	vld [tilespmem:s20+$0x3D0]  }
0x12b: {  	v3 =	vld [tilespmem:s20+$0x3E0]  }
0x12c: {  	v4 =	vld [tilespmem:s20+$0x3F0]  }
0x12d: {  	v5 =	vld [tilespmem:s20+$0x400]  }
0x12e: {  	v6 =	vld [tilespmem:s20+$0x410]  }
0x12f: {  	v7 =	vld [tilespmem:s20+$0x420]  }
0x130: {  	v8 =	vld [tilespmem:s20+$0x430]  }
0x131: {  	v9 =	vpop (erf)  }
0x132: {  	[tilespmem:s20+$0x6840] =	vst v9;
	v1 =	vmul.f32 v9, v1;
	v2 =	vmul.f32 v9, v2  }
0x133: {  	v3 =	vmul.f32 v3, v9;
	v4 =	vmul.f32 v4, v9  }
0x134: {  	[tilespmem:s20+$0x67C0] =	vst v1;
	v1 =	vmul.f32 v5, v9;
	v5 =	vmul.f32 v6, v9  }
0x135: {  	[tilespmem:s20+$0x67D0] =	vst v2;
	v2 =	vmul.f32 v7, v9;
	v6 =	vmul.f32 v8, v9  }
0x136: {  	[tilespmem:s20+$0x67E0] =	vst v3  }
.Ltmp3:
0x137: {  	[tilespmem:s20+$0x67F0] =	vst v4;
	(pc) =	sbr.rel @p0 .LBB2_9-.Ltmp3, $4  }
0x138: {  	[tilespmem:s20+$0x6800] =	vst v1  }
0x139: {  	[tilespmem:s20+$0x6810] =	vst v5  }
0x13a: {  	s11 =	sshra.s32 s21, $0x2;
	[tilespmem:s20+$0x6820] =	vst v2  }
0x13b: {  	s21 =	sadd.s32 $0x240, s21;
	s1 =	sadd.s32 $0x10, s1;
	v1 =	vld [tilespmem:s11+$0x440];
	[tilespmem:s20+$0x6830] =	vst v6;
	s20 =	smov.u32 s11  }
0x13c: {  	v2 =	vld [tilespmem:s1+$0x0];
	_ =	sdelay $0x4  }
0x13d: {  	v1 =	vadd.f32 v2, v1;
	_ =	sdelay $0x1  }
0x13e: {  	v2 =	vmul.f32 $2.000000030e-01, v1  }
0x13f: {  	vm0 =	vgt.f32 v1, $0.0e+00  }
0x140: {  	v1 =	vsel vm0, v1, v2  }
0x141: {  	v1 =	vmul.f32 $1.442695020e+00, v1;
	_ =	sdelay $0x1  }
0x142: {  	(erf) = vpow2.f32 v1;
	_ =	sdelay $0x4  }
0x143: {  	v1 =	vld [tilespmem:s20+$0x3C0]  }
0x144: {  	v2 =	vld [tilespmem:s20+$0x3D0]  }
0x145: {  	v3 =	vld [tilespmem:s20+$0x3E0]  }
0x146: {  	v4 =	vld [tilespmem:s20+$0x3F0]  }
0x147: {  	v5 =	vld [tilespmem:s20+$0x400];
	v8 =	vpop (erf)  }
0x148: {  	v6 =	vld [tilespmem:s20+$0x410];
	v1 =	vmul.f32 v8, v1  }
0x149: {  	v7 =	vld [tilespmem:s20+$0x420];
	[tilespmem:s20+$0x6840] =	vst v8;
	v2 =	vmul.f32 v8, v2  }
0x14a: {  	v9 =	vld [tilespmem:s20+$0x430];
	v3 =	vmul.f32 v3, v8;
	[tilespmem:s20+$0x67C0] =	vst v1  }
0x14b: {  	v1 =	vmul.f32 v4, v8;
	[tilespmem:s20+$0x67D0] =	vst v2  }
0x14c: {  	v2 =	vmul.f32 v5, v8;
	[tilespmem:s20+$0x67E0] =	vst v3  }
0x14d: {  	v3 =	vmul.f32 v6, v8;
	[tilespmem:s20+$0x67F0] =	vst v1  }
0x14e: {  	v1 =	vmul.f32 v7, v8;
	[tilespmem:s20+$0x6800] =	vst v2  }
0x14f: {  	v2 =	vmul.f32 v9, v8;
	[tilespmem:s20+$0x6810] =	vst v3  }
0x150: {  	[tilespmem:s20+$0x6820] =	vst v1  }
0x151: {  	s11 =	simm.s32 $0x280;
	[tilespmem:s20+$0x6830] =	vst v2  }
0x152: {  	[spmem:s3] =	stream.indirect.scatter.add.f32 [tilespmem:s30], [sflag:$0x9], $0x90, s11, s0, $0xb8;
	[tilespmem:$0x1FCC0] =	vst v63  }
0x153: {  	_ =	swait.ge [sflag:s31], $0x2D00  }
0x154: {  	[sflag:s31] =	ssyncset.done $0x0  }
0x155: {  	[sflag:s31] =	ssyncadd.s32 $0xFFFFD300  }
0x156: {  	_ =	swait.ge [sflag:s10], $0x50  }
0x157: {  	[sflag:s10] =	ssyncset.done $0x0  }
0x158: {  	[sflag:s10] =	ssyncadd.s32 $0xFFFFFFB0  }
0x159: {  	_ =	swait.ge [sflag:s10], $0x50  }
0x15a: {  	[sflag:s10] =	ssyncset.done $0x0  }
0x15b: {  	[sflag:s10] =	ssyncadd.s32 $0xFFFFFFB0  }
0x15c: {  	_ =	swait.ge [sflag:s10], $0x50  }
0x15d: {  	[sflag:s10] =	ssyncset.done $0x0;
	s11 =	rddreg [dreg:$0x16]  }
0x15e: {  	s1 =	simm.s32 $0x0;
	[sflag:s10] =	ssyncadd.s32 $0xFFFFFFB0;
	s11 =	sadd.s32 s19, s11  }
0x15f: {  	[tilespmem:s14], [sflag:$0x5] =	stream.indirect.gather [hbm4b:s5+s0], $0x90, s1, s0, $0xb8;
	[tilespmem:$0x1FCC0] =	vst v63  }
0x160: {  	s11 =	sshrl.u32 s11, $0x3  }
0x161: {  	[tilespmem:s15], [sflag:$0x6] =	stream.indirect.gather [hbm4b:s6+s0], $0x10, s0, s0, $0xb8;
	[tilespmem:$0x1FCC0] =	vst v63  }
0x162: {  	s21 =	simm.s32 $0xF0;
	s20 =	sadd.s32 s2, s11  }
0x163: {  	[tilespmem:s21], [sflag:$0x2] =	stream.linear.gather [hbm4b:s20+s1], $0x50, $0x38;
	[tilespmem:$0x1FCC0] =	vst v63  }
0x164: {  	s20 =	sadd.s32 s7, s11  }
0x165: {  	[tilespmem:s12], [sflag:$0x2] =	stream.linear.gather [hbm4b:s20+s1], $0x50, $0x38;
	[tilespmem:$0x1FCC0] =	vst v63  }
0x166: {  	s11 =	sadd.s32 s8, s11  }
0x167: {  	[tilespmem:s13], [sflag:$0x2] =	stream.linear.gather [hbm4b:s11+s1], $0x50, $0x38;
	[tilespmem:$0x1FCC0] =	vst v63  }
0x168: {  	_ =	swait.ge [sflag:s24], $0x2D00  }
0x169: {  	[sflag:s24] =	ssyncset.done $0x0  }
0x16a: {  	[sflag:s24] =	ssyncadd.s32 $0xFFFFD300  }
0x16b: {  	_ =	swait.ge [sflag:s25], $0x500  }
0x16c: {  	[sflag:s25] =	ssyncset.done $0x0  }
0x16d: {  	s19 =	simm.s32 $0x0;
	[sflag:s25] =	ssyncadd.s32 $0xFFFFFB00  }
0x16e: {  	s20 =	simm.s32 $0x240;
	s1 =	simm.s32 $0x62C0;
	v1 =	vld [tilespmem:s19+$0x3640]  }
.LBB2_11:
0x16f: {  	p0 =	sne.s32 s20, $0xB1C0;
	v2 =	vld [tilespmem:s1+$0x0];
	_ =	sdelay $0x4  }
0x170: {  	v1 =	vadd.f32 v2, v1;
	_ =	sdelay $0x1  }
0x171: {  	v2 =	vmul.f32 $2.000000030e-01, v1  }
0x172: {  	vm0 =	vgt.f32 v1, $0.0e+00  }
0x173: {  	v1 =	vsel vm0, v1, v2  }
0x174: {  	v1 =	vmul.f32 $1.442695020e+00, v1;
	_ =	sdelay $0x1  }
0x175: {  	(erf) = vpow2.f32 v1  }
0x176: {  	v1 =	vld [tilespmem:s19+$0x35C0]  }
0x177: {  	v2 =	vld [tilespmem:s19+$0x35D0]  }
0x178: {  	v3 =	vld [tilespmem:s19+$0x35E0]  }
0x179: {  	v4 =	vld [tilespmem:s19+$0x35F0]  }
0x17a: {  	v5 =	vld [tilespmem:s19+$0x3600]  }
0x17b: {  	v6 =	vld [tilespmem:s19+$0x3610]  }
0x17c: {  	v7 =	vld [tilespmem:s19+$0x3620]  }
0x17d: {  	v8 =	vld [tilespmem:s19+$0x3630]  }
0x17e: {  	v9 =	vpop (erf)  }
0x17f: {  	[tilespmem:s19+$0x6840] =	vst v9;
	v1 =	vmul.f32 v9, v1;
	v2 =	vmul.f32 v9, v2  }
0x180: {  	v3 =	vmul.f32 v3, v9;
	v4 =	vmul.f32 v4, v9  }
0x181: {  	[tilespmem:s19+$0x67C0] =	vst v1;
	v1 =	vmul.f32 v5, v9;
	v5 =	vmul.f32 v6, v9  }
0x182: {  	[tilespmem:s19+$0x67D0] =	vst v2;
	v2 =	vmul.f32 v7, v9;
	v6 =	vmul.f32 v8, v9  }
0x183: {  	[tilespmem:s19+$0x67E0] =	vst v3  }
.Ltmp4:
0x184: {  	[tilespmem:s19+$0x67F0] =	vst v4;
	(pc) =	sbr.rel @p0 .LBB2_11-.Ltmp4, $4  }
0x185: {  	[tilespmem:s19+$0x6800] =	vst v1  }
0x186: {  	[tilespmem:s19+$0x6810] =	vst v5  }
0x187: {  	s11 =	sshra.s32 s20, $0x2;
	[tilespmem:s19+$0x6820] =	vst v2  }
0x188: {  	s20 =	sadd.s32 $0x240, s20;
	s1 =	sadd.s32 $0x10, s1;
	v1 =	vld [tilespmem:s11+$0x3640];
	[tilespmem:s19+$0x6830] =	vst v6;
	s19 =	smov.u32 s11  }
0x189: {  	v2 =	vld [tilespmem:s1+$0x0];
	_ =	sdelay $0x4  }
0x18a: {  	v1 =	vadd.f32 v2, v1;
	_ =	sdelay $0x1  }
0x18b: {  	v2 =	vmul.f32 $2.000000030e-01, v1  }
0x18c: {  	vm0 =	vgt.f32 v1, $0.0e+00  }
0x18d: {  	v1 =	vsel vm0, v1, v2  }
0x18e: {  	v1 =	vmul.f32 $1.442695020e+00, v1;
	_ =	sdelay $0x1  }
0x18f: {  	(erf) = vpow2.f32 v1;
	_ =	sdelay $0x4  }
0x190: {  	v1 =	vld [tilespmem:s19+$0x35C0]  }
0x191: {  	v2 =	vld [tilespmem:s19+$0x35D0]  }
0x192: {  	v3 =	vld [tilespmem:s19+$0x35E0]  }
0x193: {  	v4 =	vld [tilespmem:s19+$0x35F0]  }
0x194: {  	v5 =	vld [tilespmem:s19+$0x3600];
	v8 =	vpop (erf)  }
0x195: {  	v6 =	vld [tilespmem:s19+$0x3610];
	v1 =	vmul.f32 v8, v1  }
0x196: {  	v7 =	vld [tilespmem:s19+$0x3620];
	[tilespmem:s19+$0x6840] =	vst v8;
	v2 =	vmul.f32 v8, v2  }
0x197: {  	v9 =	vld [tilespmem:s19+$0x3630];
	v3 =	vmul.f32 v3, v8;
	[tilespmem:s19+$0x67C0] =	vst v1  }
0x198: {  	v1 =	vmul.f32 v4, v8;
	[tilespmem:s19+$0x67D0] =	vst v2  }
0x199: {  	v2 =	vmul.f32 v5, v8;
	[tilespmem:s19+$0x67E0] =	vst v3  }
0x19a: {  	v3 =	vmul.f32 v6, v8;
	[tilespmem:s19+$0x67F0] =	vst v1  }
0x19b: {  	v1 =	vmul.f32 v7, v8;
	[tilespmem:s19+$0x6800] =	vst v2  }
0x19c: {  	v2 =	vmul.f32 v9, v8;
	[tilespmem:s19+$0x6810] =	vst v3  }
0x19d: {  	[tilespmem:s19+$0x6820] =	vst v1  }
0x19e: {  	[tilespmem:s19+$0x6830] =	vst v2  }
0x19f: {  	[spmem:s3] =	stream.indirect.scatter.add.f32 [tilespmem:s30], [sflag:$0x9], $0x90, s23, s0, $0xb8;
	[tilespmem:$0x1FCC0] =	vst v63  }
0x1a0: {  	_ =	swait.ge [sflag:s31], $0x2D00  }
0x1a1: {  	[sflag:s31] =	ssyncset.done $0x0  }
0x1a2: {  	[sflag:s31] =	ssyncadd.s32 $0xFFFFD300  }
0x1a3: {  	_ =	swait.ge [sflag:s16], $0x50  }
0x1a4: {  	[sflag:s16] =	ssyncset.done $0x0  }
0x1a5: {  	s18 =	sadd.s32 $0x1, s18;
	[sflag:s16] =	ssyncadd.s32 $0xFFFFFFB0  }
0x1a6: {  	p0 =	sne.s32 s18, $0x20;
	_ =	swait.ge [sflag:s16], $0x50  }
.Ltmp5:
0x1a7: {  	[sflag:s16] =	ssyncset.done $0x0;
	(pc) =	sbr.rel @p0 .LBB2_4-.Ltmp5, $4  }
0x1a8: {  	[sflag:s16] =	ssyncadd.s32 $0xFFFFFFB0  }
0x1a9: {  	_ =	swait.ge [sflag:s16], $0x50  }
0x1aa: {  	[sflag:s16] =	ssyncset.done $0x0  }
0x1ab: {  	[sflag:s16] =	ssyncadd.s32 $0xFFFFFFB0  }
0x1ac: {  	_ =	swait.ge [sflag:s22], $0x2D00  }
0x1ad: {  	[sflag:s22] =	ssyncset.done $0x0  }
0x1ae: {  	[sflag:s22] =	ssyncadd.s32 $0xFFFFD300  }
0x1af: {  	_ =	swait.ge [sflag:s28], $0x500  }
0x1b0: {  	[sflag:s28] =	ssyncset.done $0x0  }
0x1b1: {  	[sflag:s28] =	ssyncadd.s32 $0xFFFFFB00  }
0x1b2: {  	s1 =	stileid.u32;
	[bflag:$0x0] =	sbarrier.arrive $0xFFFF  }
0x1b3: {  	s1 =	sshll.u32 s1, $0x6;
	s18 =	rddreg [dreg:$0x5]  }
0x1b4: {  	s1 =	sor.u32 $0x1C09, s1;
	s17 =	rddreg [dreg:$0x17];
	s11 =	sshrl.u32 s18, $0x3  }
0x1b5: {  	[hbm:s17], [sflag:s1] =	dma.local [spmem:s11], $0x2D00  }
0x1b6: {  	_ =	swait.ge [sflag:s31], $0x2D00  }
0x1b7: {  	s19 =	rddreg [dreg:$0x4]  }
0x1b8: {  	s20 =	rddreg [dreg:$0x18];
	s17 =	sadd.s32 $0x1, s19  }
0x1b9: {  	p0 =	sne.s32 s17, s20  }
.Ltmp6:
0x1ba: {  	_ = 	snop;
	(pc) =	sbr.rel @p0 .LBB2_1-.Ltmp6, $3  }
0x1bb: {  	_ =	sdelay $0x1  }
0x1bc: {  	[sflag:s31] =	ssyncset.done $0x0  }
0x1bd: {  	[sflag:s31] =	ssyncadd.s32 $0xFFFFD300  }
0x1be: {  	_ =	sfence.sel $0x180000  }
0x1bf: {  	[bflag:$0x0] =	sbarrier.arrive $0xFFFF  }
0x1c0: {  	_ =	strace $0x90000047  }
0x1c1: {  	s0 =	stileid.u32;
	[bflag:$0x2] =	sbarrier.arrive $0xFFFF  }
0x1c2: {  	p0 =	sne.s32 s0, $0x0;
	s0 =	rddreg [dreg:$0x3]  }
0x1c3: {  	s0 =	sadd.s32 @!p0 $0x100000, s0  }
0x1c4: {  	[sflag:s0] =	ssyncadd.tile.s32 @!p0 $0x1;
	_ =	shalt  }
.Lfunc_end2:
_tile_overlayer_lowered:
.L_overlay_start_2:
0x1c5: {  	(tag) =	ssettag $0x2  }
0x1c6: {  	s0 =	rddreg [dreg:$0x0];
	s2 =	stileid.u32  }
0x1c7: {  	s1 =	rddreg [dreg:$0x1];
	p0 =	sne.s32 s2, $0x0  }
0x1c8: {  	s3 =	rddreg [dreg:$0x2];
	[bflag:$0x3] =	sbarrier.arrive $0xFFFF;
	s2 =	simm.s32 @!p0 $0x1C09  }
0x1c9: {  	[timem:s3], [sflag:s2] =	dma.local @!p0 [hbm:s0], s1  }
0x1ca: {  	s0 =	simm.s32 @!p0 $0x9  }
0x1cb: {  	_ =	swait.ge @!p0 [sflag:s0], s1  }
0x1cc: {  	s1 =	ssub.s32 @!p0 $0x0, s1;
	[sflag:s0] =	ssyncset.done @!p0 $0x0  }
0x1cd: {  	[sflag:s0] =	ssyncadd.s32 @!p0 s1  }
0x1ce: {  	[bflag:$0x3] =	sbarrier.arrive $0xFFFF  }
0x1cf: {  	_ =	shalt  }

</sc_bundles>
